<compile_context>
chip_gen: v7x
topology: tpu7x:2x2x1
jax: 0.10.2.dev20260603
libtpu: 0.0.44.dev20260713+nightly
codegen_flags: <defaults>
</compile_context>

<pallas_src>
import functools

import jax
import jax.numpy as jnp
from jax import lax
from jax.experimental import pallas as pl
from jax.experimental.pallas import tpu as pltpu
from jax.experimental.pallas import tpu_sc as plsc

N_NODES = 10000
N_FEAT = 256
N_GRAPHS = 512

NW = 32
GPERS = N_GRAPHS // NW
WORDS = N_FEAT // 2
RCHUNK = 64
N_PAD = 10400
SEARCH_ITERS = 14

PHI_BLOCK = 5200


def _phi_body(x_ref, w_ref, b_ref, o_ref):
    y = lax.dot_general(
        x_ref[...], w_ref[...], (((1,), (1,)), ((), ())),
        preferred_element_type=jnp.float32,
    )
    y = jnp.maximum(y + b_ref[...], 0.0)
    bits = lax.bitcast_convert_type(y, jnp.int32) + 0x8000
    lo = lax.shift_right_logical(bits[:, :WORDS], 16)
    hi = lax.bitwise_and(bits[:, WORDS:], -65536)
    o_ref[...] = lax.bitwise_or(hi, lo)


def _phi(x, w, b):
    return pl.pallas_call(
        _phi_body,
        grid=(N_PAD // PHI_BLOCK,),
        in_specs=[
            pl.BlockSpec((PHI_BLOCK, N_FEAT), lambda i: (i, 0)),
            pl.BlockSpec((N_FEAT, N_FEAT), lambda i: (0, 0)),
            pl.BlockSpec((1, N_FEAT), lambda i: (0, 0)),
        ],
        out_specs=pl.BlockSpec((PHI_BLOCK, WORDS), lambda i: (i, 0)),
        out_shape=jax.ShapeDtypeStruct((N_PAD, WORDS), jnp.int32),
    )(x, w, b)


_SC_MESH = plsc.VectorSubcoreMesh(core_axis_name="c", subcore_axis_name="s")


@functools.partial(
    pl.kernel,
    out_type=jax.ShapeDtypeStruct((N_GRAPHS, N_FEAT), jnp.float32),
    mesh=_SC_MESH,
    compiler_params=pltpu.CompilerParams(needs_layout_passes=False),
    scratch_types=[
        pltpu.VMEM((N_PAD,), jnp.int32),
        pltpu.VMEM((2, RCHUNK, WORDS), jnp.int32),
        pltpu.VMEM((GPERS, N_FEAT), jnp.float32),
        pltpu.SemaphoreType.DMA,
        pltpu.SemaphoreType.DMA,
    ],
)
def _pool(e_hbm, b_hbm, out_hbm, idx_v, rows_v, acc_v, sem_i, sem_r):
    cid = lax.axis_index("c")
    sid = lax.axis_index("s")
    wid = sid * 2 + cid
    g_lo = wid * GPERS
    g_hi = g_lo + GPERS

    idx_cp = pltpu.async_copy(b_hbm, idx_v, sem_i)

    zeros16 = jnp.zeros((16,), jnp.float32)

    def _zero(i, carry):
        for j in range(N_FEAT // 16):
            acc_v[i, pl.ds(j * 16, 16)] = zeros16
        return carry

    lax.fori_loop(0, GPERS, _zero, 0)
    idx_cp.wait()

    def _lower_bound(target):
        def body(_, lohi):
            lo, hi = lohi
            mid = (lo + hi) // 2
            v = idx_v[pl.ds(mid, 16)][0]
            lt = v < target
            return (jnp.where(lt, mid + 1, lo), jnp.where(lt, hi, mid))

        lo, _ = lax.fori_loop(
            0, SEARCH_ITERS, body, (jnp.int32(0), jnp.int32(N_PAD))
        )
        return lo

    start = _lower_bound(g_lo)
    end = _lower_bound(g_hi)
    start8 = (start // 8) * 8
    nch = (end - start8 + (RCHUNK - 1)) // RCHUNK

    def _row_copy(k, par):
        return pltpu.make_async_copy(
            e_hbm.at[pl.ds(start8 + k * RCHUNK, RCHUNK)],
            rows_v.at[par],
            sem_r,
        )

    @pl.when(nch > 0)
    def _prologue():
        _row_copy(jnp.int32(0), jnp.int32(0)).start()

    iota16 = lax.iota(jnp.int32, 16)
    iotas = []
    for j in range(WORDS // 16):
        iotas.append(iota16 + 16 * j)
        iotas.append(iota16 + 16 * j + WORDS)

    himask = jnp.full((16,), -65536, dtype=jnp.int32)

    def _chunk(k, carry):
        par = lax.rem(k, 2)

        @pl.when(k + 1 < nch)
        def _next():
            _row_copy(k + 1, lax.rem(k + 1, 2)).start()

        _row_copy(k, par).wait()
        off = start8 + k * RCHUNK

        def _rows(g, carry2):
            base = g * 16
            idxv = idx_v[pl.ds(off + base, 16)]

            def _load(l):
                vs = []
                for j in range(WORDS // 16):
                    w = rows_v[par, base + l, pl.ds(j * 16, 16)]
                    vs.append(plsc.bitcast(lax.shift_left(w, 16), jnp.float32))
                    vs.append(plsc.bitcast(lax.bitwise_and(w, himask), jnp.float32))
                return vs

            vals = _load(0)
            for l in range(16):
                nxt = _load(l + 1) if l < 15 else None
                bvec = jnp.full((16,), idxv[l], dtype=jnp.int32)
                bl = bvec - g_lo
                m = jnp.logical_and(bvec >= g_lo, bvec < g_hi)
                for j in range(N_FEAT // 16):
                    plsc.addupdate_scatter(acc_v, [bl, iotas[j]], vals[j], mask=m)
                vals = nxt
            return carry2

        lax.fori_loop(0, RCHUNK // 16, _rows, 0)
        return carry

    lax.fori_loop(0, nch, _chunk, 0)

    pltpu.sync_copy(acc_v, out_hbm.at[pl.ds(g_lo, GPERS)])


def _rho_body(g_ref, w1_ref, b1_ref, w2_ref, b2_ref, o_ref):
    h = lax.dot_general(
        g_ref[...], w1_ref[...], (((1,), (1,)), ((), ())),
        preferred_element_type=jnp.float32,
    )
    h = jnp.maximum(h + b1_ref[...], 0.0)
    y = lax.dot_general(
        w2_ref[...], h, (((1,), (1,)), ((), ())),
        preferred_element_type=jnp.float32,
    )
    o_ref[...] = jax.nn.sigmoid(y + b2_ref[...])


def _rho(g, w1, b1, w2, b2):
    return pl.pallas_call(
        _rho_body,
        out_shape=jax.ShapeDtypeStruct((1, N_GRAPHS), jnp.float32),
    )(g, w1, b1, w2, b2)


def kernel(x, edge_index, batch, W_phi, b_phi, W_rho1, b_rho1, W_rho2, b_rho2):
    del edge_index
    batch_pad = jnp.concatenate(
        [batch.astype(jnp.int32),
         jnp.full((N_PAD - N_NODES,), N_GRAPHS, dtype=jnp.int32)]
    )

    e = _phi(x, W_phi, b_phi.reshape(1, N_FEAT))
    g = _pool(e, batch_pad)

    out = _rho(g, W_rho1, b_rho1.reshape(1, N_FEAT), W_rho2, b_rho2.reshape(1, 1))
    return out.reshape(N_GRAPHS)

# --- scband reference (transcript-rebuilt; emitter-appended) ---
"""Pipeline reference for scband-deep-sets-17162689314899 (READ-ONLY COPY).

The authoritative reference and input builder live on the scoring server;
editing this copy changes nothing except your own understanding.
"""

import jax, jax.numpy as jnp
import numpy as np

NUM_FEATURES = 256
HIDDEN_DIM = 256
N_NODES = 10000
N_EDGES = 160000
NUM_GRAPHS = 512


def setup_inputs(seed: int = 0) -> dict:
    key = jax.random.key(seed)
    ks = jax.random.split(key, 10)
    x = jax.random.normal(ks[0], (N_NODES, NUM_FEATURES), dtype=jnp.float32)
    edge_index = jax.random.randint(ks[1], (2, N_EDGES), 0, N_NODES, dtype=jnp.int64)
    batch = jnp.sort(jax.random.randint(ks[2], (N_NODES,), 0, NUM_GRAPHS, dtype=jnp.int64))
    batch = batch.at[-1].set(NUM_GRAPHS - 1)  # guarantee batch.max()+1 == NUM_GRAPHS
    # phi: Linear(num_features, hidden_dim)
    lim_phi = 1.0 / np.sqrt(NUM_FEATURES)
    W_phi = jax.random.uniform(ks[3], (HIDDEN_DIM, NUM_FEATURES), minval=-lim_phi, maxval=lim_phi, dtype=jnp.float32)
    b_phi = jax.random.uniform(ks[4], (HIDDEN_DIM,), minval=-lim_phi, maxval=lim_phi, dtype=jnp.float32)
    # rho: Linear(hidden_dim, hidden_dim) -> ReLU -> Dropout -> Linear(hidden_dim, 1) -> Sigmoid
    lim_rho = 1.0 / np.sqrt(HIDDEN_DIM)
    W_rho1 = jax.random.uniform(ks[5], (HIDDEN_DIM, HIDDEN_DIM), minval=-lim_rho, maxval=lim_rho, dtype=jnp.float32)
    b_rho1 = jax.random.uniform(ks[6], (HIDDEN_DIM,), minval=-lim_rho, maxval=lim_rho, dtype=jnp.float32)
    W_rho2 = jax.random.uniform(ks[7], (1, HIDDEN_DIM), minval=-lim_rho, maxval=lim_rho, dtype=jnp.float32)
    b_rho2 = jax.random.uniform(ks[8], (1,), minval=-lim_rho, maxval=lim_rho, dtype=jnp.float32)
    return {"x": x, "edge_index": edge_index, "batch": batch,
            "W_phi": W_phi, "b_phi": b_phi,
            "W_rho1": W_rho1, "b_rho1": b_rho1,
            "W_rho2": W_rho2, "b_rho2": b_rho2}


def reference(x, edge_index, batch, W_phi, b_phi, W_rho1, b_rho1, W_rho2, b_rho2):
    # phi (Dropout is identity at inference)
    node_embeddings = jax.nn.relu(x @ W_phi.T + b_phi)
    # scatter_add into per-graph embeddings
    num_graphs = NUM_GRAPHS
    graph_embeddings = jnp.zeros((num_graphs, node_embeddings.shape[1]), dtype=node_embeddings.dtype)
    graph_embeddings = graph_embeddings.at[batch].add(node_embeddings)
    # rho
    h = jax.nn.relu(graph_embeddings @ W_rho1.T + b_rho1)
    out = jax.nn.sigmoid(h @ W_rho2.T + b_rho2)
    return out.reshape(-1)

if __name__ == "__main__":
    import jax
    _d = setup_inputs()
    print(jax.jit(kernel)(*tuple(_d.values())))

</pallas_src>

<mosaic_0001>
#map = affine_map<(d0, d1) -> (0, 0)>
#map1 = affine_map<(d0, d1) -> (0)>
module attributes {stable_mosaic.version = 14 : i64} {
  func.func @_pool(%arg0: i32, %arg1: i32, %arg2: memref<10400x128xi32, #tpu.memory_space<hbm>>, %arg3: memref<10400xi32, #tpu.memory_space<hbm>>, %arg4: memref<512x256xf32, #tpu.memory_space<hbm>>, %arg5: memref<10400xi32, #tpu.memory_space<vmem>>, %arg6: memref<2x64x128xi32, #tpu.memory_space<vmem>>, %arg7: memref<16x256xf32, #tpu.memory_space<vmem>>, %arg8: memref<!tpu.dma_semaphore, #tpu.memory_space<semaphore_mem>>, %arg9: memref<!tpu.dma_semaphore, #tpu.memory_space<semaphore_mem>>) attributes {dimension_semantics = [#tpu.dimension_semantics<core_parallel>, #tpu.dimension_semantics<subcore_parallel>], iteration_bounds = array<i64: 2, 16>, scalar_prefetch = 0 : i64, scratch_operands = 5 : i64, tpu.core_type = #tpu.core_type<sc_vector_subcore>, window_params = [{transform_indices = #map}, {transform_indices = #map1}, {transform_indices = #map}]} {
    %mul3A = arith.constant 2 : i32
    %mul3A_0 = arith.muli %arg1, %mul3A : i32
    %add3A = arith.addi %mul3A_0, %arg0 : i32
    %mul3A_1 = arith.constant 16 : i32
    %mul3A_2 = arith.muli %add3A, %mul3A_1 : i32
    %add3A_3 = arith.constant 16 : i32
    %add3A_4 = arith.addi %mul3A_2, %add3A_3 : i32
    tpu.enqueue_dma source(%arg3 : memref<10400xi32, #tpu.memory_space<hbm>>) target(%arg5 : memref<10400xi32, #tpu.memory_space<vmem>>) target_semaphore(%arg8 : memref<!tpu.dma_semaphore, #tpu.memory_space<semaphore_mem>>)
    %broadcast_in_dim3A = arith.constant 0.000000e+00 : f32
    %broadcast_in_dim3A_5 = vector.broadcast %broadcast_in_dim3A : f32 to vector<16xf32>
    %scan3A = arith.constant 0 : i32
    %scan3A_6 = arith.constant 0 : i32
    %scan3A_7 = arith.constant 16 : i32
    %scan3A_8 = arith.addi %scan3A_6, %scan3A_7 : i32
    %scan3A_9 = arith.constant 1 : i32
    scf.for %scan3A_157 = %scan3A_6 to %scan3A_8 step %scan3A_9  : i32 {
      %swap3A = arith.index_cast %scan3A_157 : i32 to index
      %swap3A_158 = arith.constant 0 : index
      %swap3A_159 = tpu.vector_load %arg7[%swap3A, %swap3A_158] {strides = array<i32>} : memref<16x256xf32, #tpu.memory_space<vmem>>, vector<16xf32>,
      tpu.vector_store %arg7[%swap3A, %swap3A_158], %broadcast_in_dim3A_5 {strides = array<i32>} : memref<16x256xf32, #tpu.memory_space<vmem>>, vector<16xf32>,
      %swap3A_160 = arith.index_cast %scan3A_157 : i32 to index
      %swap3A_161 = arith.constant 16 : index
      %swap3A_162 = tpu.vector_load %arg7[%swap3A_160, %swap3A_161] {strides = array<i32>} : memref<16x256xf32, #tpu.memory_space<vmem>>, vector<16xf32>,
      tpu.vector_store %arg7[%swap3A_160, %swap3A_161], %broadcast_in_dim3A_5 {strides = array<i32>} : memref<16x256xf32, #tpu.memory_space<vmem>>, vector<16xf32>,
      %swap3A_163 = arith.index_cast %scan3A_157 : i32 to index
      %swap3A_164 = arith.constant 32 : index
      %swap3A_165 = tpu.vector_load %arg7[%swap3A_163, %swap3A_164] {strides = array<i32>} : memref<16x256xf32, #tpu.memory_space<vmem>>, vector<16xf32>,
      tpu.vector_store %arg7[%swap3A_163, %swap3A_164], %broadcast_in_dim3A_5 {strides = array<i32>} : memref<16x256xf32, #tpu.memory_space<vmem>>, vector<16xf32>,
      %swap3A_166 = arith.index_cast %scan3A_157 : i32 to index
      %swap3A_167 = arith.constant 48 : index
      %swap3A_168 = tpu.vector_load %arg7[%swap3A_166, %swap3A_167] {strides = array<i32>} : memref<16x256xf32, #tpu.memory_space<vmem>>, vector<16xf32>,
      tpu.vector_store %arg7[%swap3A_166, %swap3A_167], %broadcast_in_dim3A_5 {strides = array<i32>} : memref<16x256xf32, #tpu.memory_space<vmem>>, vector<16xf32>,
      %swap3A_169 = arith.index_cast %scan3A_157 : i32 to index
      %swap3A_170 = arith.constant 64 : index
      %swap3A_171 = tpu.vector_load %arg7[%swap3A_169, %swap3A_170] {strides = array<i32>} : memref<16x256xf32, #tpu.memory_space<vmem>>, vector<16xf32>,
      tpu.vector_store %arg7[%swap3A_169, %swap3A_170], %broadcast_in_dim3A_5 {strides = array<i32>} : memref<16x256xf32, #tpu.memory_space<vmem>>, vector<16xf32>,
      %swap3A_172 = arith.index_cast %scan3A_157 : i32 to index
      %swap3A_173 = arith.constant 80 : index
      %swap3A_174 = tpu.vector_load %arg7[%swap3A_172, %swap3A_173] {strides = array<i32>} : memref<16x256xf32, #tpu.memory_space<vmem>>, vector<16xf32>,
      tpu.vector_store %arg7[%swap3A_172, %swap3A_173], %broadcast_in_dim3A_5 {strides = array<i32>} : memref<16x256xf32, #tpu.memory_space<vmem>>, vector<16xf32>,
      %swap3A_175 = arith.index_cast %scan3A_157 : i32 to index
      %swap3A_176 = arith.constant 96 : index
      %swap3A_177 = tpu.vector_load %arg7[%swap3A_175, %swap3A_176] {strides = array<i32>} : memref<16x256xf32, #tpu.memory_space<vmem>>, vector<16xf32>,
      tpu.vector_store %arg7[%swap3A_175, %swap3A_176], %broadcast_in_dim3A_5 {strides = array<i32>} : memref<16x256xf32, #tpu.memory_space<vmem>>, vector<16xf32>,
      %swap3A_178 = arith.index_cast %scan3A_157 : i32 to index
      %swap3A_179 = arith.constant 112 : index
      %swap3A_180 = tpu.vector_load %arg7[%swap3A_178, %swap3A_179] {strides = array<i32>} : memref<16x256xf32, #tpu.memory_space<vmem>>, vector<16xf32>,
      tpu.vector_store %arg7[%swap3A_178, %swap3A_179], %broadcast_in_dim3A_5 {strides = array<i32>} : memref<16x256xf32, #tpu.memory_space<vmem>>, vector<16xf32>,
      %swap3A_181 = arith.index_cast %scan3A_157 : i32 to index
      %swap3A_182 = arith.constant 128 : index
      %swap3A_183 = tpu.vector_load %arg7[%swap3A_181, %swap3A_182] {strides = array<i32>} : memref<16x256xf32, #tpu.memory_space<vmem>>, vector<16xf32>,
      tpu.vector_store %arg7[%swap3A_181, %swap3A_182], %broadcast_in_dim3A_5 {strides = array<i32>} : memref<16x256xf32, #tpu.memory_space<vmem>>, vector<16xf32>,
      %swap3A_184 = arith.index_cast %scan3A_157 : i32 to index
      %swap3A_185 = arith.constant 144 : index
      %swap3A_186 = tpu.vector_load %arg7[%swap3A_184, %swap3A_185] {strides = array<i32>} : memref<16x256xf32, #tpu.memory_space<vmem>>, vector<16xf32>,
      tpu.vector_store %arg7[%swap3A_184, %swap3A_185], %broadcast_in_dim3A_5 {strides = array<i32>} : memref<16x256xf32, #tpu.memory_space<vmem>>, vector<16xf32>,
      %swap3A_187 = arith.index_cast %scan3A_157 : i32 to index
      %swap3A_188 = arith.constant 160 : index
      %swap3A_189 = tpu.vector_load %arg7[%swap3A_187, %swap3A_188] {strides = array<i32>} : memref<16x256xf32, #tpu.memory_space<vmem>>, vector<16xf32>,
      tpu.vector_store %arg7[%swap3A_187, %swap3A_188], %broadcast_in_dim3A_5 {strides = array<i32>} : memref<16x256xf32, #tpu.memory_space<vmem>>, vector<16xf32>,
      %swap3A_190 = arith.index_cast %scan3A_157 : i32 to index
      %swap3A_191 = arith.constant 176 : index
      %swap3A_192 = tpu.vector_load %arg7[%swap3A_190, %swap3A_191] {strides = array<i32>} : memref<16x256xf32, #tpu.memory_space<vmem>>, vector<16xf32>,
      tpu.vector_store %arg7[%swap3A_190, %swap3A_191], %broadcast_in_dim3A_5 {strides = array<i32>} : memref<16x256xf32, #tpu.memory_space<vmem>>, vector<16xf32>,
      %swap3A_193 = arith.index_cast %scan3A_157 : i32 to index
      %swap3A_194 = arith.constant 192 : index
      %swap3A_195 = tpu.vector_load %arg7[%swap3A_193, %swap3A_194] {strides = array<i32>} : memref<16x256xf32, #tpu.memory_space<vmem>>, vector<16xf32>,
      tpu.vector_store %arg7[%swap3A_193, %swap3A_194], %broadcast_in_dim3A_5 {strides = array<i32>} : memref<16x256xf32, #tpu.memory_space<vmem>>, vector<16xf32>,
      %swap3A_196 = arith.index_cast %scan3A_157 : i32 to index
      %swap3A_197 = arith.constant 208 : index
      %swap3A_198 = tpu.vector_load %arg7[%swap3A_196, %swap3A_197] {strides = array<i32>} : memref<16x256xf32, #tpu.memory_space<vmem>>, vector<16xf32>,
      tpu.vector_store %arg7[%swap3A_196, %swap3A_197], %broadcast_in_dim3A_5 {strides = array<i32>} : memref<16x256xf32, #tpu.memory_space<vmem>>, vector<16xf32>,
      %swap3A_199 = arith.index_cast %scan3A_157 : i32 to index
      %swap3A_200 = arith.constant 224 : index
      %swap3A_201 = tpu.vector_load %arg7[%swap3A_199, %swap3A_200] {strides = array<i32>} : memref<16x256xf32, #tpu.memory_space<vmem>>, vector<16xf32>,
      tpu.vector_store %arg7[%swap3A_199, %swap3A_200], %broadcast_in_dim3A_5 {strides = array<i32>} : memref<16x256xf32, #tpu.memory_space<vmem>>, vector<16xf32>,
      %swap3A_202 = arith.index_cast %scan3A_157 : i32 to index
      %swap3A_203 = arith.constant 240 : index
      %swap3A_204 = tpu.vector_load %arg7[%swap3A_202, %swap3A_203] {strides = array<i32>} : memref<16x256xf32, #tpu.memory_space<vmem>>, vector<16xf32>,
      tpu.vector_store %arg7[%swap3A_202, %swap3A_203], %broadcast_in_dim3A_5 {strides = array<i32>} : memref<16x256xf32, #tpu.memory_space<vmem>>, vector<16xf32>,
    }
    %scan3A_10 = arith.constant 16 : i32
    tpu.wait_dma2 semaphore(%arg8 : memref<!tpu.dma_semaphore, #tpu.memory_space<semaphore_mem>>) src(%arg3 : memref<10400xi32, #tpu.memory_space<hbm>>) dst(%arg5 : memref<10400xi32, #tpu.memory_space<vmem>>)
    %scan3A_11 = arith.constant 0 : i32
    %scan3A_12 = arith.constant 10400 : i32
    %scan3A_13 = arith.constant 0 : i32
    %scan3A_14 = arith.constant 14 : i32
    %scan3A_15 = arith.addi %scan3A_13, %scan3A_14 : i32
    %scan3A_16 = arith.constant 1 : i32
    %scan3A_17:2 = scf.for %scan3A_157 = %scan3A_13 to %scan3A_15 step %scan3A_16 iter_args(%scan3A_158 = %scan3A_11, %scan3A_159 = %scan3A_12) -> (i32, i32)  : i32 {
      %add3A_160 = arith.addi %scan3A_158, %scan3A_159 : i32
      %jit3A_161 = arith.constant 2 : i32
      %div3A_162 = arith.divsi %add3A_160, %jit3A_161 : i32
      %sign3A_163 = arith.constant 0 : i32
      %sign3A_164 = arith.cmpi sgt, %add3A_160, %sign3A_163 : i32
      %sign3A_165 = arith.extui %sign3A_164 : i1 to i32
      %sign3A_166 = arith.constant 0 : i32
      %sign3A_167 = arith.cmpi slt, %add3A_160, %sign3A_166 : i32
      %sign3A_168 = arith.extui %sign3A_167 : i1 to i32
      %sign3A_169 = arith.subi %sign3A_165, %sign3A_168 : i32
      %sign3A_170 = arith.constant 0 : i32
      %sign3A_171 = arith.cmpi sgt, %jit3A_161, %sign3A_170 : i32
      %sign3A_172 = arith.extui %sign3A_171 : i1 to i32
      %sign3A_173 = arith.constant 0 : i32
      %sign3A_174 = arith.cmpi slt, %jit3A_161, %sign3A_173 : i32
      %sign3A_175 = arith.extui %sign3A_174 : i1 to i32
      %sign3A_176 = arith.subi %sign3A_172, %sign3A_175 : i32
      %ne3A_177 = arith.cmpi ne, %sign3A_169, %sign3A_176 : i32
      %rem3A_178 = arith.remsi %add3A_160, %jit3A_161 : i32
      %ne3A_179 = arith.constant 0 : i32
      %ne3A_180 = arith.cmpi ne, %rem3A_178, %ne3A_179 : i32
      %and3A_181 = arith.andi %ne3A_177, %ne3A_180 : i1
      %sub3A_182 = arith.constant 1 : i32
      %sub3A_183 = arith.subi %div3A_162, %sub3A_182 : i32
      %select_n3A_184 = arith.select %and3A_181, %sub3A_183, %div3A_162 : i32
      %get3A = arith.index_cast %select_n3A_184 : i32 to index
      %get3A_185 = tpu.vector_load %arg5[%get3A] {strides = array<i32>} : memref<10400xi32, #tpu.memory_space<vmem>>, vector<16xi32>,
      %slice3A = vector.extract_strided_slice %get3A_185 {offsets = [0], sizes = [1], strides = [1]} : vector<16xi32> to vector<1xi32>
      %squeeze3A = vector.extract %slice3A[0] : i32 from vector<1xi32>
      %lt3A = arith.cmpi slt, %squeeze3A, %mul3A_2 : i32
      %add3A_186 = arith.constant 1 : i32
      %add3A_187 = arith.addi %select_n3A_184, %add3A_186 : i32
      %select_n3A_188 = arith.select %lt3A, %add3A_187, %scan3A_158 : i32
      %select_n3A_189 = arith.select %lt3A, %scan3A_159, %select_n3A_184 : i32
      scf.yield %select_n3A_188, %select_n3A_189 : i32, i32
    }
    %scan3A_18 = arith.constant 14 : i32
    %scan3A_19 = arith.constant 0 : i32
    %scan3A_20 = arith.constant 10400 : i32
    %scan3A_21 = arith.constant 0 : i32
    %scan3A_22 = arith.constant 14 : i32
    %scan3A_23 = arith.addi %scan3A_21, %scan3A_22 : i32
    %scan3A_24 = arith.constant 1 : i32
    %scan3A_25:2 = scf.for %scan3A_157 = %scan3A_21 to %scan3A_23 step %scan3A_24 iter_args(%scan3A_158 = %scan3A_19, %scan3A_159 = %scan3A_20) -> (i32, i32)  : i32 {
      %add3A_160 = arith.addi %scan3A_158, %scan3A_159 : i32
      %jit3A_161 = arith.constant 2 : i32
      %div3A_162 = arith.divsi %add3A_160, %jit3A_161 : i32
      %sign3A_163 = arith.constant 0 : i32
      %sign3A_164 = arith.cmpi sgt, %add3A_160, %sign3A_163 : i32
      %sign3A_165 = arith.extui %sign3A_164 : i1 to i32
      %sign3A_166 = arith.constant 0 : i32
      %sign3A_167 = arith.cmpi slt, %add3A_160, %sign3A_166 : i32
      %sign3A_168 = arith.extui %sign3A_167 : i1 to i32
      %sign3A_169 = arith.subi %sign3A_165, %sign3A_168 : i32
      %sign3A_170 = arith.constant 0 : i32
      %sign3A_171 = arith.cmpi sgt, %jit3A_161, %sign3A_170 : i32
      %sign3A_172 = arith.extui %sign3A_171 : i1 to i32
      %sign3A_173 = arith.constant 0 : i32
      %sign3A_174 = arith.cmpi slt, %jit3A_161, %sign3A_173 : i32
      %sign3A_175 = arith.extui %sign3A_174 : i1 to i32
      %sign3A_176 = arith.subi %sign3A_172, %sign3A_175 : i32
      %ne3A_177 = arith.cmpi ne, %sign3A_169, %sign3A_176 : i32
      %rem3A_178 = arith.remsi %add3A_160, %jit3A_161 : i32
      %ne3A_179 = arith.constant 0 : i32
      %ne3A_180 = arith.cmpi ne, %rem3A_178, %ne3A_179 : i32
      %and3A_181 = arith.andi %ne3A_177, %ne3A_180 : i1
      %sub3A_182 = arith.constant 1 : i32
      %sub3A_183 = arith.subi %div3A_162, %sub3A_182 : i32
      %select_n3A_184 = arith.select %and3A_181, %sub3A_183, %div3A_162 : i32
      %get3A = arith.index_cast %select_n3A_184 : i32 to index
      %get3A_185 = tpu.vector_load %arg5[%get3A] {strides = array<i32>} : memref<10400xi32, #tpu.memory_space<vmem>>, vector<16xi32>,
      %slice3A = vector.extract_strided_slice %get3A_185 {offsets = [0], sizes = [1], strides = [1]} : vector<16xi32> to vector<1xi32>
      %squeeze3A = vector.extract %slice3A[0] : i32 from vector<1xi32>
      %lt3A = arith.cmpi slt, %squeeze3A, %add3A_4 : i32
      %add3A_186 = arith.constant 1 : i32
      %add3A_187 = arith.addi %select_n3A_184, %add3A_186 : i32
      %select_n3A_188 = arith.select %lt3A, %add3A_187, %scan3A_158 : i32
      %select_n3A_189 = arith.select %lt3A, %scan3A_159, %select_n3A_184 : i32
      scf.yield %select_n3A_188, %select_n3A_189 : i32, i32
    }
    %scan3A_26 = arith.constant 14 : i32
    %jit3A = arith.constant 8 : i32
    %div3A = arith.divsi %scan3A_17#0, %jit3A : i32
    %sign3A = arith.constant 0 : i32
    %sign3A_27 = arith.cmpi sgt, %scan3A_17#0, %sign3A : i32
    %sign3A_28 = arith.extui %sign3A_27 : i1 to i32
    %sign3A_29 = arith.constant 0 : i32
    %sign3A_30 = arith.cmpi slt, %scan3A_17#0, %sign3A_29 : i32
    %sign3A_31 = arith.extui %sign3A_30 : i1 to i32
    %sign3A_32 = arith.subi %sign3A_28, %sign3A_31 : i32
    %sign3A_33 = arith.constant 0 : i32
    %sign3A_34 = arith.cmpi sgt, %jit3A, %sign3A_33 : i32
    %sign3A_35 = arith.extui %sign3A_34 : i1 to i32
    %sign3A_36 = arith.constant 0 : i32
    %sign3A_37 = arith.cmpi slt, %jit3A, %sign3A_36 : i32
    %sign3A_38 = arith.extui %sign3A_37 : i1 to i32
    %sign3A_39 = arith.subi %sign3A_35, %sign3A_38 : i32
    %ne3A = arith.cmpi ne, %sign3A_32, %sign3A_39 : i32
    %rem3A = arith.remsi %scan3A_17#0, %jit3A : i32
    %ne3A_40 = arith.constant 0 : i32
    %ne3A_41 = arith.cmpi ne, %rem3A, %ne3A_40 : i32
    %and3A = arith.andi %ne3A, %ne3A_41 : i1
    %sub3A = arith.constant 1 : i32
    %sub3A_42 = arith.subi %div3A, %sub3A : i32
    %select_n3A = arith.select %and3A, %sub3A_42, %div3A : i32
    %mul3A_43 = arith.constant 8 : i32
    %mul3A_44 = arith.muli %select_n3A, %mul3A_43 : i32
    %sub3A_45 = arith.subi %scan3A_25#0, %mul3A_44 : i32
    %add3A_46 = arith.constant 63 : i32
    %add3A_47 = arith.addi %sub3A_45, %add3A_46 : i32
    %jit3A_48 = arith.constant 64 : i32
    %div3A_49 = arith.divsi %add3A_47, %jit3A_48 : i32
    %sign3A_50 = arith.constant 0 : i32
    %sign3A_51 = arith.cmpi sgt, %add3A_47, %sign3A_50 : i32
    %sign3A_52 = arith.extui %sign3A_51 : i1 to i32
    %sign3A_53 = arith.constant 0 : i32
    %sign3A_54 = arith.cmpi slt, %add3A_47, %sign3A_53 : i32
    %sign3A_55 = arith.extui %sign3A_54 : i1 to i32
    %sign3A_56 = arith.subi %sign3A_52, %sign3A_55 : i32
    %sign3A_57 = arith.constant 0 : i32
    %sign3A_58 = arith.cmpi sgt, %jit3A_48, %sign3A_57 : i32
    %sign3A_59 = arith.extui %sign3A_58 : i1 to i32
    %sign3A_60 = arith.constant 0 : i32
    %sign3A_61 = arith.cmpi slt, %jit3A_48, %sign3A_60 : i32
    %sign3A_62 = arith.extui %sign3A_61 : i1 to i32
    %sign3A_63 = arith.subi %sign3A_59, %sign3A_62 : i32
    %ne3A_64 = arith.cmpi ne, %sign3A_56, %sign3A_63 : i32
    %rem3A_65 = arith.remsi %add3A_47, %jit3A_48 : i32
    %ne3A_66 = arith.constant 0 : i32
    %ne3A_67 = arith.cmpi ne, %rem3A_65, %ne3A_66 : i32
    %and3A_68 = arith.andi %ne3A_64, %ne3A_67 : i1
    %sub3A_69 = arith.constant 1 : i32
    %sub3A_70 = arith.subi %div3A_49, %sub3A_69 : i32
    %select_n3A_71 = arith.select %and3A_68, %sub3A_70, %div3A_49 : i32
    %gt3A = arith.constant 0 : i32
    %gt3A_72 = arith.cmpi sgt, %select_n3A_71, %gt3A : i32
    %convert_element_type3A = arith.extui %gt3A_72 : i1 to i32
    %cond3A = arith.constant 0 : i32
    %cond3A_73 = arith.cmpi ne, %convert_element_type3A, %cond3A : i32
    scf.if %cond3A_73 {
      %mul3A_157 = arith.constant 0 : i32
      %mul3A_158 = arith.constant 64 : i32
      %mul3A_159 = arith.muli %mul3A_157, %mul3A_158 : i32
      %add3A_160 = arith.addi %mul3A_44, %mul3A_159 : i32
      %dma_start3A = arith.constant 0 : i32
      %dma_start3A_161 = arith.constant 0 : i32
      %dma_start3A_162 = arith.constant 0 : i32
      %dma_start3A_163 = tpu.memref_slice %arg6[%dma_start3A, %dma_start3A_161, %dma_start3A_162] : memref<2x64x128xi32, #tpu.memory_space<vmem>> -> memref<1x64x128xi32, #tpu.memory_space<vmem>>
      %dma_start3A_164 = tpu.memref_squeeze %dma_start3A_163 : memref<1x64x128xi32, #tpu.memory_space<vmem>> -> memref<64x128xi32, #tpu.memory_space<vmem>>
      %dma_start3A_165 = arith.constant 0 : i32
      %dma_start3A_166 = tpu.memref_slice %arg2[%add3A_160, %dma_start3A_165] : memref<10400x128xi32, #tpu.memory_space<hbm>> -> memref<64x128xi32, #tpu.memory_space<hbm>>
      %dma_start3A_167 = arith.constant 0 : i32
      %dma_start3A_168 = arith.constant 0 : i32
      %dma_start3A_169 = tpu.memref_slice %arg6[%dma_start3A, %dma_start3A_167, %dma_start3A_168] : memref<2x64x128xi32, #tpu.memory_space<vmem>> -> memref<1x64x128xi32, #tpu.memory_space<vmem>>
      %dma_start3A_170 = tpu.memref_squeeze %dma_start3A_169 : memref<1x64x128xi32, #tpu.memory_space<vmem>> -> memref<64x128xi32, #tpu.memory_space<vmem>>
      %dma_start3A_171 = arith.constant 0 : i32
      %dma_start3A_172 = tpu.memref_slice %arg2[%add3A_160, %dma_start3A_171] : memref<10400x128xi32, #tpu.memory_space<hbm>> -> memref<64x128xi32, #tpu.memory_space<hbm>>
      tpu.enqueue_dma source(%dma_start3A_172 : memref<64x128xi32, #tpu.memory_space<hbm>>) target(%dma_start3A_170 : memref<64x128xi32, #tpu.memory_space<vmem>>) target_semaphore(%arg9 : memref<!tpu.dma_semaphore, #tpu.memory_space<semaphore_mem>>)
    } else {
    }
    %iota3A = tpu.iota {dimensions = array<i32: 0>} : vector<16xi32>
    %add3A_74 = arith.constant 0 : i32
    %add3A_75 = vector.broadcast %add3A_74 : i32 to vector<16xi32>
    %add3A_76 = arith.addi %iota3A, %add3A_75 : vector<16xi32>
    %add3A_77 = arith.constant 0 : i32
    %add3A_78 = vector.broadcast %add3A_77 : i32 to vector<16xi32>
    %add3A_79 = arith.addi %iota3A, %add3A_78 : vector<16xi32>
    %add3A_80 = arith.constant 128 : i32
    %add3A_81 = vector.broadcast %add3A_80 : i32 to vector<16xi32>
    %add3A_82 = arith.addi %add3A_79, %add3A_81 : vector<16xi32>
    %add3A_83 = arith.constant 16 : i32
    %add3A_84 = vector.broadcast %add3A_83 : i32 to vector<16xi32>
    %add3A_85 = arith.addi %iota3A, %add3A_84 : vector<16xi32>
    %add3A_86 = arith.constant 16 : i32
    %add3A_87 = vector.broadcast %add3A_86 : i32 to vector<16xi32>
    %add3A_88 = arith.addi %iota3A, %add3A_87 : vector<16xi32>
    %add3A_89 = arith.constant 128 : i32
    %add3A_90 = vector.broadcast %add3A_89 : i32 to vector<16xi32>
    %add3A_91 = arith.addi %add3A_88, %add3A_90 : vector<16xi32>
    %add3A_92 = arith.constant 32 : i32
    %add3A_93 = vector.broadcast %add3A_92 : i32 to vector<16xi32>
    %add3A_94 = arith.addi %iota3A, %add3A_93 : vector<16xi32>
    %add3A_95 = arith.constant 32 : i32
    %add3A_96 = vector.broadcast %add3A_95 : i32 to vector<16xi32>
    %add3A_97 = arith.addi %iota3A, %add3A_96 : vector<16xi32>
    %add3A_98 = arith.constant 128 : i32
    %add3A_99 = vector.broadcast %add3A_98 : i32 to vector<16xi32>
    %add3A_100 = arith.addi %add3A_97, %add3A_99 : vector<16xi32>
    %add3A_101 = arith.constant 48 : i32
    %add3A_102 = vector.broadcast %add3A_101 : i32 to vector<16xi32>
    %add3A_103 = arith.addi %iota3A, %add3A_102 : vector<16xi32>
    %add3A_104 = arith.constant 48 : i32
    %add3A_105 = vector.broadcast %add3A_104 : i32 to vector<16xi32>
    %add3A_106 = arith.addi %iota3A, %add3A_105 : vector<16xi32>
    %add3A_107 = arith.constant 128 : i32
    %add3A_108 = vector.broadcast %add3A_107 : i32 to vector<16xi32>
    %add3A_109 = arith.addi %add3A_106, %add3A_108 : vector<16xi32>
    %add3A_110 = arith.constant 64 : i32
    %add3A_111 = vector.broadcast %add3A_110 : i32 to vector<16xi32>
    %add3A_112 = arith.addi %iota3A, %add3A_111 : vector<16xi32>
    %add3A_113 = arith.constant 64 : i32
    %add3A_114 = vector.broadcast %add3A_113 : i32 to vector<16xi32>
    %add3A_115 = arith.addi %iota3A, %add3A_114 : vector<16xi32>
    %add3A_116 = arith.constant 128 : i32
    %add3A_117 = vector.broadcast %add3A_116 : i32 to vector<16xi32>
    %add3A_118 = arith.addi %add3A_115, %add3A_117 : vector<16xi32>
    %add3A_119 = arith.constant 80 : i32
    %add3A_120 = vector.broadcast %add3A_119 : i32 to vector<16xi32>
    %add3A_121 = arith.addi %iota3A, %add3A_120 : vector<16xi32>
    %add3A_122 = arith.constant 80 : i32
    %add3A_123 = vector.broadcast %add3A_122 : i32 to vector<16xi32>
    %add3A_124 = arith.addi %iota3A, %add3A_123 : vector<16xi32>
    %add3A_125 = arith.constant 128 : i32
    %add3A_126 = vector.broadcast %add3A_125 : i32 to vector<16xi32>
    %add3A_127 = arith.addi %add3A_124, %add3A_126 : vector<16xi32>
    %add3A_128 = arith.constant 96 : i32
    %add3A_129 = vector.broadcast %add3A_128 : i32 to vector<16xi32>
    %add3A_130 = arith.addi %iota3A, %add3A_129 : vector<16xi32>
    %add3A_131 = arith.constant 96 : i32
    %add3A_132 = vector.broadcast %add3A_131 : i32 to vector<16xi32>
    %add3A_133 = arith.addi %iota3A, %add3A_132 : vector<16xi32>
    %add3A_134 = arith.constant 128 : i32
    %add3A_135 = vector.broadcast %add3A_134 : i32 to vector<16xi32>
    %add3A_136 = arith.addi %add3A_133, %add3A_135 : vector<16xi32>
    %add3A_137 = arith.constant 112 : i32
    %add3A_138 = vector.broadcast %add3A_137 : i32 to vector<16xi32>
    %add3A_139 = arith.addi %iota3A, %add3A_138 : vector<16xi32>
    %add3A_140 = arith.constant 112 : i32
    %add3A_141 = vector.broadcast %add3A_140 : i32 to vector<16xi32>
    %add3A_142 = arith.addi %iota3A, %add3A_141 : vector<16xi32>
    %add3A_143 = arith.constant 128 : i32
    %add3A_144 = vector.broadcast %add3A_143 : i32 to vector<16xi32>
    %add3A_145 = arith.addi %add3A_142, %add3A_144 : vector<16xi32>
    %broadcast_in_dim3A_146 = arith.constant -65536 : i32
    %broadcast_in_dim3A_147 = vector.broadcast %broadcast_in_dim3A_146 : i32 to vector<16xi32>
    %while3A = arith.constant 0 : i32
    %while3A_148 = arith.constant 0 : i32
    %while3A_149 = arith.subi %select_n3A_71, %while3A_148 : i32
    %while3A_150 = arith.addi %while3A_148, %while3A_149 : i32
    %while3A_151 = arith.constant 1 : i32
    %while3A_152 = arith.divsi %while3A_149, %while3A_151 : i32
    %while3A_153 = arith.muli %while3A_152, %while3A_151 : i32
    %while3A_154 = arith.addi %while3A_148, %while3A_153 : i32
    %while3A_155 = arith.constant 1 : i32
    scf.for %while3A_157 = %while3A_148 to %while3A_154 step %while3A_155  : i32 {
      %rem3A_158 = arith.constant 2 : i32
      %rem3A_159 = arith.remsi %while3A_157, %rem3A_158 : i32
      %add3A_160 = arith.constant 1 : i32
      %add3A_161 = arith.addi %while3A_157, %add3A_160 : i32
      %lt3A = arith.cmpi slt, %add3A_161, %select_n3A_71 : i32
      %convert_element_type3A_162 = arith.extui %lt3A : i1 to i32
      %cond3A_163 = arith.constant 0 : i32
      %cond3A_164 = arith.cmpi ne, %convert_element_type3A_162, %cond3A_163 : i32
      scf.if %cond3A_164 {
        %add3A_188 = arith.constant 1 : i32
        %add3A_189 = arith.addi %while3A_157, %add3A_188 : i32
        %add3A_190 = arith.constant 1 : i32
        %add3A_191 = arith.addi %while3A_157, %add3A_190 : i32
        %rem3A_192 = arith.constant 2 : i32
        %rem3A_193 = arith.remsi %add3A_191, %rem3A_192 : i32
        %mul3A_194 = arith.constant 64 : i32
        %mul3A_195 = arith.muli %add3A_189, %mul3A_194 : i32
        %add3A_196 = arith.addi %mul3A_44, %mul3A_195 : i32
        %dma_start3A = arith.constant 0 : i32
        %dma_start3A_197 = arith.constant 0 : i32
        %dma_start3A_198 = tpu.memref_slice %arg6[%rem3A_193, %dma_start3A, %dma_start3A_197] : memref<2x64x128xi32, #tpu.memory_space<vmem>> -> memref<1x64x128xi32, #tpu.memory_space<vmem>>
        %dma_start3A_199 = tpu.memref_squeeze %dma_start3A_198 : memref<1x64x128xi32, #tpu.memory_space<vmem>> -> memref<64x128xi32, #tpu.memory_space<vmem>>
        %dma_start3A_200 = arith.constant 0 : i32
        %dma_start3A_201 = tpu.memref_slice %arg2[%add3A_196, %dma_start3A_200] : memref<10400x128xi32, #tpu.memory_space<hbm>> -> memref<64x128xi32, #tpu.memory_space<hbm>>
        %dma_start3A_202 = arith.constant 0 : i32
        %dma_start3A_203 = arith.constant 0 : i32
        %dma_start3A_204 = tpu.memref_slice %arg6[%rem3A_193, %dma_start3A_202, %dma_start3A_203] : memref<2x64x128xi32, #tpu.memory_space<vmem>> -> memref<1x64x128xi32, #tpu.memory_space<vmem>>
        %dma_start3A_205 = tpu.memref_squeeze %dma_start3A_204 : memref<1x64x128xi32, #tpu.memory_space<vmem>> -> memref<64x128xi32, #tpu.memory_space<vmem>>
        %dma_start3A_206 = arith.constant 0 : i32
        %dma_start3A_207 = tpu.memref_slice %arg2[%add3A_196, %dma_start3A_206] : memref<10400x128xi32, #tpu.memory_space<hbm>> -> memref<64x128xi32, #tpu.memory_space<hbm>>
        tpu.enqueue_dma source(%dma_start3A_207 : memref<64x128xi32, #tpu.memory_space<hbm>>) target(%dma_start3A_205 : memref<64x128xi32, #tpu.memory_space<vmem>>) target_semaphore(%arg9 : memref<!tpu.dma_semaphore, #tpu.memory_space<semaphore_mem>>)
      } else {
      }
      %mul3A_165 = arith.constant 64 : i32
      %mul3A_166 = arith.muli %while3A_157, %mul3A_165 : i32
      %add3A_167 = arith.addi %mul3A_44, %mul3A_166 : i32
      %dma_wait3A = arith.constant 0 : i32
      %dma_wait3A_168 = arith.constant 0 : i32
      %dma_wait3A_169 = tpu.memref_slice %arg6[%rem3A_159, %dma_wait3A, %dma_wait3A_168] : memref<2x64x128xi32, #tpu.memory_space<vmem>> -> memref<1x64x128xi32, #tpu.memory_space<vmem>>
      %dma_wait3A_170 = tpu.memref_squeeze %dma_wait3A_169 : memref<1x64x128xi32, #tpu.memory_space<vmem>> -> memref<64x128xi32, #tpu.memory_space<vmem>>
      %dma_wait3A_171 = arith.constant 0 : i32
      %dma_wait3A_172 = tpu.memref_slice %arg2[%add3A_167, %dma_wait3A_171] : memref<10400x128xi32, #tpu.memory_space<hbm>> -> memref<64x128xi32, #tpu.memory_space<hbm>>
      %dma_wait3A_173 = arith.constant 0 : i32
      %dma_wait3A_174 = arith.constant 0 : i32
      %dma_wait3A_175 = tpu.memref_slice %arg6[%rem3A_159, %dma_wait3A_173, %dma_wait3A_174] : memref<2x64x128xi32, #tpu.memory_space<vmem>> -> memref<1x64x128xi32, #tpu.memory_space<vmem>>
      %dma_wait3A_176 = tpu.memref_squeeze %dma_wait3A_175 : memref<1x64x128xi32, #tpu.memory_space<vmem>> -> memref<64x128xi32, #tpu.memory_space<vmem>>
      %dma_wait3A_177 = arith.constant 0 : i32
      %dma_wait3A_178 = tpu.memref_slice %arg2[%add3A_167, %dma_wait3A_177] : memref<10400x128xi32, #tpu.memory_space<hbm>> -> memref<64x128xi32, #tpu.memory_space<hbm>>
      tpu.wait_dma2 semaphore(%arg9 : memref<!tpu.dma_semaphore, #tpu.memory_space<semaphore_mem>>) src(%dma_wait3A_178 : memref<64x128xi32, #tpu.memory_space<hbm>>) dst(%dma_wait3A_176 : memref<64x128xi32, #tpu.memory_space<vmem>>)
      %mul3A_179 = arith.constant 64 : i32
      %mul3A_180 = arith.muli %while3A_157, %mul3A_179 : i32
      %add3A_181 = arith.addi %mul3A_44, %mul3A_180 : i32
      %scan3A_182 = arith.constant 0 : i32
      %scan3A_183 = arith.constant 0 : i32
      %scan3A_184 = arith.constant 4 : i32
      %scan3A_185 = arith.addi %scan3A_183, %scan3A_184 : i32
      %scan3A_186 = arith.constant 1 : i32
      scf.for %scan3A_188 = %scan3A_183 to %scan3A_185 step %scan3A_186  : i32 {
        %mul3A_189 = arith.constant 16 : i32
        %mul3A_190 = arith.muli %scan3A_188, %mul3A_189 : i32
        %add3A_191 = arith.addi %add3A_181, %mul3A_190 : i32
        %get3A = arith.index_cast %add3A_191 : i32 to index
        %get3A_192 = tpu.vector_load %arg5[%get3A] {strides = array<i32>} : memref<10400xi32, #tpu.memory_space<vmem>>, vector<16xi32>,
        %add3A_193 = arith.constant 0 : i32
        %add3A_194 = arith.addi %mul3A_190, %add3A_193 : i32
        %get3A_195 = arith.index_cast %rem3A_159 : i32 to index
        %get3A_196 = arith.index_cast %add3A_194 : i32 to index
        %get3A_197 = arith.constant 0 : index
        %get3A_198 = tpu.vector_load %arg6[%get3A_195, %get3A_196, %get3A_197] {strides = array<i32>} : memref<2x64x128xi32, #tpu.memory_space<vmem>>, vector<16xi32>,
        %shift_left3A = arith.constant 16 : i32
        %shift_left3A_199 = vector.broadcast %shift_left3A : i32 to vector<16xi32>
        %shift_left3A_200 = arith.shli %get3A_198, %shift_left3A_199 : vector<16xi32>
        %bitcast3A = vector.bitcast %shift_left3A_200 : vector<16xi32> to vector<16xf32>
        %and3A_201 = arith.andi %get3A_198, %broadcast_in_dim3A_147 : vector<16xi32>
        %bitcast3A_202 = vector.bitcast %and3A_201 : vector<16xi32> to vector<16xf32>
        %add3A_203 = arith.constant 0 : i32
        %add3A_204 = arith.addi %mul3A_190, %add3A_203 : i32
        %get3A_205 = arith.index_cast %rem3A_159 : i32 to index
        %get3A_206 = arith.index_cast %add3A_204 : i32 to index
        %get3A_207 = arith.constant 16 : index
        %get3A_208 = tpu.vector_load %arg6[%get3A_205, %get3A_206, %get3A_207] {strides = array<i32>} : memref<2x64x128xi32, #tpu.memory_space<vmem>>, vector<16xi32>,
        %shift_left3A_209 = arith.constant 16 : i32
        %shift_left3A_210 = vector.broadcast %shift_left3A_209 : i32 to vector<16xi32>
        %shift_left3A_211 = arith.shli %get3A_208, %shift_left3A_210 : vector<16xi32>
        %bitcast3A_212 = vector.bitcast %shift_left3A_211 : vector<16xi32> to vector<16xf32>
        %and3A_213 = arith.andi %get3A_208, %broadcast_in_dim3A_147 : vector<16xi32>
        %bitcast3A_214 = vector.bitcast %and3A_213 : vector<16xi32> to vector<16xf32>
        %add3A_215 = arith.constant 0 : i32
        %add3A_216 = arith.addi %mul3A_190, %add3A_215 : i32
        %get3A_217 = arith.index_cast %rem3A_159 : i32 to index
        %get3A_218 = arith.index_cast %add3A_216 : i32 to index
        %get3A_219 = arith.constant 32 : index
        %get3A_220 = tpu.vector_load %arg6[%get3A_217, %get3A_218, %get3A_219] {strides = array<i32>} : memref<2x64x128xi32, #tpu.memory_space<vmem>>, vector<16xi32>,
        %shift_left3A_221 = arith.constant 16 : i32
        %shift_left3A_222 = vector.broadcast %shift_left3A_221 : i32 to vector<16xi32>
        %shift_left3A_223 = arith.shli %get3A_220, %shift_left3A_222 : vector<16xi32>
        %bitcast3A_224 = vector.bitcast %shift_left3A_223 : vector<16xi32> to vector<16xf32>
        %and3A_225 = arith.andi %get3A_220, %broadcast_in_dim3A_147 : vector<16xi32>
        %bitcast3A_226 = vector.bitcast %and3A_225 : vector<16xi32> to vector<16xf32>
        %add3A_227 = arith.constant 0 : i32
        %add3A_228 = arith.addi %mul3A_190, %add3A_227 : i32
        %get3A_229 = arith.index_cast %rem3A_159 : i32 to index
        %get3A_230 = arith.index_cast %add3A_228 : i32 to index
        %get3A_231 = arith.constant 48 : index
        %get3A_232 = tpu.vector_load %arg6[%get3A_229, %get3A_230, %get3A_231] {strides = array<i32>} : memref<2x64x128xi32, #tpu.memory_space<vmem>>, vector<16xi32>,
        %shift_left3A_233 = arith.constant 16 : i32
        %shift_left3A_234 = vector.broadcast %shift_left3A_233 : i32 to vector<16xi32>
        %shift_left3A_235 = arith.shli %get3A_232, %shift_left3A_234 : vector<16xi32>
        %bitcast3A_236 = vector.bitcast %shift_left3A_235 : vector<16xi32> to vector<16xf32>
        %and3A_237 = arith.andi %get3A_232, %broadcast_in_dim3A_147 : vector<16xi32>
        %bitcast3A_238 = vector.bitcast %and3A_237 : vector<16xi32> to vector<16xf32>
        %add3A_239 = arith.constant 0 : i32
        %add3A_240 = arith.addi %mul3A_190, %add3A_239 : i32
        %get3A_241 = arith.index_cast %rem3A_159 : i32 to index
        %get3A_242 = arith.index_cast %add3A_240 : i32 to index
        %get3A_243 = arith.constant 64 : index
        %get3A_244 = tpu.vector_load %arg6[%get3A_241, %get3A_242, %get3A_243] {strides = array<i32>} : memref<2x64x128xi32, #tpu.memory_space<vmem>>, vector<16xi32>,
        %shift_left3A_245 = arith.constant 16 : i32
        %shift_left3A_246 = vector.broadcast %shift_left3A_245 : i32 to vector<16xi32>
        %shift_left3A_247 = arith.shli %get3A_244, %shift_left3A_246 : vector<16xi32>
        %bitcast3A_248 = vector.bitcast %shift_left3A_247 : vector<16xi32> to vector<16xf32>
        %and3A_249 = arith.andi %get3A_244, %broadcast_in_dim3A_147 : vector<16xi32>
        %bitcast3A_250 = vector.bitcast %and3A_249 : vector<16xi32> to vector<16xf32>
        %add3A_251 = arith.constant 0 : i32
        %add3A_252 = arith.addi %mul3A_190, %add3A_251 : i32
        %get3A_253 = arith.index_cast %rem3A_159 : i32 to index
        %get3A_254 = arith.index_cast %add3A_252 : i32 to index
        %get3A_255 = arith.constant 80 : index
        %get3A_256 = tpu.vector_load %arg6[%get3A_253, %get3A_254, %get3A_255] {strides = array<i32>} : memref<2x64x128xi32, #tpu.memory_space<vmem>>, vector<16xi32>,
        %shift_left3A_257 = arith.constant 16 : i32
        %shift_left3A_258 = vector.broadcast %shift_left3A_257 : i32 to vector<16xi32>
        %shift_left3A_259 = arith.shli %get3A_256, %shift_left3A_258 : vector<16xi32>
        %bitcast3A_260 = vector.bitcast %shift_left3A_259 : vector<16xi32> to vector<16xf32>
        %and3A_261 = arith.andi %get3A_256, %broadcast_in_dim3A_147 : vector<16xi32>
        %bitcast3A_262 = vector.bitcast %and3A_261 : vector<16xi32> to vector<16xf32>
        %add3A_263 = arith.constant 0 : i32
        %add3A_264 = arith.addi %mul3A_190, %add3A_263 : i32
        %get3A_265 = arith.index_cast %rem3A_159 : i32 to index
        %get3A_266 = arith.index_cast %add3A_264 : i32 to index
        %get3A_267 = arith.constant 96 : index
        %get3A_268 = tpu.vector_load %arg6[%get3A_265, %get3A_266, %get3A_267] {strides = array<i32>} : memref<2x64x128xi32, #tpu.memory_space<vmem>>, vector<16xi32>,
        %shift_left3A_269 = arith.constant 16 : i32
        %shift_left3A_270 = vector.broadcast %shift_left3A_269 : i32 to vector<16xi32>
        %shift_left3A_271 = arith.shli %get3A_268, %shift_left3A_270 : vector<16xi32>
        %bitcast3A_272 = vector.bitcast %shift_left3A_271 : vector<16xi32> to vector<16xf32>
        %and3A_273 = arith.andi %get3A_268, %broadcast_in_dim3A_147 : vector<16xi32>
        %bitcast3A_274 = vector.bitcast %and3A_273 : vector<16xi32> to vector<16xf32>
        %add3A_275 = arith.constant 0 : i32
        %add3A_276 = arith.addi %mul3A_190, %add3A_275 : i32
        %get3A_277 = arith.index_cast %rem3A_159 : i32 to index
        %get3A_278 = arith.index_cast %add3A_276 : i32 to index
        %get3A_279 = arith.constant 112 : index
        %get3A_280 = tpu.vector_load %arg6[%get3A_277, %get3A_278, %get3A_279] {strides = array<i32>} : memref<2x64x128xi32, #tpu.memory_space<vmem>>, vector<16xi32>,
        %shift_left3A_281 = arith.constant 16 : i32
        %shift_left3A_282 = vector.broadcast %shift_left3A_281 : i32 to vector<16xi32>
        %shift_left3A_283 = arith.shli %get3A_280, %shift_left3A_282 : vector<16xi32>
        %bitcast3A_284 = vector.bitcast %shift_left3A_283 : vector<16xi32> to vector<16xf32>
        %and3A_285 = arith.andi %get3A_280, %broadcast_in_dim3A_147 : vector<16xi32>
        %bitcast3A_286 = vector.bitcast %and3A_285 : vector<16xi32> to vector<16xf32>
        %add3A_287 = arith.constant 1 : i32
        %add3A_288 = arith.addi %mul3A_190, %add3A_287 : i32
        %get3A_289 = arith.index_cast %rem3A_159 : i32 to index
        %get3A_290 = arith.index_cast %add3A_288 : i32 to index
        %get3A_291 = arith.constant 0 : index
        %get3A_292 = tpu.vector_load %arg6[%get3A_289, %get3A_290, %get3A_291] {strides = array<i32>} : memref<2x64x128xi32, #tpu.memory_space<vmem>>, vector<16xi32>,
        %shift_left3A_293 = arith.constant 16 : i32
        %shift_left3A_294 = vector.broadcast %shift_left3A_293 : i32 to vector<16xi32>
        %shift_left3A_295 = arith.shli %get3A_292, %shift_left3A_294 : vector<16xi32>
        %bitcast3A_296 = vector.bitcast %shift_left3A_295 : vector<16xi32> to vector<16xf32>
        %and3A_297 = arith.andi %get3A_292, %broadcast_in_dim3A_147 : vector<16xi32>
        %bitcast3A_298 = vector.bitcast %and3A_297 : vector<16xi32> to vector<16xf32>
        %add3A_299 = arith.constant 1 : i32
        %add3A_300 = arith.addi %mul3A_190, %add3A_299 : i32
        %get3A_301 = arith.index_cast %rem3A_159 : i32 to index
        %get3A_302 = arith.index_cast %add3A_300 : i32 to index
        %get3A_303 = arith.constant 16 : index
        %get3A_304 = tpu.vector_load %arg6[%get3A_301, %get3A_302, %get3A_303] {strides = array<i32>} : memref<2x64x128xi32, #tpu.memory_space<vmem>>, vector<16xi32>,
        %shift_left3A_305 = arith.constant 16 : i32
        %shift_left3A_306 = vector.broadcast %shift_left3A_305 : i32 to vector<16xi32>
        %shift_left3A_307 = arith.shli %get3A_304, %shift_left3A_306 : vector<16xi32>
        %bitcast3A_308 = vector.bitcast %shift_left3A_307 : vector<16xi32> to vector<16xf32>
        %and3A_309 = arith.andi %get3A_304, %broadcast_in_dim3A_147 : vector<16xi32>
        %bitcast3A_310 = vector.bitcast %and3A_309 : vector<16xi32> to vector<16xf32>
        %add3A_311 = arith.constant 1 : i32
        %add3A_312 = arith.addi %mul3A_190, %add3A_311 : i32
        %get3A_313 = arith.index_cast %rem3A_159 : i32 to index
        %get3A_314 = arith.index_cast %add3A_312 : i32 to index
        %get3A_315 = arith.constant 32 : index
        %get3A_316 = tpu.vector_load %arg6[%get3A_313, %get3A_314, %get3A_315] {strides = array<i32>} : memref<2x64x128xi32, #tpu.memory_space<vmem>>, vector<16xi32>,
        %shift_left3A_317 = arith.constant 16 : i32
        %shift_left3A_318 = vector.broadcast %shift_left3A_317 : i32 to vector<16xi32>
        %shift_left3A_319 = arith.shli %get3A_316, %shift_left3A_318 : vector<16xi32>
        %bitcast3A_320 = vector.bitcast %shift_left3A_319 : vector<16xi32> to vector<16xf32>
        %and3A_321 = arith.andi %get3A_316, %broadcast_in_dim3A_147 : vector<16xi32>
        %bitcast3A_322 = vector.bitcast %and3A_321 : vector<16xi32> to vector<16xf32>
        %add3A_323 = arith.constant 1 : i32
        %add3A_324 = arith.addi %mul3A_190, %add3A_323 : i32
        %get3A_325 = arith.index_cast %rem3A_159 : i32 to index
        %get3A_326 = arith.index_cast %add3A_324 : i32 to index
        %get3A_327 = arith.constant 48 : index
        %get3A_328 = tpu.vector_load %arg6[%get3A_325, %get3A_326, %get3A_327] {strides = array<i32>} : memref<2x64x128xi32, #tpu.memory_space<vmem>>, vector<16xi32>,
        %shift_left3A_329 = arith.constant 16 : i32
        %shift_left3A_330 = vector.broadcast %shift_left3A_329 : i32 to vector<16xi32>
        %shift_left3A_331 = arith.shli %get3A_328, %shift_left3A_330 : vector<16xi32>
        %bitcast3A_332 = vector.bitcast %shift_left3A_331 : vector<16xi32> to vector<16xf32>
        %and3A_333 = arith.andi %get3A_328, %broadcast_in_dim3A_147 : vector<16xi32>
        %bitcast3A_334 = vector.bitcast %and3A_333 : vector<16xi32> to vector<16xf32>
        %add3A_335 = arith.constant 1 : i32
        %add3A_336 = arith.addi %mul3A_190, %add3A_335 : i32
        %get3A_337 = arith.index_cast %rem3A_159 : i32 to index
        %get3A_338 = arith.index_cast %add3A_336 : i32 to index
        %get3A_339 = arith.constant 64 : index
        %get3A_340 = tpu.vector_load %arg6[%get3A_337, %get3A_338, %get3A_339] {strides = array<i32>} : memref<2x64x128xi32, #tpu.memory_space<vmem>>, vector<16xi32>,
        %shift_left3A_341 = arith.constant 16 : i32
        %shift_left3A_342 = vector.broadcast %shift_left3A_341 : i32 to vector<16xi32>
        %shift_left3A_343 = arith.shli %get3A_340, %shift_left3A_342 : vector<16xi32>
        %bitcast3A_344 = vector.bitcast %shift_left3A_343 : vector<16xi32> to vector<16xf32>
        %and3A_345 = arith.andi %get3A_340, %broadcast_in_dim3A_147 : vector<16xi32>
        %bitcast3A_346 = vector.bitcast %and3A_345 : vector<16xi32> to vector<16xf32>
        %add3A_347 = arith.constant 1 : i32
        %add3A_348 = arith.addi %mul3A_190, %add3A_347 : i32
        %get3A_349 = arith.index_cast %rem3A_159 : i32 to index
        %get3A_350 = arith.index_cast %add3A_348 : i32 to index
        %get3A_351 = arith.constant 80 : index
        %get3A_352 = tpu.vector_load %arg6[%get3A_349, %get3A_350, %get3A_351] {strides = array<i32>} : memref<2x64x128xi32, #tpu.memory_space<vmem>>, vector<16xi32>,
        %shift_left3A_353 = arith.constant 16 : i32
        %shift_left3A_354 = vector.broadcast %shift_left3A_353 : i32 to vector<16xi32>
        %shift_left3A_355 = arith.shli %get3A_352, %shift_left3A_354 : vector<16xi32>
        %bitcast3A_356 = vector.bitcast %shift_left3A_355 : vector<16xi32> to vector<16xf32>
        %and3A_357 = arith.andi %get3A_352, %broadcast_in_dim3A_147 : vector<16xi32>
        %bitcast3A_358 = vector.bitcast %and3A_357 : vector<16xi32> to vector<16xf32>
        %add3A_359 = arith.constant 1 : i32
        %add3A_360 = arith.addi %mul3A_190, %add3A_359 : i32
        %get3A_361 = arith.index_cast %rem3A_159 : i32 to index
        %get3A_362 = arith.index_cast %add3A_360 : i32 to index
        %get3A_363 = arith.constant 96 : index
        %get3A_364 = tpu.vector_load %arg6[%get3A_361, %get3A_362, %get3A_363] {strides = array<i32>} : memref<2x64x128xi32, #tpu.memory_space<vmem>>, vector<16xi32>,
        %shift_left3A_365 = arith.constant 16 : i32
        %shift_left3A_366 = vector.broadcast %shift_left3A_365 : i32 to vector<16xi32>
        %shift_left3A_367 = arith.shli %get3A_364, %shift_left3A_366 : vector<16xi32>
        %bitcast3A_368 = vector.bitcast %shift_left3A_367 : vector<16xi32> to vector<16xf32>
        %and3A_369 = arith.andi %get3A_364, %broadcast_in_dim3A_147 : vector<16xi32>
        %bitcast3A_370 = vector.bitcast %and3A_369 : vector<16xi32> to vector<16xf32>
        %add3A_371 = arith.constant 1 : i32
        %add3A_372 = arith.addi %mul3A_190, %add3A_371 : i32
        %get3A_373 = arith.index_cast %rem3A_159 : i32 to index
        %get3A_374 = arith.index_cast %add3A_372 : i32 to index
        %get3A_375 = arith.constant 112 : index
        %get3A_376 = tpu.vector_load %arg6[%get3A_373, %get3A_374, %get3A_375] {strides = array<i32>} : memref<2x64x128xi32, #tpu.memory_space<vmem>>, vector<16xi32>,
        %shift_left3A_377 = arith.constant 16 : i32
        %shift_left3A_378 = vector.broadcast %shift_left3A_377 : i32 to vector<16xi32>
        %shift_left3A_379 = arith.shli %get3A_376, %shift_left3A_378 : vector<16xi32>
        %bitcast3A_380 = vector.bitcast %shift_left3A_379 : vector<16xi32> to vector<16xf32>
        %and3A_381 = arith.andi %get3A_376, %broadcast_in_dim3A_147 : vector<16xi32>
        %bitcast3A_382 = vector.bitcast %and3A_381 : vector<16xi32> to vector<16xf32>
        %slice3A = vector.extract_strided_slice %get3A_192 {offsets = [0], sizes = [1], strides = [1]} : vector<16xi32> to vector<1xi32>
        %squeeze3A = vector.extract %slice3A[0] : i32 from vector<1xi32>
        %broadcast_in_dim3A_383 = vector.broadcast %squeeze3A : i32 to vector<16xi32>
        %sub3A_384 = vector.broadcast %mul3A_2 : i32 to vector<16xi32>
        %sub3A_385 = arith.subi %broadcast_in_dim3A_383, %sub3A_384 : vector<16xi32>
        %ge3A = vector.broadcast %mul3A_2 : i32 to vector<16xi32>
        %ge3A_386 = arith.cmpi sge, %broadcast_in_dim3A_383, %ge3A : vector<16xi32>
        %lt3A_387 = vector.broadcast %add3A_4 : i32 to vector<16xi32>
        %lt3A_388 = arith.cmpi slt, %broadcast_in_dim3A_383, %lt3A_387 : vector<16xi32>
        %and3A_389 = arith.andi %ge3A_386, %lt3A_388 : vector<16xi1>
        tpu.vector_store_idx %arg7[%sub3A_385, %add3A_76], %bitcast3A masked %and3A_389 {add = true} : memref<16x256xf32, #tpu.memory_space<vmem>>[vector<16xi32>, vector<16xi32>], vector<16xf32>, vector<16xi1>
        tpu.vector_store_idx %arg7[%sub3A_385, %add3A_82], %bitcast3A_202 masked %and3A_389 {add = true} : memref<16x256xf32, #tpu.memory_space<vmem>>[vector<16xi32>, vector<16xi32>], vector<16xf32>, vector<16xi1>
        tpu.vector_store_idx %arg7[%sub3A_385, %add3A_85], %bitcast3A_212 masked %and3A_389 {add = true} : memref<16x256xf32, #tpu.memory_space<vmem>>[vector<16xi32>, vector<16xi32>], vector<16xf32>, vector<16xi1>
        tpu.vector_store_idx %arg7[%sub3A_385, %add3A_91], %bitcast3A_214 masked %and3A_389 {add = true} : memref<16x256xf32, #tpu.memory_space<vmem>>[vector<16xi32>, vector<16xi32>], vector<16xf32>, vector<16xi1>
        tpu.vector_store_idx %arg7[%sub3A_385, %add3A_94], %bitcast3A_224 masked %and3A_389 {add = true} : memref<16x256xf32, #tpu.memory_space<vmem>>[vector<16xi32>, vector<16xi32>], vector<16xf32>, vector<16xi1>
        tpu.vector_store_idx %arg7[%sub3A_385, %add3A_100], %bitcast3A_226 masked %and3A_389 {add = true} : memref<16x256xf32, #tpu.memory_space<vmem>>[vector<16xi32>, vector<16xi32>], vector<16xf32>, vector<16xi1>
        tpu.vector_store_idx %arg7[%sub3A_385, %add3A_103], %bitcast3A_236 masked %and3A_389 {add = true} : memref<16x256xf32, #tpu.memory_space<vmem>>[vector<16xi32>, vector<16xi32>], vector<16xf32>, vector<16xi1>
        tpu.vector_store_idx %arg7[%sub3A_385, %add3A_109], %bitcast3A_238 masked %and3A_389 {add = true} : memref<16x256xf32, #tpu.memory_space<vmem>>[vector<16xi32>, vector<16xi32>], vector<16xf32>, vector<16xi1>
        tpu.vector_store_idx %arg7[%sub3A_385, %add3A_112], %bitcast3A_248 masked %and3A_389 {add = true} : memref<16x256xf32, #tpu.memory_space<vmem>>[vector<16xi32>, vector<16xi32>], vector<16xf32>, vector<16xi1>
        tpu.vector_store_idx %arg7[%sub3A_385, %add3A_118], %bitcast3A_250 masked %and3A_389 {add = true} : memref<16x256xf32, #tpu.memory_space<vmem>>[vector<16xi32>, vector<16xi32>], vector<16xf32>, vector<16xi1>
        tpu.vector_store_idx %arg7[%sub3A_385, %add3A_121], %bitcast3A_260 masked %and3A_389 {add = true} : memref<16x256xf32, #tpu.memory_space<vmem>>[vector<16xi32>, vector<16xi32>], vector<16xf32>, vector<16xi1>
        tpu.vector_store_idx %arg7[%sub3A_385, %add3A_127], %bitcast3A_262 masked %and3A_389 {add = true} : memref<16x256xf32, #tpu.memory_space<vmem>>[vector<16xi32>, vector<16xi32>], vector<16xf32>, vector<16xi1>
        tpu.vector_store_idx %arg7[%sub3A_385, %add3A_130], %bitcast3A_272 masked %and3A_389 {add = true} : memref<16x256xf32, #tpu.memory_space<vmem>>[vector<16xi32>, vector<16xi32>], vector<16xf32>, vector<16xi1>
        tpu.vector_store_idx %arg7[%sub3A_385, %add3A_136], %bitcast3A_274 masked %and3A_389 {add = true} : memref<16x256xf32, #tpu.memory_space<vmem>>[vector<16xi32>, vector<16xi32>], vector<16xf32>, vector<16xi1>
        tpu.vector_store_idx %arg7[%sub3A_385, %add3A_139], %bitcast3A_284 masked %and3A_389 {add = true} : memref<16x256xf32, #tpu.memory_space<vmem>>[vector<16xi32>, vector<16xi32>], vector<16xf32>, vector<16xi1>
        tpu.vector_store_idx %arg7[%sub3A_385, %add3A_145], %bitcast3A_286 masked %and3A_389 {add = true} : memref<16x256xf32, #tpu.memory_space<vmem>>[vector<16xi32>, vector<16xi32>], vector<16xf32>, vector<16xi1>
        %add3A_390 = arith.constant 2 : i32
        %add3A_391 = arith.addi %mul3A_190, %add3A_390 : i32
        %get3A_392 = arith.index_cast %rem3A_159 : i32 to index
        %get3A_393 = arith.index_cast %add3A_391 : i32 to index
        %get3A_394 = arith.constant 0 : index
        %get3A_395 = tpu.vector_load %arg6[%get3A_392, %get3A_393, %get3A_394] {strides = array<i32>} : memref<2x64x128xi32, #tpu.memory_space<vmem>>, vector<16xi32>,
        %shift_left3A_396 = arith.constant 16 : i32
        %shift_left3A_397 = vector.broadcast %shift_left3A_396 : i32 to vector<16xi32>
        %shift_left3A_398 = arith.shli %get3A_395, %shift_left3A_397 : vector<16xi32>
        %bitcast3A_399 = vector.bitcast %shift_left3A_398 : vector<16xi32> to vector<16xf32>
        %and3A_400 = arith.andi %get3A_395, %broadcast_in_dim3A_147 : vector<16xi32>
        %bitcast3A_401 = vector.bitcast %and3A_400 : vector<16xi32> to vector<16xf32>
        %add3A_402 = arith.constant 2 : i32
        %add3A_403 = arith.addi %mul3A_190, %add3A_402 : i32
        %get3A_404 = arith.index_cast %rem3A_159 : i32 to index
        %get3A_405 = arith.index_cast %add3A_403 : i32 to index
        %get3A_406 = arith.constant 16 : index
        %get3A_407 = tpu.vector_load %arg6[%get3A_404, %get3A_405, %get3A_406] {strides = array<i32>} : memref<2x64x128xi32, #tpu.memory_space<vmem>>, vector<16xi32>,
        %shift_left3A_408 = arith.constant 16 : i32
        %shift_left3A_409 = vector.broadcast %shift_left3A_408 : i32 to vector<16xi32>
        %shift_left3A_410 = arith.shli %get3A_407, %shift_left3A_409 : vector<16xi32>
        %bitcast3A_411 = vector.bitcast %shift_left3A_410 : vector<16xi32> to vector<16xf32>
        %and3A_412 = arith.andi %get3A_407, %broadcast_in_dim3A_147 : vector<16xi32>
        %bitcast3A_413 = vector.bitcast %and3A_412 : vector<16xi32> to vector<16xf32>
        %add3A_414 = arith.constant 2 : i32
        %add3A_415 = arith.addi %mul3A_190, %add3A_414 : i32
        %get3A_416 = arith.index_cast %rem3A_159 : i32 to index
        %get3A_417 = arith.index_cast %add3A_415 : i32 to index
        %get3A_418 = arith.constant 32 : index
        %get3A_419 = tpu.vector_load %arg6[%get3A_416, %get3A_417, %get3A_418] {strides = array<i32>} : memref<2x64x128xi32, #tpu.memory_space<vmem>>, vector<16xi32>,
        %shift_left3A_420 = arith.constant 16 : i32
        %shift_left3A_421 = vector.broadcast %shift_left3A_420 : i32 to vector<16xi32>
        %shift_left3A_422 = arith.shli %get3A_419, %shift_left3A_421 : vector<16xi32>
        %bitcast3A_423 = vector.bitcast %shift_left3A_422 : vector<16xi32> to vector<16xf32>
        %and3A_424 = arith.andi %get3A_419, %broadcast_in_dim3A_147 : vector<16xi32>
        %bitcast3A_425 = vector.bitcast %and3A_424 : vector<16xi32> to vector<16xf32>
        %add3A_426 = arith.constant 2 : i32
        %add3A_427 = arith.addi %mul3A_190, %add3A_426 : i32
        %get3A_428 = arith.index_cast %rem3A_159 : i32 to index
        %get3A_429 = arith.index_cast %add3A_427 : i32 to index
        %get3A_430 = arith.constant 48 : index
        %get3A_431 = tpu.vector_load %arg6[%get3A_428, %get3A_429, %get3A_430] {strides = array<i32>} : memref<2x64x128xi32, #tpu.memory_space<vmem>>, vector<16xi32>,
        %shift_left3A_432 = arith.constant 16 : i32
        %shift_left3A_433 = vector.broadcast %shift_left3A_432 : i32 to vector<16xi32>
        %shift_left3A_434 = arith.shli %get3A_431, %shift_left3A_433 : vector<16xi32>
        %bitcast3A_435 = vector.bitcast %shift_left3A_434 : vector<16xi32> to vector<16xf32>
        %and3A_436 = arith.andi %get3A_431, %broadcast_in_dim3A_147 : vector<16xi32>
        %bitcast3A_437 = vector.bitcast %and3A_436 : vector<16xi32> to vector<16xf32>
        %add3A_438 = arith.constant 2 : i32
        %add3A_439 = arith.addi %mul3A_190, %add3A_438 : i32
        %get3A_440 = arith.index_cast %rem3A_159 : i32 to index
        %get3A_441 = arith.index_cast %add3A_439 : i32 to index
        %get3A_442 = arith.constant 64 : index
        %get3A_443 = tpu.vector_load %arg6[%get3A_440, %get3A_441, %get3A_442] {strides = array<i32>} : memref<2x64x128xi32, #tpu.memory_space<vmem>>, vector<16xi32>,
        %shift_left3A_444 = arith.constant 16 : i32
        %shift_left3A_445 = vector.broadcast %shift_left3A_444 : i32 to vector<16xi32>
        %shift_left3A_446 = arith.shli %get3A_443, %shift_left3A_445 : vector<16xi32>
        %bitcast3A_447 = vector.bitcast %shift_left3A_446 : vector<16xi32> to vector<16xf32>
        %and3A_448 = arith.andi %get3A_443, %broadcast_in_dim3A_147 : vector<16xi32>
        %bitcast3A_449 = vector.bitcast %and3A_448 : vector<16xi32> to vector<16xf32>
        %add3A_450 = arith.constant 2 : i32
        %add3A_451 = arith.addi %mul3A_190, %add3A_450 : i32
        %get3A_452 = arith.index_cast %rem3A_159 : i32 to index
        %get3A_453 = arith.index_cast %add3A_451 : i32 to index
        %get3A_454 = arith.constant 80 : index
        %get3A_455 = tpu.vector_load %arg6[%get3A_452, %get3A_453, %get3A_454] {strides = array<i32>} : memref<2x64x128xi32, #tpu.memory_space<vmem>>, vector<16xi32>,
        %shift_left3A_456 = arith.constant 16 : i32
        %shift_left3A_457 = vector.broadcast %shift_left3A_456 : i32 to vector<16xi32>
        %shift_left3A_458 = arith.shli %get3A_455, %shift_left3A_457 : vector<16xi32>
        %bitcast3A_459 = vector.bitcast %shift_left3A_458 : vector<16xi32> to vector<16xf32>
        %and3A_460 = arith.andi %get3A_455, %broadcast_in_dim3A_147 : vector<16xi32>
        %bitcast3A_461 = vector.bitcast %and3A_460 : vector<16xi32> to vector<16xf32>
        %add3A_462 = arith.constant 2 : i32
        %add3A_463 = arith.addi %mul3A_190, %add3A_462 : i32
        %get3A_464 = arith.index_cast %rem3A_159 : i32 to index
        %get3A_465 = arith.index_cast %add3A_463 : i32 to index
        %get3A_466 = arith.constant 96 : index
        %get3A_467 = tpu.vector_load %arg6[%get3A_464, %get3A_465, %get3A_466] {strides = array<i32>} : memref<2x64x128xi32, #tpu.memory_space<vmem>>, vector<16xi32>,
        %shift_left3A_468 = arith.constant 16 : i32
        %shift_left3A_469 = vector.broadcast %shift_left3A_468 : i32 to vector<16xi32>
        %shift_left3A_470 = arith.shli %get3A_467, %shift_left3A_469 : vector<16xi32>
        %bitcast3A_471 = vector.bitcast %shift_left3A_470 : vector<16xi32> to vector<16xf32>
        %and3A_472 = arith.andi %get3A_467, %broadcast_in_dim3A_147 : vector<16xi32>
        %bitcast3A_473 = vector.bitcast %and3A_472 : vector<16xi32> to vector<16xf32>
        %add3A_474 = arith.constant 2 : i32
        %add3A_475 = arith.addi %mul3A_190, %add3A_474 : i32
        %get3A_476 = arith.index_cast %rem3A_159 : i32 to index
        %get3A_477 = arith.index_cast %add3A_475 : i32 to index
        %get3A_478 = arith.constant 112 : index
        %get3A_479 = tpu.vector_load %arg6[%get3A_476, %get3A_477, %get3A_478] {strides = array<i32>} : memref<2x64x128xi32, #tpu.memory_space<vmem>>, vector<16xi32>,
        %shift_left3A_480 = arith.constant 16 : i32
        %shift_left3A_481 = vector.broadcast %shift_left3A_480 : i32 to vector<16xi32>
        %shift_left3A_482 = arith.shli %get3A_479, %shift_left3A_481 : vector<16xi32>
        %bitcast3A_483 = vector.bitcast %shift_left3A_482 : vector<16xi32> to vector<16xf32>
        %and3A_484 = arith.andi %get3A_479, %broadcast_in_dim3A_147 : vector<16xi32>
        %bitcast3A_485 = vector.bitcast %and3A_484 : vector<16xi32> to vector<16xf32>
        %slice3A_486 = vector.extract_strided_slice %get3A_192 {offsets = [1], sizes = [1], strides = [1]} : vector<16xi32> to vector<1xi32>
        %squeeze3A_487 = vector.extract %slice3A_486[0] : i32 from vector<1xi32>
        %broadcast_in_dim3A_488 = vector.broadcast %squeeze3A_487 : i32 to vector<16xi32>
        %sub3A_489 = vector.broadcast %mul3A_2 : i32 to vector<16xi32>
        %sub3A_490 = arith.subi %broadcast_in_dim3A_488, %sub3A_489 : vector<16xi32>
        %ge3A_491 = vector.broadcast %mul3A_2 : i32 to vector<16xi32>
        %ge3A_492 = arith.cmpi sge, %broadcast_in_dim3A_488, %ge3A_491 : vector<16xi32>
        %lt3A_493 = vector.broadcast %add3A_4 : i32 to vector<16xi32>
        %lt3A_494 = arith.cmpi slt, %broadcast_in_dim3A_488, %lt3A_493 : vector<16xi32>
        %and3A_495 = arith.andi %ge3A_492, %lt3A_494 : vector<16xi1>
        tpu.vector_store_idx %arg7[%sub3A_490, %add3A_76], %bitcast3A_296 masked %and3A_495 {add = true} : memref<16x256xf32, #tpu.memory_space<vmem>>[vector<16xi32>, vector<16xi32>], vector<16xf32>, vector<16xi1>
        tpu.vector_store_idx %arg7[%sub3A_490, %add3A_82], %bitcast3A_298 masked %and3A_495 {add = true} : memref<16x256xf32, #tpu.memory_space<vmem>>[vector<16xi32>, vector<16xi32>], vector<16xf32>, vector<16xi1>
        tpu.vector_store_idx %arg7[%sub3A_490, %add3A_85], %bitcast3A_308 masked %and3A_495 {add = true} : memref<16x256xf32, #tpu.memory_space<vmem>>[vector<16xi32>, vector<16xi32>], vector<16xf32>, vector<16xi1>
        tpu.vector_store_idx %arg7[%sub3A_490, %add3A_91], %bitcast3A_310 masked %and3A_495 {add = true} : memref<16x256xf32, #tpu.memory_space<vmem>>[vector<16xi32>, vector<16xi32>], vector<16xf32>, vector<16xi1>
        tpu.vector_store_idx %arg7[%sub3A_490, %add3A_94], %bitcast3A_320 masked %and3A_495 {add = true} : memref<16x256xf32, #tpu.memory_space<vmem>>[vector<16xi32>, vector<16xi32>], vector<16xf32>, vector<16xi1>
        tpu.vector_store_idx %arg7[%sub3A_490, %add3A_100], %bitcast3A_322 masked %and3A_495 {add = true} : memref<16x256xf32, #tpu.memory_space<vmem>>[vector<16xi32>, vector<16xi32>], vector<16xf32>, vector<16xi1>
        tpu.vector_store_idx %arg7[%sub3A_490, %add3A_103], %bitcast3A_332 masked %and3A_495 {add = true} : memref<16x256xf32, #tpu.memory_space<vmem>>[vector<16xi32>, vector<16xi32>], vector<16xf32>, vector<16xi1>
        tpu.vector_store_idx %arg7[%sub3A_490, %add3A_109], %bitcast3A_334 masked %and3A_495 {add = true} : memref<16x256xf32, #tpu.memory_space<vmem>>[vector<16xi32>, vector<16xi32>], vector<16xf32>, vector<16xi1>
        tpu.vector_store_idx %arg7[%sub3A_490, %add3A_112], %bitcast3A_344 masked %and3A_495 {add = true} : memref<16x256xf32, #tpu.memory_space<vmem>>[vector<16xi32>, vector<16xi32>], vector<16xf32>, vector<16xi1>
        tpu.vector_store_idx %arg7[%sub3A_490, %add3A_118], %bitcast3A_346 masked %and3A_495 {add = true} : memref<16x256xf32, #tpu.memory_space<vmem>>[vector<16xi32>, vector<16xi32>], vector<16xf32>, vector<16xi1>
        tpu.vector_store_idx %arg7[%sub3A_490, %add3A_121], %bitcast3A_356 masked %and3A_495 {add = true} : memref<16x256xf32, #tpu.memory_space<vmem>>[vector<16xi32>, vector<16xi32>], vector<16xf32>, vector<16xi1>
        tpu.vector_store_idx %arg7[%sub3A_490, %add3A_127], %bitcast3A_358 masked %and3A_495 {add = true} : memref<16x256xf32, #tpu.memory_space<vmem>>[vector<16xi32>, vector<16xi32>], vector<16xf32>, vector<16xi1>
        tpu.vector_store_idx %arg7[%sub3A_490, %add3A_130], %bitcast3A_368 masked %and3A_495 {add = true} : memref<16x256xf32, #tpu.memory_space<vmem>>[vector<16xi32>, vector<16xi32>], vector<16xf32>, vector<16xi1>
        tpu.vector_store_idx %arg7[%sub3A_490, %add3A_136], %bitcast3A_370 masked %and3A_495 {add = true} : memref<16x256xf32, #tpu.memory_space<vmem>>[vector<16xi32>, vector<16xi32>], vector<16xf32>, vector<16xi1>
        tpu.vector_store_idx %arg7[%sub3A_490, %add3A_139], %bitcast3A_380 masked %and3A_495 {add = true} : memref<16x256xf32, #tpu.memory_space<vmem>>[vector<16xi32>, vector<16xi32>], vector<16xf32>, vector<16xi1>
        tpu.vector_store_idx %arg7[%sub3A_490, %add3A_145], %bitcast3A_382 masked %and3A_495 {add = true} : memref<16x256xf32, #tpu.memory_space<vmem>>[vector<16xi32>, vector<16xi32>], vector<16xf32>, vector<16xi1>
        %add3A_496 = arith.constant 3 : i32
        %add3A_497 = arith.addi %mul3A_190, %add3A_496 : i32
        %get3A_498 = arith.index_cast %rem3A_159 : i32 to index
        %get3A_499 = arith.index_cast %add3A_497 : i32 to index
        %get3A_500 = arith.constant 0 : index
        %get3A_501 = tpu.vector_load %arg6[%get3A_498, %get3A_499, %get3A_500] {strides = array<i32>} : memref<2x64x128xi32, #tpu.memory_space<vmem>>, vector<16xi32>,
        %shift_left3A_502 = arith.constant 16 : i32
        %shift_left3A_503 = vector.broadcast %shift_left3A_502 : i32 to vector<16xi32>
        %shift_left3A_504 = arith.shli %get3A_501, %shift_left3A_503 : vector<16xi32>
        %bitcast3A_505 = vector.bitcast %shift_left3A_504 : vector<16xi32> to vector<16xf32>
        %and3A_506 = arith.andi %get3A_501, %broadcast_in_dim3A_147 : vector<16xi32>
        %bitcast3A_507 = vector.bitcast %and3A_506 : vector<16xi32> to vector<16xf32>
        %add3A_508 = arith.constant 3 : i32
        %add3A_509 = arith.addi %mul3A_190, %add3A_508 : i32
        %get3A_510 = arith.index_cast %rem3A_159 : i32 to index
        %get3A_511 = arith.index_cast %add3A_509 : i32 to index
        %get3A_512 = arith.constant 16 : index
        %get3A_513 = tpu.vector_load %arg6[%get3A_510, %get3A_511, %get3A_512] {strides = array<i32>} : memref<2x64x128xi32, #tpu.memory_space<vmem>>, vector<16xi32>,
        %shift_left3A_514 = arith.constant 16 : i32
        %shift_left3A_515 = vector.broadcast %shift_left3A_514 : i32 to vector<16xi32>
        %shift_left3A_516 = arith.shli %get3A_513, %shift_left3A_515 : vector<16xi32>
        %bitcast3A_517 = vector.bitcast %shift_left3A_516 : vector<16xi32> to vector<16xf32>
        %and3A_518 = arith.andi %get3A_513, %broadcast_in_dim3A_147 : vector<16xi32>
        %bitcast3A_519 = vector.bitcast %and3A_518 : vector<16xi32> to vector<16xf32>
        %add3A_520 = arith.constant 3 : i32
        %add3A_521 = arith.addi %mul3A_190, %add3A_520 : i32
        %get3A_522 = arith.index_cast %rem3A_159 : i32 to index
        %get3A_523 = arith.index_cast %add3A_521 : i32 to index
        %get3A_524 = arith.constant 32 : index
        %get3A_525 = tpu.vector_load %arg6[%get3A_522, %get3A_523, %get3A_524] {strides = array<i32>} : memref<2x64x128xi32, #tpu.memory_space<vmem>>, vector<16xi32>,
        %shift_left3A_526 = arith.constant 16 : i32
        %shift_left3A_527 = vector.broadcast %shift_left3A_526 : i32 to vector<16xi32>
        %shift_left3A_528 = arith.shli %get3A_525, %shift_left3A_527 : vector<16xi32>
        %bitcast3A_529 = vector.bitcast %shift_left3A_528 : vector<16xi32> to vector<16xf32>
        %and3A_530 = arith.andi %get3A_525, %broadcast_in_dim3A_147 : vector<16xi32>
        %bitcast3A_531 = vector.bitcast %and3A_530 : vector<16xi32> to vector<16xf32>
        %add3A_532 = arith.constant 3 : i32
        %add3A_533 = arith.addi %mul3A_190, %add3A_532 : i32
        %get3A_534 = arith.index_cast %rem3A_159 : i32 to index
        %get3A_535 = arith.index_cast %add3A_533 : i32 to index
        %get3A_536 = arith.constant 48 : index
        %get3A_537 = tpu.vector_load %arg6[%get3A_534, %get3A_535, %get3A_536] {strides = array<i32>} : memref<2x64x128xi32, #tpu.memory_space<vmem>>, vector<16xi32>,
        %shift_left3A_538 = arith.constant 16 : i32
        %shift_left3A_539 = vector.broadcast %shift_left3A_538 : i32 to vector<16xi32>
        %shift_left3A_540 = arith.shli %get3A_537, %shift_left3A_539 : vector<16xi32>
        %bitcast3A_541 = vector.bitcast %shift_left3A_540 : vector<16xi32> to vector<16xf32>
        %and3A_542 = arith.andi %get3A_537, %broadcast_in_dim3A_147 : vector<16xi32>
        %bitcast3A_543 = vector.bitcast %and3A_542 : vector<16xi32> to vector<16xf32>
        %add3A_544 = arith.constant 3 : i32
        %add3A_545 = arith.addi %mul3A_190, %add3A_544 : i32
        %get3A_546 = arith.index_cast %rem3A_159 : i32 to index
        %get3A_547 = arith.index_cast %add3A_545 : i32 to index
        %get3A_548 = arith.constant 64 : index
        %get3A_549 = tpu.vector_load %arg6[%get3A_546, %get3A_547, %get3A_548] {strides = array<i32>} : memref<2x64x128xi32, #tpu.memory_space<vmem>>, vector<16xi32>,
        %shift_left3A_550 = arith.constant 16 : i32
        %shift_left3A_551 = vector.broadcast %shift_left3A_550 : i32 to vector<16xi32>
        %shift_left3A_552 = arith.shli %get3A_549, %shift_left3A_551 : vector<16xi32>
        %bitcast3A_553 = vector.bitcast %shift_left3A_552 : vector<16xi32> to vector<16xf32>
        %and3A_554 = arith.andi %get3A_549, %broadcast_in_dim3A_147 : vector<16xi32>
        %bitcast3A_555 = vector.bitcast %and3A_554 : vector<16xi32> to vector<16xf32>
        %add3A_556 = arith.constant 3 : i32
        %add3A_557 = arith.addi %mul3A_190, %add3A_556 : i32
        %get3A_558 = arith.index_cast %rem3A_159 : i32 to index
        %get3A_559 = arith.index_cast %add3A_557 : i32 to index
        %get3A_560 = arith.constant 80 : index
        %get3A_561 = tpu.vector_load %arg6[%get3A_558, %get3A_559, %get3A_560] {strides = array<i32>} : memref<2x64x128xi32, #tpu.memory_space<vmem>>, vector<16xi32>,
        %shift_left3A_562 = arith.constant 16 : i32
        %shift_left3A_563 = vector.broadcast %shift_left3A_562 : i32 to vector<16xi32>
        %shift_left3A_564 = arith.shli %get3A_561, %shift_left3A_563 : vector<16xi32>
        %bitcast3A_565 = vector.bitcast %shift_left3A_564 : vector<16xi32> to vector<16xf32>
        %and3A_566 = arith.andi %get3A_561, %broadcast_in_dim3A_147 : vector<16xi32>
        %bitcast3A_567 = vector.bitcast %and3A_566 : vector<16xi32> to vector<16xf32>
        %add3A_568 = arith.constant 3 : i32
        %add3A_569 = arith.addi %mul3A_190, %add3A_568 : i32
        %get3A_570 = arith.index_cast %rem3A_159 : i32 to index
        %get3A_571 = arith.index_cast %add3A_569 : i32 to index
        %get3A_572 = arith.constant 96 : index
        %get3A_573 = tpu.vector_load %arg6[%get3A_570, %get3A_571, %get3A_572] {strides = array<i32>} : memref<2x64x128xi32, #tpu.memory_space<vmem>>, vector<16xi32>,
        %shift_left3A_574 = arith.constant 16 : i32
        %shift_left3A_575 = vector.broadcast %shift_left3A_574 : i32 to vector<16xi32>
        %shift_left3A_576 = arith.shli %get3A_573, %shift_left3A_575 : vector<16xi32>
        %bitcast3A_577 = vector.bitcast %shift_left3A_576 : vector<16xi32> to vector<16xf32>
        %and3A_578 = arith.andi %get3A_573, %broadcast_in_dim3A_147 : vector<16xi32>
        %bitcast3A_579 = vector.bitcast %and3A_578 : vector<16xi32> to vector<16xf32>
        %add3A_580 = arith.constant 3 : i32
        %add3A_581 = arith.addi %mul3A_190, %add3A_580 : i32
        %get3A_582 = arith.index_cast %rem3A_159 : i32 to index
        %get3A_583 = arith.index_cast %add3A_581 : i32 to index
        %get3A_584 = arith.constant 112 : index
        %get3A_585 = tpu.vector_load %arg6[%get3A_582, %get3A_583, %get3A_584] {strides = array<i32>} : memref<2x64x128xi32, #tpu.memory_space<vmem>>, vector<16xi32>,
        %shift_left3A_586 = arith.constant 16 : i32
        %shift_left3A_587 = vector.broadcast %shift_left3A_586 : i32 to vector<16xi32>
        %shift_left3A_588 = arith.shli %get3A_585, %shift_left3A_587 : vector<16xi32>
        %bitcast3A_589 = vector.bitcast %shift_left3A_588 : vector<16xi32> to vector<16xf32>
        %and3A_590 = arith.andi %get3A_585, %broadcast_in_dim3A_147 : vector<16xi32>
        %bitcast3A_591 = vector.bitcast %and3A_590 : vector<16xi32> to vector<16xf32>
        %slice3A_592 = vector.extract_strided_slice %get3A_192 {offsets = [2], sizes = [1], strides = [1]} : vector<16xi32> to vector<1xi32>
        %squeeze3A_593 = vector.extract %slice3A_592[0] : i32 from vector<1xi32>
        %broadcast_in_dim3A_594 = vector.broadcast %squeeze3A_593 : i32 to vector<16xi32>
        %sub3A_595 = vector.broadcast %mul3A_2 : i32 to vector<16xi32>
        %sub3A_596 = arith.subi %broadcast_in_dim3A_594, %sub3A_595 : vector<16xi32>
        %ge3A_597 = vector.broadcast %mul3A_2 : i32 to vector<16xi32>
        %ge3A_598 = arith.cmpi sge, %broadcast_in_dim3A_594, %ge3A_597 : vector<16xi32>
        %lt3A_599 = vector.broadcast %add3A_4 : i32 to vector<16xi32>
        %lt3A_600 = arith.cmpi slt, %broadcast_in_dim3A_594, %lt3A_599 : vector<16xi32>
        %and3A_601 = arith.andi %ge3A_598, %lt3A_600 : vector<16xi1>
        tpu.vector_store_idx %arg7[%sub3A_596, %add3A_76], %bitcast3A_399 masked %and3A_601 {add = true} : memref<16x256xf32, #tpu.memory_space<vmem>>[vector<16xi32>, vector<16xi32>], vector<16xf32>, vector<16xi1>
        tpu.vector_store_idx %arg7[%sub3A_596, %add3A_82], %bitcast3A_401 masked %and3A_601 {add = true} : memref<16x256xf32, #tpu.memory_space<vmem>>[vector<16xi32>, vector<16xi32>], vector<16xf32>, vector<16xi1>
        tpu.vector_store_idx %arg7[%sub3A_596, %add3A_85], %bitcast3A_411 masked %and3A_601 {add = true} : memref<16x256xf32, #tpu.memory_space<vmem>>[vector<16xi32>, vector<16xi32>], vector<16xf32>, vector<16xi1>
        tpu.vector_store_idx %arg7[%sub3A_596, %add3A_91], %bitcast3A_413 masked %and3A_601 {add = true} : memref<16x256xf32, #tpu.memory_space<vmem>>[vector<16xi32>, vector<16xi32>], vector<16xf32>, vector<16xi1>
        tpu.vector_store_idx %arg7[%sub3A_596, %add3A_94], %bitcast3A_423 masked %and3A_601 {add = true} : memref<16x256xf32, #tpu.memory_space<vmem>>[vector<16xi32>, vector<16xi32>], vector<16xf32>, vector<16xi1>
        tpu.vector_store_idx %arg7[%sub3A_596, %add3A_100], %bitcast3A_425 masked %and3A_601 {add = true} : memref<16x256xf32, #tpu.memory_space<vmem>>[vector<16xi32>, vector<16xi32>], vector<16xf32>, vector<16xi1>
        tpu.vector_store_idx %arg7[%sub3A_596, %add3A_103], %bitcast3A_435 masked %and3A_601 {add = true} : memref<16x256xf32, #tpu.memory_space<vmem>>[vector<16xi32>, vector<16xi32>], vector<16xf32>, vector<16xi1>
        tpu.vector_store_idx %arg7[%sub3A_596, %add3A_109], %bitcast3A_437 masked %and3A_601 {add = true} : memref<16x256xf32, #tpu.memory_space<vmem>>[vector<16xi32>, vector<16xi32>], vector<16xf32>, vector<16xi1>
        tpu.vector_store_idx %arg7[%sub3A_596, %add3A_112], %bitcast3A_447 masked %and3A_601 {add = true} : memref<16x256xf32, #tpu.memory_space<vmem>>[vector<16xi32>, vector<16xi32>], vector<16xf32>, vector<16xi1>
        tpu.vector_store_idx %arg7[%sub3A_596, %add3A_118], %bitcast3A_449 masked %and3A_601 {add = true} : memref<16x256xf32, #tpu.memory_space<vmem>>[vector<16xi32>, vector<16xi32>], vector<16xf32>, vector<16xi1>
        tpu.vector_store_idx %arg7[%sub3A_596, %add3A_121], %bitcast3A_459 masked %and3A_601 {add = true} : memref<16x256xf32, #tpu.memory_space<vmem>>[vector<16xi32>, vector<16xi32>], vector<16xf32>, vector<16xi1>
        tpu.vector_store_idx %arg7[%sub3A_596, %add3A_127], %bitcast3A_461 masked %and3A_601 {add = true} : memref<16x256xf32, #tpu.memory_space<vmem>>[vector<16xi32>, vector<16xi32>], vector<16xf32>, vector<16xi1>
        tpu.vector_store_idx %arg7[%sub3A_596, %add3A_130], %bitcast3A_471 masked %and3A_601 {add = true} : memref<16x256xf32, #tpu.memory_space<vmem>>[vector<16xi32>, vector<16xi32>], vector<16xf32>, vector<16xi1>
        tpu.vector_store_idx %arg7[%sub3A_596, %add3A_136], %bitcast3A_473 masked %and3A_601 {add = true} : memref<16x256xf32, #tpu.memory_space<vmem>>[vector<16xi32>, vector<16xi32>], vector<16xf32>, vector<16xi1>
        tpu.vector_store_idx %arg7[%sub3A_596, %add3A_139], %bitcast3A_483 masked %and3A_601 {add = true} : memref<16x256xf32, #tpu.memory_space<vmem>>[vector<16xi32>, vector<16xi32>], vector<16xf32>, vector<16xi1>
        tpu.vector_store_idx %arg7[%sub3A_596, %add3A_145], %bitcast3A_485 masked %and3A_601 {add = true} : memref<16x256xf32, #tpu.memory_space<vmem>>[vector<16xi32>, vector<16xi32>], vector<16xf32>, vector<16xi1>
        %add3A_602 = arith.constant 4 : i32
        %add3A_603 = arith.addi %mul3A_190, %add3A_602 : i32
        %get3A_604 = arith.index_cast %rem3A_159 : i32 to index
        %get3A_605 = arith.index_cast %add3A_603 : i32 to index
        %get3A_606 = arith.constant 0 : index
        %get3A_607 = tpu.vector_load %arg6[%get3A_604, %get3A_605, %get3A_606] {strides = array<i32>} : memref<2x64x128xi32, #tpu.memory_space<vmem>>, vector<16xi32>,
        %shift_left3A_608 = arith.constant 16 : i32
        %shift_left3A_609 = vector.broadcast %shift_left3A_608 : i32 to vector<16xi32>
        %shift_left3A_610 = arith.shli %get3A_607, %shift_left3A_609 : vector<16xi32>
        %bitcast3A_611 = vector.bitcast %shift_left3A_610 : vector<16xi32> to vector<16xf32>
        %and3A_612 = arith.andi %get3A_607, %broadcast_in_dim3A_147 : vector<16xi32>
        %bitcast3A_613 = vector.bitcast %and3A_612 : vector<16xi32> to vector<16xf32>
        %add3A_614 = arith.constant 4 : i32
        %add3A_615 = arith.addi %mul3A_190, %add3A_614 : i32
        %get3A_616 = arith.index_cast %rem3A_159 : i32 to index
        %get3A_617 = arith.index_cast %add3A_615 : i32 to index
        %get3A_618 = arith.constant 16 : index
        %get3A_619 = tpu.vector_load %arg6[%get3A_616, %get3A_617, %get3A_618] {strides = array<i32>} : memref<2x64x128xi32, #tpu.memory_space<vmem>>, vector<16xi32>,
        %shift_left3A_620 = arith.constant 16 : i32
        %shift_left3A_621 = vector.broadcast %shift_left3A_620 : i32 to vector<16xi32>
        %shift_left3A_622 = arith.shli %get3A_619, %shift_left3A_621 : vector<16xi32>
        %bitcast3A_623 = vector.bitcast %shift_left3A_622 : vector<16xi32> to vector<16xf32>
        %and3A_624 = arith.andi %get3A_619, %broadcast_in_dim3A_147 : vector<16xi32>
        %bitcast3A_625 = vector.bitcast %and3A_624 : vector<16xi32> to vector<16xf32>
        %add3A_626 = arith.constant 4 : i32
        %add3A_627 = arith.addi %mul3A_190, %add3A_626 : i32
        %get3A_628 = arith.index_cast %rem3A_159 : i32 to index
        %get3A_629 = arith.index_cast %add3A_627 : i32 to index
        %get3A_630 = arith.constant 32 : index
        %get3A_631 = tpu.vector_load %arg6[%get3A_628, %get3A_629, %get3A_630] {strides = array<i32>} : memref<2x64x128xi32, #tpu.memory_space<vmem>>, vector<16xi32>,
        %shift_left3A_632 = arith.constant 16 : i32
        %shift_left3A_633 = vector.broadcast %shift_left3A_632 : i32 to vector<16xi32>
        %shift_left3A_634 = arith.shli %get3A_631, %shift_left3A_633 : vector<16xi32>
        %bitcast3A_635 = vector.bitcast %shift_left3A_634 : vector<16xi32> to vector<16xf32>
        %and3A_636 = arith.andi %get3A_631, %broadcast_in_dim3A_147 : vector<16xi32>
        %bitcast3A_637 = vector.bitcast %and3A_636 : vector<16xi32> to vector<16xf32>
        %add3A_638 = arith.constant 4 : i32
        %add3A_639 = arith.addi %mul3A_190, %add3A_638 : i32
        %get3A_640 = arith.index_cast %rem3A_159 : i32 to index
        %get3A_641 = arith.index_cast %add3A_639 : i32 to index
        %get3A_642 = arith.constant 48 : index
        %get3A_643 = tpu.vector_load %arg6[%get3A_640, %get3A_641, %get3A_642] {strides = array<i32>} : memref<2x64x128xi32, #tpu.memory_space<vmem>>, vector<16xi32>,
        %shift_left3A_644 = arith.constant 16 : i32
        %shift_left3A_645 = vector.broadcast %shift_left3A_644 : i32 to vector<16xi32>
        %shift_left3A_646 = arith.shli %get3A_643, %shift_left3A_645 : vector<16xi32>
        %bitcast3A_647 = vector.bitcast %shift_left3A_646 : vector<16xi32> to vector<16xf32>
        %and3A_648 = arith.andi %get3A_643, %broadcast_in_dim3A_147 : vector<16xi32>
        %bitcast3A_649 = vector.bitcast %and3A_648 : vector<16xi32> to vector<16xf32>
        %add3A_650 = arith.constant 4 : i32
        %add3A_651 = arith.addi %mul3A_190, %add3A_650 : i32
        %get3A_652 = arith.index_cast %rem3A_159 : i32 to index
        %get3A_653 = arith.index_cast %add3A_651 : i32 to index
        %get3A_654 = arith.constant 64 : index
        %get3A_655 = tpu.vector_load %arg6[%get3A_652, %get3A_653, %get3A_654] {strides = array<i32>} : memref<2x64x128xi32, #tpu.memory_space<vmem>>, vector<16xi32>,
        %shift_left3A_656 = arith.constant 16 : i32
        %shift_left3A_657 = vector.broadcast %shift_left3A_656 : i32 to vector<16xi32>
        %shift_left3A_658 = arith.shli %get3A_655, %shift_left3A_657 : vector<16xi32>
        %bitcast3A_659 = vector.bitcast %shift_left3A_658 : vector<16xi32> to vector<16xf32>
        %and3A_660 = arith.andi %get3A_655, %broadcast_in_dim3A_147 : vector<16xi32>
        %bitcast3A_661 = vector.bitcast %and3A_660 : vector<16xi32> to vector<16xf32>
        %add3A_662 = arith.constant 4 : i32
        %add3A_663 = arith.addi %mul3A_190, %add3A_662 : i32
        %get3A_664 = arith.index_cast %rem3A_159 : i32 to index
        %get3A_665 = arith.index_cast %add3A_663 : i32 to index
        %get3A_666 = arith.constant 80 : index
        %get3A_667 = tpu.vector_load %arg6[%get3A_664, %get3A_665, %get3A_666] {strides = array<i32>} : memref<2x64x128xi32, #tpu.memory_space<vmem>>, vector<16xi32>,
        %shift_left3A_668 = arith.constant 16 : i32
        %shift_left3A_669 = vector.broadcast %shift_left3A_668 : i32 to vector<16xi32>
        %shift_left3A_670 = arith.shli %get3A_667, %shift_left3A_669 : vector<16xi32>
        %bitcast3A_671 = vector.bitcast %shift_left3A_670 : vector<16xi32> to vector<16xf32>
        %and3A_672 = arith.andi %get3A_667, %broadcast_in_dim3A_147 : vector<16xi32>
        %bitcast3A_673 = vector.bitcast %and3A_672 : vector<16xi32> to vector<16xf32>
        %add3A_674 = arith.constant 4 : i32
        %add3A_675 = arith.addi %mul3A_190, %add3A_674 : i32
        %get3A_676 = arith.index_cast %rem3A_159 : i32 to index
        %get3A_677 = arith.index_cast %add3A_675 : i32 to index
        %get3A_678 = arith.constant 96 : index
        %get3A_679 = tpu.vector_load %arg6[%get3A_676, %get3A_677, %get3A_678] {strides = array<i32>} : memref<2x64x128xi32, #tpu.memory_space<vmem>>, vector<16xi32>,
        %shift_left3A_680 = arith.constant 16 : i32
        %shift_left3A_681 = vector.broadcast %shift_left3A_680 : i32 to vector<16xi32>
        %shift_left3A_682 = arith.shli %get3A_679, %shift_left3A_681 : vector<16xi32>
        %bitcast3A_683 = vector.bitcast %shift_left3A_682 : vector<16xi32> to vector<16xf32>
        %and3A_684 = arith.andi %get3A_679, %broadcast_in_dim3A_147 : vector<16xi32>
        %bitcast3A_685 = vector.bitcast %and3A_684 : vector<16xi32> to vector<16xf32>
        %add3A_686 = arith.constant 4 : i32
        %add3A_687 = arith.addi %mul3A_190, %add3A_686 : i32
        %get3A_688 = arith.index_cast %rem3A_159 : i32 to index
        %get3A_689 = arith.index_cast %add3A_687 : i32 to index
        %get3A_690 = arith.constant 112 : index
        %get3A_691 = tpu.vector_load %arg6[%get3A_688, %get3A_689, %get3A_690] {strides = array<i32>} : memref<2x64x128xi32, #tpu.memory_space<vmem>>, vector<16xi32>,
        %shift_left3A_692 = arith.constant 16 : i32
        %shift_left3A_693 = vector.broadcast %shift_left3A_692 : i32 to vector<16xi32>
        %shift_left3A_694 = arith.shli %get3A_691, %shift_left3A_693 : vector<16xi32>
        %bitcast3A_695 = vector.bitcast %shift_left3A_694 : vector<16xi32> to vector<16xf32>
        %and3A_696 = arith.andi %get3A_691, %broadcast_in_dim3A_147 : vector<16xi32>
        %bitcast3A_697 = vector.bitcast %and3A_696 : vector<16xi32> to vector<16xf32>
        %slice3A_698 = vector.extract_strided_slice %get3A_192 {offsets = [3], sizes = [1], strides = [1]} : vector<16xi32> to vector<1xi32>
        %squeeze3A_699 = vector.extract %slice3A_698[0] : i32 from vector<1xi32>
        %broadcast_in_dim3A_700 = vector.broadcast %squeeze3A_699 : i32 to vector<16xi32>
        %sub3A_701 = vector.broadcast %mul3A_2 : i32 to vector<16xi32>
        %sub3A_702 = arith.subi %broadcast_in_dim3A_700, %sub3A_701 : vector<16xi32>
        %ge3A_703 = vector.broadcast %mul3A_2 : i32 to vector<16xi32>
        %ge3A_704 = arith.cmpi sge, %broadcast_in_dim3A_700, %ge3A_703 : vector<16xi32>
        %lt3A_705 = vector.broadcast %add3A_4 : i32 to vector<16xi32>
        %lt3A_706 = arith.cmpi slt, %broadcast_in_dim3A_700, %lt3A_705 : vector<16xi32>
        %and3A_707 = arith.andi %ge3A_704, %lt3A_706 : vector<16xi1>
        tpu.vector_store_idx %arg7[%sub3A_702, %add3A_76], %bitcast3A_505 masked %and3A_707 {add = true} : memref<16x256xf32, #tpu.memory_space<vmem>>[vector<16xi32>, vector<16xi32>], vector<16xf32>, vector<16xi1>
        tpu.vector_store_idx %arg7[%sub3A_702, %add3A_82], %bitcast3A_507 masked %and3A_707 {add = true} : memref<16x256xf32, #tpu.memory_space<vmem>>[vector<16xi32>, vector<16xi32>], vector<16xf32>, vector<16xi1>
        tpu.vector_store_idx %arg7[%sub3A_702, %add3A_85], %bitcast3A_517 masked %and3A_707 {add = true} : memref<16x256xf32, #tpu.memory_space<vmem>>[vector<16xi32>, vector<16xi32>], vector<16xf32>, vector<16xi1>
        tpu.vector_store_idx %arg7[%sub3A_702, %add3A_91], %bitcast3A_519 masked %and3A_707 {add = true} : memref<16x256xf32, #tpu.memory_space<vmem>>[vector<16xi32>, vector<16xi32>], vector<16xf32>, vector<16xi1>
        tpu.vector_store_idx %arg7[%sub3A_702, %add3A_94], %bitcast3A_529 masked %and3A_707 {add = true} : memref<16x256xf32, #tpu.memory_space<vmem>>[vector<16xi32>, vector<16xi32>], vector<16xf32>, vector<16xi1>
        tpu.vector_store_idx %arg7[%sub3A_702, %add3A_100], %bitcast3A_531 masked %and3A_707 {add = true} : memref<16x256xf32, #tpu.memory_space<vmem>>[vector<16xi32>, vector<16xi32>], vector<16xf32>, vector<16xi1>
        tpu.vector_store_idx %arg7[%sub3A_702, %add3A_103], %bitcast3A_541 masked %and3A_707 {add = true} : memref<16x256xf32, #tpu.memory_space<vmem>>[vector<16xi32>, vector<16xi32>], vector<16xf32>, vector<16xi1>
        tpu.vector_store_idx %arg7[%sub3A_702, %add3A_109], %bitcast3A_543 masked %and3A_707 {add = true} : memref<16x256xf32, #tpu.memory_space<vmem>>[vector<16xi32>, vector<16xi32>], vector<16xf32>, vector<16xi1>
        tpu.vector_store_idx %arg7[%sub3A_702, %add3A_112], %bitcast3A_553 masked %and3A_707 {add = true} : memref<16x256xf32, #tpu.memory_space<vmem>>[vector<16xi32>, vector<16xi32>], vector<16xf32>, vector<16xi1>
        tpu.vector_store_idx %arg7[%sub3A_702, %add3A_118], %bitcast3A_555 masked %and3A_707 {add = true} : memref<16x256xf32, #tpu.memory_space<vmem>>[vector<16xi32>, vector<16xi32>], vector<16xf32>, vector<16xi1>
        tpu.vector_store_idx %arg7[%sub3A_702, %add3A_121], %bitcast3A_565 masked %and3A_707 {add = true} : memref<16x256xf32, #tpu.memory_space<vmem>>[vector<16xi32>, vector<16xi32>], vector<16xf32>, vector<16xi1>
        tpu.vector_store_idx %arg7[%sub3A_702, %add3A_127], %bitcast3A_567 masked %and3A_707 {add = true} : memref<16x256xf32, #tpu.memory_space<vmem>>[vector<16xi32>, vector<16xi32>], vector<16xf32>, vector<16xi1>
        tpu.vector_store_idx %arg7[%sub3A_702, %add3A_130], %bitcast3A_577 masked %and3A_707 {add = true} : memref<16x256xf32, #tpu.memory_space<vmem>>[vector<16xi32>, vector<16xi32>], vector<16xf32>, vector<16xi1>
        tpu.vector_store_idx %arg7[%sub3A_702, %add3A_136], %bitcast3A_579 masked %and3A_707 {add = true} : memref<16x256xf32, #tpu.memory_space<vmem>>[vector<16xi32>, vector<16xi32>], vector<16xf32>, vector<16xi1>
        tpu.vector_store_idx %arg7[%sub3A_702, %add3A_139], %bitcast3A_589 masked %and3A_707 {add = true} : memref<16x256xf32, #tpu.memory_space<vmem>>[vector<16xi32>, vector<16xi32>], vector<16xf32>, vector<16xi1>
        tpu.vector_store_idx %arg7[%sub3A_702, %add3A_145], %bitcast3A_591 masked %and3A_707 {add = true} : memref<16x256xf32, #tpu.memory_space<vmem>>[vector<16xi32>, vector<16xi32>], vector<16xf32>, vector<16xi1>
        %add3A_708 = arith.constant 5 : i32
        %add3A_709 = arith.addi %mul3A_190, %add3A_708 : i32
        %get3A_710 = arith.index_cast %rem3A_159 : i32 to index
        %get3A_711 = arith.index_cast %add3A_709 : i32 to index
        %get3A_712 = arith.constant 0 : index
        %get3A_713 = tpu.vector_load %arg6[%get3A_710, %get3A_711, %get3A_712] {strides = array<i32>} : memref<2x64x128xi32, #tpu.memory_space<vmem>>, vector<16xi32>,
        %shift_left3A_714 = arith.constant 16 : i32
        %shift_left3A_715 = vector.broadcast %shift_left3A_714 : i32 to vector<16xi32>
        %shift_left3A_716 = arith.shli %get3A_713, %shift_left3A_715 : vector<16xi32>
        %bitcast3A_717 = vector.bitcast %shift_left3A_716 : vector<16xi32> to vector<16xf32>
        %and3A_718 = arith.andi %get3A_713, %broadcast_in_dim3A_147 : vector<16xi32>
        %bitcast3A_719 = vector.bitcast %and3A_718 : vector<16xi32> to vector<16xf32>
        %add3A_720 = arith.constant 5 : i32
        %add3A_721 = arith.addi %mul3A_190, %add3A_720 : i32
        %get3A_722 = arith.index_cast %rem3A_159 : i32 to index
        %get3A_723 = arith.index_cast %add3A_721 : i32 to index
        %get3A_724 = arith.constant 16 : index
        %get3A_725 = tpu.vector_load %arg6[%get3A_722, %get3A_723, %get3A_724] {strides = array<i32>} : memref<2x64x128xi32, #tpu.memory_space<vmem>>, vector<16xi32>,
        %shift_left3A_726 = arith.constant 16 : i32
        %shift_left3A_727 = vector.broadcast %shift_left3A_726 : i32 to vector<16xi32>
        %shift_left3A_728 = arith.shli %get3A_725, %shift_left3A_727 : vector<16xi32>
        %bitcast3A_729 = vector.bitcast %shift_left3A_728 : vector<16xi32> to vector<16xf32>
        %and3A_730 = arith.andi %get3A_725, %broadcast_in_dim3A_147 : vector<16xi32>
        %bitcast3A_731 = vector.bitcast %and3A_730 : vector<16xi32> to vector<16xf32>
        %add3A_732 = arith.constant 5 : i32
        %add3A_733 = arith.addi %mul3A_190, %add3A_732 : i32
        %get3A_734 = arith.index_cast %rem3A_159 : i32 to index
        %get3A_735 = arith.index_cast %add3A_733 : i32 to index
        %get3A_736 = arith.constant 32 : index
        %get3A_737 = tpu.vector_load %arg6[%get3A_734, %get3A_735, %get3A_736] {strides = array<i32>} : memref<2x64x128xi32, #tpu.memory_space<vmem>>, vector<16xi32>,
        %shift_left3A_738 = arith.constant 16 : i32
        %shift_left3A_739 = vector.broadcast %shift_left3A_738 : i32 to vector<16xi32>
        %shift_left3A_740 = arith.shli %get3A_737, %shift_left3A_739 : vector<16xi32>
        %bitcast3A_741 = vector.bitcast %shift_left3A_740 : vector<16xi32> to vector<16xf32>
        %and3A_742 = arith.andi %get3A_737, %broadcast_in_dim3A_147 : vector<16xi32>
        %bitcast3A_743 = vector.bitcast %and3A_742 : vector<16xi32> to vector<16xf32>
        %add3A_744 = arith.constant 5 : i32
        %add3A_745 = arith.addi %mul3A_190, %add3A_744 : i32
        %get3A_746 = arith.index_cast %rem3A_159 : i32 to index
        %get3A_747 = arith.index_cast %add3A_745 : i32 to index
        %get3A_748 = arith.constant 48 : index
        %get3A_749 = tpu.vector_load %arg6[%get3A_746, %get3A_747, %get3A_748] {strides = array<i32>} : memref<2x64x128xi32, #tpu.memory_space<vmem>>, vector<16xi32>,
        %shift_left3A_750 = arith.constant 16 : i32
        %shift_left3A_751 = vector.broadcast %shift_left3A_750 : i32 to vector<16xi32>
        %shift_left3A_752 = arith.shli %get3A_749, %shift_left3A_751 : vector<16xi32>
        %bitcast3A_753 = vector.bitcast %shift_left3A_752 : vector<16xi32> to vector<16xf32>
        %and3A_754 = arith.andi %get3A_749, %broadcast_in_dim3A_147 : vector<16xi32>
        %bitcast3A_755 = vector.bitcast %and3A_754 : vector<16xi32> to vector<16xf32>
        %add3A_756 = arith.constant 5 : i32
        %add3A_757 = arith.addi %mul3A_190, %add3A_756 : i32
        %get3A_758 = arith.index_cast %rem3A_159 : i32 to index
        %get3A_759 = arith.index_cast %add3A_757 : i32 to index
        %get3A_760 = arith.constant 64 : index
        %get3A_761 = tpu.vector_load %arg6[%get3A_758, %get3A_759, %get3A_760] {strides = array<i32>} : memref<2x64x128xi32, #tpu.memory_space<vmem>>, vector<16xi32>,
        %shift_left3A_762 = arith.constant 16 : i32
        %shift_left3A_763 = vector.broadcast %shift_left3A_762 : i32 to vector<16xi32>
        %shift_left3A_764 = arith.shli %get3A_761, %shift_left3A_763 : vector<16xi32>
        %bitcast3A_765 = vector.bitcast %shift_left3A_764 : vector<16xi32> to vector<16xf32>
        %and3A_766 = arith.andi %get3A_761, %broadcast_in_dim3A_147 : vector<16xi32>
        %bitcast3A_767 = vector.bitcast %and3A_766 : vector<16xi32> to vector<16xf32>
        %add3A_768 = arith.constant 5 : i32
        %add3A_769 = arith.addi %mul3A_190, %add3A_768 : i32
        %get3A_770 = arith.index_cast %rem3A_159 : i32 to index
        %get3A_771 = arith.index_cast %add3A_769 : i32 to index
        %get3A_772 = arith.constant 80 : index
        %get3A_773 = tpu.vector_load %arg6[%get3A_770, %get3A_771, %get3A_772] {strides = array<i32>} : memref<2x64x128xi32, #tpu.memory_space<vmem>>, vector<16xi32>,
        %shift_left3A_774 = arith.constant 16 : i32
        %shift_left3A_775 = vector.broadcast %shift_left3A_774 : i32 to vector<16xi32>
        %shift_left3A_776 = arith.shli %get3A_773, %shift_left3A_775 : vector<16xi32>
        %bitcast3A_777 = vector.bitcast %shift_left3A_776 : vector<16xi32> to vector<16xf32>
        %and3A_778 = arith.andi %get3A_773, %broadcast_in_dim3A_147 : vector<16xi32>
        %bitcast3A_779 = vector.bitcast %and3A_778 : vector<16xi32> to vector<16xf32>
        %add3A_780 = arith.constant 5 : i32
        %add3A_781 = arith.addi %mul3A_190, %add3A_780 : i32
        %get3A_782 = arith.index_cast %rem3A_159 : i32 to index
        %get3A_783 = arith.index_cast %add3A_781 : i32 to index
        %get3A_784 = arith.constant 96 : index
        %get3A_785 = tpu.vector_load %arg6[%get3A_782, %get3A_783, %get3A_784] {strides = array<i32>} : memref<2x64x128xi32, #tpu.memory_space<vmem>>, vector<16xi32>,
        %shift_left3A_786 = arith.constant 16 : i32
        %shift_left3A_787 = vector.broadcast %shift_left3A_786 : i32 to vector<16xi32>
        %shift_left3A_788 = arith.shli %get3A_785, %shift_left3A_787 : vector<16xi32>
        %bitcast3A_789 = vector.bitcast %shift_left3A_788 : vector<16xi32> to vector<16xf32>
        %and3A_790 = arith.andi %get3A_785, %broadcast_in_dim3A_147 : vector<16xi32>
        %bitcast3A_791 = vector.bitcast %and3A_790 : vector<16xi32> to vector<16xf32>
        %add3A_792 = arith.constant 5 : i32
        %add3A_793 = arith.addi %mul3A_190, %add3A_792 : i32
        %get3A_794 = arith.index_cast %rem3A_159 : i32 to index
        %get3A_795 = arith.index_cast %add3A_793 : i32 to index
        %get3A_796 = arith.constant 112 : index
        %get3A_797 = tpu.vector_load %arg6[%get3A_794, %get3A_795, %get3A_796] {strides = array<i32>} : memref<2x64x128xi32, #tpu.memory_space<vmem>>, vector<16xi32>,
        %shift_left3A_798 = arith.constant 16 : i32
        %shift_left3A_799 = vector.broadcast %shift_left3A_798 : i32 to vector<16xi32>
        %shift_left3A_800 = arith.shli %get3A_797, %shift_left3A_799 : vector<16xi32>
        %bitcast3A_801 = vector.bitcast %shift_left3A_800 : vector<16xi32> to vector<16xf32>
        %and3A_802 = arith.andi %get3A_797, %broadcast_in_dim3A_147 : vector<16xi32>
        %bitcast3A_803 = vector.bitcast %and3A_802 : vector<16xi32> to vector<16xf32>
        %slice3A_804 = vector.extract_strided_slice %get3A_192 {offsets = [4], sizes = [1], strides = [1]} : vector<16xi32> to vector<1xi32>
        %squeeze3A_805 = vector.extract %slice3A_804[0] : i32 from vector<1xi32>
        %broadcast_in_dim3A_806 = vector.broadcast %squeeze3A_805 : i32 to vector<16xi32>
        %sub3A_807 = vector.broadcast %mul3A_2 : i32 to vector<16xi32>
        %sub3A_808 = arith.subi %broadcast_in_dim3A_806, %sub3A_807 : vector<16xi32>
        %ge3A_809 = vector.broadcast %mul3A_2 : i32 to vector<16xi32>
        %ge3A_810 = arith.cmpi sge, %broadcast_in_dim3A_806, %ge3A_809 : vector<16xi32>
        %lt3A_811 = vector.broadcast %add3A_4 : i32 to vector<16xi32>
        %lt3A_812 = arith.cmpi slt, %broadcast_in_dim3A_806, %lt3A_811 : vector<16xi32>
        %and3A_813 = arith.andi %ge3A_810, %lt3A_812 : vector<16xi1>
        tpu.vector_store_idx %arg7[%sub3A_808, %add3A_76], %bitcast3A_611 masked %and3A_813 {add = true} : memref<16x256xf32, #tpu.memory_space<vmem>>[vector<16xi32>, vector<16xi32>], vector<16xf32>, vector<16xi1>
        tpu.vector_store_idx %arg7[%sub3A_808, %add3A_82], %bitcast3A_613 masked %and3A_813 {add = true} : memref<16x256xf32, #tpu.memory_space<vmem>>[vector<16xi32>, vector<16xi32>], vector<16xf32>, vector<16xi1>
        tpu.vector_store_idx %arg7[%sub3A_808, %add3A_85], %bitcast3A_623 masked %and3A_813 {add = true} : memref<16x256xf32, #tpu.memory_space<vmem>>[vector<16xi32>, vector<16xi32>], vector<16xf32>, vector<16xi1>
        tpu.vector_store_idx %arg7[%sub3A_808, %add3A_91], %bitcast3A_625 masked %and3A_813 {add = true} : memref<16x256xf32, #tpu.memory_space<vmem>>[vector<16xi32>, vector<16xi32>], vector<16xf32>, vector<16xi1>
        tpu.vector_store_idx %arg7[%sub3A_808, %add3A_94], %bitcast3A_635 masked %and3A_813 {add = true} : memref<16x256xf32, #tpu.memory_space<vmem>>[vector<16xi32>, vector<16xi32>], vector<16xf32>, vector<16xi1>
        tpu.vector_store_idx %arg7[%sub3A_808, %add3A_100], %bitcast3A_637 masked %and3A_813 {add = true} : memref<16x256xf32, #tpu.memory_space<vmem>>[vector<16xi32>, vector<16xi32>], vector<16xf32>, vector<16xi1>
        tpu.vector_store_idx %arg7[%sub3A_808, %add3A_103], %bitcast3A_647 masked %and3A_813 {add = true} : memref<16x256xf32, #tpu.memory_space<vmem>>[vector<16xi32>, vector<16xi32>], vector<16xf32>, vector<16xi1>
        tpu.vector_store_idx %arg7[%sub3A_808, %add3A_109], %bitcast3A_649 masked %and3A_813 {add = true} : memref<16x256xf32, #tpu.memory_space<vmem>>[vector<16xi32>, vector<16xi32>], vector<16xf32>, vector<16xi1>
        tpu.vector_store_idx %arg7[%sub3A_808, %add3A_112], %bitcast3A_659 masked %and3A_813 {add = true} : memref<16x256xf32, #tpu.memory_space<vmem>>[vector<16xi32>, vector<16xi32>], vector<16xf32>, vector<16xi1>
        tpu.vector_store_idx %arg7[%sub3A_808, %add3A_118], %bitcast3A_661 masked %and3A_813 {add = true} : memref<16x256xf32, #tpu.memory_space<vmem>>[vector<16xi32>, vector<16xi32>], vector<16xf32>, vector<16xi1>
        tpu.vector_store_idx %arg7[%sub3A_808, %add3A_121], %bitcast3A_671 masked %and3A_813 {add = true} : memref<16x256xf32, #tpu.memory_space<vmem>>[vector<16xi32>, vector<16xi32>], vector<16xf32>, vector<16xi1>
        tpu.vector_store_idx %arg7[%sub3A_808, %add3A_127], %bitcast3A_673 masked %and3A_813 {add = true} : memref<16x256xf32, #tpu.memory_space<vmem>>[vector<16xi32>, vector<16xi32>], vector<16xf32>, vector<16xi1>
        tpu.vector_store_idx %arg7[%sub3A_808, %add3A_130], %bitcast3A_683 masked %and3A_813 {add = true} : memref<16x256xf32, #tpu.memory_space<vmem>>[vector<16xi32>, vector<16xi32>], vector<16xf32>, vector<16xi1>
        tpu.vector_store_idx %arg7[%sub3A_808, %add3A_136], %bitcast3A_685 masked %and3A_813 {add = true} : memref<16x256xf32, #tpu.memory_space<vmem>>[vector<16xi32>, vector<16xi32>], vector<16xf32>, vector<16xi1>
        tpu.vector_store_idx %arg7[%sub3A_808, %add3A_139], %bitcast3A_695 masked %and3A_813 {add = true} : memref<16x256xf32, #tpu.memory_space<vmem>>[vector<16xi32>, vector<16xi32>], vector<16xf32>, vector<16xi1>
        tpu.vector_store_idx %arg7[%sub3A_808, %add3A_145], %bitcast3A_697 masked %and3A_813 {add = true} : memref<16x256xf32, #tpu.memory_space<vmem>>[vector<16xi32>, vector<16xi32>], vector<16xf32>, vector<16xi1>
        %add3A_814 = arith.constant 6 : i32
        %add3A_815 = arith.addi %mul3A_190, %add3A_814 : i32
        %get3A_816 = arith.index_cast %rem3A_159 : i32 to index
        %get3A_817 = arith.index_cast %add3A_815 : i32 to index
        %get3A_818 = arith.constant 0 : index
        %get3A_819 = tpu.vector_load %arg6[%get3A_816, %get3A_817, %get3A_818] {strides = array<i32>} : memref<2x64x128xi32, #tpu.memory_space<vmem>>, vector<16xi32>,
        %shift_left3A_820 = arith.constant 16 : i32
        %shift_left3A_821 = vector.broadcast %shift_left3A_820 : i32 to vector<16xi32>
        %shift_left3A_822 = arith.shli %get3A_819, %shift_left3A_821 : vector<16xi32>
        %bitcast3A_823 = vector.bitcast %shift_left3A_822 : vector<16xi32> to vector<16xf32>
        %and3A_824 = arith.andi %get3A_819, %broadcast_in_dim3A_147 : vector<16xi32>
        %bitcast3A_825 = vector.bitcast %and3A_824 : vector<16xi32> to vector<16xf32>
        %add3A_826 = arith.constant 6 : i32
        %add3A_827 = arith.addi %mul3A_190, %add3A_826 : i32
        %get3A_828 = arith.index_cast %rem3A_159 : i32 to index
        %get3A_829 = arith.index_cast %add3A_827 : i32 to index
        %get3A_830 = arith.constant 16 : index
        %get3A_831 = tpu.vector_load %arg6[%get3A_828, %get3A_829, %get3A_830] {strides = array<i32>} : memref<2x64x128xi32, #tpu.memory_space<vmem>>, vector<16xi32>,
        %shift_left3A_832 = arith.constant 16 : i32
        %shift_left3A_833 = vector.broadcast %shift_left3A_832 : i32 to vector<16xi32>
        %shift_left3A_834 = arith.shli %get3A_831, %shift_left3A_833 : vector<16xi32>
        %bitcast3A_835 = vector.bitcast %shift_left3A_834 : vector<16xi32> to vector<16xf32>
        %and3A_836 = arith.andi %get3A_831, %broadcast_in_dim3A_147 : vector<16xi32>
        %bitcast3A_837 = vector.bitcast %and3A_836 : vector<16xi32> to vector<16xf32>
        %add3A_838 = arith.constant 6 : i32
        %add3A_839 = arith.addi %mul3A_190, %add3A_838 : i32
        %get3A_840 = arith.index_cast %rem3A_159 : i32 to index
        %get3A_841 = arith.index_cast %add3A_839 : i32 to index
        %get3A_842 = arith.constant 32 : index
        %get3A_843 = tpu.vector_load %arg6[%get3A_840, %get3A_841, %get3A_842] {strides = array<i32>} : memref<2x64x128xi32, #tpu.memory_space<vmem>>, vector<16xi32>,
        %shift_left3A_844 = arith.constant 16 : i32
        %shift_left3A_845 = vector.broadcast %shift_left3A_844 : i32 to vector<16xi32>
        %shift_left3A_846 = arith.shli %get3A_843, %shift_left3A_845 : vector<16xi32>
        %bitcast3A_847 = vector.bitcast %shift_left3A_846 : vector<16xi32> to vector<16xf32>
        %and3A_848 = arith.andi %get3A_843, %broadcast_in_dim3A_147 : vector<16xi32>
        %bitcast3A_849 = vector.bitcast %and3A_848 : vector<16xi32> to vector<16xf32>
        %add3A_850 = arith.constant 6 : i32
        %add3A_851 = arith.addi %mul3A_190, %add3A_850 : i32
        %get3A_852 = arith.index_cast %rem3A_159 : i32 to index
        %get3A_853 = arith.index_cast %add3A_851 : i32 to index
        %get3A_854 = arith.constant 48 : index
        %get3A_855 = tpu.vector_load %arg6[%get3A_852, %get3A_853, %get3A_854] {strides = array<i32>} : memref<2x64x128xi32, #tpu.memory_space<vmem>>, vector<16xi32>,
        %shift_left3A_856 = arith.constant 16 : i32
        %shift_left3A_857 = vector.broadcast %shift_left3A_856 : i32 to vector<16xi32>
        %shift_left3A_858 = arith.shli %get3A_855, %shift_left3A_857 : vector<16xi32>
        %bitcast3A_859 = vector.bitcast %shift_left3A_858 : vector<16xi32> to vector<16xf32>
        %and3A_860 = arith.andi %get3A_855, %broadcast_in_dim3A_147 : vector<16xi32>
        %bitcast3A_861 = vector.bitcast %and3A_860 : vector<16xi32> to vector<16xf32>
        %add3A_862 = arith.constant 6 : i32
        %add3A_863 = arith.addi %mul3A_190, %add3A_862 : i32
        %get3A_864 = arith.index_cast %rem3A_159 : i32 to index
        %get3A_865 = arith.index_cast %add3A_863 : i32 to index
        %get3A_866 = arith.constant 64 : index
        %get3A_867 = tpu.vector_load %arg6[%get3A_864, %get3A_865, %get3A_866] {strides = array<i32>} : memref<2x64x128xi32, #tpu.memory_space<vmem>>, vector<16xi32>,
        %shift_left3A_868 = arith.constant 16 : i32
        %shift_left3A_869 = vector.broadcast %shift_left3A_868 : i32 to vector<16xi32>
        %shift_left3A_870 = arith.shli %get3A_867, %shift_left3A_869 : vector<16xi32>
        %bitcast3A_871 = vector.bitcast %shift_left3A_870 : vector<16xi32> to vector<16xf32>
        %and3A_872 = arith.andi %get3A_867, %broadcast_in_dim3A_147 : vector<16xi32>
        %bitcast3A_873 = vector.bitcast %and3A_872 : vector<16xi32> to vector<16xf32>
        %add3A_874 = arith.constant 6 : i32
        %add3A_875 = arith.addi %mul3A_190, %add3A_874 : i32
        %get3A_876 = arith.index_cast %rem3A_159 : i32 to index
        %get3A_877 = arith.index_cast %add3A_875 : i32 to index
        %get3A_878 = arith.constant 80 : index
        %get3A_879 = tpu.vector_load %arg6[%get3A_876, %get3A_877, %get3A_878] {strides = array<i32>} : memref<2x64x128xi32, #tpu.memory_space<vmem>>, vector<16xi32>,
        %shift_left3A_880 = arith.constant 16 : i32
        %shift_left3A_881 = vector.broadcast %shift_left3A_880 : i32 to vector<16xi32>
        %shift_left3A_882 = arith.shli %get3A_879, %shift_left3A_881 : vector<16xi32>
        %bitcast3A_883 = vector.bitcast %shift_left3A_882 : vector<16xi32> to vector<16xf32>
        %and3A_884 = arith.andi %get3A_879, %broadcast_in_dim3A_147 : vector<16xi32>
        %bitcast3A_885 = vector.bitcast %and3A_884 : vector<16xi32> to vector<16xf32>
        %add3A_886 = arith.constant 6 : i32
        %add3A_887 = arith.addi %mul3A_190, %add3A_886 : i32
        %get3A_888 = arith.index_cast %rem3A_159 : i32 to index
        %get3A_889 = arith.index_cast %add3A_887 : i32 to index
        %get3A_890 = arith.constant 96 : index
        %get3A_891 = tpu.vector_load %arg6[%get3A_888, %get3A_889, %get3A_890] {strides = array<i32>} : memref<2x64x128xi32, #tpu.memory_space<vmem>>, vector<16xi32>,
        %shift_left3A_892 = arith.constant 16 : i32
        %shift_left3A_893 = vector.broadcast %shift_left3A_892 : i32 to vector<16xi32>
        %shift_left3A_894 = arith.shli %get3A_891, %shift_left3A_893 : vector<16xi32>
        %bitcast3A_895 = vector.bitcast %shift_left3A_894 : vector<16xi32> to vector<16xf32>
        %and3A_896 = arith.andi %get3A_891, %broadcast_in_dim3A_147 : vector<16xi32>
        %bitcast3A_897 = vector.bitcast %and3A_896 : vector<16xi32> to vector<16xf32>
        %add3A_898 = arith.constant 6 : i32
        %add3A_899 = arith.addi %mul3A_190, %add3A_898 : i32
        %get3A_900 = arith.index_cast %rem3A_159 : i32 to index
        %get3A_901 = arith.index_cast %add3A_899 : i32 to index
        %get3A_902 = arith.constant 112 : index
        %get3A_903 = tpu.vector_load %arg6[%get3A_900, %get3A_901, %get3A_902] {strides = array<i32>} : memref<2x64x128xi32, #tpu.memory_space<vmem>>, vector<16xi32>,
        %shift_left3A_904 = arith.constant 16 : i32
        %shift_left3A_905 = vector.broadcast %shift_left3A_904 : i32 to vector<16xi32>
        %shift_left3A_906 = arith.shli %get3A_903, %shift_left3A_905 : vector<16xi32>
        %bitcast3A_907 = vector.bitcast %shift_left3A_906 : vector<16xi32> to vector<16xf32>
        %and3A_908 = arith.andi %get3A_903, %broadcast_in_dim3A_147 : vector<16xi32>
        %bitcast3A_909 = vector.bitcast %and3A_908 : vector<16xi32> to vector<16xf32>
        %slice3A_910 = vector.extract_strided_slice %get3A_192 {offsets = [5], sizes = [1], strides = [1]} : vector<16xi32> to vector<1xi32>
        %squeeze3A_911 = vector.extract %slice3A_910[0] : i32 from vector<1xi32>
        %broadcast_in_dim3A_912 = vector.broadcast %squeeze3A_911 : i32 to vector<16xi32>
        %sub3A_913 = vector.broadcast %mul3A_2 : i32 to vector<16xi32>
        %sub3A_914 = arith.subi %broadcast_in_dim3A_912, %sub3A_913 : vector<16xi32>
        %ge3A_915 = vector.broadcast %mul3A_2 : i32 to vector<16xi32>
        %ge3A_916 = arith.cmpi sge, %broadcast_in_dim3A_912, %ge3A_915 : vector<16xi32>
        %lt3A_917 = vector.broadcast %add3A_4 : i32 to vector<16xi32>
        %lt3A_918 = arith.cmpi slt, %broadcast_in_dim3A_912, %lt3A_917 : vector<16xi32>
        %and3A_919 = arith.andi %ge3A_916, %lt3A_918 : vector<16xi1>
        tpu.vector_store_idx %arg7[%sub3A_914, %add3A_76], %bitcast3A_717 masked %and3A_919 {add = true} : memref<16x256xf32, #tpu.memory_space<vmem>>[vector<16xi32>, vector<16xi32>], vector<16xf32>, vector<16xi1>
        tpu.vector_store_idx %arg7[%sub3A_914, %add3A_82], %bitcast3A_719 masked %and3A_919 {add = true} : memref<16x256xf32, #tpu.memory_space<vmem>>[vector<16xi32>, vector<16xi32>], vector<16xf32>, vector<16xi1>
        tpu.vector_store_idx %arg7[%sub3A_914, %add3A_85], %bitcast3A_729 masked %and3A_919 {add = true} : memref<16x256xf32, #tpu.memory_space<vmem>>[vector<16xi32>, vector<16xi32>], vector<16xf32>, vector<16xi1>
        tpu.vector_store_idx %arg7[%sub3A_914, %add3A_91], %bitcast3A_731 masked %and3A_919 {add = true} : memref<16x256xf32, #tpu.memory_space<vmem>>[vector<16xi32>, vector<16xi32>], vector<16xf32>, vector<16xi1>
        tpu.vector_store_idx %arg7[%sub3A_914, %add3A_94], %bitcast3A_741 masked %and3A_919 {add = true} : memref<16x256xf32, #tpu.memory_space<vmem>>[vector<16xi32>, vector<16xi32>], vector<16xf32>, vector<16xi1>
        tpu.vector_store_idx %arg7[%sub3A_914, %add3A_100], %bitcast3A_743 masked %and3A_919 {add = true} : memref<16x256xf32, #tpu.memory_space<vmem>>[vector<16xi32>, vector<16xi32>], vector<16xf32>, vector<16xi1>
        tpu.vector_store_idx %arg7[%sub3A_914, %add3A_103], %bitcast3A_753 masked %and3A_919 {add = true} : memref<16x256xf32, #tpu.memory_space<vmem>>[vector<16xi32>, vector<16xi32>], vector<16xf32>, vector<16xi1>
        tpu.vector_store_idx %arg7[%sub3A_914, %add3A_109], %bitcast3A_755 masked %and3A_919 {add = true} : memref<16x256xf32, #tpu.memory_space<vmem>>[vector<16xi32>, vector<16xi32>], vector<16xf32>, vector<16xi1>
        tpu.vector_store_idx %arg7[%sub3A_914, %add3A_112], %bitcast3A_765 masked %and3A_919 {add = true} : memref<16x256xf32, #tpu.memory_space<vmem>>[vector<16xi32>, vector<16xi32>], vector<16xf32>, vector<16xi1>
        tpu.vector_store_idx %arg7[%sub3A_914, %add3A_118], %bitcast3A_767 masked %and3A_919 {add = true} : memref<16x256xf32, #tpu.memory_space<vmem>>[vector<16xi32>, vector<16xi32>], vector<16xf32>, vector<16xi1>
        tpu.vector_store_idx %arg7[%sub3A_914, %add3A_121], %bitcast3A_777 masked %and3A_919 {add = true} : memref<16x256xf32, #tpu.memory_space<vmem>>[vector<16xi32>, vector<16xi32>], vector<16xf32>, vector<16xi1>
        tpu.vector_store_idx %arg7[%sub3A_914, %add3A_127], %bitcast3A_779 masked %and3A_919 {add = true} : memref<16x256xf32, #tpu.memory_space<vmem>>[vector<16xi32>, vector<16xi32>], vector<16xf32>, vector<16xi1>
        tpu.vector_store_idx %arg7[%sub3A_914, %add3A_130], %bitcast3A_789 masked %and3A_919 {add = true} : memref<16x256xf32, #tpu.memory_space<vmem>>[vector<16xi32>, vector<16xi32>], vector<16xf32>, vector<16xi1>
        tpu.vector_store_idx %arg7[%sub3A_914, %add3A_136], %bitcast3A_791 masked %and3A_919 {add = true} : memref<16x256xf32, #tpu.memory_space<vmem>>[vector<16xi32>, vector<16xi32>], vector<16xf32>, vector<16xi1>
        tpu.vector_store_idx %arg7[%sub3A_914, %add3A_139], %bitcast3A_801 masked %and3A_919 {add = true} : memref<16x256xf32, #tpu.memory_space<vmem>>[vector<16xi32>, vector<16xi32>], vector<16xf32>, vector<16xi1>
        tpu.vector_store_idx %arg7[%sub3A_914, %add3A_145], %bitcast3A_803 masked %and3A_919 {add = true} : memref<16x256xf32, #tpu.memory_space<vmem>>[vector<16xi32>, vector<16xi32>], vector<16xf32>, vector<16xi1>
        %add3A_920 = arith.constant 7 : i32
        %add3A_921 = arith.addi %mul3A_190, %add3A_920 : i32
        %get3A_922 = arith.index_cast %rem3A_159 : i32 to index
        %get3A_923 = arith.index_cast %add3A_921 : i32 to index
        %get3A_924 = arith.constant 0 : index
        %get3A_925 = tpu.vector_load %arg6[%get3A_922, %get3A_923, %get3A_924] {strides = array<i32>} : memref<2x64x128xi32, #tpu.memory_space<vmem>>, vector<16xi32>,
        %shift_left3A_926 = arith.constant 16 : i32
        %shift_left3A_927 = vector.broadcast %shift_left3A_926 : i32 to vector<16xi32>
        %shift_left3A_928 = arith.shli %get3A_925, %shift_left3A_927 : vector<16xi32>
        %bitcast3A_929 = vector.bitcast %shift_left3A_928 : vector<16xi32> to vector<16xf32>
        %and3A_930 = arith.andi %get3A_925, %broadcast_in_dim3A_147 : vector<16xi32>
        %bitcast3A_931 = vector.bitcast %and3A_930 : vector<16xi32> to vector<16xf32>
        %add3A_932 = arith.constant 7 : i32
        %add3A_933 = arith.addi %mul3A_190, %add3A_932 : i32
        %get3A_934 = arith.index_cast %rem3A_159 : i32 to index
        %get3A_935 = arith.index_cast %add3A_933 : i32 to index
        %get3A_936 = arith.constant 16 : index
        %get3A_937 = tpu.vector_load %arg6[%get3A_934, %get3A_935, %get3A_936] {strides = array<i32>} : memref<2x64x128xi32, #tpu.memory_space<vmem>>, vector<16xi32>,
        %shift_left3A_938 = arith.constant 16 : i32
        %shift_left3A_939 = vector.broadcast %shift_left3A_938 : i32 to vector<16xi32>
        %shift_left3A_940 = arith.shli %get3A_937, %shift_left3A_939 : vector<16xi32>
        %bitcast3A_941 = vector.bitcast %shift_left3A_940 : vector<16xi32> to vector<16xf32>
        %and3A_942 = arith.andi %get3A_937, %broadcast_in_dim3A_147 : vector<16xi32>
        %bitcast3A_943 = vector.bitcast %and3A_942 : vector<16xi32> to vector<16xf32>
        %add3A_944 = arith.constant 7 : i32
        %add3A_945 = arith.addi %mul3A_190, %add3A_944 : i32
        %get3A_946 = arith.index_cast %rem3A_159 : i32 to index
        %get3A_947 = arith.index_cast %add3A_945 : i32 to index
        %get3A_948 = arith.constant 32 : index
        %get3A_949 = tpu.vector_load %arg6[%get3A_946, %get3A_947, %get3A_948] {strides = array<i32>} : memref<2x64x128xi32, #tpu.memory_space<vmem>>, vector<16xi32>,
        %shift_left3A_950 = arith.constant 16 : i32
        %shift_left3A_951 = vector.broadcast %shift_left3A_950 : i32 to vector<16xi32>
        %shift_left3A_952 = arith.shli %get3A_949, %shift_left3A_951 : vector<16xi32>
        %bitcast3A_953 = vector.bitcast %shift_left3A_952 : vector<16xi32> to vector<16xf32>
        %and3A_954 = arith.andi %get3A_949, %broadcast_in_dim3A_147 : vector<16xi32>
        %bitcast3A_955 = vector.bitcast %and3A_954 : vector<16xi32> to vector<16xf32>
        %add3A_956 = arith.constant 7 : i32
        %add3A_957 = arith.addi %mul3A_190, %add3A_956 : i32
        %get3A_958 = arith.index_cast %rem3A_159 : i32 to index
        %get3A_959 = arith.index_cast %add3A_957 : i32 to index
        %get3A_960 = arith.constant 48 : index
        %get3A_961 = tpu.vector_load %arg6[%get3A_958, %get3A_959, %get3A_960] {strides = array<i32>} : memref<2x64x128xi32, #tpu.memory_space<vmem>>, vector<16xi32>,
        %shift_left3A_962 = arith.constant 16 : i32
        %shift_left3A_963 = vector.broadcast %shift_left3A_962 : i32 to vector<16xi32>
        %shift_left3A_964 = arith.shli %get3A_961, %shift_left3A_963 : vector<16xi32>
        %bitcast3A_965 = vector.bitcast %shift_left3A_964 : vector<16xi32> to vector<16xf32>
        %and3A_966 = arith.andi %get3A_961, %broadcast_in_dim3A_147 : vector<16xi32>
        %bitcast3A_967 = vector.bitcast %and3A_966 : vector<16xi32> to vector<16xf32>
        %add3A_968 = arith.constant 7 : i32
        %add3A_969 = arith.addi %mul3A_190, %add3A_968 : i32
        %get3A_970 = arith.index_cast %rem3A_159 : i32 to index
        %get3A_971 = arith.index_cast %add3A_969 : i32 to index
        %get3A_972 = arith.constant 64 : index
        %get3A_973 = tpu.vector_load %arg6[%get3A_970, %get3A_971, %get3A_972] {strides = array<i32>} : memref<2x64x128xi32, #tpu.memory_space<vmem>>, vector<16xi32>,
        %shift_left3A_974 = arith.constant 16 : i32
        %shift_left3A_975 = vector.broadcast %shift_left3A_974 : i32 to vector<16xi32>
        %shift_left3A_976 = arith.shli %get3A_973, %shift_left3A_975 : vector<16xi32>
        %bitcast3A_977 = vector.bitcast %shift_left3A_976 : vector<16xi32> to vector<16xf32>
        %and3A_978 = arith.andi %get3A_973, %broadcast_in_dim3A_147 : vector<16xi32>
        %bitcast3A_979 = vector.bitcast %and3A_978 : vector<16xi32> to vector<16xf32>
        %add3A_980 = arith.constant 7 : i32
        %add3A_981 = arith.addi %mul3A_190, %add3A_980 : i32
        %get3A_982 = arith.index_cast %rem3A_159 : i32 to index
        %get3A_983 = arith.index_cast %add3A_981 : i32 to index
        %get3A_984 = arith.constant 80 : index
        %get3A_985 = tpu.vector_load %arg6[%get3A_982, %get3A_983, %get3A_984] {strides = array<i32>} : memref<2x64x128xi32, #tpu.memory_space<vmem>>, vector<16xi32>,
        %shift_left3A_986 = arith.constant 16 : i32
        %shift_left3A_987 = vector.broadcast %shift_left3A_986 : i32 to vector<16xi32>
        %shift_left3A_988 = arith.shli %get3A_985, %shift_left3A_987 : vector<16xi32>
        %bitcast3A_989 = vector.bitcast %shift_left3A_988 : vector<16xi32> to vector<16xf32>
        %and3A_990 = arith.andi %get3A_985, %broadcast_in_dim3A_147 : vector<16xi32>
        %bitcast3A_991 = vector.bitcast %and3A_990 : vector<16xi32> to vector<16xf32>
        %add3A_992 = arith.constant 7 : i32
        %add3A_993 = arith.addi %mul3A_190, %add3A_992 : i32
        %get3A_994 = arith.index_cast %rem3A_159 : i32 to index
        %get3A_995 = arith.index_cast %add3A_993 : i32 to index
        %get3A_996 = arith.constant 96 : index
        %get3A_997 = tpu.vector_load %arg6[%get3A_994, %get3A_995, %get3A_996] {strides = array<i32>} : memref<2x64x128xi32, #tpu.memory_space<vmem>>, vector<16xi32>,
        %shift_left3A_998 = arith.constant 16 : i32
        %shift_left3A_999 = vector.broadcast %shift_left3A_998 : i32 to vector<16xi32>
        %shift_left3A_1000 = arith.shli %get3A_997, %shift_left3A_999 : vector<16xi32>
        %bitcast3A_1001 = vector.bitcast %shift_left3A_1000 : vector<16xi32> to vector<16xf32>
        %and3A_1002 = arith.andi %get3A_997, %broadcast_in_dim3A_147 : vector<16xi32>
        %bitcast3A_1003 = vector.bitcast %and3A_1002 : vector<16xi32> to vector<16xf32>
        %add3A_1004 = arith.constant 7 : i32
        %add3A_1005 = arith.addi %mul3A_190, %add3A_1004 : i32
        %get3A_1006 = arith.index_cast %rem3A_159 : i32 to index
        %get3A_1007 = arith.index_cast %add3A_1005 : i32 to index
        %get3A_1008 = arith.constant 112 : index
        %get3A_1009 = tpu.vector_load %arg6[%get3A_1006, %get3A_1007, %get3A_1008] {strides = array<i32>} : memref<2x64x128xi32, #tpu.memory_space<vmem>>, vector<16xi32>,
        %shift_left3A_1010 = arith.constant 16 : i32
        %shift_left3A_1011 = vector.broadcast %shift_left3A_1010 : i32 to vector<16xi32>
        %shift_left3A_1012 = arith.shli %get3A_1009, %shift_left3A_1011 : vector<16xi32>
        %bitcast3A_1013 = vector.bitcast %shift_left3A_1012 : vector<16xi32> to vector<16xf32>
        %and3A_1014 = arith.andi %get3A_1009, %broadcast_in_dim3A_147 : vector<16xi32>
        %bitcast3A_1015 = vector.bitcast %and3A_1014 : vector<16xi32> to vector<16xf32>
        %slice3A_1016 = vector.extract_strided_slice %get3A_192 {offsets = [6], sizes = [1], strides = [1]} : vector<16xi32> to vector<1xi32>
        %squeeze3A_1017 = vector.extract %slice3A_1016[0] : i32 from vector<1xi32>
        %broadcast_in_dim3A_1018 = vector.broadcast %squeeze3A_1017 : i32 to vector<16xi32>
        %sub3A_1019 = vector.broadcast %mul3A_2 : i32 to vector<16xi32>
        %sub3A_1020 = arith.subi %broadcast_in_dim3A_1018, %sub3A_1019 : vector<16xi32>
        %ge3A_1021 = vector.broadcast %mul3A_2 : i32 to vector<16xi32>
        %ge3A_1022 = arith.cmpi sge, %broadcast_in_dim3A_1018, %ge3A_1021 : vector<16xi32>
        %lt3A_1023 = vector.broadcast %add3A_4 : i32 to vector<16xi32>
        %lt3A_1024 = arith.cmpi slt, %broadcast_in_dim3A_1018, %lt3A_1023 : vector<16xi32>
        %and3A_1025 = arith.andi %ge3A_1022, %lt3A_1024 : vector<16xi1>
        tpu.vector_store_idx %arg7[%sub3A_1020, %add3A_76], %bitcast3A_823 masked %and3A_1025 {add = true} : memref<16x256xf32, #tpu.memory_space<vmem>>[vector<16xi32>, vector<16xi32>], vector<16xf32>, vector<16xi1>
        tpu.vector_store_idx %arg7[%sub3A_1020, %add3A_82], %bitcast3A_825 masked %and3A_1025 {add = true} : memref<16x256xf32, #tpu.memory_space<vmem>>[vector<16xi32>, vector<16xi32>], vector<16xf32>, vector<16xi1>
        tpu.vector_store_idx %arg7[%sub3A_1020, %add3A_85], %bitcast3A_835 masked %and3A_1025 {add = true} : memref<16x256xf32, #tpu.memory_space<vmem>>[vector<16xi32>, vector<16xi32>], vector<16xf32>, vector<16xi1>
        tpu.vector_store_idx %arg7[%sub3A_1020, %add3A_91], %bitcast3A_837 masked %and3A_1025 {add = true} : memref<16x256xf32, #tpu.memory_space<vmem>>[vector<16xi32>, vector<16xi32>], vector<16xf32>, vector<16xi1>
        tpu.vector_store_idx %arg7[%sub3A_1020, %add3A_94], %bitcast3A_847 masked %and3A_1025 {add = true} : memref<16x256xf32, #tpu.memory_space<vmem>>[vector<16xi32>, vector<16xi32>], vector<16xf32>, vector<16xi1>
        tpu.vector_store_idx %arg7[%sub3A_1020, %add3A_100], %bitcast3A_849 masked %and3A_1025 {add = true} : memref<16x256xf32, #tpu.memory_space<vmem>>[vector<16xi32>, vector<16xi32>], vector<16xf32>, vector<16xi1>
        tpu.vector_store_idx %arg7[%sub3A_1020, %add3A_103], %bitcast3A_859 masked %and3A_1025 {add = true} : memref<16x256xf32, #tpu.memory_space<vmem>>[vector<16xi32>, vector<16xi32>], vector<16xf32>, vector<16xi1>
        tpu.vector_store_idx %arg7[%sub3A_1020, %add3A_109], %bitcast3A_861 masked %and3A_1025 {add = true} : memref<16x256xf32, #tpu.memory_space<vmem>>[vector<16xi32>, vector<16xi32>], vector<16xf32>, vector<16xi1>
        tpu.vector_store_idx %arg7[%sub3A_1020, %add3A_112], %bitcast3A_871 masked %and3A_1025 {add = true} : memref<16x256xf32, #tpu.memory_space<vmem>>[vector<16xi32>, vector<16xi32>], vector<16xf32>, vector<16xi1>
        tpu.vector_store_idx %arg7[%sub3A_1020, %add3A_118], %bitcast3A_873 masked %and3A_1025 {add = true} : memref<16x256xf32, #tpu.memory_space<vmem>>[vector<16xi32>, vector<16xi32>], vector<16xf32>, vector<16xi1>
        tpu.vector_store_idx %arg7[%sub3A_1020, %add3A_121], %bitcast3A_883 masked %and3A_1025 {add = true} : memref<16x256xf32, #tpu.memory_space<vmem>>[vector<16xi32>, vector<16xi32>], vector<16xf32>, vector<16xi1>
        tpu.vector_store_idx %arg7[%sub3A_1020, %add3A_127], %bitcast3A_885 masked %and3A_1025 {add = true} : memref<16x256xf32, #tpu.memory_space<vmem>>[vector<16xi32>, vector<16xi32>], vector<16xf32>, vector<16xi1>
        tpu.vector_store_idx %arg7[%sub3A_1020, %add3A_130], %bitcast3A_895 masked %and3A_1025 {add = true} : memref<16x256xf32, #tpu.memory_space<vmem>>[vector<16xi32>, vector<16xi32>], vector<16xf32>, vector<16xi1>
        tpu.vector_store_idx %arg7[%sub3A_1020, %add3A_136], %bitcast3A_897 masked %and3A_1025 {add = true} : memref<16x256xf32, #tpu.memory_space<vmem>>[vector<16xi32>, vector<16xi32>], vector<16xf32>, vector<16xi1>
        tpu.vector_store_idx %arg7[%sub3A_1020, %add3A_139], %bitcast3A_907 masked %and3A_1025 {add = true} : memref<16x256xf32, #tpu.memory_space<vmem>>[vector<16xi32>, vector<16xi32>], vector<16xf32>, vector<16xi1>
        tpu.vector_store_idx %arg7[%sub3A_1020, %add3A_145], %bitcast3A_909 masked %and3A_1025 {add = true} : memref<16x256xf32, #tpu.memory_space<vmem>>[vector<16xi32>, vector<16xi32>], vector<16xf32>, vector<16xi1>
        %add3A_1026 = arith.constant 8 : i32
        %add3A_1027 = arith.addi %mul3A_190, %add3A_1026 : i32
        %get3A_1028 = arith.index_cast %rem3A_159 : i32 to index
        %get3A_1029 = arith.index_cast %add3A_1027 : i32 to index
        %get3A_1030 = arith.constant 0 : index
        %get3A_1031 = tpu.vector_load %arg6[%get3A_1028, %get3A_1029, %get3A_1030] {strides = array<i32>} : memref<2x64x128xi32, #tpu.memory_space<vmem>>, vector<16xi32>,
        %shift_left3A_1032 = arith.constant 16 : i32
        %shift_left3A_1033 = vector.broadcast %shift_left3A_1032 : i32 to vector<16xi32>
        %shift_left3A_1034 = arith.shli %get3A_1031, %shift_left3A_1033 : vector<16xi32>
        %bitcast3A_1035 = vector.bitcast %shift_left3A_1034 : vector<16xi32> to vector<16xf32>
        %and3A_1036 = arith.andi %get3A_1031, %broadcast_in_dim3A_147 : vector<16xi32>
        %bitcast3A_1037 = vector.bitcast %and3A_1036 : vector<16xi32> to vector<16xf32>
        %add3A_1038 = arith.constant 8 : i32
        %add3A_1039 = arith.addi %mul3A_190, %add3A_1038 : i32
        %get3A_1040 = arith.index_cast %rem3A_159 : i32 to index
        %get3A_1041 = arith.index_cast %add3A_1039 : i32 to index
        %get3A_1042 = arith.constant 16 : index
        %get3A_1043 = tpu.vector_load %arg6[%get3A_1040, %get3A_1041, %get3A_1042] {strides = array<i32>} : memref<2x64x128xi32, #tpu.memory_space<vmem>>, vector<16xi32>,
        %shift_left3A_1044 = arith.constant 16 : i32
        %shift_left3A_1045 = vector.broadcast %shift_left3A_1044 : i32 to vector<16xi32>
        %shift_left3A_1046 = arith.shli %get3A_1043, %shift_left3A_1045 : vector<16xi32>
        %bitcast3A_1047 = vector.bitcast %shift_left3A_1046 : vector<16xi32> to vector<16xf32>
        %and3A_1048 = arith.andi %get3A_1043, %broadcast_in_dim3A_147 : vector<16xi32>
        %bitcast3A_1049 = vector.bitcast %and3A_1048 : vector<16xi32> to vector<16xf32>
        %add3A_1050 = arith.constant 8 : i32
        %add3A_1051 = arith.addi %mul3A_190, %add3A_1050 : i32
        %get3A_1052 = arith.index_cast %rem3A_159 : i32 to index
        %get3A_1053 = arith.index_cast %add3A_1051 : i32 to index
        %get3A_1054 = arith.constant 32 : index
        %get3A_1055 = tpu.vector_load %arg6[%get3A_1052, %get3A_1053, %get3A_1054] {strides = array<i32>} : memref<2x64x128xi32, #tpu.memory_space<vmem>>, vector<16xi32>,
        %shift_left3A_1056 = arith.constant 16 : i32
        %shift_left3A_1057 = vector.broadcast %shift_left3A_1056 : i32 to vector<16xi32>
        %shift_left3A_1058 = arith.shli %get3A_1055, %shift_left3A_1057 : vector<16xi32>
        %bitcast3A_1059 = vector.bitcast %shift_left3A_1058 : vector<16xi32> to vector<16xf32>
        %and3A_1060 = arith.andi %get3A_1055, %broadcast_in_dim3A_147 : vector<16xi32>
        %bitcast3A_1061 = vector.bitcast %and3A_1060 : vector<16xi32> to vector<16xf32>
        %add3A_1062 = arith.constant 8 : i32
        %add3A_1063 = arith.addi %mul3A_190, %add3A_1062 : i32
        %get3A_1064 = arith.index_cast %rem3A_159 : i32 to index
        %get3A_1065 = arith.index_cast %add3A_1063 : i32 to index
        %get3A_1066 = arith.constant 48 : index
        %get3A_1067 = tpu.vector_load %arg6[%get3A_1064, %get3A_1065, %get3A_1066] {strides = array<i32>} : memref<2x64x128xi32, #tpu.memory_space<vmem>>, vector<16xi32>,
        %shift_left3A_1068 = arith.constant 16 : i32
        %shift_left3A_1069 = vector.broadcast %shift_left3A_1068 : i32 to vector<16xi32>
        %shift_left3A_1070 = arith.shli %get3A_1067, %shift_left3A_1069 : vector<16xi32>
        %bitcast3A_1071 = vector.bitcast %shift_left3A_1070 : vector<16xi32> to vector<16xf32>
        %and3A_1072 = arith.andi %get3A_1067, %broadcast_in_dim3A_147 : vector<16xi32>
        %bitcast3A_1073 = vector.bitcast %and3A_1072 : vector<16xi32> to vector<16xf32>
        %add3A_1074 = arith.constant 8 : i32
        %add3A_1075 = arith.addi %mul3A_190, %add3A_1074 : i32
        %get3A_1076 = arith.index_cast %rem3A_159 : i32 to index
        %get3A_1077 = arith.index_cast %add3A_1075 : i32 to index
        %get3A_1078 = arith.constant 64 : index
        %get3A_1079 = tpu.vector_load %arg6[%get3A_1076, %get3A_1077, %get3A_1078] {strides = array<i32>} : memref<2x64x128xi32, #tpu.memory_space<vmem>>, vector<16xi32>,
        %shift_left3A_1080 = arith.constant 16 : i32
        %shift_left3A_1081 = vector.broadcast %shift_left3A_1080 : i32 to vector<16xi32>
        %shift_left3A_1082 = arith.shli %get3A_1079, %shift_left3A_1081 : vector<16xi32>
        %bitcast3A_1083 = vector.bitcast %shift_left3A_1082 : vector<16xi32> to vector<16xf32>
        %and3A_1084 = arith.andi %get3A_1079, %broadcast_in_dim3A_147 : vector<16xi32>
        %bitcast3A_1085 = vector.bitcast %and3A_1084 : vector<16xi32> to vector<16xf32>
        %add3A_1086 = arith.constant 8 : i32
        %add3A_1087 = arith.addi %mul3A_190, %add3A_1086 : i32
        %get3A_1088 = arith.index_cast %rem3A_159 : i32 to index
        %get3A_1089 = arith.index_cast %add3A_1087 : i32 to index
        %get3A_1090 = arith.constant 80 : index
        %get3A_1091 = tpu.vector_load %arg6[%get3A_1088, %get3A_1089, %get3A_1090] {strides = array<i32>} : memref<2x64x128xi32, #tpu.memory_space<vmem>>, vector<16xi32>,
        %shift_left3A_1092 = arith.constant 16 : i32
        %shift_left3A_1093 = vector.broadcast %shift_left3A_1092 : i32 to vector<16xi32>
        %shift_left3A_1094 = arith.shli %get3A_1091, %shift_left3A_1093 : vector<16xi32>
        %bitcast3A_1095 = vector.bitcast %shift_left3A_1094 : vector<16xi32> to vector<16xf32>
        %and3A_1096 = arith.andi %get3A_1091, %broadcast_in_dim3A_147 : vector<16xi32>
        %bitcast3A_1097 = vector.bitcast %and3A_1096 : vector<16xi32> to vector<16xf32>
        %add3A_1098 = arith.constant 8 : i32
        %add3A_1099 = arith.addi %mul3A_190, %add3A_1098 : i32
        %get3A_1100 = arith.index_cast %rem3A_159 : i32 to index
        %get3A_1101 = arith.index_cast %add3A_1099 : i32 to index
        %get3A_1102 = arith.constant 96 : index
        %get3A_1103 = tpu.vector_load %arg6[%get3A_1100, %get3A_1101, %get3A_1102] {strides = array<i32>} : memref<2x64x128xi32, #tpu.memory_space<vmem>>, vector<16xi32>,
        %shift_left3A_1104 = arith.constant 16 : i32
        %shift_left3A_1105 = vector.broadcast %shift_left3A_1104 : i32 to vector<16xi32>
        %shift_left3A_1106 = arith.shli %get3A_1103, %shift_left3A_1105 : vector<16xi32>
        %bitcast3A_1107 = vector.bitcast %shift_left3A_1106 : vector<16xi32> to vector<16xf32>
        %and3A_1108 = arith.andi %get3A_1103, %broadcast_in_dim3A_147 : vector<16xi32>
        %bitcast3A_1109 = vector.bitcast %and3A_1108 : vector<16xi32> to vector<16xf32>
        %add3A_1110 = arith.constant 8 : i32
        %add3A_1111 = arith.addi %mul3A_190, %add3A_1110 : i32
        %get3A_1112 = arith.index_cast %rem3A_159 : i32 to index
        %get3A_1113 = arith.index_cast %add3A_1111 : i32 to index
        %get3A_1114 = arith.constant 112 : index
        %get3A_1115 = tpu.vector_load %arg6[%get3A_1112, %get3A_1113, %get3A_1114] {strides = array<i32>} : memref<2x64x128xi32, #tpu.memory_space<vmem>>, vector<16xi32>,
        %shift_left3A_1116 = arith.constant 16 : i32
        %shift_left3A_1117 = vector.broadcast %shift_left3A_1116 : i32 to vector<16xi32>
        %shift_left3A_1118 = arith.shli %get3A_1115, %shift_left3A_1117 : vector<16xi32>
        %bitcast3A_1119 = vector.bitcast %shift_left3A_1118 : vector<16xi32> to vector<16xf32>
        %and3A_1120 = arith.andi %get3A_1115, %broadcast_in_dim3A_147 : vector<16xi32>
        %bitcast3A_1121 = vector.bitcast %and3A_1120 : vector<16xi32> to vector<16xf32>
        %slice3A_1122 = vector.extract_strided_slice %get3A_192 {offsets = [7], sizes = [1], strides = [1]} : vector<16xi32> to vector<1xi32>
        %squeeze3A_1123 = vector.extract %slice3A_1122[0] : i32 from vector<1xi32>
        %broadcast_in_dim3A_1124 = vector.broadcast %squeeze3A_1123 : i32 to vector<16xi32>
        %sub3A_1125 = vector.broadcast %mul3A_2 : i32 to vector<16xi32>
        %sub3A_1126 = arith.subi %broadcast_in_dim3A_1124, %sub3A_1125 : vector<16xi32>
        %ge3A_1127 = vector.broadcast %mul3A_2 : i32 to vector<16xi32>
        %ge3A_1128 = arith.cmpi sge, %broadcast_in_dim3A_1124, %ge3A_1127 : vector<16xi32>
        %lt3A_1129 = vector.broadcast %add3A_4 : i32 to vector<16xi32>
        %lt3A_1130 = arith.cmpi slt, %broadcast_in_dim3A_1124, %lt3A_1129 : vector<16xi32>
        %and3A_1131 = arith.andi %ge3A_1128, %lt3A_1130 : vector<16xi1>
        tpu.vector_store_idx %arg7[%sub3A_1126, %add3A_76], %bitcast3A_929 masked %and3A_1131 {add = true} : memref<16x256xf32, #tpu.memory_space<vmem>>[vector<16xi32>, vector<16xi32>], vector<16xf32>, vector<16xi1>
        tpu.vector_store_idx %arg7[%sub3A_1126, %add3A_82], %bitcast3A_931 masked %and3A_1131 {add = true} : memref<16x256xf32, #tpu.memory_space<vmem>>[vector<16xi32>, vector<16xi32>], vector<16xf32>, vector<16xi1>
        tpu.vector_store_idx %arg7[%sub3A_1126, %add3A_85], %bitcast3A_941 masked %and3A_1131 {add = true} : memref<16x256xf32, #tpu.memory_space<vmem>>[vector<16xi32>, vector<16xi32>], vector<16xf32>, vector<16xi1>
        tpu.vector_store_idx %arg7[%sub3A_1126, %add3A_91], %bitcast3A_943 masked %and3A_1131 {add = true} : memref<16x256xf32, #tpu.memory_space<vmem>>[vector<16xi32>, vector<16xi32>], vector<16xf32>, vector<16xi1>
        tpu.vector_store_idx %arg7[%sub3A_1126, %add3A_94], %bitcast3A_953 masked %and3A_1131 {add = true} : memref<16x256xf32, #tpu.memory_space<vmem>>[vector<16xi32>, vector<16xi32>], vector<16xf32>, vector<16xi1>
        tpu.vector_store_idx %arg7[%sub3A_1126, %add3A_100], %bitcast3A_955 masked %and3A_1131 {add = true} : memref<16x256xf32, #tpu.memory_space<vmem>>[vector<16xi32>, vector<16xi32>], vector<16xf32>, vector<16xi1>
        tpu.vector_store_idx %arg7[%sub3A_1126, %add3A_103], %bitcast3A_965 masked %and3A_1131 {add = true} : memref<16x256xf32, #tpu.memory_space<vmem>>[vector<16xi32>, vector<16xi32>], vector<16xf32>, vector<16xi1>
        tpu.vector_store_idx %arg7[%sub3A_1126, %add3A_109], %bitcast3A_967 masked %and3A_1131 {add = true} : memref<16x256xf32, #tpu.memory_space<vmem>>[vector<16xi32>, vector<16xi32>], vector<16xf32>, vector<16xi1>
        tpu.vector_store_idx %arg7[%sub3A_1126, %add3A_112], %bitcast3A_977 masked %and3A_1131 {add = true} : memref<16x256xf32, #tpu.memory_space<vmem>>[vector<16xi32>, vector<16xi32>], vector<16xf32>, vector<16xi1>
        tpu.vector_store_idx %arg7[%sub3A_1126, %add3A_118], %bitcast3A_979 masked %and3A_1131 {add = true} : memref<16x256xf32, #tpu.memory_space<vmem>>[vector<16xi32>, vector<16xi32>], vector<16xf32>, vector<16xi1>
        tpu.vector_store_idx %arg7[%sub3A_1126, %add3A_121], %bitcast3A_989 masked %and3A_1131 {add = true} : memref<16x256xf32, #tpu.memory_space<vmem>>[vector<16xi32>, vector<16xi32>], vector<16xf32>, vector<16xi1>
        tpu.vector_store_idx %arg7[%sub3A_1126, %add3A_127], %bitcast3A_991 masked %and3A_1131 {add = true} : memref<16x256xf32, #tpu.memory_space<vmem>>[vector<16xi32>, vector<16xi32>], vector<16xf32>, vector<16xi1>
        tpu.vector_store_idx %arg7[%sub3A_1126, %add3A_130], %bitcast3A_1001 masked %and3A_1131 {add = true} : memref<16x256xf32, #tpu.memory_space<vmem>>[vector<16xi32>, vector<16xi32>], vector<16xf32>, vector<16xi1>
        tpu.vector_store_idx %arg7[%sub3A_1126, %add3A_136], %bitcast3A_1003 masked %and3A_1131 {add = true} : memref<16x256xf32, #tpu.memory_space<vmem>>[vector<16xi32>, vector<16xi32>], vector<16xf32>, vector<16xi1>
        tpu.vector_store_idx %arg7[%sub3A_1126, %add3A_139], %bitcast3A_1013 masked %and3A_1131 {add = true} : memref<16x256xf32, #tpu.memory_space<vmem>>[vector<16xi32>, vector<16xi32>], vector<16xf32>, vector<16xi1>
        tpu.vector_store_idx %arg7[%sub3A_1126, %add3A_145], %bitcast3A_1015 masked %and3A_1131 {add = true} : memref<16x256xf32, #tpu.memory_space<vmem>>[vector<16xi32>, vector<16xi32>], vector<16xf32>, vector<16xi1>
        %add3A_1132 = arith.constant 9 : i32
        %add3A_1133 = arith.addi %mul3A_190, %add3A_1132 : i32
        %get3A_1134 = arith.index_cast %rem3A_159 : i32 to index
        %get3A_1135 = arith.index_cast %add3A_1133 : i32 to index
        %get3A_1136 = arith.constant 0 : index
        %get3A_1137 = tpu.vector_load %arg6[%get3A_1134, %get3A_1135, %get3A_1136] {strides = array<i32>} : memref<2x64x128xi32, #tpu.memory_space<vmem>>, vector<16xi32>,
        %shift_left3A_1138 = arith.constant 16 : i32
        %shift_left3A_1139 = vector.broadcast %shift_left3A_1138 : i32 to vector<16xi32>
        %shift_left3A_1140 = arith.shli %get3A_1137, %shift_left3A_1139 : vector<16xi32>
        %bitcast3A_1141 = vector.bitcast %shift_left3A_1140 : vector<16xi32> to vector<16xf32>
        %and3A_1142 = arith.andi %get3A_1137, %broadcast_in_dim3A_147 : vector<16xi32>
        %bitcast3A_1143 = vector.bitcast %and3A_1142 : vector<16xi32> to vector<16xf32>
        %add3A_1144 = arith.constant 9 : i32
        %add3A_1145 = arith.addi %mul3A_190, %add3A_1144 : i32
        %get3A_1146 = arith.index_cast %rem3A_159 : i32 to index
        %get3A_1147 = arith.index_cast %add3A_1145 : i32 to index
        %get3A_1148 = arith.constant 16 : index
        %get3A_1149 = tpu.vector_load %arg6[%get3A_1146, %get3A_1147, %get3A_1148] {strides = array<i32>} : memref<2x64x128xi32, #tpu.memory_space<vmem>>, vector<16xi32>,
        %shift_left3A_1150 = arith.constant 16 : i32
        %shift_left3A_1151 = vector.broadcast %shift_left3A_1150 : i32 to vector<16xi32>
        %shift_left3A_1152 = arith.shli %get3A_1149, %shift_left3A_1151 : vector<16xi32>
        %bitcast3A_1153 = vector.bitcast %shift_left3A_1152 : vector<16xi32> to vector<16xf32>
        %and3A_1154 = arith.andi %get3A_1149, %broadcast_in_dim3A_147 : vector<16xi32>
        %bitcast3A_1155 = vector.bitcast %and3A_1154 : vector<16xi32> to vector<16xf32>
        %add3A_1156 = arith.constant 9 : i32
        %add3A_1157 = arith.addi %mul3A_190, %add3A_1156 : i32
        %get3A_1158 = arith.index_cast %rem3A_159 : i32 to index
        %get3A_1159 = arith.index_cast %add3A_1157 : i32 to index
        %get3A_1160 = arith.constant 32 : index
        %get3A_1161 = tpu.vector_load %arg6[%get3A_1158, %get3A_1159, %get3A_1160] {strides = array<i32>} : memref<2x64x128xi32, #tpu.memory_space<vmem>>, vector<16xi32>,
        %shift_left3A_1162 = arith.constant 16 : i32
        %shift_left3A_1163 = vector.broadcast %shift_left3A_1162 : i32 to vector<16xi32>
        %shift_left3A_1164 = arith.shli %get3A_1161, %shift_left3A_1163 : vector<16xi32>
        %bitcast3A_1165 = vector.bitcast %shift_left3A_1164 : vector<16xi32> to vector<16xf32>
        %and3A_1166 = arith.andi %get3A_1161, %broadcast_in_dim3A_147 : vector<16xi32>
        %bitcast3A_1167 = vector.bitcast %and3A_1166 : vector<16xi32> to vector<16xf32>
        %add3A_1168 = arith.constant 9 : i32
        %add3A_1169 = arith.addi %mul3A_190, %add3A_1168 : i32
        %get3A_1170 = arith.index_cast %rem3A_159 : i32 to index
        %get3A_1171 = arith.index_cast %add3A_1169 : i32 to index
        %get3A_1172 = arith.constant 48 : index
        %get3A_1173 = tpu.vector_load %arg6[%get3A_1170, %get3A_1171, %get3A_1172] {strides = array<i32>} : memref<2x64x128xi32, #tpu.memory_space<vmem>>, vector<16xi32>,
        %shift_left3A_1174 = arith.constant 16 : i32
        %shift_left3A_1175 = vector.broadcast %shift_left3A_1174 : i32 to vector<16xi32>
        %shift_left3A_1176 = arith.shli %get3A_1173, %shift_left3A_1175 : vector<16xi32>
        %bitcast3A_1177 = vector.bitcast %shift_left3A_1176 : vector<16xi32> to vector<16xf32>
        %and3A_1178 = arith.andi %get3A_1173, %broadcast_in_dim3A_147 : vector<16xi32>
        %bitcast3A_1179 = vector.bitcast %and3A_1178 : vector<16xi32> to vector<16xf32>
        %add3A_1180 = arith.constant 9 : i32
        %add3A_1181 = arith.addi %mul3A_190, %add3A_1180 : i32
        %get3A_1182 = arith.index_cast %rem3A_159 : i32 to index
        %get3A_1183 = arith.index_cast %add3A_1181 : i32 to index
        %get3A_1184 = arith.constant 64 : index
        %get3A_1185 = tpu.vector_load %arg6[%get3A_1182, %get3A_1183, %get3A_1184] {strides = array<i32>} : memref<2x64x128xi32, #tpu.memory_space<vmem>>, vector<16xi32>,
        %shift_left3A_1186 = arith.constant 16 : i32
        %shift_left3A_1187 = vector.broadcast %shift_left3A_1186 : i32 to vector<16xi32>
        %shift_left3A_1188 = arith.shli %get3A_1185, %shift_left3A_1187 : vector<16xi32>
        %bitcast3A_1189 = vector.bitcast %shift_left3A_1188 : vector<16xi32> to vector<16xf32>
        %and3A_1190 = arith.andi %get3A_1185, %broadcast_in_dim3A_147 : vector<16xi32>
        %bitcast3A_1191 = vector.bitcast %and3A_1190 : vector<16xi32> to vector<16xf32>
        %add3A_1192 = arith.constant 9 : i32
        %add3A_1193 = arith.addi %mul3A_190, %add3A_1192 : i32
        %get3A_1194 = arith.index_cast %rem3A_159 : i32 to index
        %get3A_1195 = arith.index_cast %add3A_1193 : i32 to index
        %get3A_1196 = arith.constant 80 : index
        %get3A_1197 = tpu.vector_load %arg6[%get3A_1194, %get3A_1195, %get3A_1196] {strides = array<i32>} : memref<2x64x128xi32, #tpu.memory_space<vmem>>, vector<16xi32>,
        %shift_left3A_1198 = arith.constant 16 : i32
        %shift_left3A_1199 = vector.broadcast %shift_left3A_1198 : i32 to vector<16xi32>
        %shift_left3A_1200 = arith.shli %get3A_1197, %shift_left3A_1199 : vector<16xi32>
        %bitcast3A_1201 = vector.bitcast %shift_left3A_1200 : vector<16xi32> to vector<16xf32>
        %and3A_1202 = arith.andi %get3A_1197, %broadcast_in_dim3A_147 : vector<16xi32>
        %bitcast3A_1203 = vector.bitcast %and3A_1202 : vector<16xi32> to vector<16xf32>
        %add3A_1204 = arith.constant 9 : i32
        %add3A_1205 = arith.addi %mul3A_190, %add3A_1204 : i32
        %get3A_1206 = arith.index_cast %rem3A_159 : i32 to index
        %get3A_1207 = arith.index_cast %add3A_1205 : i32 to index
        %get3A_1208 = arith.constant 96 : index
        %get3A_1209 = tpu.vector_load %arg6[%get3A_1206, %get3A_1207, %get3A_1208] {strides = array<i32>} : memref<2x64x128xi32, #tpu.memory_space<vmem>>, vector<16xi32>,
        %shift_left3A_1210 = arith.constant 16 : i32
        %shift_left3A_1211 = vector.broadcast %shift_left3A_1210 : i32 to vector<16xi32>
        %shift_left3A_1212 = arith.shli %get3A_1209, %shift_left3A_1211 : vector<16xi32>
        %bitcast3A_1213 = vector.bitcast %shift_left3A_1212 : vector<16xi32> to vector<16xf32>
        %and3A_1214 = arith.andi %get3A_1209, %broadcast_in_dim3A_147 : vector<16xi32>
        %bitcast3A_1215 = vector.bitcast %and3A_1214 : vector<16xi32> to vector<16xf32>
        %add3A_1216 = arith.constant 9 : i32
        %add3A_1217 = arith.addi %mul3A_190, %add3A_1216 : i32
        %get3A_1218 = arith.index_cast %rem3A_159 : i32 to index
        %get3A_1219 = arith.index_cast %add3A_1217 : i32 to index
        %get3A_1220 = arith.constant 112 : index
        %get3A_1221 = tpu.vector_load %arg6[%get3A_1218, %get3A_1219, %get3A_1220] {strides = array<i32>} : memref<2x64x128xi32, #tpu.memory_space<vmem>>, vector<16xi32>,
        %shift_left3A_1222 = arith.constant 16 : i32
        %shift_left3A_1223 = vector.broadcast %shift_left3A_1222 : i32 to vector<16xi32>
        %shift_left3A_1224 = arith.shli %get3A_1221, %shift_left3A_1223 : vector<16xi32>
        %bitcast3A_1225 = vector.bitcast %shift_left3A_1224 : vector<16xi32> to vector<16xf32>
        %and3A_1226 = arith.andi %get3A_1221, %broadcast_in_dim3A_147 : vector<16xi32>
        %bitcast3A_1227 = vector.bitcast %and3A_1226 : vector<16xi32> to vector<16xf32>
        %slice3A_1228 = vector.extract_strided_slice %get3A_192 {offsets = [8], sizes = [1], strides = [1]} : vector<16xi32> to vector<1xi32>
        %squeeze3A_1229 = vector.extract %slice3A_1228[0] : i32 from vector<1xi32>
        %broadcast_in_dim3A_1230 = vector.broadcast %squeeze3A_1229 : i32 to vector<16xi32>
        %sub3A_1231 = vector.broadcast %mul3A_2 : i32 to vector<16xi32>
        %sub3A_1232 = arith.subi %broadcast_in_dim3A_1230, %sub3A_1231 : vector<16xi32>
        %ge3A_1233 = vector.broadcast %mul3A_2 : i32 to vector<16xi32>
        %ge3A_1234 = arith.cmpi sge, %broadcast_in_dim3A_1230, %ge3A_1233 : vector<16xi32>
        %lt3A_1235 = vector.broadcast %add3A_4 : i32 to vector<16xi32>
        %lt3A_1236 = arith.cmpi slt, %broadcast_in_dim3A_1230, %lt3A_1235 : vector<16xi32>
        %and3A_1237 = arith.andi %ge3A_1234, %lt3A_1236 : vector<16xi1>
        tpu.vector_store_idx %arg7[%sub3A_1232, %add3A_76], %bitcast3A_1035 masked %and3A_1237 {add = true} : memref<16x256xf32, #tpu.memory_space<vmem>>[vector<16xi32>, vector<16xi32>], vector<16xf32>, vector<16xi1>
        tpu.vector_store_idx %arg7[%sub3A_1232, %add3A_82], %bitcast3A_1037 masked %and3A_1237 {add = true} : memref<16x256xf32, #tpu.memory_space<vmem>>[vector<16xi32>, vector<16xi32>], vector<16xf32>, vector<16xi1>
        tpu.vector_store_idx %arg7[%sub3A_1232, %add3A_85], %bitcast3A_1047 masked %and3A_1237 {add = true} : memref<16x256xf32, #tpu.memory_space<vmem>>[vector<16xi32>, vector<16xi32>], vector<16xf32>, vector<16xi1>
        tpu.vector_store_idx %arg7[%sub3A_1232, %add3A_91], %bitcast3A_1049 masked %and3A_1237 {add = true} : memref<16x256xf32, #tpu.memory_space<vmem>>[vector<16xi32>, vector<16xi32>], vector<16xf32>, vector<16xi1>
        tpu.vector_store_idx %arg7[%sub3A_1232, %add3A_94], %bitcast3A_1059 masked %and3A_1237 {add = true} : memref<16x256xf32, #tpu.memory_space<vmem>>[vector<16xi32>, vector<16xi32>], vector<16xf32>, vector<16xi1>
        tpu.vector_store_idx %arg7[%sub3A_1232, %add3A_100], %bitcast3A_1061 masked %and3A_1237 {add = true} : memref<16x256xf32, #tpu.memory_space<vmem>>[vector<16xi32>, vector<16xi32>], vector<16xf32>, vector<16xi1>
        tpu.vector_store_idx %arg7[%sub3A_1232, %add3A_103], %bitcast3A_1071 masked %and3A_1237 {add = true} : memref<16x256xf32, #tpu.memory_space<vmem>>[vector<16xi32>, vector<16xi32>], vector<16xf32>, vector<16xi1>
        tpu.vector_store_idx %arg7[%sub3A_1232, %add3A_109], %bitcast3A_1073 masked %and3A_1237 {add = true} : memref<16x256xf32, #tpu.memory_space<vmem>>[vector<16xi32>, vector<16xi32>], vector<16xf32>, vector<16xi1>
        tpu.vector_store_idx %arg7[%sub3A_1232, %add3A_112], %bitcast3A_1083 masked %and3A_1237 {add = true} : memref<16x256xf32, #tpu.memory_space<vmem>>[vector<16xi32>, vector<16xi32>], vector<16xf32>, vector<16xi1>
        tpu.vector_store_idx %arg7[%sub3A_1232, %add3A_118], %bitcast3A_1085 masked %and3A_1237 {add = true} : memref<16x256xf32, #tpu.memory_space<vmem>>[vector<16xi32>, vector<16xi32>], vector<16xf32>, vector<16xi1>
        tpu.vector_store_idx %arg7[%sub3A_1232, %add3A_121], %bitcast3A_1095 masked %and3A_1237 {add = true} : memref<16x256xf32, #tpu.memory_space<vmem>>[vector<16xi32>, vector<16xi32>], vector<16xf32>, vector<16xi1>
        tpu.vector_store_idx %arg7[%sub3A_1232, %add3A_127], %bitcast3A_1097 masked %and3A_1237 {add = true} : memref<16x256xf32, #tpu.memory_space<vmem>>[vector<16xi32>, vector<16xi32>], vector<16xf32>, vector<16xi1>
        tpu.vector_store_idx %arg7[%sub3A_1232, %add3A_130], %bitcast3A_1107 masked %and3A_1237 {add = true} : memref<16x256xf32, #tpu.memory_space<vmem>>[vector<16xi32>, vector<16xi32>], vector<16xf32>, vector<16xi1>
        tpu.vector_store_idx %arg7[%sub3A_1232, %add3A_136], %bitcast3A_1109 masked %and3A_1237 {add = true} : memref<16x256xf32, #tpu.memory_space<vmem>>[vector<16xi32>, vector<16xi32>], vector<16xf32>, vector<16xi1>
        tpu.vector_store_idx %arg7[%sub3A_1232, %add3A_139], %bitcast3A_1119 masked %and3A_1237 {add = true} : memref<16x256xf32, #tpu.memory_space<vmem>>[vector<16xi32>, vector<16xi32>], vector<16xf32>, vector<16xi1>
        tpu.vector_store_idx %arg7[%sub3A_1232, %add3A_145], %bitcast3A_1121 masked %and3A_1237 {add = true} : memref<16x256xf32, #tpu.memory_space<vmem>>[vector<16xi32>, vector<16xi32>], vector<16xf32>, vector<16xi1>
        %add3A_1238 = arith.constant 10 : i32
        %add3A_1239 = arith.addi %mul3A_190, %add3A_1238 : i32
        %get3A_1240 = arith.index_cast %rem3A_159 : i32 to index
        %get3A_1241 = arith.index_cast %add3A_1239 : i32 to index
        %get3A_1242 = arith.constant 0 : index
        %get3A_1243 = tpu.vector_load %arg6[%get3A_1240, %get3A_1241, %get3A_1242] {strides = array<i32>} : memref<2x64x128xi32, #tpu.memory_space<vmem>>, vector<16xi32>,
        %shift_left3A_1244 = arith.constant 16 : i32
        %shift_left3A_1245 = vector.broadcast %shift_left3A_1244 : i32 to vector<16xi32>
        %shift_left3A_1246 = arith.shli %get3A_1243, %shift_left3A_1245 : vector<16xi32>
        %bitcast3A_1247 = vector.bitcast %shift_left3A_1246 : vector<16xi32> to vector<16xf32>
        %and3A_1248 = arith.andi %get3A_1243, %broadcast_in_dim3A_147 : vector<16xi32>
        %bitcast3A_1249 = vector.bitcast %and3A_1248 : vector<16xi32> to vector<16xf32>
        %add3A_1250 = arith.constant 10 : i32
        %add3A_1251 = arith.addi %mul3A_190, %add3A_1250 : i32
        %get3A_1252 = arith.index_cast %rem3A_159 : i32 to index
        %get3A_1253 = arith.index_cast %add3A_1251 : i32 to index
        %get3A_1254 = arith.constant 16 : index
        %get3A_1255 = tpu.vector_load %arg6[%get3A_1252, %get3A_1253, %get3A_1254] {strides = array<i32>} : memref<2x64x128xi32, #tpu.memory_space<vmem>>, vector<16xi32>,
        %shift_left3A_1256 = arith.constant 16 : i32
        %shift_left3A_1257 = vector.broadcast %shift_left3A_1256 : i32 to vector<16xi32>
        %shift_left3A_1258 = arith.shli %get3A_1255, %shift_left3A_1257 : vector<16xi32>
        %bitcast3A_1259 = vector.bitcast %shift_left3A_1258 : vector<16xi32> to vector<16xf32>
        %and3A_1260 = arith.andi %get3A_1255, %broadcast_in_dim3A_147 : vector<16xi32>
        %bitcast3A_1261 = vector.bitcast %and3A_1260 : vector<16xi32> to vector<16xf32>
        %add3A_1262 = arith.constant 10 : i32
        %add3A_1263 = arith.addi %mul3A_190, %add3A_1262 : i32
        %get3A_1264 = arith.index_cast %rem3A_159 : i32 to index
        %get3A_1265 = arith.index_cast %add3A_1263 : i32 to index
        %get3A_1266 = arith.constant 32 : index
        %get3A_1267 = tpu.vector_load %arg6[%get3A_1264, %get3A_1265, %get3A_1266] {strides = array<i32>} : memref<2x64x128xi32, #tpu.memory_space<vmem>>, vector<16xi32>,
        %shift_left3A_1268 = arith.constant 16 : i32
        %shift_left3A_1269 = vector.broadcast %shift_left3A_1268 : i32 to vector<16xi32>
        %shift_left3A_1270 = arith.shli %get3A_1267, %shift_left3A_1269 : vector<16xi32>
        %bitcast3A_1271 = vector.bitcast %shift_left3A_1270 : vector<16xi32> to vector<16xf32>
        %and3A_1272 = arith.andi %get3A_1267, %broadcast_in_dim3A_147 : vector<16xi32>
        %bitcast3A_1273 = vector.bitcast %and3A_1272 : vector<16xi32> to vector<16xf32>
        %add3A_1274 = arith.constant 10 : i32
        %add3A_1275 = arith.addi %mul3A_190, %add3A_1274 : i32
        %get3A_1276 = arith.index_cast %rem3A_159 : i32 to index
        %get3A_1277 = arith.index_cast %add3A_1275 : i32 to index
        %get3A_1278 = arith.constant 48 : index
        %get3A_1279 = tpu.vector_load %arg6[%get3A_1276, %get3A_1277, %get3A_1278] {strides = array<i32>} : memref<2x64x128xi32, #tpu.memory_space<vmem>>, vector<16xi32>,
        %shift_left3A_1280 = arith.constant 16 : i32
        %shift_left3A_1281 = vector.broadcast %shift_left3A_1280 : i32 to vector<16xi32>
        %shift_left3A_1282 = arith.shli %get3A_1279, %shift_left3A_1281 : vector<16xi32>
        %bitcast3A_1283 = vector.bitcast %shift_left3A_1282 : vector<16xi32> to vector<16xf32>
        %and3A_1284 = arith.andi %get3A_1279, %broadcast_in_dim3A_147 : vector<16xi32>
        %bitcast3A_1285 = vector.bitcast %and3A_1284 : vector<16xi32> to vector<16xf32>
        %add3A_1286 = arith.constant 10 : i32
        %add3A_1287 = arith.addi %mul3A_190, %add3A_1286 : i32
        %get3A_1288 = arith.index_cast %rem3A_159 : i32 to index
        %get3A_1289 = arith.index_cast %add3A_1287 : i32 to index
        %get3A_1290 = arith.constant 64 : index
        %get3A_1291 = tpu.vector_load %arg6[%get3A_1288, %get3A_1289, %get3A_1290] {strides = array<i32>} : memref<2x64x128xi32, #tpu.memory_space<vmem>>, vector<16xi32>,
        %shift_left3A_1292 = arith.constant 16 : i32
        %shift_left3A_1293 = vector.broadcast %shift_left3A_1292 : i32 to vector<16xi32>
        %shift_left3A_1294 = arith.shli %get3A_1291, %shift_left3A_1293 : vector<16xi32>
        %bitcast3A_1295 = vector.bitcast %shift_left3A_1294 : vector<16xi32> to vector<16xf32>
        %and3A_1296 = arith.andi %get3A_1291, %broadcast_in_dim3A_147 : vector<16xi32>
        %bitcast3A_1297 = vector.bitcast %and3A_1296 : vector<16xi32> to vector<16xf32>
        %add3A_1298 = arith.constant 10 : i32
        %add3A_1299 = arith.addi %mul3A_190, %add3A_1298 : i32
        %get3A_1300 = arith.index_cast %rem3A_159 : i32 to index
        %get3A_1301 = arith.index_cast %add3A_1299 : i32 to index
        %get3A_1302 = arith.constant 80 : index
        %get3A_1303 = tpu.vector_load %arg6[%get3A_1300, %get3A_1301, %get3A_1302] {strides = array<i32>} : memref<2x64x128xi32, #tpu.memory_space<vmem>>, vector<16xi32>,
        %shift_left3A_1304 = arith.constant 16 : i32
        %shift_left3A_1305 = vector.broadcast %shift_left3A_1304 : i32 to vector<16xi32>
        %shift_left3A_1306 = arith.shli %get3A_1303, %shift_left3A_1305 : vector<16xi32>
        %bitcast3A_1307 = vector.bitcast %shift_left3A_1306 : vector<16xi32> to vector<16xf32>
        %and3A_1308 = arith.andi %get3A_1303, %broadcast_in_dim3A_147 : vector<16xi32>
        %bitcast3A_1309 = vector.bitcast %and3A_1308 : vector<16xi32> to vector<16xf32>
        %add3A_1310 = arith.constant 10 : i32
        %add3A_1311 = arith.addi %mul3A_190, %add3A_1310 : i32
        %get3A_1312 = arith.index_cast %rem3A_159 : i32 to index
        %get3A_1313 = arith.index_cast %add3A_1311 : i32 to index
        %get3A_1314 = arith.constant 96 : index
        %get3A_1315 = tpu.vector_load %arg6[%get3A_1312, %get3A_1313, %get3A_1314] {strides = array<i32>} : memref<2x64x128xi32, #tpu.memory_space<vmem>>, vector<16xi32>,
        %shift_left3A_1316 = arith.constant 16 : i32
        %shift_left3A_1317 = vector.broadcast %shift_left3A_1316 : i32 to vector<16xi32>
        %shift_left3A_1318 = arith.shli %get3A_1315, %shift_left3A_1317 : vector<16xi32>
        %bitcast3A_1319 = vector.bitcast %shift_left3A_1318 : vector<16xi32> to vector<16xf32>
        %and3A_1320 = arith.andi %get3A_1315, %broadcast_in_dim3A_147 : vector<16xi32>
        %bitcast3A_1321 = vector.bitcast %and3A_1320 : vector<16xi32> to vector<16xf32>
        %add3A_1322 = arith.constant 10 : i32
        %add3A_1323 = arith.addi %mul3A_190, %add3A_1322 : i32
        %get3A_1324 = arith.index_cast %rem3A_159 : i32 to index
        %get3A_1325 = arith.index_cast %add3A_1323 : i32 to index
        %get3A_1326 = arith.constant 112 : index
        %get3A_1327 = tpu.vector_load %arg6[%get3A_1324, %get3A_1325, %get3A_1326] {strides = array<i32>} : memref<2x64x128xi32, #tpu.memory_space<vmem>>, vector<16xi32>,
        %shift_left3A_1328 = arith.constant 16 : i32
        %shift_left3A_1329 = vector.broadcast %shift_left3A_1328 : i32 to vector<16xi32>
        %shift_left3A_1330 = arith.shli %get3A_1327, %shift_left3A_1329 : vector<16xi32>
        %bitcast3A_1331 = vector.bitcast %shift_left3A_1330 : vector<16xi32> to vector<16xf32>
        %and3A_1332 = arith.andi %get3A_1327, %broadcast_in_dim3A_147 : vector<16xi32>
        %bitcast3A_1333 = vector.bitcast %and3A_1332 : vector<16xi32> to vector<16xf32>
        %slice3A_1334 = vector.extract_strided_slice %get3A_192 {offsets = [9], sizes = [1], strides = [1]} : vector<16xi32> to vector<1xi32>
        %squeeze3A_1335 = vector.extract %slice3A_1334[0] : i32 from vector<1xi32>
        %broadcast_in_dim3A_1336 = vector.broadcast %squeeze3A_1335 : i32 to vector<16xi32>
        %sub3A_1337 = vector.broadcast %mul3A_2 : i32 to vector<16xi32>
        %sub3A_1338 = arith.subi %broadcast_in_dim3A_1336, %sub3A_1337 : vector<16xi32>
        %ge3A_1339 = vector.broadcast %mul3A_2 : i32 to vector<16xi32>
        %ge3A_1340 = arith.cmpi sge, %broadcast_in_dim3A_1336, %ge3A_1339 : vector<16xi32>
        %lt3A_1341 = vector.broadcast %add3A_4 : i32 to vector<16xi32>
        %lt3A_1342 = arith.cmpi slt, %broadcast_in_dim3A_1336, %lt3A_1341 : vector<16xi32>
        %and3A_1343 = arith.andi %ge3A_1340, %lt3A_1342 : vector<16xi1>
        tpu.vector_store_idx %arg7[%sub3A_1338, %add3A_76], %bitcast3A_1141 masked %and3A_1343 {add = true} : memref<16x256xf32, #tpu.memory_space<vmem>>[vector<16xi32>, vector<16xi32>], vector<16xf32>, vector<16xi1>
        tpu.vector_store_idx %arg7[%sub3A_1338, %add3A_82], %bitcast3A_1143 masked %and3A_1343 {add = true} : memref<16x256xf32, #tpu.memory_space<vmem>>[vector<16xi32>, vector<16xi32>], vector<16xf32>, vector<16xi1>
        tpu.vector_store_idx %arg7[%sub3A_1338, %add3A_85], %bitcast3A_1153 masked %and3A_1343 {add = true} : memref<16x256xf32, #tpu.memory_space<vmem>>[vector<16xi32>, vector<16xi32>], vector<16xf32>, vector<16xi1>
        tpu.vector_store_idx %arg7[%sub3A_1338, %add3A_91], %bitcast3A_1155 masked %and3A_1343 {add = true} : memref<16x256xf32, #tpu.memory_space<vmem>>[vector<16xi32>, vector<16xi32>], vector<16xf32>, vector<16xi1>
        tpu.vector_store_idx %arg7[%sub3A_1338, %add3A_94], %bitcast3A_1165 masked %and3A_1343 {add = true} : memref<16x256xf32, #tpu.memory_space<vmem>>[vector<16xi32>, vector<16xi32>], vector<16xf32>, vector<16xi1>
        tpu.vector_store_idx %arg7[%sub3A_1338, %add3A_100], %bitcast3A_1167 masked %and3A_1343 {add = true} : memref<16x256xf32, #tpu.memory_space<vmem>>[vector<16xi32>, vector<16xi32>], vector<16xf32>, vector<16xi1>
        tpu.vector_store_idx %arg7[%sub3A_1338, %add3A_103], %bitcast3A_1177 masked %and3A_1343 {add = true} : memref<16x256xf32, #tpu.memory_space<vmem>>[vector<16xi32>, vector<16xi32>], vector<16xf32>, vector<16xi1>
        tpu.vector_store_idx %arg7[%sub3A_1338, %add3A_109], %bitcast3A_1179 masked %and3A_1343 {add = true} : memref<16x256xf32, #tpu.memory_space<vmem>>[vector<16xi32>, vector<16xi32>], vector<16xf32>, vector<16xi1>
        tpu.vector_store_idx %arg7[%sub3A_1338, %add3A_112], %bitcast3A_1189 masked %and3A_1343 {add = true} : memref<16x256xf32, #tpu.memory_space<vmem>>[vector<16xi32>, vector<16xi32>], vector<16xf32>, vector<16xi1>
        tpu.vector_store_idx %arg7[%sub3A_1338, %add3A_118], %bitcast3A_1191 masked %and3A_1343 {add = true} : memref<16x256xf32, #tpu.memory_space<vmem>>[vector<16xi32>, vector<16xi32>], vector<16xf32>, vector<16xi1>
        tpu.vector_store_idx %arg7[%sub3A_1338, %add3A_121], %bitcast3A_1201 masked %and3A_1343 {add = true} : memref<16x256xf32, #tpu.memory_space<vmem>>[vector<16xi32>, vector<16xi32>], vector<16xf32>, vector<16xi1>
        tpu.vector_store_idx %arg7[%sub3A_1338, %add3A_127], %bitcast3A_1203 masked %and3A_1343 {add = true} : memref<16x256xf32, #tpu.memory_space<vmem>>[vector<16xi32>, vector<16xi32>], vector<16xf32>, vector<16xi1>
        tpu.vector_store_idx %arg7[%sub3A_1338, %add3A_130], %bitcast3A_1213 masked %and3A_1343 {add = true} : memref<16x256xf32, #tpu.memory_space<vmem>>[vector<16xi32>, vector<16xi32>], vector<16xf32>, vector<16xi1>
        tpu.vector_store_idx %arg7[%sub3A_1338, %add3A_136], %bitcast3A_1215 masked %and3A_1343 {add = true} : memref<16x256xf32, #tpu.memory_space<vmem>>[vector<16xi32>, vector<16xi32>], vector<16xf32>, vector<16xi1>
        tpu.vector_store_idx %arg7[%sub3A_1338, %add3A_139], %bitcast3A_1225 masked %and3A_1343 {add = true} : memref<16x256xf32, #tpu.memory_space<vmem>>[vector<16xi32>, vector<16xi32>], vector<16xf32>, vector<16xi1>
        tpu.vector_store_idx %arg7[%sub3A_1338, %add3A_145], %bitcast3A_1227 masked %and3A_1343 {add = true} : memref<16x256xf32, #tpu.memory_space<vmem>>[vector<16xi32>, vector<16xi32>], vector<16xf32>, vector<16xi1>
        %add3A_1344 = arith.constant 11 : i32
        %add3A_1345 = arith.addi %mul3A_190, %add3A_1344 : i32
        %get3A_1346 = arith.index_cast %rem3A_159 : i32 to index
        %get3A_1347 = arith.index_cast %add3A_1345 : i32 to index
        %get3A_1348 = arith.constant 0 : index
        %get3A_1349 = tpu.vector_load %arg6[%get3A_1346, %get3A_1347, %get3A_1348] {strides = array<i32>} : memref<2x64x128xi32, #tpu.memory_space<vmem>>, vector<16xi32>,
        %shift_left3A_1350 = arith.constant 16 : i32
        %shift_left3A_1351 = vector.broadcast %shift_left3A_1350 : i32 to vector<16xi32>
        %shift_left3A_1352 = arith.shli %get3A_1349, %shift_left3A_1351 : vector<16xi32>
        %bitcast3A_1353 = vector.bitcast %shift_left3A_1352 : vector<16xi32> to vector<16xf32>
        %and3A_1354 = arith.andi %get3A_1349, %broadcast_in_dim3A_147 : vector<16xi32>
        %bitcast3A_1355 = vector.bitcast %and3A_1354 : vector<16xi32> to vector<16xf32>
        %add3A_1356 = arith.constant 11 : i32
        %add3A_1357 = arith.addi %mul3A_190, %add3A_1356 : i32
        %get3A_1358 = arith.index_cast %rem3A_159 : i32 to index
        %get3A_1359 = arith.index_cast %add3A_1357 : i32 to index
        %get3A_1360 = arith.constant 16 : index
        %get3A_1361 = tpu.vector_load %arg6[%get3A_1358, %get3A_1359, %get3A_1360] {strides = array<i32>} : memref<2x64x128xi32, #tpu.memory_space<vmem>>, vector<16xi32>,
        %shift_left3A_1362 = arith.constant 16 : i32
        %shift_left3A_1363 = vector.broadcast %shift_left3A_1362 : i32 to vector<16xi32>
        %shift_left3A_1364 = arith.shli %get3A_1361, %shift_left3A_1363 : vector<16xi32>
        %bitcast3A_1365 = vector.bitcast %shift_left3A_1364 : vector<16xi32> to vector<16xf32>
        %and3A_1366 = arith.andi %get3A_1361, %broadcast_in_dim3A_147 : vector<16xi32>
        %bitcast3A_1367 = vector.bitcast %and3A_1366 : vector<16xi32> to vector<16xf32>
        %add3A_1368 = arith.constant 11 : i32
        %add3A_1369 = arith.addi %mul3A_190, %add3A_1368 : i32
        %get3A_1370 = arith.index_cast %rem3A_159 : i32 to index
        %get3A_1371 = arith.index_cast %add3A_1369 : i32 to index
        %get3A_1372 = arith.constant 32 : index
        %get3A_1373 = tpu.vector_load %arg6[%get3A_1370, %get3A_1371, %get3A_1372] {strides = array<i32>} : memref<2x64x128xi32, #tpu.memory_space<vmem>>, vector<16xi32>,
        %shift_left3A_1374 = arith.constant 16 : i32
        %shift_left3A_1375 = vector.broadcast %shift_left3A_1374 : i32 to vector<16xi32>
        %shift_left3A_1376 = arith.shli %get3A_1373, %shift_left3A_1375 : vector<16xi32>
        %bitcast3A_1377 = vector.bitcast %shift_left3A_1376 : vector<16xi32> to vector<16xf32>
        %and3A_1378 = arith.andi %get3A_1373, %broadcast_in_dim3A_147 : vector<16xi32>
        %bitcast3A_1379 = vector.bitcast %and3A_1378 : vector<16xi32> to vector<16xf32>
        %add3A_1380 = arith.constant 11 : i32
        %add3A_1381 = arith.addi %mul3A_190, %add3A_1380 : i32
        %get3A_1382 = arith.index_cast %rem3A_159 : i32 to index
        %get3A_1383 = arith.index_cast %add3A_1381 : i32 to index
        %get3A_1384 = arith.constant 48 : index
        %get3A_1385 = tpu.vector_load %arg6[%get3A_1382, %get3A_1383, %get3A_1384] {strides = array<i32>} : memref<2x64x128xi32, #tpu.memory_space<vmem>>, vector<16xi32>,
        %shift_left3A_1386 = arith.constant 16 : i32
        %shift_left3A_1387 = vector.broadcast %shift_left3A_1386 : i32 to vector<16xi32>
        %shift_left3A_1388 = arith.shli %get3A_1385, %shift_left3A_1387 : vector<16xi32>
        %bitcast3A_1389 = vector.bitcast %shift_left3A_1388 : vector<16xi32> to vector<16xf32>
        %and3A_1390 = arith.andi %get3A_1385, %broadcast_in_dim3A_147 : vector<16xi32>
        %bitcast3A_1391 = vector.bitcast %and3A_1390 : vector<16xi32> to vector<16xf32>
        %add3A_1392 = arith.constant 11 : i32
        %add3A_1393 = arith.addi %mul3A_190, %add3A_1392 : i32
        %get3A_1394 = arith.index_cast %rem3A_159 : i32 to index
        %get3A_1395 = arith.index_cast %add3A_1393 : i32 to index
        %get3A_1396 = arith.constant 64 : index
        %get3A_1397 = tpu.vector_load %arg6[%get3A_1394, %get3A_1395, %get3A_1396] {strides = array<i32>} : memref<2x64x128xi32, #tpu.memory_space<vmem>>, vector<16xi32>,
        %shift_left3A_1398 = arith.constant 16 : i32
        %shift_left3A_1399 = vector.broadcast %shift_left3A_1398 : i32 to vector<16xi32>
        %shift_left3A_1400 = arith.shli %get3A_1397, %shift_left3A_1399 : vector<16xi32>
        %bitcast3A_1401 = vector.bitcast %shift_left3A_1400 : vector<16xi32> to vector<16xf32>
        %and3A_1402 = arith.andi %get3A_1397, %broadcast_in_dim3A_147 : vector<16xi32>
        %bitcast3A_1403 = vector.bitcast %and3A_1402 : vector<16xi32> to vector<16xf32>
        %add3A_1404 = arith.constant 11 : i32
        %add3A_1405 = arith.addi %mul3A_190, %add3A_1404 : i32
        %get3A_1406 = arith.index_cast %rem3A_159 : i32 to index
        %get3A_1407 = arith.index_cast %add3A_1405 : i32 to index
        %get3A_1408 = arith.constant 80 : index
        %get3A_1409 = tpu.vector_load %arg6[%get3A_1406, %get3A_1407, %get3A_1408] {strides = array<i32>} : memref<2x64x128xi32, #tpu.memory_space<vmem>>, vector<16xi32>,
        %shift_left3A_1410 = arith.constant 16 : i32
        %shift_left3A_1411 = vector.broadcast %shift_left3A_1410 : i32 to vector<16xi32>
        %shift_left3A_1412 = arith.shli %get3A_1409, %shift_left3A_1411 : vector<16xi32>
        %bitcast3A_1413 = vector.bitcast %shift_left3A_1412 : vector<16xi32> to vector<16xf32>
        %and3A_1414 = arith.andi %get3A_1409, %broadcast_in_dim3A_147 : vector<16xi32>
        %bitcast3A_1415 = vector.bitcast %and3A_1414 : vector<16xi32> to vector<16xf32>
        %add3A_1416 = arith.constant 11 : i32
        %add3A_1417 = arith.addi %mul3A_190, %add3A_1416 : i32
        %get3A_1418 = arith.index_cast %rem3A_159 : i32 to index
        %get3A_1419 = arith.index_cast %add3A_1417 : i32 to index
        %get3A_1420 = arith.constant 96 : index
        %get3A_1421 = tpu.vector_load %arg6[%get3A_1418, %get3A_1419, %get3A_1420] {strides = array<i32>} : memref<2x64x128xi32, #tpu.memory_space<vmem>>, vector<16xi32>,
        %shift_left3A_1422 = arith.constant 16 : i32
        %shift_left3A_1423 = vector.broadcast %shift_left3A_1422 : i32 to vector<16xi32>
        %shift_left3A_1424 = arith.shli %get3A_1421, %shift_left3A_1423 : vector<16xi32>
        %bitcast3A_1425 = vector.bitcast %shift_left3A_1424 : vector<16xi32> to vector<16xf32>
        %and3A_1426 = arith.andi %get3A_1421, %broadcast_in_dim3A_147 : vector<16xi32>
        %bitcast3A_1427 = vector.bitcast %and3A_1426 : vector<16xi32> to vector<16xf32>
        %add3A_1428 = arith.constant 11 : i32
        %add3A_1429 = arith.addi %mul3A_190, %add3A_1428 : i32
        %get3A_1430 = arith.index_cast %rem3A_159 : i32 to index
        %get3A_1431 = arith.index_cast %add3A_1429 : i32 to index
        %get3A_1432 = arith.constant 112 : index
        %get3A_1433 = tpu.vector_load %arg6[%get3A_1430, %get3A_1431, %get3A_1432] {strides = array<i32>} : memref<2x64x128xi32, #tpu.memory_space<vmem>>, vector<16xi32>,
        %shift_left3A_1434 = arith.constant 16 : i32
        %shift_left3A_1435 = vector.broadcast %shift_left3A_1434 : i32 to vector<16xi32>
        %shift_left3A_1436 = arith.shli %get3A_1433, %shift_left3A_1435 : vector<16xi32>
        %bitcast3A_1437 = vector.bitcast %shift_left3A_1436 : vector<16xi32> to vector<16xf32>
        %and3A_1438 = arith.andi %get3A_1433, %broadcast_in_dim3A_147 : vector<16xi32>
        %bitcast3A_1439 = vector.bitcast %and3A_1438 : vector<16xi32> to vector<16xf32>
        %slice3A_1440 = vector.extract_strided_slice %get3A_192 {offsets = [10], sizes = [1], strides = [1]} : vector<16xi32> to vector<1xi32>
        %squeeze3A_1441 = vector.extract %slice3A_1440[0] : i32 from vector<1xi32>
        %broadcast_in_dim3A_1442 = vector.broadcast %squeeze3A_1441 : i32 to vector<16xi32>
        %sub3A_1443 = vector.broadcast %mul3A_2 : i32 to vector<16xi32>
        %sub3A_1444 = arith.subi %broadcast_in_dim3A_1442, %sub3A_1443 : vector<16xi32>
        %ge3A_1445 = vector.broadcast %mul3A_2 : i32 to vector<16xi32>
        %ge3A_1446 = arith.cmpi sge, %broadcast_in_dim3A_1442, %ge3A_1445 : vector<16xi32>
        %lt3A_1447 = vector.broadcast %add3A_4 : i32 to vector<16xi32>
        %lt3A_1448 = arith.cmpi slt, %broadcast_in_dim3A_1442, %lt3A_1447 : vector<16xi32>
        %and3A_1449 = arith.andi %ge3A_1446, %lt3A_1448 : vector<16xi1>
        tpu.vector_store_idx %arg7[%sub3A_1444, %add3A_76], %bitcast3A_1247 masked %and3A_1449 {add = true} : memref<16x256xf32, #tpu.memory_space<vmem>>[vector<16xi32>, vector<16xi32>], vector<16xf32>, vector<16xi1>
        tpu.vector_store_idx %arg7[%sub3A_1444, %add3A_82], %bitcast3A_1249 masked %and3A_1449 {add = true} : memref<16x256xf32, #tpu.memory_space<vmem>>[vector<16xi32>, vector<16xi32>], vector<16xf32>, vector<16xi1>
        tpu.vector_store_idx %arg7[%sub3A_1444, %add3A_85], %bitcast3A_1259 masked %and3A_1449 {add = true} : memref<16x256xf32, #tpu.memory_space<vmem>>[vector<16xi32>, vector<16xi32>], vector<16xf32>, vector<16xi1>
        tpu.vector_store_idx %arg7[%sub3A_1444, %add3A_91], %bitcast3A_1261 masked %and3A_1449 {add = true} : memref<16x256xf32, #tpu.memory_space<vmem>>[vector<16xi32>, vector<16xi32>], vector<16xf32>, vector<16xi1>
        tpu.vector_store_idx %arg7[%sub3A_1444, %add3A_94], %bitcast3A_1271 masked %and3A_1449 {add = true} : memref<16x256xf32, #tpu.memory_space<vmem>>[vector<16xi32>, vector<16xi32>], vector<16xf32>, vector<16xi1>
        tpu.vector_store_idx %arg7[%sub3A_1444, %add3A_100], %bitcast3A_1273 masked %and3A_1449 {add = true} : memref<16x256xf32, #tpu.memory_space<vmem>>[vector<16xi32>, vector<16xi32>], vector<16xf32>, vector<16xi1>
        tpu.vector_store_idx %arg7[%sub3A_1444, %add3A_103], %bitcast3A_1283 masked %and3A_1449 {add = true} : memref<16x256xf32, #tpu.memory_space<vmem>>[vector<16xi32>, vector<16xi32>], vector<16xf32>, vector<16xi1>
        tpu.vector_store_idx %arg7[%sub3A_1444, %add3A_109], %bitcast3A_1285 masked %and3A_1449 {add = true} : memref<16x256xf32, #tpu.memory_space<vmem>>[vector<16xi32>, vector<16xi32>], vector<16xf32>, vector<16xi1>
        tpu.vector_store_idx %arg7[%sub3A_1444, %add3A_112], %bitcast3A_1295 masked %and3A_1449 {add = true} : memref<16x256xf32, #tpu.memory_space<vmem>>[vector<16xi32>, vector<16xi32>], vector<16xf32>, vector<16xi1>
        tpu.vector_store_idx %arg7[%sub3A_1444, %add3A_118], %bitcast3A_1297 masked %and3A_1449 {add = true} : memref<16x256xf32, #tpu.memory_space<vmem>>[vector<16xi32>, vector<16xi32>], vector<16xf32>, vector<16xi1>
        tpu.vector_store_idx %arg7[%sub3A_1444, %add3A_121], %bitcast3A_1307 masked %and3A_1449 {add = true} : memref<16x256xf32, #tpu.memory_space<vmem>>[vector<16xi32>, vector<16xi32>], vector<16xf32>, vector<16xi1>
        tpu.vector_store_idx %arg7[%sub3A_1444, %add3A_127], %bitcast3A_1309 masked %and3A_1449 {add = true} : memref<16x256xf32, #tpu.memory_space<vmem>>[vector<16xi32>, vector<16xi32>], vector<16xf32>, vector<16xi1>
        tpu.vector_store_idx %arg7[%sub3A_1444, %add3A_130], %bitcast3A_1319 masked %and3A_1449 {add = true} : memref<16x256xf32, #tpu.memory_space<vmem>>[vector<16xi32>, vector<16xi32>], vector<16xf32>, vector<16xi1>
        tpu.vector_store_idx %arg7[%sub3A_1444, %add3A_136], %bitcast3A_1321 masked %and3A_1449 {add = true} : memref<16x256xf32, #tpu.memory_space<vmem>>[vector<16xi32>, vector<16xi32>], vector<16xf32>, vector<16xi1>
        tpu.vector_store_idx %arg7[%sub3A_1444, %add3A_139], %bitcast3A_1331 masked %and3A_1449 {add = true} : memref<16x256xf32, #tpu.memory_space<vmem>>[vector<16xi32>, vector<16xi32>], vector<16xf32>, vector<16xi1>
        tpu.vector_store_idx %arg7[%sub3A_1444, %add3A_145], %bitcast3A_1333 masked %and3A_1449 {add = true} : memref<16x256xf32, #tpu.memory_space<vmem>>[vector<16xi32>, vector<16xi32>], vector<16xf32>, vector<16xi1>
        %add3A_1450 = arith.constant 12 : i32
        %add3A_1451 = arith.addi %mul3A_190, %add3A_1450 : i32
        %get3A_1452 = arith.index_cast %rem3A_159 : i32 to index
        %get3A_1453 = arith.index_cast %add3A_1451 : i32 to index
        %get3A_1454 = arith.constant 0 : index
        %get3A_1455 = tpu.vector_load %arg6[%get3A_1452, %get3A_1453, %get3A_1454] {strides = array<i32>} : memref<2x64x128xi32, #tpu.memory_space<vmem>>, vector<16xi32>,
        %shift_left3A_1456 = arith.constant 16 : i32
        %shift_left3A_1457 = vector.broadcast %shift_left3A_1456 : i32 to vector<16xi32>
        %shift_left3A_1458 = arith.shli %get3A_1455, %shift_left3A_1457 : vector<16xi32>
        %bitcast3A_1459 = vector.bitcast %shift_left3A_1458 : vector<16xi32> to vector<16xf32>
        %and3A_1460 = arith.andi %get3A_1455, %broadcast_in_dim3A_147 : vector<16xi32>
        %bitcast3A_1461 = vector.bitcast %and3A_1460 : vector<16xi32> to vector<16xf32>
        %add3A_1462 = arith.constant 12 : i32
        %add3A_1463 = arith.addi %mul3A_190, %add3A_1462 : i32
        %get3A_1464 = arith.index_cast %rem3A_159 : i32 to index
        %get3A_1465 = arith.index_cast %add3A_1463 : i32 to index
        %get3A_1466 = arith.constant 16 : index
        %get3A_1467 = tpu.vector_load %arg6[%get3A_1464, %get3A_1465, %get3A_1466] {strides = array<i32>} : memref<2x64x128xi32, #tpu.memory_space<vmem>>, vector<16xi32>,
        %shift_left3A_1468 = arith.constant 16 : i32
        %shift_left3A_1469 = vector.broadcast %shift_left3A_1468 : i32 to vector<16xi32>
        %shift_left3A_1470 = arith.shli %get3A_1467, %shift_left3A_1469 : vector<16xi32>
        %bitcast3A_1471 = vector.bitcast %shift_left3A_1470 : vector<16xi32> to vector<16xf32>
        %and3A_1472 = arith.andi %get3A_1467, %broadcast_in_dim3A_147 : vector<16xi32>
        %bitcast3A_1473 = vector.bitcast %and3A_1472 : vector<16xi32> to vector<16xf32>
        %add3A_1474 = arith.constant 12 : i32
        %add3A_1475 = arith.addi %mul3A_190, %add3A_1474 : i32
        %get3A_1476 = arith.index_cast %rem3A_159 : i32 to index
        %get3A_1477 = arith.index_cast %add3A_1475 : i32 to index
        %get3A_1478 = arith.constant 32 : index
        %get3A_1479 = tpu.vector_load %arg6[%get3A_1476, %get3A_1477, %get3A_1478] {strides = array<i32>} : memref<2x64x128xi32, #tpu.memory_space<vmem>>, vector<16xi32>,
        %shift_left3A_1480 = arith.constant 16 : i32
        %shift_left3A_1481 = vector.broadcast %shift_left3A_1480 : i32 to vector<16xi32>
        %shift_left3A_1482 = arith.shli %get3A_1479, %shift_left3A_1481 : vector<16xi32>
        %bitcast3A_1483 = vector.bitcast %shift_left3A_1482 : vector<16xi32> to vector<16xf32>
        %and3A_1484 = arith.andi %get3A_1479, %broadcast_in_dim3A_147 : vector<16xi32>
        %bitcast3A_1485 = vector.bitcast %and3A_1484 : vector<16xi32> to vector<16xf32>
        %add3A_1486 = arith.constant 12 : i32
        %add3A_1487 = arith.addi %mul3A_190, %add3A_1486 : i32
        %get3A_1488 = arith.index_cast %rem3A_159 : i32 to index
        %get3A_1489 = arith.index_cast %add3A_1487 : i32 to index
        %get3A_1490 = arith.constant 48 : index
        %get3A_1491 = tpu.vector_load %arg6[%get3A_1488, %get3A_1489, %get3A_1490] {strides = array<i32>} : memref<2x64x128xi32, #tpu.memory_space<vmem>>, vector<16xi32>,
        %shift_left3A_1492 = arith.constant 16 : i32
        %shift_left3A_1493 = vector.broadcast %shift_left3A_1492 : i32 to vector<16xi32>
        %shift_left3A_1494 = arith.shli %get3A_1491, %shift_left3A_1493 : vector<16xi32>
        %bitcast3A_1495 = vector.bitcast %shift_left3A_1494 : vector<16xi32> to vector<16xf32>
        %and3A_1496 = arith.andi %get3A_1491, %broadcast_in_dim3A_147 : vector<16xi32>
        %bitcast3A_1497 = vector.bitcast %and3A_1496 : vector<16xi32> to vector<16xf32>
        %add3A_1498 = arith.constant 12 : i32
        %add3A_1499 = arith.addi %mul3A_190, %add3A_1498 : i32
        %get3A_1500 = arith.index_cast %rem3A_159 : i32 to index
        %get3A_1501 = arith.index_cast %add3A_1499 : i32 to index
        %get3A_1502 = arith.constant 64 : index
        %get3A_1503 = tpu.vector_load %arg6[%get3A_1500, %get3A_1501, %get3A_1502] {strides = array<i32>} : memref<2x64x128xi32, #tpu.memory_space<vmem>>, vector<16xi32>,
        %shift_left3A_1504 = arith.constant 16 : i32
        %shift_left3A_1505 = vector.broadcast %shift_left3A_1504 : i32 to vector<16xi32>
        %shift_left3A_1506 = arith.shli %get3A_1503, %shift_left3A_1505 : vector<16xi32>
        %bitcast3A_1507 = vector.bitcast %shift_left3A_1506 : vector<16xi32> to vector<16xf32>
        %and3A_1508 = arith.andi %get3A_1503, %broadcast_in_dim3A_147 : vector<16xi32>
        %bitcast3A_1509 = vector.bitcast %and3A_1508 : vector<16xi32> to vector<16xf32>
        %add3A_1510 = arith.constant 12 : i32
        %add3A_1511 = arith.addi %mul3A_190, %add3A_1510 : i32
        %get3A_1512 = arith.index_cast %rem3A_159 : i32 to index
        %get3A_1513 = arith.index_cast %add3A_1511 : i32 to index
        %get3A_1514 = arith.constant 80 : index
        %get3A_1515 = tpu.vector_load %arg6[%get3A_1512, %get3A_1513, %get3A_1514] {strides = array<i32>} : memref<2x64x128xi32, #tpu.memory_space<vmem>>, vector<16xi32>,
        %shift_left3A_1516 = arith.constant 16 : i32
        %shift_left3A_1517 = vector.broadcast %shift_left3A_1516 : i32 to vector<16xi32>
        %shift_left3A_1518 = arith.shli %get3A_1515, %shift_left3A_1517 : vector<16xi32>
        %bitcast3A_1519 = vector.bitcast %shift_left3A_1518 : vector<16xi32> to vector<16xf32>
        %and3A_1520 = arith.andi %get3A_1515, %broadcast_in_dim3A_147 : vector<16xi32>
        %bitcast3A_1521 = vector.bitcast %and3A_1520 : vector<16xi32> to vector<16xf32>
        %add3A_1522 = arith.constant 12 : i32
        %add3A_1523 = arith.addi %mul3A_190, %add3A_1522 : i32
        %get3A_1524 = arith.index_cast %rem3A_159 : i32 to index
        %get3A_1525 = arith.index_cast %add3A_1523 : i32 to index
        %get3A_1526 = arith.constant 96 : index
        %get3A_1527 = tpu.vector_load %arg6[%get3A_1524, %get3A_1525, %get3A_1526] {strides = array<i32>} : memref<2x64x128xi32, #tpu.memory_space<vmem>>, vector<16xi32>,
        %shift_left3A_1528 = arith.constant 16 : i32
        %shift_left3A_1529 = vector.broadcast %shift_left3A_1528 : i32 to vector<16xi32>
        %shift_left3A_1530 = arith.shli %get3A_1527, %shift_left3A_1529 : vector<16xi32>
        %bitcast3A_1531 = vector.bitcast %shift_left3A_1530 : vector<16xi32> to vector<16xf32>
        %and3A_1532 = arith.andi %get3A_1527, %broadcast_in_dim3A_147 : vector<16xi32>
        %bitcast3A_1533 = vector.bitcast %and3A_1532 : vector<16xi32> to vector<16xf32>
        %add3A_1534 = arith.constant 12 : i32
        %add3A_1535 = arith.addi %mul3A_190, %add3A_1534 : i32
        %get3A_1536 = arith.index_cast %rem3A_159 : i32 to index
        %get3A_1537 = arith.index_cast %add3A_1535 : i32 to index
        %get3A_1538 = arith.constant 112 : index
        %get3A_1539 = tpu.vector_load %arg6[%get3A_1536, %get3A_1537, %get3A_1538] {strides = array<i32>} : memref<2x64x128xi32, #tpu.memory_space<vmem>>, vector<16xi32>,
        %shift_left3A_1540 = arith.constant 16 : i32
        %shift_left3A_1541 = vector.broadcast %shift_left3A_1540 : i32 to vector<16xi32>
        %shift_left3A_1542 = arith.shli %get3A_1539, %shift_left3A_1541 : vector<16xi32>
        %bitcast3A_1543 = vector.bitcast %shift_left3A_1542 : vector<16xi32> to vector<16xf32>
        %and3A_1544 = arith.andi %get3A_1539, %broadcast_in_dim3A_147 : vector<16xi32>
        %bitcast3A_1545 = vector.bitcast %and3A_1544 : vector<16xi32> to vector<16xf32>
        %slice3A_1546 = vector.extract_strided_slice %get3A_192 {offsets = [11], sizes = [1], strides = [1]} : vector<16xi32> to vector<1xi32>
        %squeeze3A_1547 = vector.extract %slice3A_1546[0] : i32 from vector<1xi32>
        %broadcast_in_dim3A_1548 = vector.broadcast %squeeze3A_1547 : i32 to vector<16xi32>
        %sub3A_1549 = vector.broadcast %mul3A_2 : i32 to vector<16xi32>
        %sub3A_1550 = arith.subi %broadcast_in_dim3A_1548, %sub3A_1549 : vector<16xi32>
        %ge3A_1551 = vector.broadcast %mul3A_2 : i32 to vector<16xi32>
        %ge3A_1552 = arith.cmpi sge, %broadcast_in_dim3A_1548, %ge3A_1551 : vector<16xi32>
        %lt3A_1553 = vector.broadcast %add3A_4 : i32 to vector<16xi32>
        %lt3A_1554 = arith.cmpi slt, %broadcast_in_dim3A_1548, %lt3A_1553 : vector<16xi32>
        %and3A_1555 = arith.andi %ge3A_1552, %lt3A_1554 : vector<16xi1>
        tpu.vector_store_idx %arg7[%sub3A_1550, %add3A_76], %bitcast3A_1353 masked %and3A_1555 {add = true} : memref<16x256xf32, #tpu.memory_space<vmem>>[vector<16xi32>, vector<16xi32>], vector<16xf32>, vector<16xi1>
        tpu.vector_store_idx %arg7[%sub3A_1550, %add3A_82], %bitcast3A_1355 masked %and3A_1555 {add = true} : memref<16x256xf32, #tpu.memory_space<vmem>>[vector<16xi32>, vector<16xi32>], vector<16xf32>, vector<16xi1>
        tpu.vector_store_idx %arg7[%sub3A_1550, %add3A_85], %bitcast3A_1365 masked %and3A_1555 {add = true} : memref<16x256xf32, #tpu.memory_space<vmem>>[vector<16xi32>, vector<16xi32>], vector<16xf32>, vector<16xi1>
        tpu.vector_store_idx %arg7[%sub3A_1550, %add3A_91], %bitcast3A_1367 masked %and3A_1555 {add = true} : memref<16x256xf32, #tpu.memory_space<vmem>>[vector<16xi32>, vector<16xi32>], vector<16xf32>, vector<16xi1>
        tpu.vector_store_idx %arg7[%sub3A_1550, %add3A_94], %bitcast3A_1377 masked %and3A_1555 {add = true} : memref<16x256xf32, #tpu.memory_space<vmem>>[vector<16xi32>, vector<16xi32>], vector<16xf32>, vector<16xi1>
        tpu.vector_store_idx %arg7[%sub3A_1550, %add3A_100], %bitcast3A_1379 masked %and3A_1555 {add = true} : memref<16x256xf32, #tpu.memory_space<vmem>>[vector<16xi32>, vector<16xi32>], vector<16xf32>, vector<16xi1>
        tpu.vector_store_idx %arg7[%sub3A_1550, %add3A_103], %bitcast3A_1389 masked %and3A_1555 {add = true} : memref<16x256xf32, #tpu.memory_space<vmem>>[vector<16xi32>, vector<16xi32>], vector<16xf32>, vector<16xi1>
        tpu.vector_store_idx %arg7[%sub3A_1550, %add3A_109], %bitcast3A_1391 masked %and3A_1555 {add = true} : memref<16x256xf32, #tpu.memory_space<vmem>>[vector<16xi32>, vector<16xi32>], vector<16xf32>, vector<16xi1>
        tpu.vector_store_idx %arg7[%sub3A_1550, %add3A_112], %bitcast3A_1401 masked %and3A_1555 {add = true} : memref<16x256xf32, #tpu.memory_space<vmem>>[vector<16xi32>, vector<16xi32>], vector<16xf32>, vector<16xi1>
        tpu.vector_store_idx %arg7[%sub3A_1550, %add3A_118], %bitcast3A_1403 masked %and3A_1555 {add = true} : memref<16x256xf32, #tpu.memory_space<vmem>>[vector<16xi32>, vector<16xi32>], vector<16xf32>, vector<16xi1>
        tpu.vector_store_idx %arg7[%sub3A_1550, %add3A_121], %bitcast3A_1413 masked %and3A_1555 {add = true} : memref<16x256xf32, #tpu.memory_space<vmem>>[vector<16xi32>, vector<16xi32>], vector<16xf32>, vector<16xi1>
        tpu.vector_store_idx %arg7[%sub3A_1550, %add3A_127], %bitcast3A_1415 masked %and3A_1555 {add = true} : memref<16x256xf32, #tpu.memory_space<vmem>>[vector<16xi32>, vector<16xi32>], vector<16xf32>, vector<16xi1>
        tpu.vector_store_idx %arg7[%sub3A_1550, %add3A_130], %bitcast3A_1425 masked %and3A_1555 {add = true} : memref<16x256xf32, #tpu.memory_space<vmem>>[vector<16xi32>, vector<16xi32>], vector<16xf32>, vector<16xi1>
        tpu.vector_store_idx %arg7[%sub3A_1550, %add3A_136], %bitcast3A_1427 masked %and3A_1555 {add = true} : memref<16x256xf32, #tpu.memory_space<vmem>>[vector<16xi32>, vector<16xi32>], vector<16xf32>, vector<16xi1>
        tpu.vector_store_idx %arg7[%sub3A_1550, %add3A_139], %bitcast3A_1437 masked %and3A_1555 {add = true} : memref<16x256xf32, #tpu.memory_space<vmem>>[vector<16xi32>, vector<16xi32>], vector<16xf32>, vector<16xi1>
        tpu.vector_store_idx %arg7[%sub3A_1550, %add3A_145], %bitcast3A_1439 masked %and3A_1555 {add = true} : memref<16x256xf32, #tpu.memory_space<vmem>>[vector<16xi32>, vector<16xi32>], vector<16xf32>, vector<16xi1>
        %add3A_1556 = arith.constant 13 : i32
        %add3A_1557 = arith.addi %mul3A_190, %add3A_1556 : i32
        %get3A_1558 = arith.index_cast %rem3A_159 : i32 to index
        %get3A_1559 = arith.index_cast %add3A_1557 : i32 to index
        %get3A_1560 = arith.constant 0 : index
        %get3A_1561 = tpu.vector_load %arg6[%get3A_1558, %get3A_1559, %get3A_1560] {strides = array<i32>} : memref<2x64x128xi32, #tpu.memory_space<vmem>>, vector<16xi32>,
        %shift_left3A_1562 = arith.constant 16 : i32
        %shift_left3A_1563 = vector.broadcast %shift_left3A_1562 : i32 to vector<16xi32>
        %shift_left3A_1564 = arith.shli %get3A_1561, %shift_left3A_1563 : vector<16xi32>
        %bitcast3A_1565 = vector.bitcast %shift_left3A_1564 : vector<16xi32> to vector<16xf32>
        %and3A_1566 = arith.andi %get3A_1561, %broadcast_in_dim3A_147 : vector<16xi32>
        %bitcast3A_1567 = vector.bitcast %and3A_1566 : vector<16xi32> to vector<16xf32>
        %add3A_1568 = arith.constant 13 : i32
        %add3A_1569 = arith.addi %mul3A_190, %add3A_1568 : i32
        %get3A_1570 = arith.index_cast %rem3A_159 : i32 to index
        %get3A_1571 = arith.index_cast %add3A_1569 : i32 to index
        %get3A_1572 = arith.constant 16 : index
        %get3A_1573 = tpu.vector_load %arg6[%get3A_1570, %get3A_1571, %get3A_1572] {strides = array<i32>} : memref<2x64x128xi32, #tpu.memory_space<vmem>>, vector<16xi32>,
        %shift_left3A_1574 = arith.constant 16 : i32
        %shift_left3A_1575 = vector.broadcast %shift_left3A_1574 : i32 to vector<16xi32>
        %shift_left3A_1576 = arith.shli %get3A_1573, %shift_left3A_1575 : vector<16xi32>
        %bitcast3A_1577 = vector.bitcast %shift_left3A_1576 : vector<16xi32> to vector<16xf32>
        %and3A_1578 = arith.andi %get3A_1573, %broadcast_in_dim3A_147 : vector<16xi32>
        %bitcast3A_1579 = vector.bitcast %and3A_1578 : vector<16xi32> to vector<16xf32>
        %add3A_1580 = arith.constant 13 : i32
        %add3A_1581 = arith.addi %mul3A_190, %add3A_1580 : i32
        %get3A_1582 = arith.index_cast %rem3A_159 : i32 to index
        %get3A_1583 = arith.index_cast %add3A_1581 : i32 to index
        %get3A_1584 = arith.constant 32 : index
        %get3A_1585 = tpu.vector_load %arg6[%get3A_1582, %get3A_1583, %get3A_1584] {strides = array<i32>} : memref<2x64x128xi32, #tpu.memory_space<vmem>>, vector<16xi32>,
        %shift_left3A_1586 = arith.constant 16 : i32
        %shift_left3A_1587 = vector.broadcast %shift_left3A_1586 : i32 to vector<16xi32>
        %shift_left3A_1588 = arith.shli %get3A_1585, %shift_left3A_1587 : vector<16xi32>
        %bitcast3A_1589 = vector.bitcast %shift_left3A_1588 : vector<16xi32> to vector<16xf32>
        %and3A_1590 = arith.andi %get3A_1585, %broadcast_in_dim3A_147 : vector<16xi32>
        %bitcast3A_1591 = vector.bitcast %and3A_1590 : vector<16xi32> to vector<16xf32>
        %add3A_1592 = arith.constant 13 : i32
        %add3A_1593 = arith.addi %mul3A_190, %add3A_1592 : i32
        %get3A_1594 = arith.index_cast %rem3A_159 : i32 to index
        %get3A_1595 = arith.index_cast %add3A_1593 : i32 to index
        %get3A_1596 = arith.constant 48 : index
        %get3A_1597 = tpu.vector_load %arg6[%get3A_1594, %get3A_1595, %get3A_1596] {strides = array<i32>} : memref<2x64x128xi32, #tpu.memory_space<vmem>>, vector<16xi32>,
        %shift_left3A_1598 = arith.constant 16 : i32
        %shift_left3A_1599 = vector.broadcast %shift_left3A_1598 : i32 to vector<16xi32>
        %shift_left3A_1600 = arith.shli %get3A_1597, %shift_left3A_1599 : vector<16xi32>
        %bitcast3A_1601 = vector.bitcast %shift_left3A_1600 : vector<16xi32> to vector<16xf32>
        %and3A_1602 = arith.andi %get3A_1597, %broadcast_in_dim3A_147 : vector<16xi32>
        %bitcast3A_1603 = vector.bitcast %and3A_1602 : vector<16xi32> to vector<16xf32>
        %add3A_1604 = arith.constant 13 : i32
        %add3A_1605 = arith.addi %mul3A_190, %add3A_1604 : i32
        %get3A_1606 = arith.index_cast %rem3A_159 : i32 to index
        %get3A_1607 = arith.index_cast %add3A_1605 : i32 to index
        %get3A_1608 = arith.constant 64 : index
        %get3A_1609 = tpu.vector_load %arg6[%get3A_1606, %get3A_1607, %get3A_1608] {strides = array<i32>} : memref<2x64x128xi32, #tpu.memory_space<vmem>>, vector<16xi32>,
        %shift_left3A_1610 = arith.constant 16 : i32
        %shift_left3A_1611 = vector.broadcast %shift_left3A_1610 : i32 to vector<16xi32>
        %shift_left3A_1612 = arith.shli %get3A_1609, %shift_left3A_1611 : vector<16xi32>
        %bitcast3A_1613 = vector.bitcast %shift_left3A_1612 : vector<16xi32> to vector<16xf32>
        %and3A_1614 = arith.andi %get3A_1609, %broadcast_in_dim3A_147 : vector<16xi32>
        %bitcast3A_1615 = vector.bitcast %and3A_1614 : vector<16xi32> to vector<16xf32>
        %add3A_1616 = arith.constant 13 : i32
        %add3A_1617 = arith.addi %mul3A_190, %add3A_1616 : i32
        %get3A_1618 = arith.index_cast %rem3A_159 : i32 to index
        %get3A_1619 = arith.index_cast %add3A_1617 : i32 to index
        %get3A_1620 = arith.constant 80 : index
        %get3A_1621 = tpu.vector_load %arg6[%get3A_1618, %get3A_1619, %get3A_1620] {strides = array<i32>} : memref<2x64x128xi32, #tpu.memory_space<vmem>>, vector<16xi32>,
        %shift_left3A_1622 = arith.constant 16 : i32
        %shift_left3A_1623 = vector.broadcast %shift_left3A_1622 : i32 to vector<16xi32>
        %shift_left3A_1624 = arith.shli %get3A_1621, %shift_left3A_1623 : vector<16xi32>
        %bitcast3A_1625 = vector.bitcast %shift_left3A_1624 : vector<16xi32> to vector<16xf32>
        %and3A_1626 = arith.andi %get3A_1621, %broadcast_in_dim3A_147 : vector<16xi32>
        %bitcast3A_1627 = vector.bitcast %and3A_1626 : vector<16xi32> to vector<16xf32>
        %add3A_1628 = arith.constant 13 : i32
        %add3A_1629 = arith.addi %mul3A_190, %add3A_1628 : i32
        %get3A_1630 = arith.index_cast %rem3A_159 : i32 to index
        %get3A_1631 = arith.index_cast %add3A_1629 : i32 to index
        %get3A_1632 = arith.constant 96 : index
        %get3A_1633 = tpu.vector_load %arg6[%get3A_1630, %get3A_1631, %get3A_1632] {strides = array<i32>} : memref<2x64x128xi32, #tpu.memory_space<vmem>>, vector<16xi32>,
        %shift_left3A_1634 = arith.constant 16 : i32
        %shift_left3A_1635 = vector.broadcast %shift_left3A_1634 : i32 to vector<16xi32>
        %shift_left3A_1636 = arith.shli %get3A_1633, %shift_left3A_1635 : vector<16xi32>
        %bitcast3A_1637 = vector.bitcast %shift_left3A_1636 : vector<16xi32> to vector<16xf32>
        %and3A_1638 = arith.andi %get3A_1633, %broadcast_in_dim3A_147 : vector<16xi32>
        %bitcast3A_1639 = vector.bitcast %and3A_1638 : vector<16xi32> to vector<16xf32>
        %add3A_1640 = arith.constant 13 : i32
        %add3A_1641 = arith.addi %mul3A_190, %add3A_1640 : i32
        %get3A_1642 = arith.index_cast %rem3A_159 : i32 to index
        %get3A_1643 = arith.index_cast %add3A_1641 : i32 to index
        %get3A_1644 = arith.constant 112 : index
        %get3A_1645 = tpu.vector_load %arg6[%get3A_1642, %get3A_1643, %get3A_1644] {strides = array<i32>} : memref<2x64x128xi32, #tpu.memory_space<vmem>>, vector<16xi32>,
        %shift_left3A_1646 = arith.constant 16 : i32
        %shift_left3A_1647 = vector.broadcast %shift_left3A_1646 : i32 to vector<16xi32>
        %shift_left3A_1648 = arith.shli %get3A_1645, %shift_left3A_1647 : vector<16xi32>
        %bitcast3A_1649 = vector.bitcast %shift_left3A_1648 : vector<16xi32> to vector<16xf32>
        %and3A_1650 = arith.andi %get3A_1645, %broadcast_in_dim3A_147 : vector<16xi32>
        %bitcast3A_1651 = vector.bitcast %and3A_1650 : vector<16xi32> to vector<16xf32>
        %slice3A_1652 = vector.extract_strided_slice %get3A_192 {offsets = [12], sizes = [1], strides = [1]} : vector<16xi32> to vector<1xi32>
        %squeeze3A_1653 = vector.extract %slice3A_1652[0] : i32 from vector<1xi32>
        %broadcast_in_dim3A_1654 = vector.broadcast %squeeze3A_1653 : i32 to vector<16xi32>
        %sub3A_1655 = vector.broadcast %mul3A_2 : i32 to vector<16xi32>
        %sub3A_1656 = arith.subi %broadcast_in_dim3A_1654, %sub3A_1655 : vector<16xi32>
        %ge3A_1657 = vector.broadcast %mul3A_2 : i32 to vector<16xi32>
        %ge3A_1658 = arith.cmpi sge, %broadcast_in_dim3A_1654, %ge3A_1657 : vector<16xi32>
        %lt3A_1659 = vector.broadcast %add3A_4 : i32 to vector<16xi32>
        %lt3A_1660 = arith.cmpi slt, %broadcast_in_dim3A_1654, %lt3A_1659 : vector<16xi32>
        %and3A_1661 = arith.andi %ge3A_1658, %lt3A_1660 : vector<16xi1>
        tpu.vector_store_idx %arg7[%sub3A_1656, %add3A_76], %bitcast3A_1459 masked %and3A_1661 {add = true} : memref<16x256xf32, #tpu.memory_space<vmem>>[vector<16xi32>, vector<16xi32>], vector<16xf32>, vector<16xi1>
        tpu.vector_store_idx %arg7[%sub3A_1656, %add3A_82], %bitcast3A_1461 masked %and3A_1661 {add = true} : memref<16x256xf32, #tpu.memory_space<vmem>>[vector<16xi32>, vector<16xi32>], vector<16xf32>, vector<16xi1>
        tpu.vector_store_idx %arg7[%sub3A_1656, %add3A_85], %bitcast3A_1471 masked %and3A_1661 {add = true} : memref<16x256xf32, #tpu.memory_space<vmem>>[vector<16xi32>, vector<16xi32>], vector<16xf32>, vector<16xi1>
        tpu.vector_store_idx %arg7[%sub3A_1656, %add3A_91], %bitcast3A_1473 masked %and3A_1661 {add = true} : memref<16x256xf32, #tpu.memory_space<vmem>>[vector<16xi32>, vector<16xi32>], vector<16xf32>, vector<16xi1>
        tpu.vector_store_idx %arg7[%sub3A_1656, %add3A_94], %bitcast3A_1483 masked %and3A_1661 {add = true} : memref<16x256xf32, #tpu.memory_space<vmem>>[vector<16xi32>, vector<16xi32>], vector<16xf32>, vector<16xi1>
        tpu.vector_store_idx %arg7[%sub3A_1656, %add3A_100], %bitcast3A_1485 masked %and3A_1661 {add = true} : memref<16x256xf32, #tpu.memory_space<vmem>>[vector<16xi32>, vector<16xi32>], vector<16xf32>, vector<16xi1>
        tpu.vector_store_idx %arg7[%sub3A_1656, %add3A_103], %bitcast3A_1495 masked %and3A_1661 {add = true} : memref<16x256xf32, #tpu.memory_space<vmem>>[vector<16xi32>, vector<16xi32>], vector<16xf32>, vector<16xi1>
        tpu.vector_store_idx %arg7[%sub3A_1656, %add3A_109], %bitcast3A_1497 masked %and3A_1661 {add = true} : memref<16x256xf32, #tpu.memory_space<vmem>>[vector<16xi32>, vector<16xi32>], vector<16xf32>, vector<16xi1>
        tpu.vector_store_idx %arg7[%sub3A_1656, %add3A_112], %bitcast3A_1507 masked %and3A_1661 {add = true} : memref<16x256xf32, #tpu.memory_space<vmem>>[vector<16xi32>, vector<16xi32>], vector<16xf32>, vector<16xi1>
        tpu.vector_store_idx %arg7[%sub3A_1656, %add3A_118], %bitcast3A_1509 masked %and3A_1661 {add = true} : memref<16x256xf32, #tpu.memory_space<vmem>>[vector<16xi32>, vector<16xi32>], vector<16xf32>, vector<16xi1>
        tpu.vector_store_idx %arg7[%sub3A_1656, %add3A_121], %bitcast3A_1519 masked %and3A_1661 {add = true} : memref<16x256xf32, #tpu.memory_space<vmem>>[vector<16xi32>, vector<16xi32>], vector<16xf32>, vector<16xi1>
        tpu.vector_store_idx %arg7[%sub3A_1656, %add3A_127], %bitcast3A_1521 masked %and3A_1661 {add = true} : memref<16x256xf32, #tpu.memory_space<vmem>>[vector<16xi32>, vector<16xi32>], vector<16xf32>, vector<16xi1>
        tpu.vector_store_idx %arg7[%sub3A_1656, %add3A_130], %bitcast3A_1531 masked %and3A_1661 {add = true} : memref<16x256xf32, #tpu.memory_space<vmem>>[vector<16xi32>, vector<16xi32>], vector<16xf32>, vector<16xi1>
        tpu.vector_store_idx %arg7[%sub3A_1656, %add3A_136], %bitcast3A_1533 masked %and3A_1661 {add = true} : memref<16x256xf32, #tpu.memory_space<vmem>>[vector<16xi32>, vector<16xi32>], vector<16xf32>, vector<16xi1>
        tpu.vector_store_idx %arg7[%sub3A_1656, %add3A_139], %bitcast3A_1543 masked %and3A_1661 {add = true} : memref<16x256xf32, #tpu.memory_space<vmem>>[vector<16xi32>, vector<16xi32>], vector<16xf32>, vector<16xi1>
        tpu.vector_store_idx %arg7[%sub3A_1656, %add3A_145], %bitcast3A_1545 masked %and3A_1661 {add = true} : memref<16x256xf32, #tpu.memory_space<vmem>>[vector<16xi32>, vector<16xi32>], vector<16xf32>, vector<16xi1>
        %add3A_1662 = arith.constant 14 : i32
        %add3A_1663 = arith.addi %mul3A_190, %add3A_1662 : i32
        %get3A_1664 = arith.index_cast %rem3A_159 : i32 to index
        %get3A_1665 = arith.index_cast %add3A_1663 : i32 to index
        %get3A_1666 = arith.constant 0 : index
        %get3A_1667 = tpu.vector_load %arg6[%get3A_1664, %get3A_1665, %get3A_1666] {strides = array<i32>} : memref<2x64x128xi32, #tpu.memory_space<vmem>>, vector<16xi32>,
        %shift_left3A_1668 = arith.constant 16 : i32
        %shift_left3A_1669 = vector.broadcast %shift_left3A_1668 : i32 to vector<16xi32>
        %shift_left3A_1670 = arith.shli %get3A_1667, %shift_left3A_1669 : vector<16xi32>
        %bitcast3A_1671 = vector.bitcast %shift_left3A_1670 : vector<16xi32> to vector<16xf32>
        %and3A_1672 = arith.andi %get3A_1667, %broadcast_in_dim3A_147 : vector<16xi32>
        %bitcast3A_1673 = vector.bitcast %and3A_1672 : vector<16xi32> to vector<16xf32>
        %add3A_1674 = arith.constant 14 : i32
        %add3A_1675 = arith.addi %mul3A_190, %add3A_1674 : i32
        %get3A_1676 = arith.index_cast %rem3A_159 : i32 to index
        %get3A_1677 = arith.index_cast %add3A_1675 : i32 to index
        %get3A_1678 = arith.constant 16 : index
        %get3A_1679 = tpu.vector_load %arg6[%get3A_1676, %get3A_1677, %get3A_1678] {strides = array<i32>} : memref<2x64x128xi32, #tpu.memory_space<vmem>>, vector<16xi32>,
        %shift_left3A_1680 = arith.constant 16 : i32
        %shift_left3A_1681 = vector.broadcast %shift_left3A_1680 : i32 to vector<16xi32>
        %shift_left3A_1682 = arith.shli %get3A_1679, %shift_left3A_1681 : vector<16xi32>
        %bitcast3A_1683 = vector.bitcast %shift_left3A_1682 : vector<16xi32> to vector<16xf32>
        %and3A_1684 = arith.andi %get3A_1679, %broadcast_in_dim3A_147 : vector<16xi32>
        %bitcast3A_1685 = vector.bitcast %and3A_1684 : vector<16xi32> to vector<16xf32>
        %add3A_1686 = arith.constant 14 : i32
        %add3A_1687 = arith.addi %mul3A_190, %add3A_1686 : i32
        %get3A_1688 = arith.index_cast %rem3A_159 : i32 to index
        %get3A_1689 = arith.index_cast %add3A_1687 : i32 to index
        %get3A_1690 = arith.constant 32 : index
        %get3A_1691 = tpu.vector_load %arg6[%get3A_1688, %get3A_1689, %get3A_1690] {strides = array<i32>} : memref<2x64x128xi32, #tpu.memory_space<vmem>>, vector<16xi32>,
        %shift_left3A_1692 = arith.constant 16 : i32
        %shift_left3A_1693 = vector.broadcast %shift_left3A_1692 : i32 to vector<16xi32>
        %shift_left3A_1694 = arith.shli %get3A_1691, %shift_left3A_1693 : vector<16xi32>
        %bitcast3A_1695 = vector.bitcast %shift_left3A_1694 : vector<16xi32> to vector<16xf32>
        %and3A_1696 = arith.andi %get3A_1691, %broadcast_in_dim3A_147 : vector<16xi32>
        %bitcast3A_1697 = vector.bitcast %and3A_1696 : vector<16xi32> to vector<16xf32>
        %add3A_1698 = arith.constant 14 : i32
        %add3A_1699 = arith.addi %mul3A_190, %add3A_1698 : i32
        %get3A_1700 = arith.index_cast %rem3A_159 : i32 to index
        %get3A_1701 = arith.index_cast %add3A_1699 : i32 to index
        %get3A_1702 = arith.constant 48 : index
        %get3A_1703 = tpu.vector_load %arg6[%get3A_1700, %get3A_1701, %get3A_1702] {strides = array<i32>} : memref<2x64x128xi32, #tpu.memory_space<vmem>>, vector<16xi32>,
        %shift_left3A_1704 = arith.constant 16 : i32
        %shift_left3A_1705 = vector.broadcast %shift_left3A_1704 : i32 to vector<16xi32>
        %shift_left3A_1706 = arith.shli %get3A_1703, %shift_left3A_1705 : vector<16xi32>
        %bitcast3A_1707 = vector.bitcast %shift_left3A_1706 : vector<16xi32> to vector<16xf32>
        %and3A_1708 = arith.andi %get3A_1703, %broadcast_in_dim3A_147 : vector<16xi32>
        %bitcast3A_1709 = vector.bitcast %and3A_1708 : vector<16xi32> to vector<16xf32>
        %add3A_1710 = arith.constant 14 : i32
        %add3A_1711 = arith.addi %mul3A_190, %add3A_1710 : i32
        %get3A_1712 = arith.index_cast %rem3A_159 : i32 to index
        %get3A_1713 = arith.index_cast %add3A_1711 : i32 to index
        %get3A_1714 = arith.constant 64 : index
        %get3A_1715 = tpu.vector_load %arg6[%get3A_1712, %get3A_1713, %get3A_1714] {strides = array<i32>} : memref<2x64x128xi32, #tpu.memory_space<vmem>>, vector<16xi32>,
        %shift_left3A_1716 = arith.constant 16 : i32
        %shift_left3A_1717 = vector.broadcast %shift_left3A_1716 : i32 to vector<16xi32>
        %shift_left3A_1718 = arith.shli %get3A_1715, %shift_left3A_1717 : vector<16xi32>
        %bitcast3A_1719 = vector.bitcast %shift_left3A_1718 : vector<16xi32> to vector<16xf32>
        %and3A_1720 = arith.andi %get3A_1715, %broadcast_in_dim3A_147 : vector<16xi32>
        %bitcast3A_1721 = vector.bitcast %and3A_1720 : vector<16xi32> to vector<16xf32>
        %add3A_1722 = arith.constant 14 : i32
        %add3A_1723 = arith.addi %mul3A_190, %add3A_1722 : i32
        %get3A_1724 = arith.index_cast %rem3A_159 : i32 to index
        %get3A_1725 = arith.index_cast %add3A_1723 : i32 to index
        %get3A_1726 = arith.constant 80 : index
        %get3A_1727 = tpu.vector_load %arg6[%get3A_1724, %get3A_1725, %get3A_1726] {strides = array<i32>} : memref<2x64x128xi32, #tpu.memory_space<vmem>>, vector<16xi32>,
        %shift_left3A_1728 = arith.constant 16 : i32
        %shift_left3A_1729 = vector.broadcast %shift_left3A_1728 : i32 to vector<16xi32>
        %shift_left3A_1730 = arith.shli %get3A_1727, %shift_left3A_1729 : vector<16xi32>
        %bitcast3A_1731 = vector.bitcast %shift_left3A_1730 : vector<16xi32> to vector<16xf32>
        %and3A_1732 = arith.andi %get3A_1727, %broadcast_in_dim3A_147 : vector<16xi32>
        %bitcast3A_1733 = vector.bitcast %and3A_1732 : vector<16xi32> to vector<16xf32>
        %add3A_1734 = arith.constant 14 : i32
        %add3A_1735 = arith.addi %mul3A_190, %add3A_1734 : i32
        %get3A_1736 = arith.index_cast %rem3A_159 : i32 to index
        %get3A_1737 = arith.index_cast %add3A_1735 : i32 to index
        %get3A_1738 = arith.constant 96 : index
        %get3A_1739 = tpu.vector_load %arg6[%get3A_1736, %get3A_1737, %get3A_1738] {strides = array<i32>} : memref<2x64x128xi32, #tpu.memory_space<vmem>>, vector<16xi32>,
        %shift_left3A_1740 = arith.constant 16 : i32
        %shift_left3A_1741 = vector.broadcast %shift_left3A_1740 : i32 to vector<16xi32>
        %shift_left3A_1742 = arith.shli %get3A_1739, %shift_left3A_1741 : vector<16xi32>
        %bitcast3A_1743 = vector.bitcast %shift_left3A_1742 : vector<16xi32> to vector<16xf32>
        %and3A_1744 = arith.andi %get3A_1739, %broadcast_in_dim3A_147 : vector<16xi32>
        %bitcast3A_1745 = vector.bitcast %and3A_1744 : vector<16xi32> to vector<16xf32>
        %add3A_1746 = arith.constant 14 : i32
        %add3A_1747 = arith.addi %mul3A_190, %add3A_1746 : i32
        %get3A_1748 = arith.index_cast %rem3A_159 : i32 to index
        %get3A_1749 = arith.index_cast %add3A_1747 : i32 to index
        %get3A_1750 = arith.constant 112 : index
        %get3A_1751 = tpu.vector_load %arg6[%get3A_1748, %get3A_1749, %get3A_1750] {strides = array<i32>} : memref<2x64x128xi32, #tpu.memory_space<vmem>>, vector<16xi32>,
        %shift_left3A_1752 = arith.constant 16 : i32
        %shift_left3A_1753 = vector.broadcast %shift_left3A_1752 : i32 to vector<16xi32>
        %shift_left3A_1754 = arith.shli %get3A_1751, %shift_left3A_1753 : vector<16xi32>
        %bitcast3A_1755 = vector.bitcast %shift_left3A_1754 : vector<16xi32> to vector<16xf32>
        %and3A_1756 = arith.andi %get3A_1751, %broadcast_in_dim3A_147 : vector<16xi32>
        %bitcast3A_1757 = vector.bitcast %and3A_1756 : vector<16xi32> to vector<16xf32>
        %slice3A_1758 = vector.extract_strided_slice %get3A_192 {offsets = [13], sizes = [1], strides = [1]} : vector<16xi32> to vector<1xi32>
        %squeeze3A_1759 = vector.extract %slice3A_1758[0] : i32 from vector<1xi32>
        %broadcast_in_dim3A_1760 = vector.broadcast %squeeze3A_1759 : i32 to vector<16xi32>
        %sub3A_1761 = vector.broadcast %mul3A_2 : i32 to vector<16xi32>
        %sub3A_1762 = arith.subi %broadcast_in_dim3A_1760, %sub3A_1761 : vector<16xi32>
        %ge3A_1763 = vector.broadcast %mul3A_2 : i32 to vector<16xi32>
        %ge3A_1764 = arith.cmpi sge, %broadcast_in_dim3A_1760, %ge3A_1763 : vector<16xi32>
        %lt3A_1765 = vector.broadcast %add3A_4 : i32 to vector<16xi32>
        %lt3A_1766 = arith.cmpi slt, %broadcast_in_dim3A_1760, %lt3A_1765 : vector<16xi32>
        %and3A_1767 = arith.andi %ge3A_1764, %lt3A_1766 : vector<16xi1>
        tpu.vector_store_idx %arg7[%sub3A_1762, %add3A_76], %bitcast3A_1565 masked %and3A_1767 {add = true} : memref<16x256xf32, #tpu.memory_space<vmem>>[vector<16xi32>, vector<16xi32>], vector<16xf32>, vector<16xi1>
        tpu.vector_store_idx %arg7[%sub3A_1762, %add3A_82], %bitcast3A_1567 masked %and3A_1767 {add = true} : memref<16x256xf32, #tpu.memory_space<vmem>>[vector<16xi32>, vector<16xi32>], vector<16xf32>, vector<16xi1>
        tpu.vector_store_idx %arg7[%sub3A_1762, %add3A_85], %bitcast3A_1577 masked %and3A_1767 {add = true} : memref<16x256xf32, #tpu.memory_space<vmem>>[vector<16xi32>, vector<16xi32>], vector<16xf32>, vector<16xi1>
        tpu.vector_store_idx %arg7[%sub3A_1762, %add3A_91], %bitcast3A_1579 masked %and3A_1767 {add = true} : memref<16x256xf32, #tpu.memory_space<vmem>>[vector<16xi32>, vector<16xi32>], vector<16xf32>, vector<16xi1>
        tpu.vector_store_idx %arg7[%sub3A_1762, %add3A_94], %bitcast3A_1589 masked %and3A_1767 {add = true} : memref<16x256xf32, #tpu.memory_space<vmem>>[vector<16xi32>, vector<16xi32>], vector<16xf32>, vector<16xi1>
        tpu.vector_store_idx %arg7[%sub3A_1762, %add3A_100], %bitcast3A_1591 masked %and3A_1767 {add = true} : memref<16x256xf32, #tpu.memory_space<vmem>>[vector<16xi32>, vector<16xi32>], vector<16xf32>, vector<16xi1>
        tpu.vector_store_idx %arg7[%sub3A_1762, %add3A_103], %bitcast3A_1601 masked %and3A_1767 {add = true} : memref<16x256xf32, #tpu.memory_space<vmem>>[vector<16xi32>, vector<16xi32>], vector<16xf32>, vector<16xi1>
        tpu.vector_store_idx %arg7[%sub3A_1762, %add3A_109], %bitcast3A_1603 masked %and3A_1767 {add = true} : memref<16x256xf32, #tpu.memory_space<vmem>>[vector<16xi32>, vector<16xi32>], vector<16xf32>, vector<16xi1>
        tpu.vector_store_idx %arg7[%sub3A_1762, %add3A_112], %bitcast3A_1613 masked %and3A_1767 {add = true} : memref<16x256xf32, #tpu.memory_space<vmem>>[vector<16xi32>, vector<16xi32>], vector<16xf32>, vector<16xi1>
        tpu.vector_store_idx %arg7[%sub3A_1762, %add3A_118], %bitcast3A_1615 masked %and3A_1767 {add = true} : memref<16x256xf32, #tpu.memory_space<vmem>>[vector<16xi32>, vector<16xi32>], vector<16xf32>, vector<16xi1>
        tpu.vector_store_idx %arg7[%sub3A_1762, %add3A_121], %bitcast3A_1625 masked %and3A_1767 {add = true} : memref<16x256xf32, #tpu.memory_space<vmem>>[vector<16xi32>, vector<16xi32>], vector<16xf32>, vector<16xi1>
        tpu.vector_store_idx %arg7[%sub3A_1762, %add3A_127], %bitcast3A_1627 masked %and3A_1767 {add = true} : memref<16x256xf32, #tpu.memory_space<vmem>>[vector<16xi32>, vector<16xi32>], vector<16xf32>, vector<16xi1>
        tpu.vector_store_idx %arg7[%sub3A_1762, %add3A_130], %bitcast3A_1637 masked %and3A_1767 {add = true} : memref<16x256xf32, #tpu.memory_space<vmem>>[vector<16xi32>, vector<16xi32>], vector<16xf32>, vector<16xi1>
        tpu.vector_store_idx %arg7[%sub3A_1762, %add3A_136], %bitcast3A_1639 masked %and3A_1767 {add = true} : memref<16x256xf32, #tpu.memory_space<vmem>>[vector<16xi32>, vector<16xi32>], vector<16xf32>, vector<16xi1>
        tpu.vector_store_idx %arg7[%sub3A_1762, %add3A_139], %bitcast3A_1649 masked %and3A_1767 {add = true} : memref<16x256xf32, #tpu.memory_space<vmem>>[vector<16xi32>, vector<16xi32>], vector<16xf32>, vector<16xi1>
        tpu.vector_store_idx %arg7[%sub3A_1762, %add3A_145], %bitcast3A_1651 masked %and3A_1767 {add = true} : memref<16x256xf32, #tpu.memory_space<vmem>>[vector<16xi32>, vector<16xi32>], vector<16xf32>, vector<16xi1>
        %add3A_1768 = arith.constant 15 : i32
        %add3A_1769 = arith.addi %mul3A_190, %add3A_1768 : i32
        %get3A_1770 = arith.index_cast %rem3A_159 : i32 to index
        %get3A_1771 = arith.index_cast %add3A_1769 : i32 to index
        %get3A_1772 = arith.constant 0 : index
        %get3A_1773 = tpu.vector_load %arg6[%get3A_1770, %get3A_1771, %get3A_1772] {strides = array<i32>} : memref<2x64x128xi32, #tpu.memory_space<vmem>>, vector<16xi32>,
        %shift_left3A_1774 = arith.constant 16 : i32
        %shift_left3A_1775 = vector.broadcast %shift_left3A_1774 : i32 to vector<16xi32>
        %shift_left3A_1776 = arith.shli %get3A_1773, %shift_left3A_1775 : vector<16xi32>
        %bitcast3A_1777 = vector.bitcast %shift_left3A_1776 : vector<16xi32> to vector<16xf32>
        %and3A_1778 = arith.andi %get3A_1773, %broadcast_in_dim3A_147 : vector<16xi32>
        %bitcast3A_1779 = vector.bitcast %and3A_1778 : vector<16xi32> to vector<16xf32>
        %add3A_1780 = arith.constant 15 : i32
        %add3A_1781 = arith.addi %mul3A_190, %add3A_1780 : i32
        %get3A_1782 = arith.index_cast %rem3A_159 : i32 to index
        %get3A_1783 = arith.index_cast %add3A_1781 : i32 to index
        %get3A_1784 = arith.constant 16 : index
        %get3A_1785 = tpu.vector_load %arg6[%get3A_1782, %get3A_1783, %get3A_1784] {strides = array<i32>} : memref<2x64x128xi32, #tpu.memory_space<vmem>>, vector<16xi32>,
        %shift_left3A_1786 = arith.constant 16 : i32
        %shift_left3A_1787 = vector.broadcast %shift_left3A_1786 : i32 to vector<16xi32>
        %shift_left3A_1788 = arith.shli %get3A_1785, %shift_left3A_1787 : vector<16xi32>
        %bitcast3A_1789 = vector.bitcast %shift_left3A_1788 : vector<16xi32> to vector<16xf32>
        %and3A_1790 = arith.andi %get3A_1785, %broadcast_in_dim3A_147 : vector<16xi32>
        %bitcast3A_1791 = vector.bitcast %and3A_1790 : vector<16xi32> to vector<16xf32>
        %add3A_1792 = arith.constant 15 : i32
        %add3A_1793 = arith.addi %mul3A_190, %add3A_1792 : i32
        %get3A_1794 = arith.index_cast %rem3A_159 : i32 to index
        %get3A_1795 = arith.index_cast %add3A_1793 : i32 to index
        %get3A_1796 = arith.constant 32 : index
        %get3A_1797 = tpu.vector_load %arg6[%get3A_1794, %get3A_1795, %get3A_1796] {strides = array<i32>} : memref<2x64x128xi32, #tpu.memory_space<vmem>>, vector<16xi32>,
        %shift_left3A_1798 = arith.constant 16 : i32
        %shift_left3A_1799 = vector.broadcast %shift_left3A_1798 : i32 to vector<16xi32>
        %shift_left3A_1800 = arith.shli %get3A_1797, %shift_left3A_1799 : vector<16xi32>
        %bitcast3A_1801 = vector.bitcast %shift_left3A_1800 : vector<16xi32> to vector<16xf32>
        %and3A_1802 = arith.andi %get3A_1797, %broadcast_in_dim3A_147 : vector<16xi32>
        %bitcast3A_1803 = vector.bitcast %and3A_1802 : vector<16xi32> to vector<16xf32>
        %add3A_1804 = arith.constant 15 : i32
        %add3A_1805 = arith.addi %mul3A_190, %add3A_1804 : i32
        %get3A_1806 = arith.index_cast %rem3A_159 : i32 to index
        %get3A_1807 = arith.index_cast %add3A_1805 : i32 to index
        %get3A_1808 = arith.constant 48 : index
        %get3A_1809 = tpu.vector_load %arg6[%get3A_1806, %get3A_1807, %get3A_1808] {strides = array<i32>} : memref<2x64x128xi32, #tpu.memory_space<vmem>>, vector<16xi32>,
        %shift_left3A_1810 = arith.constant 16 : i32
        %shift_left3A_1811 = vector.broadcast %shift_left3A_1810 : i32 to vector<16xi32>
        %shift_left3A_1812 = arith.shli %get3A_1809, %shift_left3A_1811 : vector<16xi32>
        %bitcast3A_1813 = vector.bitcast %shift_left3A_1812 : vector<16xi32> to vector<16xf32>
        %and3A_1814 = arith.andi %get3A_1809, %broadcast_in_dim3A_147 : vector<16xi32>
        %bitcast3A_1815 = vector.bitcast %and3A_1814 : vector<16xi32> to vector<16xf32>
        %add3A_1816 = arith.constant 15 : i32
        %add3A_1817 = arith.addi %mul3A_190, %add3A_1816 : i32
        %get3A_1818 = arith.index_cast %rem3A_159 : i32 to index
        %get3A_1819 = arith.index_cast %add3A_1817 : i32 to index
        %get3A_1820 = arith.constant 64 : index
        %get3A_1821 = tpu.vector_load %arg6[%get3A_1818, %get3A_1819, %get3A_1820] {strides = array<i32>} : memref<2x64x128xi32, #tpu.memory_space<vmem>>, vector<16xi32>,
        %shift_left3A_1822 = arith.constant 16 : i32
        %shift_left3A_1823 = vector.broadcast %shift_left3A_1822 : i32 to vector<16xi32>
        %shift_left3A_1824 = arith.shli %get3A_1821, %shift_left3A_1823 : vector<16xi32>
        %bitcast3A_1825 = vector.bitcast %shift_left3A_1824 : vector<16xi32> to vector<16xf32>
        %and3A_1826 = arith.andi %get3A_1821, %broadcast_in_dim3A_147 : vector<16xi32>
        %bitcast3A_1827 = vector.bitcast %and3A_1826 : vector<16xi32> to vector<16xf32>
        %add3A_1828 = arith.constant 15 : i32
        %add3A_1829 = arith.addi %mul3A_190, %add3A_1828 : i32
        %get3A_1830 = arith.index_cast %rem3A_159 : i32 to index
        %get3A_1831 = arith.index_cast %add3A_1829 : i32 to index
        %get3A_1832 = arith.constant 80 : index
        %get3A_1833 = tpu.vector_load %arg6[%get3A_1830, %get3A_1831, %get3A_1832] {strides = array<i32>} : memref<2x64x128xi32, #tpu.memory_space<vmem>>, vector<16xi32>,
        %shift_left3A_1834 = arith.constant 16 : i32
        %shift_left3A_1835 = vector.broadcast %shift_left3A_1834 : i32 to vector<16xi32>
        %shift_left3A_1836 = arith.shli %get3A_1833, %shift_left3A_1835 : vector<16xi32>
        %bitcast3A_1837 = vector.bitcast %shift_left3A_1836 : vector<16xi32> to vector<16xf32>
        %and3A_1838 = arith.andi %get3A_1833, %broadcast_in_dim3A_147 : vector<16xi32>
        %bitcast3A_1839 = vector.bitcast %and3A_1838 : vector<16xi32> to vector<16xf32>
        %add3A_1840 = arith.constant 15 : i32
        %add3A_1841 = arith.addi %mul3A_190, %add3A_1840 : i32
        %get3A_1842 = arith.index_cast %rem3A_159 : i32 to index
        %get3A_1843 = arith.index_cast %add3A_1841 : i32 to index
        %get3A_1844 = arith.constant 96 : index
        %get3A_1845 = tpu.vector_load %arg6[%get3A_1842, %get3A_1843, %get3A_1844] {strides = array<i32>} : memref<2x64x128xi32, #tpu.memory_space<vmem>>, vector<16xi32>,
        %shift_left3A_1846 = arith.constant 16 : i32
        %shift_left3A_1847 = vector.broadcast %shift_left3A_1846 : i32 to vector<16xi32>
        %shift_left3A_1848 = arith.shli %get3A_1845, %shift_left3A_1847 : vector<16xi32>
        %bitcast3A_1849 = vector.bitcast %shift_left3A_1848 : vector<16xi32> to vector<16xf32>
        %and3A_1850 = arith.andi %get3A_1845, %broadcast_in_dim3A_147 : vector<16xi32>
        %bitcast3A_1851 = vector.bitcast %and3A_1850 : vector<16xi32> to vector<16xf32>
        %add3A_1852 = arith.constant 15 : i32
        %add3A_1853 = arith.addi %mul3A_190, %add3A_1852 : i32
        %get3A_1854 = arith.index_cast %rem3A_159 : i32 to index
        %get3A_1855 = arith.index_cast %add3A_1853 : i32 to index
        %get3A_1856 = arith.constant 112 : index
        %get3A_1857 = tpu.vector_load %arg6[%get3A_1854, %get3A_1855, %get3A_1856] {strides = array<i32>} : memref<2x64x128xi32, #tpu.memory_space<vmem>>, vector<16xi32>,
        %shift_left3A_1858 = arith.constant 16 : i32
        %shift_left3A_1859 = vector.broadcast %shift_left3A_1858 : i32 to vector<16xi32>
        %shift_left3A_1860 = arith.shli %get3A_1857, %shift_left3A_1859 : vector<16xi32>
        %bitcast3A_1861 = vector.bitcast %shift_left3A_1860 : vector<16xi32> to vector<16xf32>
        %and3A_1862 = arith.andi %get3A_1857, %broadcast_in_dim3A_147 : vector<16xi32>
        %bitcast3A_1863 = vector.bitcast %and3A_1862 : vector<16xi32> to vector<16xf32>
        %slice3A_1864 = vector.extract_strided_slice %get3A_192 {offsets = [14], sizes = [1], strides = [1]} : vector<16xi32> to vector<1xi32>
        %squeeze3A_1865 = vector.extract %slice3A_1864[0] : i32 from vector<1xi32>
        %broadcast_in_dim3A_1866 = vector.broadcast %squeeze3A_1865 : i32 to vector<16xi32>
        %sub3A_1867 = vector.broadcast %mul3A_2 : i32 to vector<16xi32>
        %sub3A_1868 = arith.subi %broadcast_in_dim3A_1866, %sub3A_1867 : vector<16xi32>
        %ge3A_1869 = vector.broadcast %mul3A_2 : i32 to vector<16xi32>
        %ge3A_1870 = arith.cmpi sge, %broadcast_in_dim3A_1866, %ge3A_1869 : vector<16xi32>
        %lt3A_1871 = vector.broadcast %add3A_4 : i32 to vector<16xi32>
        %lt3A_1872 = arith.cmpi slt, %broadcast_in_dim3A_1866, %lt3A_1871 : vector<16xi32>
        %and3A_1873 = arith.andi %ge3A_1870, %lt3A_1872 : vector<16xi1>
        tpu.vector_store_idx %arg7[%sub3A_1868, %add3A_76], %bitcast3A_1671 masked %and3A_1873 {add = true} : memref<16x256xf32, #tpu.memory_space<vmem>>[vector<16xi32>, vector<16xi32>], vector<16xf32>, vector<16xi1>
        tpu.vector_store_idx %arg7[%sub3A_1868, %add3A_82], %bitcast3A_1673 masked %and3A_1873 {add = true} : memref<16x256xf32, #tpu.memory_space<vmem>>[vector<16xi32>, vector<16xi32>], vector<16xf32>, vector<16xi1>
        tpu.vector_store_idx %arg7[%sub3A_1868, %add3A_85], %bitcast3A_1683 masked %and3A_1873 {add = true} : memref<16x256xf32, #tpu.memory_space<vmem>>[vector<16xi32>, vector<16xi32>], vector<16xf32>, vector<16xi1>
        tpu.vector_store_idx %arg7[%sub3A_1868, %add3A_91], %bitcast3A_1685 masked %and3A_1873 {add = true} : memref<16x256xf32, #tpu.memory_space<vmem>>[vector<16xi32>, vector<16xi32>], vector<16xf32>, vector<16xi1>
        tpu.vector_store_idx %arg7[%sub3A_1868, %add3A_94], %bitcast3A_1695 masked %and3A_1873 {add = true} : memref<16x256xf32, #tpu.memory_space<vmem>>[vector<16xi32>, vector<16xi32>], vector<16xf32>, vector<16xi1>
        tpu.vector_store_idx %arg7[%sub3A_1868, %add3A_100], %bitcast3A_1697 masked %and3A_1873 {add = true} : memref<16x256xf32, #tpu.memory_space<vmem>>[vector<16xi32>, vector<16xi32>], vector<16xf32>, vector<16xi1>
        tpu.vector_store_idx %arg7[%sub3A_1868, %add3A_103], %bitcast3A_1707 masked %and3A_1873 {add = true} : memref<16x256xf32, #tpu.memory_space<vmem>>[vector<16xi32>, vector<16xi32>], vector<16xf32>, vector<16xi1>
        tpu.vector_store_idx %arg7[%sub3A_1868, %add3A_109], %bitcast3A_1709 masked %and3A_1873 {add = true} : memref<16x256xf32, #tpu.memory_space<vmem>>[vector<16xi32>, vector<16xi32>], vector<16xf32>, vector<16xi1>
        tpu.vector_store_idx %arg7[%sub3A_1868, %add3A_112], %bitcast3A_1719 masked %and3A_1873 {add = true} : memref<16x256xf32, #tpu.memory_space<vmem>>[vector<16xi32>, vector<16xi32>], vector<16xf32>, vector<16xi1>
        tpu.vector_store_idx %arg7[%sub3A_1868, %add3A_118], %bitcast3A_1721 masked %and3A_1873 {add = true} : memref<16x256xf32, #tpu.memory_space<vmem>>[vector<16xi32>, vector<16xi32>], vector<16xf32>, vector<16xi1>
        tpu.vector_store_idx %arg7[%sub3A_1868, %add3A_121], %bitcast3A_1731 masked %and3A_1873 {add = true} : memref<16x256xf32, #tpu.memory_space<vmem>>[vector<16xi32>, vector<16xi32>], vector<16xf32>, vector<16xi1>
        tpu.vector_store_idx %arg7[%sub3A_1868, %add3A_127], %bitcast3A_1733 masked %and3A_1873 {add = true} : memref<16x256xf32, #tpu.memory_space<vmem>>[vector<16xi32>, vector<16xi32>], vector<16xf32>, vector<16xi1>
        tpu.vector_store_idx %arg7[%sub3A_1868, %add3A_130], %bitcast3A_1743 masked %and3A_1873 {add = true} : memref<16x256xf32, #tpu.memory_space<vmem>>[vector<16xi32>, vector<16xi32>], vector<16xf32>, vector<16xi1>
        tpu.vector_store_idx %arg7[%sub3A_1868, %add3A_136], %bitcast3A_1745 masked %and3A_1873 {add = true} : memref<16x256xf32, #tpu.memory_space<vmem>>[vector<16xi32>, vector<16xi32>], vector<16xf32>, vector<16xi1>
        tpu.vector_store_idx %arg7[%sub3A_1868, %add3A_139], %bitcast3A_1755 masked %and3A_1873 {add = true} : memref<16x256xf32, #tpu.memory_space<vmem>>[vector<16xi32>, vector<16xi32>], vector<16xf32>, vector<16xi1>
        tpu.vector_store_idx %arg7[%sub3A_1868, %add3A_145], %bitcast3A_1757 masked %and3A_1873 {add = true} : memref<16x256xf32, #tpu.memory_space<vmem>>[vector<16xi32>, vector<16xi32>], vector<16xf32>, vector<16xi1>
        %slice3A_1874 = vector.extract_strided_slice %get3A_192 {offsets = [15], sizes = [1], strides = [1]} : vector<16xi32> to vector<1xi32>
        %squeeze3A_1875 = vector.extract %slice3A_1874[0] : i32 from vector<1xi32>
        %broadcast_in_dim3A_1876 = vector.broadcast %squeeze3A_1875 : i32 to vector<16xi32>
        %sub3A_1877 = vector.broadcast %mul3A_2 : i32 to vector<16xi32>
        %sub3A_1878 = arith.subi %broadcast_in_dim3A_1876, %sub3A_1877 : vector<16xi32>
        %ge3A_1879 = vector.broadcast %mul3A_2 : i32 to vector<16xi32>
        %ge3A_1880 = arith.cmpi sge, %broadcast_in_dim3A_1876, %ge3A_1879 : vector<16xi32>
        %lt3A_1881 = vector.broadcast %add3A_4 : i32 to vector<16xi32>
        %lt3A_1882 = arith.cmpi slt, %broadcast_in_dim3A_1876, %lt3A_1881 : vector<16xi32>
        %and3A_1883 = arith.andi %ge3A_1880, %lt3A_1882 : vector<16xi1>
        tpu.vector_store_idx %arg7[%sub3A_1878, %add3A_76], %bitcast3A_1777 masked %and3A_1883 {add = true} : memref<16x256xf32, #tpu.memory_space<vmem>>[vector<16xi32>, vector<16xi32>], vector<16xf32>, vector<16xi1>
        tpu.vector_store_idx %arg7[%sub3A_1878, %add3A_82], %bitcast3A_1779 masked %and3A_1883 {add = true} : memref<16x256xf32, #tpu.memory_space<vmem>>[vector<16xi32>, vector<16xi32>], vector<16xf32>, vector<16xi1>
        tpu.vector_store_idx %arg7[%sub3A_1878, %add3A_85], %bitcast3A_1789 masked %and3A_1883 {add = true} : memref<16x256xf32, #tpu.memory_space<vmem>>[vector<16xi32>, vector<16xi32>], vector<16xf32>, vector<16xi1>
        tpu.vector_store_idx %arg7[%sub3A_1878, %add3A_91], %bitcast3A_1791 masked %and3A_1883 {add = true} : memref<16x256xf32, #tpu.memory_space<vmem>>[vector<16xi32>, vector<16xi32>], vector<16xf32>, vector<16xi1>
        tpu.vector_store_idx %arg7[%sub3A_1878, %add3A_94], %bitcast3A_1801 masked %and3A_1883 {add = true} : memref<16x256xf32, #tpu.memory_space<vmem>>[vector<16xi32>, vector<16xi32>], vector<16xf32>, vector<16xi1>
        tpu.vector_store_idx %arg7[%sub3A_1878, %add3A_100], %bitcast3A_1803 masked %and3A_1883 {add = true} : memref<16x256xf32, #tpu.memory_space<vmem>>[vector<16xi32>, vector<16xi32>], vector<16xf32>, vector<16xi1>
        tpu.vector_store_idx %arg7[%sub3A_1878, %add3A_103], %bitcast3A_1813 masked %and3A_1883 {add = true} : memref<16x256xf32, #tpu.memory_space<vmem>>[vector<16xi32>, vector<16xi32>], vector<16xf32>, vector<16xi1>
        tpu.vector_store_idx %arg7[%sub3A_1878, %add3A_109], %bitcast3A_1815 masked %and3A_1883 {add = true} : memref<16x256xf32, #tpu.memory_space<vmem>>[vector<16xi32>, vector<16xi32>], vector<16xf32>, vector<16xi1>
        tpu.vector_store_idx %arg7[%sub3A_1878, %add3A_112], %bitcast3A_1825 masked %and3A_1883 {add = true} : memref<16x256xf32, #tpu.memory_space<vmem>>[vector<16xi32>, vector<16xi32>], vector<16xf32>, vector<16xi1>
        tpu.vector_store_idx %arg7[%sub3A_1878, %add3A_118], %bitcast3A_1827 masked %and3A_1883 {add = true} : memref<16x256xf32, #tpu.memory_space<vmem>>[vector<16xi32>, vector<16xi32>], vector<16xf32>, vector<16xi1>
        tpu.vector_store_idx %arg7[%sub3A_1878, %add3A_121], %bitcast3A_1837 masked %and3A_1883 {add = true} : memref<16x256xf32, #tpu.memory_space<vmem>>[vector<16xi32>, vector<16xi32>], vector<16xf32>, vector<16xi1>
        tpu.vector_store_idx %arg7[%sub3A_1878, %add3A_127], %bitcast3A_1839 masked %and3A_1883 {add = true} : memref<16x256xf32, #tpu.memory_space<vmem>>[vector<16xi32>, vector<16xi32>], vector<16xf32>, vector<16xi1>
        tpu.vector_store_idx %arg7[%sub3A_1878, %add3A_130], %bitcast3A_1849 masked %and3A_1883 {add = true} : memref<16x256xf32, #tpu.memory_space<vmem>>[vector<16xi32>, vector<16xi32>], vector<16xf32>, vector<16xi1>
        tpu.vector_store_idx %arg7[%sub3A_1878, %add3A_136], %bitcast3A_1851 masked %and3A_1883 {add = true} : memref<16x256xf32, #tpu.memory_space<vmem>>[vector<16xi32>, vector<16xi32>], vector<16xf32>, vector<16xi1>
        tpu.vector_store_idx %arg7[%sub3A_1878, %add3A_139], %bitcast3A_1861 masked %and3A_1883 {add = true} : memref<16x256xf32, #tpu.memory_space<vmem>>[vector<16xi32>, vector<16xi32>], vector<16xf32>, vector<16xi1>
        tpu.vector_store_idx %arg7[%sub3A_1878, %add3A_145], %bitcast3A_1863 masked %and3A_1883 {add = true} : memref<16x256xf32, #tpu.memory_space<vmem>>[vector<16xi32>, vector<16xi32>], vector<16xf32>, vector<16xi1>
      }
      %scan3A_187 = arith.constant 4 : i32
    }
    %while3A_156 = arith.constant 1 : i32
    scf.for %while3A_157 = %while3A_154 to %while3A_150 step %while3A_156  : i32 {
      %rem3A_158 = arith.constant 2 : i32
      %rem3A_159 = arith.remsi %while3A_157, %rem3A_158 : i32
      %add3A_160 = arith.constant 1 : i32
      %add3A_161 = arith.addi %while3A_157, %add3A_160 : i32
      %lt3A = arith.cmpi slt, %add3A_161, %select_n3A_71 : i32
      %convert_element_type3A_162 = arith.extui %lt3A : i1 to i32
      %cond3A_163 = arith.constant 0 : i32
      %cond3A_164 = arith.cmpi ne, %convert_element_type3A_162, %cond3A_163 : i32
      scf.if %cond3A_164 {
        %add3A_188 = arith.constant 1 : i32
        %add3A_189 = arith.addi %while3A_157, %add3A_188 : i32
        %add3A_190 = arith.constant 1 : i32
        %add3A_191 = arith.addi %while3A_157, %add3A_190 : i32
        %rem3A_192 = arith.constant 2 : i32
        %rem3A_193 = arith.remsi %add3A_191, %rem3A_192 : i32
        %mul3A_194 = arith.constant 64 : i32
        %mul3A_195 = arith.muli %add3A_189, %mul3A_194 : i32
        %add3A_196 = arith.addi %mul3A_44, %mul3A_195 : i32
        %dma_start3A = arith.constant 0 : i32
        %dma_start3A_197 = arith.constant 0 : i32
        %dma_start3A_198 = tpu.memref_slice %arg6[%rem3A_193, %dma_start3A, %dma_start3A_197] : memref<2x64x128xi32, #tpu.memory_space<vmem>> -> memref<1x64x128xi32, #tpu.memory_space<vmem>>
        %dma_start3A_199 = tpu.memref_squeeze %dma_start3A_198 : memref<1x64x128xi32, #tpu.memory_space<vmem>> -> memref<64x128xi32, #tpu.memory_space<vmem>>
        %dma_start3A_200 = arith.constant 0 : i32
        %dma_start3A_201 = tpu.memref_slice %arg2[%add3A_196, %dma_start3A_200] : memref<10400x128xi32, #tpu.memory_space<hbm>> -> memref<64x128xi32, #tpu.memory_space<hbm>>
        %dma_start3A_202 = arith.constant 0 : i32
        %dma_start3A_203 = arith.constant 0 : i32
        %dma_start3A_204 = tpu.memref_slice %arg6[%rem3A_193, %dma_start3A_202, %dma_start3A_203] : memref<2x64x128xi32, #tpu.memory_space<vmem>> -> memref<1x64x128xi32, #tpu.memory_space<vmem>>
        %dma_start3A_205 = tpu.memref_squeeze %dma_start3A_204 : memref<1x64x128xi32, #tpu.memory_space<vmem>> -> memref<64x128xi32, #tpu.memory_space<vmem>>
        %dma_start3A_206 = arith.constant 0 : i32
        %dma_start3A_207 = tpu.memref_slice %arg2[%add3A_196, %dma_start3A_206] : memref<10400x128xi32, #tpu.memory_space<hbm>> -> memref<64x128xi32, #tpu.memory_space<hbm>>
        tpu.enqueue_dma source(%dma_start3A_207 : memref<64x128xi32, #tpu.memory_space<hbm>>) target(%dma_start3A_205 : memref<64x128xi32, #tpu.memory_space<vmem>>) target_semaphore(%arg9 : memref<!tpu.dma_semaphore, #tpu.memory_space<semaphore_mem>>)
      } else {
      }
      %mul3A_165 = arith.constant 64 : i32
      %mul3A_166 = arith.muli %while3A_157, %mul3A_165 : i32
      %add3A_167 = arith.addi %mul3A_44, %mul3A_166 : i32
      %dma_wait3A = arith.constant 0 : i32
      %dma_wait3A_168 = arith.constant 0 : i32
      %dma_wait3A_169 = tpu.memref_slice %arg6[%rem3A_159, %dma_wait3A, %dma_wait3A_168] : memref<2x64x128xi32, #tpu.memory_space<vmem>> -> memref<1x64x128xi32, #tpu.memory_space<vmem>>
      %dma_wait3A_170 = tpu.memref_squeeze %dma_wait3A_169 : memref<1x64x128xi32, #tpu.memory_space<vmem>> -> memref<64x128xi32, #tpu.memory_space<vmem>>
      %dma_wait3A_171 = arith.constant 0 : i32
      %dma_wait3A_172 = tpu.memref_slice %arg2[%add3A_167, %dma_wait3A_171] : memref<10400x128xi32, #tpu.memory_space<hbm>> -> memref<64x128xi32, #tpu.memory_space<hbm>>
      %dma_wait3A_173 = arith.constant 0 : i32
      %dma_wait3A_174 = arith.constant 0 : i32
      %dma_wait3A_175 = tpu.memref_slice %arg6[%rem3A_159, %dma_wait3A_173, %dma_wait3A_174] : memref<2x64x128xi32, #tpu.memory_space<vmem>> -> memref<1x64x128xi32, #tpu.memory_space<vmem>>
      %dma_wait3A_176 = tpu.memref_squeeze %dma_wait3A_175 : memref<1x64x128xi32, #tpu.memory_space<vmem>> -> memref<64x128xi32, #tpu.memory_space<vmem>>
      %dma_wait3A_177 = arith.constant 0 : i32
      %dma_wait3A_178 = tpu.memref_slice %arg2[%add3A_167, %dma_wait3A_177] : memref<10400x128xi32, #tpu.memory_space<hbm>> -> memref<64x128xi32, #tpu.memory_space<hbm>>
      tpu.wait_dma2 semaphore(%arg9 : memref<!tpu.dma_semaphore, #tpu.memory_space<semaphore_mem>>) src(%dma_wait3A_178 : memref<64x128xi32, #tpu.memory_space<hbm>>) dst(%dma_wait3A_176 : memref<64x128xi32, #tpu.memory_space<vmem>>)
      %mul3A_179 = arith.constant 64 : i32
      %mul3A_180 = arith.muli %while3A_157, %mul3A_179 : i32
      %add3A_181 = arith.addi %mul3A_44, %mul3A_180 : i32
      %scan3A_182 = arith.constant 0 : i32
      %scan3A_183 = arith.constant 0 : i32
      %scan3A_184 = arith.constant 4 : i32
      %scan3A_185 = arith.addi %scan3A_183, %scan3A_184 : i32
      %scan3A_186 = arith.constant 1 : i32
      scf.for %scan3A_188 = %scan3A_183 to %scan3A_185 step %scan3A_186  : i32 {
        %mul3A_189 = arith.constant 16 : i32
        %mul3A_190 = arith.muli %scan3A_188, %mul3A_189 : i32
        %add3A_191 = arith.addi %add3A_181, %mul3A_190 : i32
        %get3A = arith.index_cast %add3A_191 : i32 to index
        %get3A_192 = tpu.vector_load %arg5[%get3A] {strides = array<i32>} : memref<10400xi32, #tpu.memory_space<vmem>>, vector<16xi32>,
        %add3A_193 = arith.constant 0 : i32
        %add3A_194 = arith.addi %mul3A_190, %add3A_193 : i32
        %get3A_195 = arith.index_cast %rem3A_159 : i32 to index
        %get3A_196 = arith.index_cast %add3A_194 : i32 to index
        %get3A_197 = arith.constant 0 : index
        %get3A_198 = tpu.vector_load %arg6[%get3A_195, %get3A_196, %get3A_197] {strides = array<i32>} : memref<2x64x128xi32, #tpu.memory_space<vmem>>, vector<16xi32>,
        %shift_left3A = arith.constant 16 : i32
        %shift_left3A_199 = vector.broadcast %shift_left3A : i32 to vector<16xi32>
        %shift_left3A_200 = arith.shli %get3A_198, %shift_left3A_199 : vector<16xi32>
        %bitcast3A = vector.bitcast %shift_left3A_200 : vector<16xi32> to vector<16xf32>
        %and3A_201 = arith.andi %get3A_198, %broadcast_in_dim3A_147 : vector<16xi32>
        %bitcast3A_202 = vector.bitcast %and3A_201 : vector<16xi32> to vector<16xf32>
        %add3A_203 = arith.constant 0 : i32
        %add3A_204 = arith.addi %mul3A_190, %add3A_203 : i32
        %get3A_205 = arith.index_cast %rem3A_159 : i32 to index
        %get3A_206 = arith.index_cast %add3A_204 : i32 to index
        %get3A_207 = arith.constant 16 : index
        %get3A_208 = tpu.vector_load %arg6[%get3A_205, %get3A_206, %get3A_207] {strides = array<i32>} : memref<2x64x128xi32, #tpu.memory_space<vmem>>, vector<16xi32>,
        %shift_left3A_209 = arith.constant 16 : i32
        %shift_left3A_210 = vector.broadcast %shift_left3A_209 : i32 to vector<16xi32>
        %shift_left3A_211 = arith.shli %get3A_208, %shift_left3A_210 : vector<16xi32>
        %bitcast3A_212 = vector.bitcast %shift_left3A_211 : vector<16xi32> to vector<16xf32>
        %and3A_213 = arith.andi %get3A_208, %broadcast_in_dim3A_147 : vector<16xi32>
        %bitcast3A_214 = vector.bitcast %and3A_213 : vector<16xi32> to vector<16xf32>
        %add3A_215 = arith.constant 0 : i32
        %add3A_216 = arith.addi %mul3A_190, %add3A_215 : i32
        %get3A_217 = arith.index_cast %rem3A_159 : i32 to index
        %get3A_218 = arith.index_cast %add3A_216 : i32 to index
        %get3A_219 = arith.constant 32 : index
        %get3A_220 = tpu.vector_load %arg6[%get3A_217, %get3A_218, %get3A_219] {strides = array<i32>} : memref<2x64x128xi32, #tpu.memory_space<vmem>>, vector<16xi32>,
        %shift_left3A_221 = arith.constant 16 : i32
        %shift_left3A_222 = vector.broadcast %shift_left3A_221 : i32 to vector<16xi32>
        %shift_left3A_223 = arith.shli %get3A_220, %shift_left3A_222 : vector<16xi32>
        %bitcast3A_224 = vector.bitcast %shift_left3A_223 : vector<16xi32> to vector<16xf32>
        %and3A_225 = arith.andi %get3A_220, %broadcast_in_dim3A_147 : vector<16xi32>
        %bitcast3A_226 = vector.bitcast %and3A_225 : vector<16xi32> to vector<16xf32>
        %add3A_227 = arith.constant 0 : i32
        %add3A_228 = arith.addi %mul3A_190, %add3A_227 : i32
        %get3A_229 = arith.index_cast %rem3A_159 : i32 to index
        %get3A_230 = arith.index_cast %add3A_228 : i32 to index
        %get3A_231 = arith.constant 48 : index
        %get3A_232 = tpu.vector_load %arg6[%get3A_229, %get3A_230, %get3A_231] {strides = array<i32>} : memref<2x64x128xi32, #tpu.memory_space<vmem>>, vector<16xi32>,
        %shift_left3A_233 = arith.constant 16 : i32
        %shift_left3A_234 = vector.broadcast %shift_left3A_233 : i32 to vector<16xi32>
        %shift_left3A_235 = arith.shli %get3A_232, %shift_left3A_234 : vector<16xi32>
        %bitcast3A_236 = vector.bitcast %shift_left3A_235 : vector<16xi32> to vector<16xf32>
        %and3A_237 = arith.andi %get3A_232, %broadcast_in_dim3A_147 : vector<16xi32>
        %bitcast3A_238 = vector.bitcast %and3A_237 : vector<16xi32> to vector<16xf32>
        %add3A_239 = arith.constant 0 : i32
        %add3A_240 = arith.addi %mul3A_190, %add3A_239 : i32
        %get3A_241 = arith.index_cast %rem3A_159 : i32 to index
        %get3A_242 = arith.index_cast %add3A_240 : i32 to index
        %get3A_243 = arith.constant 64 : index
        %get3A_244 = tpu.vector_load %arg6[%get3A_241, %get3A_242, %get3A_243] {strides = array<i32>} : memref<2x64x128xi32, #tpu.memory_space<vmem>>, vector<16xi32>,
        %shift_left3A_245 = arith.constant 16 : i32
        %shift_left3A_246 = vector.broadcast %shift_left3A_245 : i32 to vector<16xi32>
        %shift_left3A_247 = arith.shli %get3A_244, %shift_left3A_246 : vector<16xi32>
        %bitcast3A_248 = vector.bitcast %shift_left3A_247 : vector<16xi32> to vector<16xf32>
        %and3A_249 = arith.andi %get3A_244, %broadcast_in_dim3A_147 : vector<16xi32>
        %bitcast3A_250 = vector.bitcast %and3A_249 : vector<16xi32> to vector<16xf32>
        %add3A_251 = arith.constant 0 : i32
        %add3A_252 = arith.addi %mul3A_190, %add3A_251 : i32
        %get3A_253 = arith.index_cast %rem3A_159 : i32 to index
        %get3A_254 = arith.index_cast %add3A_252 : i32 to index
        %get3A_255 = arith.constant 80 : index
        %get3A_256 = tpu.vector_load %arg6[%get3A_253, %get3A_254, %get3A_255] {strides = array<i32>} : memref<2x64x128xi32, #tpu.memory_space<vmem>>, vector<16xi32>,
        %shift_left3A_257 = arith.constant 16 : i32
        %shift_left3A_258 = vector.broadcast %shift_left3A_257 : i32 to vector<16xi32>
        %shift_left3A_259 = arith.shli %get3A_256, %shift_left3A_258 : vector<16xi32>
        %bitcast3A_260 = vector.bitcast %shift_left3A_259 : vector<16xi32> to vector<16xf32>
        %and3A_261 = arith.andi %get3A_256, %broadcast_in_dim3A_147 : vector<16xi32>
        %bitcast3A_262 = vector.bitcast %and3A_261 : vector<16xi32> to vector<16xf32>
        %add3A_263 = arith.constant 0 : i32
        %add3A_264 = arith.addi %mul3A_190, %add3A_263 : i32
        %get3A_265 = arith.index_cast %rem3A_159 : i32 to index
        %get3A_266 = arith.index_cast %add3A_264 : i32 to index
        %get3A_267 = arith.constant 96 : index
        %get3A_268 = tpu.vector_load %arg6[%get3A_265, %get3A_266, %get3A_267] {strides = array<i32>} : memref<2x64x128xi32, #tpu.memory_space<vmem>>, vector<16xi32>,
        %shift_left3A_269 = arith.constant 16 : i32
        %shift_left3A_270 = vector.broadcast %shift_left3A_269 : i32 to vector<16xi32>
        %shift_left3A_271 = arith.shli %get3A_268, %shift_left3A_270 : vector<16xi32>
        %bitcast3A_272 = vector.bitcast %shift_left3A_271 : vector<16xi32> to vector<16xf32>
        %and3A_273 = arith.andi %get3A_268, %broadcast_in_dim3A_147 : vector<16xi32>
        %bitcast3A_274 = vector.bitcast %and3A_273 : vector<16xi32> to vector<16xf32>
        %add3A_275 = arith.constant 0 : i32
        %add3A_276 = arith.addi %mul3A_190, %add3A_275 : i32
        %get3A_277 = arith.index_cast %rem3A_159 : i32 to index
        %get3A_278 = arith.index_cast %add3A_276 : i32 to index
        %get3A_279 = arith.constant 112 : index
        %get3A_280 = tpu.vector_load %arg6[%get3A_277, %get3A_278, %get3A_279] {strides = array<i32>} : memref<2x64x128xi32, #tpu.memory_space<vmem>>, vector<16xi32>,
        %shift_left3A_281 = arith.constant 16 : i32
        %shift_left3A_282 = vector.broadcast %shift_left3A_281 : i32 to vector<16xi32>
        %shift_left3A_283 = arith.shli %get3A_280, %shift_left3A_282 : vector<16xi32>
        %bitcast3A_284 = vector.bitcast %shift_left3A_283 : vector<16xi32> to vector<16xf32>
        %and3A_285 = arith.andi %get3A_280, %broadcast_in_dim3A_147 : vector<16xi32>
        %bitcast3A_286 = vector.bitcast %and3A_285 : vector<16xi32> to vector<16xf32>
        %add3A_287 = arith.constant 1 : i32
        %add3A_288 = arith.addi %mul3A_190, %add3A_287 : i32
        %get3A_289 = arith.index_cast %rem3A_159 : i32 to index
        %get3A_290 = arith.index_cast %add3A_288 : i32 to index
        %get3A_291 = arith.constant 0 : index
        %get3A_292 = tpu.vector_load %arg6[%get3A_289, %get3A_290, %get3A_291] {strides = array<i32>} : memref<2x64x128xi32, #tpu.memory_space<vmem>>, vector<16xi32>,
        %shift_left3A_293 = arith.constant 16 : i32
        %shift_left3A_294 = vector.broadcast %shift_left3A_293 : i32 to vector<16xi32>
        %shift_left3A_295 = arith.shli %get3A_292, %shift_left3A_294 : vector<16xi32>
        %bitcast3A_296 = vector.bitcast %shift_left3A_295 : vector<16xi32> to vector<16xf32>
        %and3A_297 = arith.andi %get3A_292, %broadcast_in_dim3A_147 : vector<16xi32>
        %bitcast3A_298 = vector.bitcast %and3A_297 : vector<16xi32> to vector<16xf32>
        %add3A_299 = arith.constant 1 : i32
        %add3A_300 = arith.addi %mul3A_190, %add3A_299 : i32
        %get3A_301 = arith.index_cast %rem3A_159 : i32 to index
        %get3A_302 = arith.index_cast %add3A_300 : i32 to index
        %get3A_303 = arith.constant 16 : index
        %get3A_304 = tpu.vector_load %arg6[%get3A_301, %get3A_302, %get3A_303] {strides = array<i32>} : memref<2x64x128xi32, #tpu.memory_space<vmem>>, vector<16xi32>,
        %shift_left3A_305 = arith.constant 16 : i32
        %shift_left3A_306 = vector.broadcast %shift_left3A_305 : i32 to vector<16xi32>
        %shift_left3A_307 = arith.shli %get3A_304, %shift_left3A_306 : vector<16xi32>
        %bitcast3A_308 = vector.bitcast %shift_left3A_307 : vector<16xi32> to vector<16xf32>
        %and3A_309 = arith.andi %get3A_304, %broadcast_in_dim3A_147 : vector<16xi32>
        %bitcast3A_310 = vector.bitcast %and3A_309 : vector<16xi32> to vector<16xf32>
        %add3A_311 = arith.constant 1 : i32
        %add3A_312 = arith.addi %mul3A_190, %add3A_311 : i32
        %get3A_313 = arith.index_cast %rem3A_159 : i32 to index
        %get3A_314 = arith.index_cast %add3A_312 : i32 to index
        %get3A_315 = arith.constant 32 : index
        %get3A_316 = tpu.vector_load %arg6[%get3A_313, %get3A_314, %get3A_315] {strides = array<i32>} : memref<2x64x128xi32, #tpu.memory_space<vmem>>, vector<16xi32>,
        %shift_left3A_317 = arith.constant 16 : i32
        %shift_left3A_318 = vector.broadcast %shift_left3A_317 : i32 to vector<16xi32>
        %shift_left3A_319 = arith.shli %get3A_316, %shift_left3A_318 : vector<16xi32>
        %bitcast3A_320 = vector.bitcast %shift_left3A_319 : vector<16xi32> to vector<16xf32>
        %and3A_321 = arith.andi %get3A_316, %broadcast_in_dim3A_147 : vector<16xi32>
        %bitcast3A_322 = vector.bitcast %and3A_321 : vector<16xi32> to vector<16xf32>
        %add3A_323 = arith.constant 1 : i32
        %add3A_324 = arith.addi %mul3A_190, %add3A_323 : i32
        %get3A_325 = arith.index_cast %rem3A_159 : i32 to index
        %get3A_326 = arith.index_cast %add3A_324 : i32 to index
        %get3A_327 = arith.constant 48 : index
        %get3A_328 = tpu.vector_load %arg6[%get3A_325, %get3A_326, %get3A_327] {strides = array<i32>} : memref<2x64x128xi32, #tpu.memory_space<vmem>>, vector<16xi32>,
        %shift_left3A_329 = arith.constant 16 : i32
        %shift_left3A_330 = vector.broadcast %shift_left3A_329 : i32 to vector<16xi32>
        %shift_left3A_331 = arith.shli %get3A_328, %shift_left3A_330 : vector<16xi32>
        %bitcast3A_332 = vector.bitcast %shift_left3A_331 : vector<16xi32> to vector<16xf32>
        %and3A_333 = arith.andi %get3A_328, %broadcast_in_dim3A_147 : vector<16xi32>
        %bitcast3A_334 = vector.bitcast %and3A_333 : vector<16xi32> to vector<16xf32>
        %add3A_335 = arith.constant 1 : i32
        %add3A_336 = arith.addi %mul3A_190, %add3A_335 : i32
        %get3A_337 = arith.index_cast %rem3A_159 : i32 to index
        %get3A_338 = arith.index_cast %add3A_336 : i32 to index
        %get3A_339 = arith.constant 64 : index
        %get3A_340 = tpu.vector_load %arg6[%get3A_337, %get3A_338, %get3A_339] {strides = array<i32>} : memref<2x64x128xi32, #tpu.memory_space<vmem>>, vector<16xi32>,
        %shift_left3A_341 = arith.constant 16 : i32
        %shift_left3A_342 = vector.broadcast %shift_left3A_341 : i32 to vector<16xi32>
        %shift_left3A_343 = arith.shli %get3A_340, %shift_left3A_342 : vector<16xi32>
        %bitcast3A_344 = vector.bitcast %shift_left3A_343 : vector<16xi32> to vector<16xf32>
        %and3A_345 = arith.andi %get3A_340, %broadcast_in_dim3A_147 : vector<16xi32>
        %bitcast3A_346 = vector.bitcast %and3A_345 : vector<16xi32> to vector<16xf32>
        %add3A_347 = arith.constant 1 : i32
        %add3A_348 = arith.addi %mul3A_190, %add3A_347 : i32
        %get3A_349 = arith.index_cast %rem3A_159 : i32 to index
        %get3A_350 = arith.index_cast %add3A_348 : i32 to index
        %get3A_351 = arith.constant 80 : index
        %get3A_352 = tpu.vector_load %arg6[%get3A_349, %get3A_350, %get3A_351] {strides = array<i32>} : memref<2x64x128xi32, #tpu.memory_space<vmem>>, vector<16xi32>,
        %shift_left3A_353 = arith.constant 16 : i32
        %shift_left3A_354 = vector.broadcast %shift_left3A_353 : i32 to vector<16xi32>
        %shift_left3A_355 = arith.shli %get3A_352, %shift_left3A_354 : vector<16xi32>
        %bitcast3A_356 = vector.bitcast %shift_left3A_355 : vector<16xi32> to vector<16xf32>
        %and3A_357 = arith.andi %get3A_352, %broadcast_in_dim3A_147 : vector<16xi32>
        %bitcast3A_358 = vector.bitcast %and3A_357 : vector<16xi32> to vector<16xf32>
        %add3A_359 = arith.constant 1 : i32
        %add3A_360 = arith.addi %mul3A_190, %add3A_359 : i32
        %get3A_361 = arith.index_cast %rem3A_159 : i32 to index
        %get3A_362 = arith.index_cast %add3A_360 : i32 to index
        %get3A_363 = arith.constant 96 : index
        %get3A_364 = tpu.vector_load %arg6[%get3A_361, %get3A_362, %get3A_363] {strides = array<i32>} : memref<2x64x128xi32, #tpu.memory_space<vmem>>, vector<16xi32>,
        %shift_left3A_365 = arith.constant 16 : i32
        %shift_left3A_366 = vector.broadcast %shift_left3A_365 : i32 to vector<16xi32>
        %shift_left3A_367 = arith.shli %get3A_364, %shift_left3A_366 : vector<16xi32>
        %bitcast3A_368 = vector.bitcast %shift_left3A_367 : vector<16xi32> to vector<16xf32>
        %and3A_369 = arith.andi %get3A_364, %broadcast_in_dim3A_147 : vector<16xi32>
        %bitcast3A_370 = vector.bitcast %and3A_369 : vector<16xi32> to vector<16xf32>
        %add3A_371 = arith.constant 1 : i32
        %add3A_372 = arith.addi %mul3A_190, %add3A_371 : i32
        %get3A_373 = arith.index_cast %rem3A_159 : i32 to index
        %get3A_374 = arith.index_cast %add3A_372 : i32 to index
        %get3A_375 = arith.constant 112 : index
        %get3A_376 = tpu.vector_load %arg6[%get3A_373, %get3A_374, %get3A_375] {strides = array<i32>} : memref<2x64x128xi32, #tpu.memory_space<vmem>>, vector<16xi32>,
        %shift_left3A_377 = arith.constant 16 : i32
        %shift_left3A_378 = vector.broadcast %shift_left3A_377 : i32 to vector<16xi32>
        %shift_left3A_379 = arith.shli %get3A_376, %shift_left3A_378 : vector<16xi32>
        %bitcast3A_380 = vector.bitcast %shift_left3A_379 : vector<16xi32> to vector<16xf32>
        %and3A_381 = arith.andi %get3A_376, %broadcast_in_dim3A_147 : vector<16xi32>
        %bitcast3A_382 = vector.bitcast %and3A_381 : vector<16xi32> to vector<16xf32>
        %slice3A = vector.extract_strided_slice %get3A_192 {offsets = [0], sizes = [1], strides = [1]} : vector<16xi32> to vector<1xi32>
        %squeeze3A = vector.extract %slice3A[0] : i32 from vector<1xi32>
        %broadcast_in_dim3A_383 = vector.broadcast %squeeze3A : i32 to vector<16xi32>
        %sub3A_384 = vector.broadcast %mul3A_2 : i32 to vector<16xi32>
        %sub3A_385 = arith.subi %broadcast_in_dim3A_383, %sub3A_384 : vector<16xi32>
        %ge3A = vector.broadcast %mul3A_2 : i32 to vector<16xi32>
        %ge3A_386 = arith.cmpi sge, %broadcast_in_dim3A_383, %ge3A : vector<16xi32>
        %lt3A_387 = vector.broadcast %add3A_4 : i32 to vector<16xi32>
        %lt3A_388 = arith.cmpi slt, %broadcast_in_dim3A_383, %lt3A_387 : vector<16xi32>
        %and3A_389 = arith.andi %ge3A_386, %lt3A_388 : vector<16xi1>
        tpu.vector_store_idx %arg7[%sub3A_385, %add3A_76], %bitcast3A masked %and3A_389 {add = true} : memref<16x256xf32, #tpu.memory_space<vmem>>[vector<16xi32>, vector<16xi32>], vector<16xf32>, vector<16xi1>
        tpu.vector_store_idx %arg7[%sub3A_385, %add3A_82], %bitcast3A_202 masked %and3A_389 {add = true} : memref<16x256xf32, #tpu.memory_space<vmem>>[vector<16xi32>, vector<16xi32>], vector<16xf32>, vector<16xi1>
        tpu.vector_store_idx %arg7[%sub3A_385, %add3A_85], %bitcast3A_212 masked %and3A_389 {add = true} : memref<16x256xf32, #tpu.memory_space<vmem>>[vector<16xi32>, vector<16xi32>], vector<16xf32>, vector<16xi1>
        tpu.vector_store_idx %arg7[%sub3A_385, %add3A_91], %bitcast3A_214 masked %and3A_389 {add = true} : memref<16x256xf32, #tpu.memory_space<vmem>>[vector<16xi32>, vector<16xi32>], vector<16xf32>, vector<16xi1>
        tpu.vector_store_idx %arg7[%sub3A_385, %add3A_94], %bitcast3A_224 masked %and3A_389 {add = true} : memref<16x256xf32, #tpu.memory_space<vmem>>[vector<16xi32>, vector<16xi32>], vector<16xf32>, vector<16xi1>
        tpu.vector_store_idx %arg7[%sub3A_385, %add3A_100], %bitcast3A_226 masked %and3A_389 {add = true} : memref<16x256xf32, #tpu.memory_space<vmem>>[vector<16xi32>, vector<16xi32>], vector<16xf32>, vector<16xi1>
        tpu.vector_store_idx %arg7[%sub3A_385, %add3A_103], %bitcast3A_236 masked %and3A_389 {add = true} : memref<16x256xf32, #tpu.memory_space<vmem>>[vector<16xi32>, vector<16xi32>], vector<16xf32>, vector<16xi1>
        tpu.vector_store_idx %arg7[%sub3A_385, %add3A_109], %bitcast3A_238 masked %and3A_389 {add = true} : memref<16x256xf32, #tpu.memory_space<vmem>>[vector<16xi32>, vector<16xi32>], vector<16xf32>, vector<16xi1>
        tpu.vector_store_idx %arg7[%sub3A_385, %add3A_112], %bitcast3A_248 masked %and3A_389 {add = true} : memref<16x256xf32, #tpu.memory_space<vmem>>[vector<16xi32>, vector<16xi32>], vector<16xf32>, vector<16xi1>
        tpu.vector_store_idx %arg7[%sub3A_385, %add3A_118], %bitcast3A_250 masked %and3A_389 {add = true} : memref<16x256xf32, #tpu.memory_space<vmem>>[vector<16xi32>, vector<16xi32>], vector<16xf32>, vector<16xi1>
        tpu.vector_store_idx %arg7[%sub3A_385, %add3A_121], %bitcast3A_260 masked %and3A_389 {add = true} : memref<16x256xf32, #tpu.memory_space<vmem>>[vector<16xi32>, vector<16xi32>], vector<16xf32>, vector<16xi1>
        tpu.vector_store_idx %arg7[%sub3A_385, %add3A_127], %bitcast3A_262 masked %and3A_389 {add = true} : memref<16x256xf32, #tpu.memory_space<vmem>>[vector<16xi32>, vector<16xi32>], vector<16xf32>, vector<16xi1>
        tpu.vector_store_idx %arg7[%sub3A_385, %add3A_130], %bitcast3A_272 masked %and3A_389 {add = true} : memref<16x256xf32, #tpu.memory_space<vmem>>[vector<16xi32>, vector<16xi32>], vector<16xf32>, vector<16xi1>
        tpu.vector_store_idx %arg7[%sub3A_385, %add3A_136], %bitcast3A_274 masked %and3A_389 {add = true} : memref<16x256xf32, #tpu.memory_space<vmem>>[vector<16xi32>, vector<16xi32>], vector<16xf32>, vector<16xi1>
        tpu.vector_store_idx %arg7[%sub3A_385, %add3A_139], %bitcast3A_284 masked %and3A_389 {add = true} : memref<16x256xf32, #tpu.memory_space<vmem>>[vector<16xi32>, vector<16xi32>], vector<16xf32>, vector<16xi1>
        tpu.vector_store_idx %arg7[%sub3A_385, %add3A_145], %bitcast3A_286 masked %and3A_389 {add = true} : memref<16x256xf32, #tpu.memory_space<vmem>>[vector<16xi32>, vector<16xi32>], vector<16xf32>, vector<16xi1>
        %add3A_390 = arith.constant 2 : i32
        %add3A_391 = arith.addi %mul3A_190, %add3A_390 : i32
        %get3A_392 = arith.index_cast %rem3A_159 : i32 to index
        %get3A_393 = arith.index_cast %add3A_391 : i32 to index
        %get3A_394 = arith.constant 0 : index
        %get3A_395 = tpu.vector_load %arg6[%get3A_392, %get3A_393, %get3A_394] {strides = array<i32>} : memref<2x64x128xi32, #tpu.memory_space<vmem>>, vector<16xi32>,
        %shift_left3A_396 = arith.constant 16 : i32
        %shift_left3A_397 = vector.broadcast %shift_left3A_396 : i32 to vector<16xi32>
        %shift_left3A_398 = arith.shli %get3A_395, %shift_left3A_397 : vector<16xi32>
        %bitcast3A_399 = vector.bitcast %shift_left3A_398 : vector<16xi32> to vector<16xf32>
        %and3A_400 = arith.andi %get3A_395, %broadcast_in_dim3A_147 : vector<16xi32>
        %bitcast3A_401 = vector.bitcast %and3A_400 : vector<16xi32> to vector<16xf32>
        %add3A_402 = arith.constant 2 : i32
        %add3A_403 = arith.addi %mul3A_190, %add3A_402 : i32
        %get3A_404 = arith.index_cast %rem3A_159 : i32 to index
        %get3A_405 = arith.index_cast %add3A_403 : i32 to index
        %get3A_406 = arith.constant 16 : index
        %get3A_407 = tpu.vector_load %arg6[%get3A_404, %get3A_405, %get3A_406] {strides = array<i32>} : memref<2x64x128xi32, #tpu.memory_space<vmem>>, vector<16xi32>,
        %shift_left3A_408 = arith.constant 16 : i32
        %shift_left3A_409 = vector.broadcast %shift_left3A_408 : i32 to vector<16xi32>
        %shift_left3A_410 = arith.shli %get3A_407, %shift_left3A_409 : vector<16xi32>
        %bitcast3A_411 = vector.bitcast %shift_left3A_410 : vector<16xi32> to vector<16xf32>
        %and3A_412 = arith.andi %get3A_407, %broadcast_in_dim3A_147 : vector<16xi32>
        %bitcast3A_413 = vector.bitcast %and3A_412 : vector<16xi32> to vector<16xf32>
        %add3A_414 = arith.constant 2 : i32
        %add3A_415 = arith.addi %mul3A_190, %add3A_414 : i32
        %get3A_416 = arith.index_cast %rem3A_159 : i32 to index
        %get3A_417 = arith.index_cast %add3A_415 : i32 to index
        %get3A_418 = arith.constant 32 : index
        %get3A_419 = tpu.vector_load %arg6[%get3A_416, %get3A_417, %get3A_418] {strides = array<i32>} : memref<2x64x128xi32, #tpu.memory_space<vmem>>, vector<16xi32>,
        %shift_left3A_420 = arith.constant 16 : i32
        %shift_left3A_421 = vector.broadcast %shift_left3A_420 : i32 to vector<16xi32>
        %shift_left3A_422 = arith.shli %get3A_419, %shift_left3A_421 : vector<16xi32>
        %bitcast3A_423 = vector.bitcast %shift_left3A_422 : vector<16xi32> to vector<16xf32>
        %and3A_424 = arith.andi %get3A_419, %broadcast_in_dim3A_147 : vector<16xi32>
        %bitcast3A_425 = vector.bitcast %and3A_424 : vector<16xi32> to vector<16xf32>
        %add3A_426 = arith.constant 2 : i32
        %add3A_427 = arith.addi %mul3A_190, %add3A_426 : i32
        %get3A_428 = arith.index_cast %rem3A_159 : i32 to index
        %get3A_429 = arith.index_cast %add3A_427 : i32 to index
        %get3A_430 = arith.constant 48 : index
        %get3A_431 = tpu.vector_load %arg6[%get3A_428, %get3A_429, %get3A_430] {strides = array<i32>} : memref<2x64x128xi32, #tpu.memory_space<vmem>>, vector<16xi32>,
        %shift_left3A_432 = arith.constant 16 : i32
        %shift_left3A_433 = vector.broadcast %shift_left3A_432 : i32 to vector<16xi32>
        %shift_left3A_434 = arith.shli %get3A_431, %shift_left3A_433 : vector<16xi32>
        %bitcast3A_435 = vector.bitcast %shift_left3A_434 : vector<16xi32> to vector<16xf32>
        %and3A_436 = arith.andi %get3A_431, %broadcast_in_dim3A_147 : vector<16xi32>
        %bitcast3A_437 = vector.bitcast %and3A_436 : vector<16xi32> to vector<16xf32>
        %add3A_438 = arith.constant 2 : i32
        %add3A_439 = arith.addi %mul3A_190, %add3A_438 : i32
        %get3A_440 = arith.index_cast %rem3A_159 : i32 to index
        %get3A_441 = arith.index_cast %add3A_439 : i32 to index
        %get3A_442 = arith.constant 64 : index
        %get3A_443 = tpu.vector_load %arg6[%get3A_440, %get3A_441, %get3A_442] {strides = array<i32>} : memref<2x64x128xi32, #tpu.memory_space<vmem>>, vector<16xi32>,
        %shift_left3A_444 = arith.constant 16 : i32
        %shift_left3A_445 = vector.broadcast %shift_left3A_444 : i32 to vector<16xi32>
        %shift_left3A_446 = arith.shli %get3A_443, %shift_left3A_445 : vector<16xi32>
        %bitcast3A_447 = vector.bitcast %shift_left3A_446 : vector<16xi32> to vector<16xf32>
        %and3A_448 = arith.andi %get3A_443, %broadcast_in_dim3A_147 : vector<16xi32>
        %bitcast3A_449 = vector.bitcast %and3A_448 : vector<16xi32> to vector<16xf32>
        %add3A_450 = arith.constant 2 : i32
        %add3A_451 = arith.addi %mul3A_190, %add3A_450 : i32
        %get3A_452 = arith.index_cast %rem3A_159 : i32 to index
        %get3A_453 = arith.index_cast %add3A_451 : i32 to index
        %get3A_454 = arith.constant 80 : index
        %get3A_455 = tpu.vector_load %arg6[%get3A_452, %get3A_453, %get3A_454] {strides = array<i32>} : memref<2x64x128xi32, #tpu.memory_space<vmem>>, vector<16xi32>,
        %shift_left3A_456 = arith.constant 16 : i32
        %shift_left3A_457 = vector.broadcast %shift_left3A_456 : i32 to vector<16xi32>
        %shift_left3A_458 = arith.shli %get3A_455, %shift_left3A_457 : vector<16xi32>
        %bitcast3A_459 = vector.bitcast %shift_left3A_458 : vector<16xi32> to vector<16xf32>
        %and3A_460 = arith.andi %get3A_455, %broadcast_in_dim3A_147 : vector<16xi32>
        %bitcast3A_461 = vector.bitcast %and3A_460 : vector<16xi32> to vector<16xf32>
        %add3A_462 = arith.constant 2 : i32
        %add3A_463 = arith.addi %mul3A_190, %add3A_462 : i32
        %get3A_464 = arith.index_cast %rem3A_159 : i32 to index
        %get3A_465 = arith.index_cast %add3A_463 : i32 to index
        %get3A_466 = arith.constant 96 : index
        %get3A_467 = tpu.vector_load %arg6[%get3A_464, %get3A_465, %get3A_466] {strides = array<i32>} : memref<2x64x128xi32, #tpu.memory_space<vmem>>, vector<16xi32>,
        %shift_left3A_468 = arith.constant 16 : i32
        %shift_left3A_469 = vector.broadcast %shift_left3A_468 : i32 to vector<16xi32>
        %shift_left3A_470 = arith.shli %get3A_467, %shift_left3A_469 : vector<16xi32>
        %bitcast3A_471 = vector.bitcast %shift_left3A_470 : vector<16xi32> to vector<16xf32>
        %and3A_472 = arith.andi %get3A_467, %broadcast_in_dim3A_147 : vector<16xi32>
        %bitcast3A_473 = vector.bitcast %and3A_472 : vector<16xi32> to vector<16xf32>
        %add3A_474 = arith.constant 2 : i32
        %add3A_475 = arith.addi %mul3A_190, %add3A_474 : i32
        %get3A_476 = arith.index_cast %rem3A_159 : i32 to index
        %get3A_477 = arith.index_cast %add3A_475 : i32 to index
        %get3A_478 = arith.constant 112 : index
        %get3A_479 = tpu.vector_load %arg6[%get3A_476, %get3A_477, %get3A_478] {strides = array<i32>} : memref<2x64x128xi32, #tpu.memory_space<vmem>>, vector<16xi32>,
        %shift_left3A_480 = arith.constant 16 : i32
        %shift_left3A_481 = vector.broadcast %shift_left3A_480 : i32 to vector<16xi32>
        %shift_left3A_482 = arith.shli %get3A_479, %shift_left3A_481 : vector<16xi32>
        %bitcast3A_483 = vector.bitcast %shift_left3A_482 : vector<16xi32> to vector<16xf32>
        %and3A_484 = arith.andi %get3A_479, %broadcast_in_dim3A_147 : vector<16xi32>
        %bitcast3A_485 = vector.bitcast %and3A_484 : vector<16xi32> to vector<16xf32>
        %slice3A_486 = vector.extract_strided_slice %get3A_192 {offsets = [1], sizes = [1], strides = [1]} : vector<16xi32> to vector<1xi32>
        %squeeze3A_487 = vector.extract %slice3A_486[0] : i32 from vector<1xi32>
        %broadcast_in_dim3A_488 = vector.broadcast %squeeze3A_487 : i32 to vector<16xi32>
        %sub3A_489 = vector.broadcast %mul3A_2 : i32 to vector<16xi32>
        %sub3A_490 = arith.subi %broadcast_in_dim3A_488, %sub3A_489 : vector<16xi32>
        %ge3A_491 = vector.broadcast %mul3A_2 : i32 to vector<16xi32>
        %ge3A_492 = arith.cmpi sge, %broadcast_in_dim3A_488, %ge3A_491 : vector<16xi32>
        %lt3A_493 = vector.broadcast %add3A_4 : i32 to vector<16xi32>
        %lt3A_494 = arith.cmpi slt, %broadcast_in_dim3A_488, %lt3A_493 : vector<16xi32>
        %and3A_495 = arith.andi %ge3A_492, %lt3A_494 : vector<16xi1>
        tpu.vector_store_idx %arg7[%sub3A_490, %add3A_76], %bitcast3A_296 masked %and3A_495 {add = true} : memref<16x256xf32, #tpu.memory_space<vmem>>[vector<16xi32>, vector<16xi32>], vector<16xf32>, vector<16xi1>
        tpu.vector_store_idx %arg7[%sub3A_490, %add3A_82], %bitcast3A_298 masked %and3A_495 {add = true} : memref<16x256xf32, #tpu.memory_space<vmem>>[vector<16xi32>, vector<16xi32>], vector<16xf32>, vector<16xi1>
        tpu.vector_store_idx %arg7[%sub3A_490, %add3A_85], %bitcast3A_308 masked %and3A_495 {add = true} : memref<16x256xf32, #tpu.memory_space<vmem>>[vector<16xi32>, vector<16xi32>], vector<16xf32>, vector<16xi1>
        tpu.vector_store_idx %arg7[%sub3A_490, %add3A_91], %bitcast3A_310 masked %and3A_495 {add = true} : memref<16x256xf32, #tpu.memory_space<vmem>>[vector<16xi32>, vector<16xi32>], vector<16xf32>, vector<16xi1>
        tpu.vector_store_idx %arg7[%sub3A_490, %add3A_94], %bitcast3A_320 masked %and3A_495 {add = true} : memref<16x256xf32, #tpu.memory_space<vmem>>[vector<16xi32>, vector<16xi32>], vector<16xf32>, vector<16xi1>
        tpu.vector_store_idx %arg7[%sub3A_490, %add3A_100], %bitcast3A_322 masked %and3A_495 {add = true} : memref<16x256xf32, #tpu.memory_space<vmem>>[vector<16xi32>, vector<16xi32>], vector<16xf32>, vector<16xi1>
        tpu.vector_store_idx %arg7[%sub3A_490, %add3A_103], %bitcast3A_332 masked %and3A_495 {add = true} : memref<16x256xf32, #tpu.memory_space<vmem>>[vector<16xi32>, vector<16xi32>], vector<16xf32>, vector<16xi1>
        tpu.vector_store_idx %arg7[%sub3A_490, %add3A_109], %bitcast3A_334 masked %and3A_495 {add = true} : memref<16x256xf32, #tpu.memory_space<vmem>>[vector<16xi32>, vector<16xi32>], vector<16xf32>, vector<16xi1>
        tpu.vector_store_idx %arg7[%sub3A_490, %add3A_112], %bitcast3A_344 masked %and3A_495 {add = true} : memref<16x256xf32, #tpu.memory_space<vmem>>[vector<16xi32>, vector<16xi32>], vector<16xf32>, vector<16xi1>
        tpu.vector_store_idx %arg7[%sub3A_490, %add3A_118], %bitcast3A_346 masked %and3A_495 {add = true} : memref<16x256xf32, #tpu.memory_space<vmem>>[vector<16xi32>, vector<16xi32>], vector<16xf32>, vector<16xi1>
        tpu.vector_store_idx %arg7[%sub3A_490, %add3A_121], %bitcast3A_356 masked %and3A_495 {add = true} : memref<16x256xf32, #tpu.memory_space<vmem>>[vector<16xi32>, vector<16xi32>], vector<16xf32>, vector<16xi1>
        tpu.vector_store_idx %arg7[%sub3A_490, %add3A_127], %bitcast3A_358 masked %and3A_495 {add = true} : memref<16x256xf32, #tpu.memory_space<vmem>>[vector<16xi32>, vector<16xi32>], vector<16xf32>, vector<16xi1>
        tpu.vector_store_idx %arg7[%sub3A_490, %add3A_130], %bitcast3A_368 masked %and3A_495 {add = true} : memref<16x256xf32, #tpu.memory_space<vmem>>[vector<16xi32>, vector<16xi32>], vector<16xf32>, vector<16xi1>
        tpu.vector_store_idx %arg7[%sub3A_490, %add3A_136], %bitcast3A_370 masked %and3A_495 {add = true} : memref<16x256xf32, #tpu.memory_space<vmem>>[vector<16xi32>, vector<16xi32>], vector<16xf32>, vector<16xi1>
        tpu.vector_store_idx %arg7[%sub3A_490, %add3A_139], %bitcast3A_380 masked %and3A_495 {add = true} : memref<16x256xf32, #tpu.memory_space<vmem>>[vector<16xi32>, vector<16xi32>], vector<16xf32>, vector<16xi1>
        tpu.vector_store_idx %arg7[%sub3A_490, %add3A_145], %bitcast3A_382 masked %and3A_495 {add = true} : memref<16x256xf32, #tpu.memory_space<vmem>>[vector<16xi32>, vector<16xi32>], vector<16xf32>, vector<16xi1>
        %add3A_496 = arith.constant 3 : i32
        %add3A_497 = arith.addi %mul3A_190, %add3A_496 : i32
        %get3A_498 = arith.index_cast %rem3A_159 : i32 to index
        %get3A_499 = arith.index_cast %add3A_497 : i32 to index
        %get3A_500 = arith.constant 0 : index
        %get3A_501 = tpu.vector_load %arg6[%get3A_498, %get3A_499, %get3A_500] {strides = array<i32>} : memref<2x64x128xi32, #tpu.memory_space<vmem>>, vector<16xi32>,
        %shift_left3A_502 = arith.constant 16 : i32
        %shift_left3A_503 = vector.broadcast %shift_left3A_502 : i32 to vector<16xi32>
        %shift_left3A_504 = arith.shli %get3A_501, %shift_left3A_503 : vector<16xi32>
        %bitcast3A_505 = vector.bitcast %shift_left3A_504 : vector<16xi32> to vector<16xf32>
        %and3A_506 = arith.andi %get3A_501, %broadcast_in_dim3A_147 : vector<16xi32>
        %bitcast3A_507 = vector.bitcast %and3A_506 : vector<16xi32> to vector<16xf32>
        %add3A_508 = arith.constant 3 : i32
        %add3A_509 = arith.addi %mul3A_190, %add3A_508 : i32
        %get3A_510 = arith.index_cast %rem3A_159 : i32 to index
        %get3A_511 = arith.index_cast %add3A_509 : i32 to index
        %get3A_512 = arith.constant 16 : index
        %get3A_513 = tpu.vector_load %arg6[%get3A_510, %get3A_511, %get3A_512] {strides = array<i32>} : memref<2x64x128xi32, #tpu.memory_space<vmem>>, vector<16xi32>,
        %shift_left3A_514 = arith.constant 16 : i32
        %shift_left3A_515 = vector.broadcast %shift_left3A_514 : i32 to vector<16xi32>
        %shift_left3A_516 = arith.shli %get3A_513, %shift_left3A_515 : vector<16xi32>
        %bitcast3A_517 = vector.bitcast %shift_left3A_516 : vector<16xi32> to vector<16xf32>
        %and3A_518 = arith.andi %get3A_513, %broadcast_in_dim3A_147 : vector<16xi32>
        %bitcast3A_519 = vector.bitcast %and3A_518 : vector<16xi32> to vector<16xf32>
        %add3A_520 = arith.constant 3 : i32
        %add3A_521 = arith.addi %mul3A_190, %add3A_520 : i32
        %get3A_522 = arith.index_cast %rem3A_159 : i32 to index
        %get3A_523 = arith.index_cast %add3A_521 : i32 to index
        %get3A_524 = arith.constant 32 : index
        %get3A_525 = tpu.vector_load %arg6[%get3A_522, %get3A_523, %get3A_524] {strides = array<i32>} : memref<2x64x128xi32, #tpu.memory_space<vmem>>, vector<16xi32>,
        %shift_left3A_526 = arith.constant 16 : i32
        %shift_left3A_527 = vector.broadcast %shift_left3A_526 : i32 to vector<16xi32>
        %shift_left3A_528 = arith.shli %get3A_525, %shift_left3A_527 : vector<16xi32>
        %bitcast3A_529 = vector.bitcast %shift_left3A_528 : vector<16xi32> to vector<16xf32>
        %and3A_530 = arith.andi %get3A_525, %broadcast_in_dim3A_147 : vector<16xi32>
        %bitcast3A_531 = vector.bitcast %and3A_530 : vector<16xi32> to vector<16xf32>
        %add3A_532 = arith.constant 3 : i32
        %add3A_533 = arith.addi %mul3A_190, %add3A_532 : i32
        %get3A_534 = arith.index_cast %rem3A_159 : i32 to index
        %get3A_535 = arith.index_cast %add3A_533 : i32 to index
        %get3A_536 = arith.constant 48 : index
        %get3A_537 = tpu.vector_load %arg6[%get3A_534, %get3A_535, %get3A_536] {strides = array<i32>} : memref<2x64x128xi32, #tpu.memory_space<vmem>>, vector<16xi32>,
        %shift_left3A_538 = arith.constant 16 : i32
        %shift_left3A_539 = vector.broadcast %shift_left3A_538 : i32 to vector<16xi32>
        %shift_left3A_540 = arith.shli %get3A_537, %shift_left3A_539 : vector<16xi32>
        %bitcast3A_541 = vector.bitcast %shift_left3A_540 : vector<16xi32> to vector<16xf32>
        %and3A_542 = arith.andi %get3A_537, %broadcast_in_dim3A_147 : vector<16xi32>
        %bitcast3A_543 = vector.bitcast %and3A_542 : vector<16xi32> to vector<16xf32>
        %add3A_544 = arith.constant 3 : i32
        %add3A_545 = arith.addi %mul3A_190, %add3A_544 : i32
        %get3A_546 = arith.index_cast %rem3A_159 : i32 to index
        %get3A_547 = arith.index_cast %add3A_545 : i32 to index
        %get3A_548 = arith.constant 64 : index
        %get3A_549 = tpu.vector_load %arg6[%get3A_546, %get3A_547, %get3A_548] {strides = array<i32>} : memref<2x64x128xi32, #tpu.memory_space<vmem>>, vector<16xi32>,
        %shift_left3A_550 = arith.constant 16 : i32
        %shift_left3A_551 = vector.broadcast %shift_left3A_550 : i32 to vector<16xi32>
        %shift_left3A_552 = arith.shli %get3A_549, %shift_left3A_551 : vector<16xi32>
        %bitcast3A_553 = vector.bitcast %shift_left3A_552 : vector<16xi32> to vector<16xf32>
        %and3A_554 = arith.andi %get3A_549, %broadcast_in_dim3A_147 : vector<16xi32>
        %bitcast3A_555 = vector.bitcast %and3A_554 : vector<16xi32> to vector<16xf32>
        %add3A_556 = arith.constant 3 : i32
        %add3A_557 = arith.addi %mul3A_190, %add3A_556 : i32
        %get3A_558 = arith.index_cast %rem3A_159 : i32 to index
        %get3A_559 = arith.index_cast %add3A_557 : i32 to index
        %get3A_560 = arith.constant 80 : index
        %get3A_561 = tpu.vector_load %arg6[%get3A_558, %get3A_559, %get3A_560] {strides = array<i32>} : memref<2x64x128xi32, #tpu.memory_space<vmem>>, vector<16xi32>,
        %shift_left3A_562 = arith.constant 16 : i32
        %shift_left3A_563 = vector.broadcast %shift_left3A_562 : i32 to vector<16xi32>
        %shift_left3A_564 = arith.shli %get3A_561, %shift_left3A_563 : vector<16xi32>
        %bitcast3A_565 = vector.bitcast %shift_left3A_564 : vector<16xi32> to vector<16xf32>
        %and3A_566 = arith.andi %get3A_561, %broadcast_in_dim3A_147 : vector<16xi32>
        %bitcast3A_567 = vector.bitcast %and3A_566 : vector<16xi32> to vector<16xf32>
        %add3A_568 = arith.constant 3 : i32
        %add3A_569 = arith.addi %mul3A_190, %add3A_568 : i32
        %get3A_570 = arith.index_cast %rem3A_159 : i32 to index
        %get3A_571 = arith.index_cast %add3A_569 : i32 to index
        %get3A_572 = arith.constant 96 : index
        %get3A_573 = tpu.vector_load %arg6[%get3A_570, %get3A_571, %get3A_572] {strides = array<i32>} : memref<2x64x128xi32, #tpu.memory_space<vmem>>, vector<16xi32>,
        %shift_left3A_574 = arith.constant 16 : i32
        %shift_left3A_575 = vector.broadcast %shift_left3A_574 : i32 to vector<16xi32>
        %shift_left3A_576 = arith.shli %get3A_573, %shift_left3A_575 : vector<16xi32>
        %bitcast3A_577 = vector.bitcast %shift_left3A_576 : vector<16xi32> to vector<16xf32>
        %and3A_578 = arith.andi %get3A_573, %broadcast_in_dim3A_147 : vector<16xi32>
        %bitcast3A_579 = vector.bitcast %and3A_578 : vector<16xi32> to vector<16xf32>
        %add3A_580 = arith.constant 3 : i32
        %add3A_581 = arith.addi %mul3A_190, %add3A_580 : i32
        %get3A_582 = arith.index_cast %rem3A_159 : i32 to index
        %get3A_583 = arith.index_cast %add3A_581 : i32 to index
        %get3A_584 = arith.constant 112 : index
        %get3A_585 = tpu.vector_load %arg6[%get3A_582, %get3A_583, %get3A_584] {strides = array<i32>} : memref<2x64x128xi32, #tpu.memory_space<vmem>>, vector<16xi32>,
        %shift_left3A_586 = arith.constant 16 : i32
        %shift_left3A_587 = vector.broadcast %shift_left3A_586 : i32 to vector<16xi32>
        %shift_left3A_588 = arith.shli %get3A_585, %shift_left3A_587 : vector<16xi32>
        %bitcast3A_589 = vector.bitcast %shift_left3A_588 : vector<16xi32> to vector<16xf32>
        %and3A_590 = arith.andi %get3A_585, %broadcast_in_dim3A_147 : vector<16xi32>
        %bitcast3A_591 = vector.bitcast %and3A_590 : vector<16xi32> to vector<16xf32>
        %slice3A_592 = vector.extract_strided_slice %get3A_192 {offsets = [2], sizes = [1], strides = [1]} : vector<16xi32> to vector<1xi32>
        %squeeze3A_593 = vector.extract %slice3A_592[0] : i32 from vector<1xi32>
        %broadcast_in_dim3A_594 = vector.broadcast %squeeze3A_593 : i32 to vector<16xi32>
        %sub3A_595 = vector.broadcast %mul3A_2 : i32 to vector<16xi32>
        %sub3A_596 = arith.subi %broadcast_in_dim3A_594, %sub3A_595 : vector<16xi32>
        %ge3A_597 = vector.broadcast %mul3A_2 : i32 to vector<16xi32>
        %ge3A_598 = arith.cmpi sge, %broadcast_in_dim3A_594, %ge3A_597 : vector<16xi32>
        %lt3A_599 = vector.broadcast %add3A_4 : i32 to vector<16xi32>
        %lt3A_600 = arith.cmpi slt, %broadcast_in_dim3A_594, %lt3A_599 : vector<16xi32>
        %and3A_601 = arith.andi %ge3A_598, %lt3A_600 : vector<16xi1>
        tpu.vector_store_idx %arg7[%sub3A_596, %add3A_76], %bitcast3A_399 masked %and3A_601 {add = true} : memref<16x256xf32, #tpu.memory_space<vmem>>[vector<16xi32>, vector<16xi32>], vector<16xf32>, vector<16xi1>
        tpu.vector_store_idx %arg7[%sub3A_596, %add3A_82], %bitcast3A_401 masked %and3A_601 {add = true} : memref<16x256xf32, #tpu.memory_space<vmem>>[vector<16xi32>, vector<16xi32>], vector<16xf32>, vector<16xi1>
        tpu.vector_store_idx %arg7[%sub3A_596, %add3A_85], %bitcast3A_411 masked %and3A_601 {add = true} : memref<16x256xf32, #tpu.memory_space<vmem>>[vector<16xi32>, vector<16xi32>], vector<16xf32>, vector<16xi1>
        tpu.vector_store_idx %arg7[%sub3A_596, %add3A_91], %bitcast3A_413 masked %and3A_601 {add = true} : memref<16x256xf32, #tpu.memory_space<vmem>>[vector<16xi32>, vector<16xi32>], vector<16xf32>, vector<16xi1>
        tpu.vector_store_idx %arg7[%sub3A_596, %add3A_94], %bitcast3A_423 masked %and3A_601 {add = true} : memref<16x256xf32, #tpu.memory_space<vmem>>[vector<16xi32>, vector<16xi32>], vector<16xf32>, vector<16xi1>
        tpu.vector_store_idx %arg7[%sub3A_596, %add3A_100], %bitcast3A_425 masked %and3A_601 {add = true} : memref<16x256xf32, #tpu.memory_space<vmem>>[vector<16xi32>, vector<16xi32>], vector<16xf32>, vector<16xi1>
        tpu.vector_store_idx %arg7[%sub3A_596, %add3A_103], %bitcast3A_435 masked %and3A_601 {add = true} : memref<16x256xf32, #tpu.memory_space<vmem>>[vector<16xi32>, vector<16xi32>], vector<16xf32>, vector<16xi1>
        tpu.vector_store_idx %arg7[%sub3A_596, %add3A_109], %bitcast3A_437 masked %and3A_601 {add = true} : memref<16x256xf32, #tpu.memory_space<vmem>>[vector<16xi32>, vector<16xi32>], vector<16xf32>, vector<16xi1>
        tpu.vector_store_idx %arg7[%sub3A_596, %add3A_112], %bitcast3A_447 masked %and3A_601 {add = true} : memref<16x256xf32, #tpu.memory_space<vmem>>[vector<16xi32>, vector<16xi32>], vector<16xf32>, vector<16xi1>
        tpu.vector_store_idx %arg7[%sub3A_596, %add3A_118], %bitcast3A_449 masked %and3A_601 {add = true} : memref<16x256xf32, #tpu.memory_space<vmem>>[vector<16xi32>, vector<16xi32>], vector<16xf32>, vector<16xi1>
        tpu.vector_store_idx %arg7[%sub3A_596, %add3A_121], %bitcast3A_459 masked %and3A_601 {add = true} : memref<16x256xf32, #tpu.memory_space<vmem>>[vector<16xi32>, vector<16xi32>], vector<16xf32>, vector<16xi1>
        tpu.vector_store_idx %arg7[%sub3A_596, %add3A_127], %bitcast3A_461 masked %and3A_601 {add = true} : memref<16x256xf32, #tpu.memory_space<vmem>>[vector<16xi32>, vector<16xi32>], vector<16xf32>, vector<16xi1>
        tpu.vector_store_idx %arg7[%sub3A_596, %add3A_130], %bitcast3A_471 masked %and3A_601 {add = true} : memref<16x256xf32, #tpu.memory_space<vmem>>[vector<16xi32>, vector<16xi32>], vector<16xf32>, vector<16xi1>
        tpu.vector_store_idx %arg7[%sub3A_596, %add3A_136], %bitcast3A_473 masked %and3A_601 {add = true} : memref<16x256xf32, #tpu.memory_space<vmem>>[vector<16xi32>, vector<16xi32>], vector<16xf32>, vector<16xi1>
        tpu.vector_store_idx %arg7[%sub3A_596, %add3A_139], %bitcast3A_483 masked %and3A_601 {add = true} : memref<16x256xf32, #tpu.memory_space<vmem>>[vector<16xi32>, vector<16xi32>], vector<16xf32>, vector<16xi1>
        tpu.vector_store_idx %arg7[%sub3A_596, %add3A_145], %bitcast3A_485 masked %and3A_601 {add = true} : memref<16x256xf32, #tpu.memory_space<vmem>>[vector<16xi32>, vector<16xi32>], vector<16xf32>, vector<16xi1>
        %add3A_602 = arith.constant 4 : i32
        %add3A_603 = arith.addi %mul3A_190, %add3A_602 : i32
        %get3A_604 = arith.index_cast %rem3A_159 : i32 to index
        %get3A_605 = arith.index_cast %add3A_603 : i32 to index
        %get3A_606 = arith.constant 0 : index
        %get3A_607 = tpu.vector_load %arg6[%get3A_604, %get3A_605, %get3A_606] {strides = array<i32>} : memref<2x64x128xi32, #tpu.memory_space<vmem>>, vector<16xi32>,
        %shift_left3A_608 = arith.constant 16 : i32
        %shift_left3A_609 = vector.broadcast %shift_left3A_608 : i32 to vector<16xi32>
        %shift_left3A_610 = arith.shli %get3A_607, %shift_left3A_609 : vector<16xi32>
        %bitcast3A_611 = vector.bitcast %shift_left3A_610 : vector<16xi32> to vector<16xf32>
        %and3A_612 = arith.andi %get3A_607, %broadcast_in_dim3A_147 : vector<16xi32>
        %bitcast3A_613 = vector.bitcast %and3A_612 : vector<16xi32> to vector<16xf32>
        %add3A_614 = arith.constant 4 : i32
        %add3A_615 = arith.addi %mul3A_190, %add3A_614 : i32
        %get3A_616 = arith.index_cast %rem3A_159 : i32 to index
        %get3A_617 = arith.index_cast %add3A_615 : i32 to index
        %get3A_618 = arith.constant 16 : index
        %get3A_619 = tpu.vector_load %arg6[%get3A_616, %get3A_617, %get3A_618] {strides = array<i32>} : memref<2x64x128xi32, #tpu.memory_space<vmem>>, vector<16xi32>,
        %shift_left3A_620 = arith.constant 16 : i32
        %shift_left3A_621 = vector.broadcast %shift_left3A_620 : i32 to vector<16xi32>
        %shift_left3A_622 = arith.shli %get3A_619, %shift_left3A_621 : vector<16xi32>
        %bitcast3A_623 = vector.bitcast %shift_left3A_622 : vector<16xi32> to vector<16xf32>
        %and3A_624 = arith.andi %get3A_619, %broadcast_in_dim3A_147 : vector<16xi32>
        %bitcast3A_625 = vector.bitcast %and3A_624 : vector<16xi32> to vector<16xf32>
        %add3A_626 = arith.constant 4 : i32
        %add3A_627 = arith.addi %mul3A_190, %add3A_626 : i32
        %get3A_628 = arith.index_cast %rem3A_159 : i32 to index
        %get3A_629 = arith.index_cast %add3A_627 : i32 to index
        %get3A_630 = arith.constant 32 : index
        %get3A_631 = tpu.vector_load %arg6[%get3A_628, %get3A_629, %get3A_630] {strides = array<i32>} : memref<2x64x128xi32, #tpu.memory_space<vmem>>, vector<16xi32>,
        %shift_left3A_632 = arith.constant 16 : i32
        %shift_left3A_633 = vector.broadcast %shift_left3A_632 : i32 to vector<16xi32>
        %shift_left3A_634 = arith.shli %get3A_631, %shift_left3A_633 : vector<16xi32>
        %bitcast3A_635 = vector.bitcast %shift_left3A_634 : vector<16xi32> to vector<16xf32>
        %and3A_636 = arith.andi %get3A_631, %broadcast_in_dim3A_147 : vector<16xi32>
        %bitcast3A_637 = vector.bitcast %and3A_636 : vector<16xi32> to vector<16xf32>
        %add3A_638 = arith.constant 4 : i32
        %add3A_639 = arith.addi %mul3A_190, %add3A_638 : i32
        %get3A_640 = arith.index_cast %rem3A_159 : i32 to index
        %get3A_641 = arith.index_cast %add3A_639 : i32 to index
        %get3A_642 = arith.constant 48 : index
        %get3A_643 = tpu.vector_load %arg6[%get3A_640, %get3A_641, %get3A_642] {strides = array<i32>} : memref<2x64x128xi32, #tpu.memory_space<vmem>>, vector<16xi32>,
        %shift_left3A_644 = arith.constant 16 : i32
        %shift_left3A_645 = vector.broadcast %shift_left3A_644 : i32 to vector<16xi32>
        %shift_left3A_646 = arith.shli %get3A_643, %shift_left3A_645 : vector<16xi32>
        %bitcast3A_647 = vector.bitcast %shift_left3A_646 : vector<16xi32> to vector<16xf32>
        %and3A_648 = arith.andi %get3A_643, %broadcast_in_dim3A_147 : vector<16xi32>
        %bitcast3A_649 = vector.bitcast %and3A_648 : vector<16xi32> to vector<16xf32>
        %add3A_650 = arith.constant 4 : i32
        %add3A_651 = arith.addi %mul3A_190, %add3A_650 : i32
        %get3A_652 = arith.index_cast %rem3A_159 : i32 to index
        %get3A_653 = arith.index_cast %add3A_651 : i32 to index
        %get3A_654 = arith.constant 64 : index
        %get3A_655 = tpu.vector_load %arg6[%get3A_652, %get3A_653, %get3A_654] {strides = array<i32>} : memref<2x64x128xi32, #tpu.memory_space<vmem>>, vector<16xi32>,
        %shift_left3A_656 = arith.constant 16 : i32
        %shift_left3A_657 = vector.broadcast %shift_left3A_656 : i32 to vector<16xi32>
        %shift_left3A_658 = arith.shli %get3A_655, %shift_left3A_657 : vector<16xi32>
        %bitcast3A_659 = vector.bitcast %shift_left3A_658 : vector<16xi32> to vector<16xf32>
        %and3A_660 = arith.andi %get3A_655, %broadcast_in_dim3A_147 : vector<16xi32>
        %bitcast3A_661 = vector.bitcast %and3A_660 : vector<16xi32> to vector<16xf32>
        %add3A_662 = arith.constant 4 : i32
        %add3A_663 = arith.addi %mul3A_190, %add3A_662 : i32
        %get3A_664 = arith.index_cast %rem3A_159 : i32 to index
        %get3A_665 = arith.index_cast %add3A_663 : i32 to index
        %get3A_666 = arith.constant 80 : index
        %get3A_667 = tpu.vector_load %arg6[%get3A_664, %get3A_665, %get3A_666] {strides = array<i32>} : memref<2x64x128xi32, #tpu.memory_space<vmem>>, vector<16xi32>,
        %shift_left3A_668 = arith.constant 16 : i32
        %shift_left3A_669 = vector.broadcast %shift_left3A_668 : i32 to vector<16xi32>
        %shift_left3A_670 = arith.shli %get3A_667, %shift_left3A_669 : vector<16xi32>
        %bitcast3A_671 = vector.bitcast %shift_left3A_670 : vector<16xi32> to vector<16xf32>
        %and3A_672 = arith.andi %get3A_667, %broadcast_in_dim3A_147 : vector<16xi32>
        %bitcast3A_673 = vector.bitcast %and3A_672 : vector<16xi32> to vector<16xf32>
        %add3A_674 = arith.constant 4 : i32
        %add3A_675 = arith.addi %mul3A_190, %add3A_674 : i32
        %get3A_676 = arith.index_cast %rem3A_159 : i32 to index
        %get3A_677 = arith.index_cast %add3A_675 : i32 to index
        %get3A_678 = arith.constant 96 : index
        %get3A_679 = tpu.vector_load %arg6[%get3A_676, %get3A_677, %get3A_678] {strides = array<i32>} : memref<2x64x128xi32, #tpu.memory_space<vmem>>, vector<16xi32>,
        %shift_left3A_680 = arith.constant 16 : i32
        %shift_left3A_681 = vector.broadcast %shift_left3A_680 : i32 to vector<16xi32>
        %shift_left3A_682 = arith.shli %get3A_679, %shift_left3A_681 : vector<16xi32>
        %bitcast3A_683 = vector.bitcast %shift_left3A_682 : vector<16xi32> to vector<16xf32>
        %and3A_684 = arith.andi %get3A_679, %broadcast_in_dim3A_147 : vector<16xi32>
        %bitcast3A_685 = vector.bitcast %and3A_684 : vector<16xi32> to vector<16xf32>
        %add3A_686 = arith.constant 4 : i32
        %add3A_687 = arith.addi %mul3A_190, %add3A_686 : i32
        %get3A_688 = arith.index_cast %rem3A_159 : i32 to index
        %get3A_689 = arith.index_cast %add3A_687 : i32 to index
        %get3A_690 = arith.constant 112 : index
        %get3A_691 = tpu.vector_load %arg6[%get3A_688, %get3A_689, %get3A_690] {strides = array<i32>} : memref<2x64x128xi32, #tpu.memory_space<vmem>>, vector<16xi32>,
        %shift_left3A_692 = arith.constant 16 : i32
        %shift_left3A_693 = vector.broadcast %shift_left3A_692 : i32 to vector<16xi32>
        %shift_left3A_694 = arith.shli %get3A_691, %shift_left3A_693 : vector<16xi32>
        %bitcast3A_695 = vector.bitcast %shift_left3A_694 : vector<16xi32> to vector<16xf32>
        %and3A_696 = arith.andi %get3A_691, %broadcast_in_dim3A_147 : vector<16xi32>
        %bitcast3A_697 = vector.bitcast %and3A_696 : vector<16xi32> to vector<16xf32>
        %slice3A_698 = vector.extract_strided_slice %get3A_192 {offsets = [3], sizes = [1], strides = [1]} : vector<16xi32> to vector<1xi32>
        %squeeze3A_699 = vector.extract %slice3A_698[0] : i32 from vector<1xi32>
        %broadcast_in_dim3A_700 = vector.broadcast %squeeze3A_699 : i32 to vector<16xi32>
        %sub3A_701 = vector.broadcast %mul3A_2 : i32 to vector<16xi32>
        %sub3A_702 = arith.subi %broadcast_in_dim3A_700, %sub3A_701 : vector<16xi32>
        %ge3A_703 = vector.broadcast %mul3A_2 : i32 to vector<16xi32>
        %ge3A_704 = arith.cmpi sge, %broadcast_in_dim3A_700, %ge3A_703 : vector<16xi32>
        %lt3A_705 = vector.broadcast %add3A_4 : i32 to vector<16xi32>
        %lt3A_706 = arith.cmpi slt, %broadcast_in_dim3A_700, %lt3A_705 : vector<16xi32>
        %and3A_707 = arith.andi %ge3A_704, %lt3A_706 : vector<16xi1>
        tpu.vector_store_idx %arg7[%sub3A_702, %add3A_76], %bitcast3A_505 masked %and3A_707 {add = true} : memref<16x256xf32, #tpu.memory_space<vmem>>[vector<16xi32>, vector<16xi32>], vector<16xf32>, vector<16xi1>
        tpu.vector_store_idx %arg7[%sub3A_702, %add3A_82], %bitcast3A_507 masked %and3A_707 {add = true} : memref<16x256xf32, #tpu.memory_space<vmem>>[vector<16xi32>, vector<16xi32>], vector<16xf32>, vector<16xi1>
        tpu.vector_store_idx %arg7[%sub3A_702, %add3A_85], %bitcast3A_517 masked %and3A_707 {add = true} : memref<16x256xf32, #tpu.memory_space<vmem>>[vector<16xi32>, vector<16xi32>], vector<16xf32>, vector<16xi1>
        tpu.vector_store_idx %arg7[%sub3A_702, %add3A_91], %bitcast3A_519 masked %and3A_707 {add = true} : memref<16x256xf32, #tpu.memory_space<vmem>>[vector<16xi32>, vector<16xi32>], vector<16xf32>, vector<16xi1>
        tpu.vector_store_idx %arg7[%sub3A_702, %add3A_94], %bitcast3A_529 masked %and3A_707 {add = true} : memref<16x256xf32, #tpu.memory_space<vmem>>[vector<16xi32>, vector<16xi32>], vector<16xf32>, vector<16xi1>
        tpu.vector_store_idx %arg7[%sub3A_702, %add3A_100], %bitcast3A_531 masked %and3A_707 {add = true} : memref<16x256xf32, #tpu.memory_space<vmem>>[vector<16xi32>, vector<16xi32>], vector<16xf32>, vector<16xi1>
        tpu.vector_store_idx %arg7[%sub3A_702, %add3A_103], %bitcast3A_541 masked %and3A_707 {add = true} : memref<16x256xf32, #tpu.memory_space<vmem>>[vector<16xi32>, vector<16xi32>], vector<16xf32>, vector<16xi1>
        tpu.vector_store_idx %arg7[%sub3A_702, %add3A_109], %bitcast3A_543 masked %and3A_707 {add = true} : memref<16x256xf32, #tpu.memory_space<vmem>>[vector<16xi32>, vector<16xi32>], vector<16xf32>, vector<16xi1>
        tpu.vector_store_idx %arg7[%sub3A_702, %add3A_112], %bitcast3A_553 masked %and3A_707 {add = true} : memref<16x256xf32, #tpu.memory_space<vmem>>[vector<16xi32>, vector<16xi32>], vector<16xf32>, vector<16xi1>
        tpu.vector_store_idx %arg7[%sub3A_702, %add3A_118], %bitcast3A_555 masked %and3A_707 {add = true} : memref<16x256xf32, #tpu.memory_space<vmem>>[vector<16xi32>, vector<16xi32>], vector<16xf32>, vector<16xi1>
        tpu.vector_store_idx %arg7[%sub3A_702, %add3A_121], %bitcast3A_565 masked %and3A_707 {add = true} : memref<16x256xf32, #tpu.memory_space<vmem>>[vector<16xi32>, vector<16xi32>], vector<16xf32>, vector<16xi1>
        tpu.vector_store_idx %arg7[%sub3A_702, %add3A_127], %bitcast3A_567 masked %and3A_707 {add = true} : memref<16x256xf32, #tpu.memory_space<vmem>>[vector<16xi32>, vector<16xi32>], vector<16xf32>, vector<16xi1>
        tpu.vector_store_idx %arg7[%sub3A_702, %add3A_130], %bitcast3A_577 masked %and3A_707 {add = true} : memref<16x256xf32, #tpu.memory_space<vmem>>[vector<16xi32>, vector<16xi32>], vector<16xf32>, vector<16xi1>
        tpu.vector_store_idx %arg7[%sub3A_702, %add3A_136], %bitcast3A_579 masked %and3A_707 {add = true} : memref<16x256xf32, #tpu.memory_space<vmem>>[vector<16xi32>, vector<16xi32>], vector<16xf32>, vector<16xi1>
        tpu.vector_store_idx %arg7[%sub3A_702, %add3A_139], %bitcast3A_589 masked %and3A_707 {add = true} : memref<16x256xf32, #tpu.memory_space<vmem>>[vector<16xi32>, vector<16xi32>], vector<16xf32>, vector<16xi1>
        tpu.vector_store_idx %arg7[%sub3A_702, %add3A_145], %bitcast3A_591 masked %and3A_707 {add = true} : memref<16x256xf32, #tpu.memory_space<vmem>>[vector<16xi32>, vector<16xi32>], vector<16xf32>, vector<16xi1>
        %add3A_708 = arith.constant 5 : i32
        %add3A_709 = arith.addi %mul3A_190, %add3A_708 : i32
        %get3A_710 = arith.index_cast %rem3A_159 : i32 to index
        %get3A_711 = arith.index_cast %add3A_709 : i32 to index
        %get3A_712 = arith.constant 0 : index
        %get3A_713 = tpu.vector_load %arg6[%get3A_710, %get3A_711, %get3A_712] {strides = array<i32>} : memref<2x64x128xi32, #tpu.memory_space<vmem>>, vector<16xi32>,
        %shift_left3A_714 = arith.constant 16 : i32
        %shift_left3A_715 = vector.broadcast %shift_left3A_714 : i32 to vector<16xi32>
        %shift_left3A_716 = arith.shli %get3A_713, %shift_left3A_715 : vector<16xi32>
        %bitcast3A_717 = vector.bitcast %shift_left3A_716 : vector<16xi32> to vector<16xf32>
        %and3A_718 = arith.andi %get3A_713, %broadcast_in_dim3A_147 : vector<16xi32>
        %bitcast3A_719 = vector.bitcast %and3A_718 : vector<16xi32> to vector<16xf32>
        %add3A_720 = arith.constant 5 : i32
        %add3A_721 = arith.addi %mul3A_190, %add3A_720 : i32
        %get3A_722 = arith.index_cast %rem3A_159 : i32 to index
        %get3A_723 = arith.index_cast %add3A_721 : i32 to index
        %get3A_724 = arith.constant 16 : index
        %get3A_725 = tpu.vector_load %arg6[%get3A_722, %get3A_723, %get3A_724] {strides = array<i32>} : memref<2x64x128xi32, #tpu.memory_space<vmem>>, vector<16xi32>,
        %shift_left3A_726 = arith.constant 16 : i32
        %shift_left3A_727 = vector.broadcast %shift_left3A_726 : i32 to vector<16xi32>
        %shift_left3A_728 = arith.shli %get3A_725, %shift_left3A_727 : vector<16xi32>
        %bitcast3A_729 = vector.bitcast %shift_left3A_728 : vector<16xi32> to vector<16xf32>
        %and3A_730 = arith.andi %get3A_725, %broadcast_in_dim3A_147 : vector<16xi32>
        %bitcast3A_731 = vector.bitcast %and3A_730 : vector<16xi32> to vector<16xf32>
        %add3A_732 = arith.constant 5 : i32
        %add3A_733 = arith.addi %mul3A_190, %add3A_732 : i32
        %get3A_734 = arith.index_cast %rem3A_159 : i32 to index
        %get3A_735 = arith.index_cast %add3A_733 : i32 to index
        %get3A_736 = arith.constant 32 : index
        %get3A_737 = tpu.vector_load %arg6[%get3A_734, %get3A_735, %get3A_736] {strides = array<i32>} : memref<2x64x128xi32, #tpu.memory_space<vmem>>, vector<16xi32>,
        %shift_left3A_738 = arith.constant 16 : i32
        %shift_left3A_739 = vector.broadcast %shift_left3A_738 : i32 to vector<16xi32>
        %shift_left3A_740 = arith.shli %get3A_737, %shift_left3A_739 : vector<16xi32>
        %bitcast3A_741 = vector.bitcast %shift_left3A_740 : vector<16xi32> to vector<16xf32>
        %and3A_742 = arith.andi %get3A_737, %broadcast_in_dim3A_147 : vector<16xi32>
        %bitcast3A_743 = vector.bitcast %and3A_742 : vector<16xi32> to vector<16xf32>
        %add3A_744 = arith.constant 5 : i32
        %add3A_745 = arith.addi %mul3A_190, %add3A_744 : i32
        %get3A_746 = arith.index_cast %rem3A_159 : i32 to index
        %get3A_747 = arith.index_cast %add3A_745 : i32 to index
        %get3A_748 = arith.constant 48 : index
        %get3A_749 = tpu.vector_load %arg6[%get3A_746, %get3A_747, %get3A_748] {strides = array<i32>} : memref<2x64x128xi32, #tpu.memory_space<vmem>>, vector<16xi32>,
        %shift_left3A_750 = arith.constant 16 : i32
        %shift_left3A_751 = vector.broadcast %shift_left3A_750 : i32 to vector<16xi32>
        %shift_left3A_752 = arith.shli %get3A_749, %shift_left3A_751 : vector<16xi32>
        %bitcast3A_753 = vector.bitcast %shift_left3A_752 : vector<16xi32> to vector<16xf32>
        %and3A_754 = arith.andi %get3A_749, %broadcast_in_dim3A_147 : vector<16xi32>
        %bitcast3A_755 = vector.bitcast %and3A_754 : vector<16xi32> to vector<16xf32>
        %add3A_756 = arith.constant 5 : i32
        %add3A_757 = arith.addi %mul3A_190, %add3A_756 : i32
        %get3A_758 = arith.index_cast %rem3A_159 : i32 to index
        %get3A_759 = arith.index_cast %add3A_757 : i32 to index
        %get3A_760 = arith.constant 64 : index
        %get3A_761 = tpu.vector_load %arg6[%get3A_758, %get3A_759, %get3A_760] {strides = array<i32>} : memref<2x64x128xi32, #tpu.memory_space<vmem>>, vector<16xi32>,
        %shift_left3A_762 = arith.constant 16 : i32
        %shift_left3A_763 = vector.broadcast %shift_left3A_762 : i32 to vector<16xi32>
        %shift_left3A_764 = arith.shli %get3A_761, %shift_left3A_763 : vector<16xi32>
        %bitcast3A_765 = vector.bitcast %shift_left3A_764 : vector<16xi32> to vector<16xf32>
        %and3A_766 = arith.andi %get3A_761, %broadcast_in_dim3A_147 : vector<16xi32>
        %bitcast3A_767 = vector.bitcast %and3A_766 : vector<16xi32> to vector<16xf32>
        %add3A_768 = arith.constant 5 : i32
        %add3A_769 = arith.addi %mul3A_190, %add3A_768 : i32
        %get3A_770 = arith.index_cast %rem3A_159 : i32 to index
        %get3A_771 = arith.index_cast %add3A_769 : i32 to index
        %get3A_772 = arith.constant 80 : index
        %get3A_773 = tpu.vector_load %arg6[%get3A_770, %get3A_771, %get3A_772] {strides = array<i32>} : memref<2x64x128xi32, #tpu.memory_space<vmem>>, vector<16xi32>,
        %shift_left3A_774 = arith.constant 16 : i32
        %shift_left3A_775 = vector.broadcast %shift_left3A_774 : i32 to vector<16xi32>
        %shift_left3A_776 = arith.shli %get3A_773, %shift_left3A_775 : vector<16xi32>
        %bitcast3A_777 = vector.bitcast %shift_left3A_776 : vector<16xi32> to vector<16xf32>
        %and3A_778 = arith.andi %get3A_773, %broadcast_in_dim3A_147 : vector<16xi32>
        %bitcast3A_779 = vector.bitcast %and3A_778 : vector<16xi32> to vector<16xf32>
        %add3A_780 = arith.constant 5 : i32
        %add3A_781 = arith.addi %mul3A_190, %add3A_780 : i32
        %get3A_782 = arith.index_cast %rem3A_159 : i32 to index
        %get3A_783 = arith.index_cast %add3A_781 : i32 to index
        %get3A_784 = arith.constant 96 : index
        %get3A_785 = tpu.vector_load %arg6[%get3A_782, %get3A_783, %get3A_784] {strides = array<i32>} : memref<2x64x128xi32, #tpu.memory_space<vmem>>, vector<16xi32>,
        %shift_left3A_786 = arith.constant 16 : i32
        %shift_left3A_787 = vector.broadcast %shift_left3A_786 : i32 to vector<16xi32>
        %shift_left3A_788 = arith.shli %get3A_785, %shift_left3A_787 : vector<16xi32>
        %bitcast3A_789 = vector.bitcast %shift_left3A_788 : vector<16xi32> to vector<16xf32>
        %and3A_790 = arith.andi %get3A_785, %broadcast_in_dim3A_147 : vector<16xi32>
        %bitcast3A_791 = vector.bitcast %and3A_790 : vector<16xi32> to vector<16xf32>
        %add3A_792 = arith.constant 5 : i32
        %add3A_793 = arith.addi %mul3A_190, %add3A_792 : i32
        %get3A_794 = arith.index_cast %rem3A_159 : i32 to index
        %get3A_795 = arith.index_cast %add3A_793 : i32 to index
        %get3A_796 = arith.constant 112 : index
        %get3A_797 = tpu.vector_load %arg6[%get3A_794, %get3A_795, %get3A_796] {strides = array<i32>} : memref<2x64x128xi32, #tpu.memory_space<vmem>>, vector<16xi32>,
        %shift_left3A_798 = arith.constant 16 : i32
        %shift_left3A_799 = vector.broadcast %shift_left3A_798 : i32 to vector<16xi32>
        %shift_left3A_800 = arith.shli %get3A_797, %shift_left3A_799 : vector<16xi32>
        %bitcast3A_801 = vector.bitcast %shift_left3A_800 : vector<16xi32> to vector<16xf32>
        %and3A_802 = arith.andi %get3A_797, %broadcast_in_dim3A_147 : vector<16xi32>
        %bitcast3A_803 = vector.bitcast %and3A_802 : vector<16xi32> to vector<16xf32>
        %slice3A_804 = vector.extract_strided_slice %get3A_192 {offsets = [4], sizes = [1], strides = [1]} : vector<16xi32> to vector<1xi32>
        %squeeze3A_805 = vector.extract %slice3A_804[0] : i32 from vector<1xi32>
        %broadcast_in_dim3A_806 = vector.broadcast %squeeze3A_805 : i32 to vector<16xi32>
        %sub3A_807 = vector.broadcast %mul3A_2 : i32 to vector<16xi32>
        %sub3A_808 = arith.subi %broadcast_in_dim3A_806, %sub3A_807 : vector<16xi32>
        %ge3A_809 = vector.broadcast %mul3A_2 : i32 to vector<16xi32>
        %ge3A_810 = arith.cmpi sge, %broadcast_in_dim3A_806, %ge3A_809 : vector<16xi32>
        %lt3A_811 = vector.broadcast %add3A_4 : i32 to vector<16xi32>
        %lt3A_812 = arith.cmpi slt, %broadcast_in_dim3A_806, %lt3A_811 : vector<16xi32>
        %and3A_813 = arith.andi %ge3A_810, %lt3A_812 : vector<16xi1>
        tpu.vector_store_idx %arg7[%sub3A_808, %add3A_76], %bitcast3A_611 masked %and3A_813 {add = true} : memref<16x256xf32, #tpu.memory_space<vmem>>[vector<16xi32>, vector<16xi32>], vector<16xf32>, vector<16xi1>
        tpu.vector_store_idx %arg7[%sub3A_808, %add3A_82], %bitcast3A_613 masked %and3A_813 {add = true} : memref<16x256xf32, #tpu.memory_space<vmem>>[vector<16xi32>, vector<16xi32>], vector<16xf32>, vector<16xi1>
        tpu.vector_store_idx %arg7[%sub3A_808, %add3A_85], %bitcast3A_623 masked %and3A_813 {add = true} : memref<16x256xf32, #tpu.memory_space<vmem>>[vector<16xi32>, vector<16xi32>], vector<16xf32>, vector<16xi1>
        tpu.vector_store_idx %arg7[%sub3A_808, %add3A_91], %bitcast3A_625 masked %and3A_813 {add = true} : memref<16x256xf32, #tpu.memory_space<vmem>>[vector<16xi32>, vector<16xi32>], vector<16xf32>, vector<16xi1>
        tpu.vector_store_idx %arg7[%sub3A_808, %add3A_94], %bitcast3A_635 masked %and3A_813 {add = true} : memref<16x256xf32, #tpu.memory_space<vmem>>[vector<16xi32>, vector<16xi32>], vector<16xf32>, vector<16xi1>
        tpu.vector_store_idx %arg7[%sub3A_808, %add3A_100], %bitcast3A_637 masked %and3A_813 {add = true} : memref<16x256xf32, #tpu.memory_space<vmem>>[vector<16xi32>, vector<16xi32>], vector<16xf32>, vector<16xi1>
        tpu.vector_store_idx %arg7[%sub3A_808, %add3A_103], %bitcast3A_647 masked %and3A_813 {add = true} : memref<16x256xf32, #tpu.memory_space<vmem>>[vector<16xi32>, vector<16xi32>], vector<16xf32>, vector<16xi1>
        tpu.vector_store_idx %arg7[%sub3A_808, %add3A_109], %bitcast3A_649 masked %and3A_813 {add = true} : memref<16x256xf32, #tpu.memory_space<vmem>>[vector<16xi32>, vector<16xi32>], vector<16xf32>, vector<16xi1>
        tpu.vector_store_idx %arg7[%sub3A_808, %add3A_112], %bitcast3A_659 masked %and3A_813 {add = true} : memref<16x256xf32, #tpu.memory_space<vmem>>[vector<16xi32>, vector<16xi32>], vector<16xf32>, vector<16xi1>
        tpu.vector_store_idx %arg7[%sub3A_808, %add3A_118], %bitcast3A_661 masked %and3A_813 {add = true} : memref<16x256xf32, #tpu.memory_space<vmem>>[vector<16xi32>, vector<16xi32>], vector<16xf32>, vector<16xi1>
        tpu.vector_store_idx %arg7[%sub3A_808, %add3A_121], %bitcast3A_671 masked %and3A_813 {add = true} : memref<16x256xf32, #tpu.memory_space<vmem>>[vector<16xi32>, vector<16xi32>], vector<16xf32>, vector<16xi1>
        tpu.vector_store_idx %arg7[%sub3A_808, %add3A_127], %bitcast3A_673 masked %and3A_813 {add = true} : memref<16x256xf32, #tpu.memory_space<vmem>>[vector<16xi32>, vector<16xi32>], vector<16xf32>, vector<16xi1>
        tpu.vector_store_idx %arg7[%sub3A_808, %add3A_130], %bitcast3A_683 masked %and3A_813 {add = true} : memref<16x256xf32, #tpu.memory_space<vmem>>[vector<16xi32>, vector<16xi32>], vector<16xf32>, vector<16xi1>
        tpu.vector_store_idx %arg7[%sub3A_808, %add3A_136], %bitcast3A_685 masked %and3A_813 {add = true} : memref<16x256xf32, #tpu.memory_space<vmem>>[vector<16xi32>, vector<16xi32>], vector<16xf32>, vector<16xi1>
        tpu.vector_store_idx %arg7[%sub3A_808, %add3A_139], %bitcast3A_695 masked %and3A_813 {add = true} : memref<16x256xf32, #tpu.memory_space<vmem>>[vector<16xi32>, vector<16xi32>], vector<16xf32>, vector<16xi1>
        tpu.vector_store_idx %arg7[%sub3A_808, %add3A_145], %bitcast3A_697 masked %and3A_813 {add = true} : memref<16x256xf32, #tpu.memory_space<vmem>>[vector<16xi32>, vector<16xi32>], vector<16xf32>, vector<16xi1>
        %add3A_814 = arith.constant 6 : i32
        %add3A_815 = arith.addi %mul3A_190, %add3A_814 : i32
        %get3A_816 = arith.index_cast %rem3A_159 : i32 to index
        %get3A_817 = arith.index_cast %add3A_815 : i32 to index
        %get3A_818 = arith.constant 0 : index
        %get3A_819 = tpu.vector_load %arg6[%get3A_816, %get3A_817, %get3A_818] {strides = array<i32>} : memref<2x64x128xi32, #tpu.memory_space<vmem>>, vector<16xi32>,
        %shift_left3A_820 = arith.constant 16 : i32
        %shift_left3A_821 = vector.broadcast %shift_left3A_820 : i32 to vector<16xi32>
        %shift_left3A_822 = arith.shli %get3A_819, %shift_left3A_821 : vector<16xi32>
        %bitcast3A_823 = vector.bitcast %shift_left3A_822 : vector<16xi32> to vector<16xf32>
        %and3A_824 = arith.andi %get3A_819, %broadcast_in_dim3A_147 : vector<16xi32>
        %bitcast3A_825 = vector.bitcast %and3A_824 : vector<16xi32> to vector<16xf32>
        %add3A_826 = arith.constant 6 : i32
        %add3A_827 = arith.addi %mul3A_190, %add3A_826 : i32
        %get3A_828 = arith.index_cast %rem3A_159 : i32 to index
        %get3A_829 = arith.index_cast %add3A_827 : i32 to index
        %get3A_830 = arith.constant 16 : index
        %get3A_831 = tpu.vector_load %arg6[%get3A_828, %get3A_829, %get3A_830] {strides = array<i32>} : memref<2x64x128xi32, #tpu.memory_space<vmem>>, vector<16xi32>,
        %shift_left3A_832 = arith.constant 16 : i32
        %shift_left3A_833 = vector.broadcast %shift_left3A_832 : i32 to vector<16xi32>
        %shift_left3A_834 = arith.shli %get3A_831, %shift_left3A_833 : vector<16xi32>
        %bitcast3A_835 = vector.bitcast %shift_left3A_834 : vector<16xi32> to vector<16xf32>
        %and3A_836 = arith.andi %get3A_831, %broadcast_in_dim3A_147 : vector<16xi32>
        %bitcast3A_837 = vector.bitcast %and3A_836 : vector<16xi32> to vector<16xf32>
        %add3A_838 = arith.constant 6 : i32
        %add3A_839 = arith.addi %mul3A_190, %add3A_838 : i32
        %get3A_840 = arith.index_cast %rem3A_159 : i32 to index
        %get3A_841 = arith.index_cast %add3A_839 : i32 to index
        %get3A_842 = arith.constant 32 : index
        %get3A_843 = tpu.vector_load %arg6[%get3A_840, %get3A_841, %get3A_842] {strides = array<i32>} : memref<2x64x128xi32, #tpu.memory_space<vmem>>, vector<16xi32>,
        %shift_left3A_844 = arith.constant 16 : i32
        %shift_left3A_845 = vector.broadcast %shift_left3A_844 : i32 to vector<16xi32>
        %shift_left3A_846 = arith.shli %get3A_843, %shift_left3A_845 : vector<16xi32>
        %bitcast3A_847 = vector.bitcast %shift_left3A_846 : vector<16xi32> to vector<16xf32>
        %and3A_848 = arith.andi %get3A_843, %broadcast_in_dim3A_147 : vector<16xi32>
        %bitcast3A_849 = vector.bitcast %and3A_848 : vector<16xi32> to vector<16xf32>
        %add3A_850 = arith.constant 6 : i32
        %add3A_851 = arith.addi %mul3A_190, %add3A_850 : i32
        %get3A_852 = arith.index_cast %rem3A_159 : i32 to index
        %get3A_853 = arith.index_cast %add3A_851 : i32 to index
        %get3A_854 = arith.constant 48 : index
        %get3A_855 = tpu.vector_load %arg6[%get3A_852, %get3A_853, %get3A_854] {strides = array<i32>} : memref<2x64x128xi32, #tpu.memory_space<vmem>>, vector<16xi32>,
        %shift_left3A_856 = arith.constant 16 : i32
        %shift_left3A_857 = vector.broadcast %shift_left3A_856 : i32 to vector<16xi32>
        %shift_left3A_858 = arith.shli %get3A_855, %shift_left3A_857 : vector<16xi32>
        %bitcast3A_859 = vector.bitcast %shift_left3A_858 : vector<16xi32> to vector<16xf32>
        %and3A_860 = arith.andi %get3A_855, %broadcast_in_dim3A_147 : vector<16xi32>
        %bitcast3A_861 = vector.bitcast %and3A_860 : vector<16xi32> to vector<16xf32>
        %add3A_862 = arith.constant 6 : i32
        %add3A_863 = arith.addi %mul3A_190, %add3A_862 : i32
        %get3A_864 = arith.index_cast %rem3A_159 : i32 to index
        %get3A_865 = arith.index_cast %add3A_863 : i32 to index
        %get3A_866 = arith.constant 64 : index
        %get3A_867 = tpu.vector_load %arg6[%get3A_864, %get3A_865, %get3A_866] {strides = array<i32>} : memref<2x64x128xi32, #tpu.memory_space<vmem>>, vector<16xi32>,
        %shift_left3A_868 = arith.constant 16 : i32
        %shift_left3A_869 = vector.broadcast %shift_left3A_868 : i32 to vector<16xi32>
        %shift_left3A_870 = arith.shli %get3A_867, %shift_left3A_869 : vector<16xi32>
        %bitcast3A_871 = vector.bitcast %shift_left3A_870 : vector<16xi32> to vector<16xf32>
        %and3A_872 = arith.andi %get3A_867, %broadcast_in_dim3A_147 : vector<16xi32>
        %bitcast3A_873 = vector.bitcast %and3A_872 : vector<16xi32> to vector<16xf32>
        %add3A_874 = arith.constant 6 : i32
        %add3A_875 = arith.addi %mul3A_190, %add3A_874 : i32
        %get3A_876 = arith.index_cast %rem3A_159 : i32 to index
        %get3A_877 = arith.index_cast %add3A_875 : i32 to index
        %get3A_878 = arith.constant 80 : index
        %get3A_879 = tpu.vector_load %arg6[%get3A_876, %get3A_877, %get3A_878] {strides = array<i32>} : memref<2x64x128xi32, #tpu.memory_space<vmem>>, vector<16xi32>,
        %shift_left3A_880 = arith.constant 16 : i32
        %shift_left3A_881 = vector.broadcast %shift_left3A_880 : i32 to vector<16xi32>
        %shift_left3A_882 = arith.shli %get3A_879, %shift_left3A_881 : vector<16xi32>
        %bitcast3A_883 = vector.bitcast %shift_left3A_882 : vector<16xi32> to vector<16xf32>
        %and3A_884 = arith.andi %get3A_879, %broadcast_in_dim3A_147 : vector<16xi32>
        %bitcast3A_885 = vector.bitcast %and3A_884 : vector<16xi32> to vector<16xf32>
        %add3A_886 = arith.constant 6 : i32
        %add3A_887 = arith.addi %mul3A_190, %add3A_886 : i32
        %get3A_888 = arith.index_cast %rem3A_159 : i32 to index
        %get3A_889 = arith.index_cast %add3A_887 : i32 to index
        %get3A_890 = arith.constant 96 : index
        %get3A_891 = tpu.vector_load %arg6[%get3A_888, %get3A_889, %get3A_890] {strides = array<i32>} : memref<2x64x128xi32, #tpu.memory_space<vmem>>, vector<16xi32>,
        %shift_left3A_892 = arith.constant 16 : i32
        %shift_left3A_893 = vector.broadcast %shift_left3A_892 : i32 to vector<16xi32>
        %shift_left3A_894 = arith.shli %get3A_891, %shift_left3A_893 : vector<16xi32>
        %bitcast3A_895 = vector.bitcast %shift_left3A_894 : vector<16xi32> to vector<16xf32>
        %and3A_896 = arith.andi %get3A_891, %broadcast_in_dim3A_147 : vector<16xi32>
        %bitcast3A_897 = vector.bitcast %and3A_896 : vector<16xi32> to vector<16xf32>
        %add3A_898 = arith.constant 6 : i32
        %add3A_899 = arith.addi %mul3A_190, %add3A_898 : i32
        %get3A_900 = arith.index_cast %rem3A_159 : i32 to index
        %get3A_901 = arith.index_cast %add3A_899 : i32 to index
        %get3A_902 = arith.constant 112 : index
        %get3A_903 = tpu.vector_load %arg6[%get3A_900, %get3A_901, %get3A_902] {strides = array<i32>} : memref<2x64x128xi32, #tpu.memory_space<vmem>>, vector<16xi32>,
        %shift_left3A_904 = arith.constant 16 : i32
        %shift_left3A_905 = vector.broadcast %shift_left3A_904 : i32 to vector<16xi32>
        %shift_left3A_906 = arith.shli %get3A_903, %shift_left3A_905 : vector<16xi32>
        %bitcast3A_907 = vector.bitcast %shift_left3A_906 : vector<16xi32> to vector<16xf32>
        %and3A_908 = arith.andi %get3A_903, %broadcast_in_dim3A_147 : vector<16xi32>
        %bitcast3A_909 = vector.bitcast %and3A_908 : vector<16xi32> to vector<16xf32>
        %slice3A_910 = vector.extract_strided_slice %get3A_192 {offsets = [5], sizes = [1], strides = [1]} : vector<16xi32> to vector<1xi32>
        %squeeze3A_911 = vector.extract %slice3A_910[0] : i32 from vector<1xi32>
        %broadcast_in_dim3A_912 = vector.broadcast %squeeze3A_911 : i32 to vector<16xi32>
        %sub3A_913 = vector.broadcast %mul3A_2 : i32 to vector<16xi32>
        %sub3A_914 = arith.subi %broadcast_in_dim3A_912, %sub3A_913 : vector<16xi32>
        %ge3A_915 = vector.broadcast %mul3A_2 : i32 to vector<16xi32>
        %ge3A_916 = arith.cmpi sge, %broadcast_in_dim3A_912, %ge3A_915 : vector<16xi32>
        %lt3A_917 = vector.broadcast %add3A_4 : i32 to vector<16xi32>
        %lt3A_918 = arith.cmpi slt, %broadcast_in_dim3A_912, %lt3A_917 : vector<16xi32>
        %and3A_919 = arith.andi %ge3A_916, %lt3A_918 : vector<16xi1>
        tpu.vector_store_idx %arg7[%sub3A_914, %add3A_76], %bitcast3A_717 masked %and3A_919 {add = true} : memref<16x256xf32, #tpu.memory_space<vmem>>[vector<16xi32>, vector<16xi32>], vector<16xf32>, vector<16xi1>
        tpu.vector_store_idx %arg7[%sub3A_914, %add3A_82], %bitcast3A_719 masked %and3A_919 {add = true} : memref<16x256xf32, #tpu.memory_space<vmem>>[vector<16xi32>, vector<16xi32>], vector<16xf32>, vector<16xi1>
        tpu.vector_store_idx %arg7[%sub3A_914, %add3A_85], %bitcast3A_729 masked %and3A_919 {add = true} : memref<16x256xf32, #tpu.memory_space<vmem>>[vector<16xi32>, vector<16xi32>], vector<16xf32>, vector<16xi1>
        tpu.vector_store_idx %arg7[%sub3A_914, %add3A_91], %bitcast3A_731 masked %and3A_919 {add = true} : memref<16x256xf32, #tpu.memory_space<vmem>>[vector<16xi32>, vector<16xi32>], vector<16xf32>, vector<16xi1>
        tpu.vector_store_idx %arg7[%sub3A_914, %add3A_94], %bitcast3A_741 masked %and3A_919 {add = true} : memref<16x256xf32, #tpu.memory_space<vmem>>[vector<16xi32>, vector<16xi32>], vector<16xf32>, vector<16xi1>
        tpu.vector_store_idx %arg7[%sub3A_914, %add3A_100], %bitcast3A_743 masked %and3A_919 {add = true} : memref<16x256xf32, #tpu.memory_space<vmem>>[vector<16xi32>, vector<16xi32>], vector<16xf32>, vector<16xi1>
        tpu.vector_store_idx %arg7[%sub3A_914, %add3A_103], %bitcast3A_753 masked %and3A_919 {add = true} : memref<16x256xf32, #tpu.memory_space<vmem>>[vector<16xi32>, vector<16xi32>], vector<16xf32>, vector<16xi1>
        tpu.vector_store_idx %arg7[%sub3A_914, %add3A_109], %bitcast3A_755 masked %and3A_919 {add = true} : memref<16x256xf32, #tpu.memory_space<vmem>>[vector<16xi32>, vector<16xi32>], vector<16xf32>, vector<16xi1>
        tpu.vector_store_idx %arg7[%sub3A_914, %add3A_112], %bitcast3A_765 masked %and3A_919 {add = true} : memref<16x256xf32, #tpu.memory_space<vmem>>[vector<16xi32>, vector<16xi32>], vector<16xf32>, vector<16xi1>
        tpu.vector_store_idx %arg7[%sub3A_914, %add3A_118], %bitcast3A_767 masked %and3A_919 {add = true} : memref<16x256xf32, #tpu.memory_space<vmem>>[vector<16xi32>, vector<16xi32>], vector<16xf32>, vector<16xi1>
        tpu.vector_store_idx %arg7[%sub3A_914, %add3A_121], %bitcast3A_777 masked %and3A_919 {add = true} : memref<16x256xf32, #tpu.memory_space<vmem>>[vector<16xi32>, vector<16xi32>], vector<16xf32>, vector<16xi1>
        tpu.vector_store_idx %arg7[%sub3A_914, %add3A_127], %bitcast3A_779 masked %and3A_919 {add = true} : memref<16x256xf32, #tpu.memory_space<vmem>>[vector<16xi32>, vector<16xi32>], vector<16xf32>, vector<16xi1>
        tpu.vector_store_idx %arg7[%sub3A_914, %add3A_130], %bitcast3A_789 masked %and3A_919 {add = true} : memref<16x256xf32, #tpu.memory_space<vmem>>[vector<16xi32>, vector<16xi32>], vector<16xf32>, vector<16xi1>
        tpu.vector_store_idx %arg7[%sub3A_914, %add3A_136], %bitcast3A_791 masked %and3A_919 {add = true} : memref<16x256xf32, #tpu.memory_space<vmem>>[vector<16xi32>, vector<16xi32>], vector<16xf32>, vector<16xi1>
        tpu.vector_store_idx %arg7[%sub3A_914, %add3A_139], %bitcast3A_801 masked %and3A_919 {add = true} : memref<16x256xf32, #tpu.memory_space<vmem>>[vector<16xi32>, vector<16xi32>], vector<16xf32>, vector<16xi1>
        tpu.vector_store_idx %arg7[%sub3A_914, %add3A_145], %bitcast3A_803 masked %and3A_919 {add = true} : memref<16x256xf32, #tpu.memory_space<vmem>>[vector<16xi32>, vector<16xi32>], vector<16xf32>, vector<16xi1>
        %add3A_920 = arith.constant 7 : i32
        %add3A_921 = arith.addi %mul3A_190, %add3A_920 : i32
        %get3A_922 = arith.index_cast %rem3A_159 : i32 to index
        %get3A_923 = arith.index_cast %add3A_921 : i32 to index
        %get3A_924 = arith.constant 0 : index
        %get3A_925 = tpu.vector_load %arg6[%get3A_922, %get3A_923, %get3A_924] {strides = array<i32>} : memref<2x64x128xi32, #tpu.memory_space<vmem>>, vector<16xi32>,
        %shift_left3A_926 = arith.constant 16 : i32
        %shift_left3A_927 = vector.broadcast %shift_left3A_926 : i32 to vector<16xi32>
        %shift_left3A_928 = arith.shli %get3A_925, %shift_left3A_927 : vector<16xi32>
        %bitcast3A_929 = vector.bitcast %shift_left3A_928 : vector<16xi32> to vector<16xf32>
        %and3A_930 = arith.andi %get3A_925, %broadcast_in_dim3A_147 : vector<16xi32>
        %bitcast3A_931 = vector.bitcast %and3A_930 : vector<16xi32> to vector<16xf32>
        %add3A_932 = arith.constant 7 : i32
        %add3A_933 = arith.addi %mul3A_190, %add3A_932 : i32
        %get3A_934 = arith.index_cast %rem3A_159 : i32 to index
        %get3A_935 = arith.index_cast %add3A_933 : i32 to index
        %get3A_936 = arith.constant 16 : index
        %get3A_937 = tpu.vector_load %arg6[%get3A_934, %get3A_935, %get3A_936] {strides = array<i32>} : memref<2x64x128xi32, #tpu.memory_space<vmem>>, vector<16xi32>,
        %shift_left3A_938 = arith.constant 16 : i32
        %shift_left3A_939 = vector.broadcast %shift_left3A_938 : i32 to vector<16xi32>
        %shift_left3A_940 = arith.shli %get3A_937, %shift_left3A_939 : vector<16xi32>
        %bitcast3A_941 = vector.bitcast %shift_left3A_940 : vector<16xi32> to vector<16xf32>
        %and3A_942 = arith.andi %get3A_937, %broadcast_in_dim3A_147 : vector<16xi32>
        %bitcast3A_943 = vector.bitcast %and3A_942 : vector<16xi32> to vector<16xf32>
        %add3A_944 = arith.constant 7 : i32
        %add3A_945 = arith.addi %mul3A_190, %add3A_944 : i32
        %get3A_946 = arith.index_cast %rem3A_159 : i32 to index
        %get3A_947 = arith.index_cast %add3A_945 : i32 to index
        %get3A_948 = arith.constant 32 : index
        %get3A_949 = tpu.vector_load %arg6[%get3A_946, %get3A_947, %get3A_948] {strides = array<i32>} : memref<2x64x128xi32, #tpu.memory_space<vmem>>, vector<16xi32>,
        %shift_left3A_950 = arith.constant 16 : i32
        %shift_left3A_951 = vector.broadcast %shift_left3A_950 : i32 to vector<16xi32>
        %shift_left3A_952 = arith.shli %get3A_949, %shift_left3A_951 : vector<16xi32>
        %bitcast3A_953 = vector.bitcast %shift_left3A_952 : vector<16xi32> to vector<16xf32>
        %and3A_954 = arith.andi %get3A_949, %broadcast_in_dim3A_147 : vector<16xi32>
        %bitcast3A_955 = vector.bitcast %and3A_954 : vector<16xi32> to vector<16xf32>
        %add3A_956 = arith.constant 7 : i32
        %add3A_957 = arith.addi %mul3A_190, %add3A_956 : i32
        %get3A_958 = arith.index_cast %rem3A_159 : i32 to index
        %get3A_959 = arith.index_cast %add3A_957 : i32 to index
        %get3A_960 = arith.constant 48 : index
        %get3A_961 = tpu.vector_load %arg6[%get3A_958, %get3A_959, %get3A_960] {strides = array<i32>} : memref<2x64x128xi32, #tpu.memory_space<vmem>>, vector<16xi32>,
        %shift_left3A_962 = arith.constant 16 : i32
        %shift_left3A_963 = vector.broadcast %shift_left3A_962 : i32 to vector<16xi32>
        %shift_left3A_964 = arith.shli %get3A_961, %shift_left3A_963 : vector<16xi32>
        %bitcast3A_965 = vector.bitcast %shift_left3A_964 : vector<16xi32> to vector<16xf32>
        %and3A_966 = arith.andi %get3A_961, %broadcast_in_dim3A_147 : vector<16xi32>
        %bitcast3A_967 = vector.bitcast %and3A_966 : vector<16xi32> to vector<16xf32>
        %add3A_968 = arith.constant 7 : i32
        %add3A_969 = arith.addi %mul3A_190, %add3A_968 : i32
        %get3A_970 = arith.index_cast %rem3A_159 : i32 to index
        %get3A_971 = arith.index_cast %add3A_969 : i32 to index
        %get3A_972 = arith.constant 64 : index
        %get3A_973 = tpu.vector_load %arg6[%get3A_970, %get3A_971, %get3A_972] {strides = array<i32>} : memref<2x64x128xi32, #tpu.memory_space<vmem>>, vector<16xi32>,
        %shift_left3A_974 = arith.constant 16 : i32
        %shift_left3A_975 = vector.broadcast %shift_left3A_974 : i32 to vector<16xi32>
        %shift_left3A_976 = arith.shli %get3A_973, %shift_left3A_975 : vector<16xi32>
        %bitcast3A_977 = vector.bitcast %shift_left3A_976 : vector<16xi32> to vector<16xf32>
        %and3A_978 = arith.andi %get3A_973, %broadcast_in_dim3A_147 : vector<16xi32>
        %bitcast3A_979 = vector.bitcast %and3A_978 : vector<16xi32> to vector<16xf32>
        %add3A_980 = arith.constant 7 : i32
        %add3A_981 = arith.addi %mul3A_190, %add3A_980 : i32
        %get3A_982 = arith.index_cast %rem3A_159 : i32 to index
        %get3A_983 = arith.index_cast %add3A_981 : i32 to index
        %get3A_984 = arith.constant 80 : index
        %get3A_985 = tpu.vector_load %arg6[%get3A_982, %get3A_983, %get3A_984] {strides = array<i32>} : memref<2x64x128xi32, #tpu.memory_space<vmem>>, vector<16xi32>,
        %shift_left3A_986 = arith.constant 16 : i32
        %shift_left3A_987 = vector.broadcast %shift_left3A_986 : i32 to vector<16xi32>
        %shift_left3A_988 = arith.shli %get3A_985, %shift_left3A_987 : vector<16xi32>
        %bitcast3A_989 = vector.bitcast %shift_left3A_988 : vector<16xi32> to vector<16xf32>
        %and3A_990 = arith.andi %get3A_985, %broadcast_in_dim3A_147 : vector<16xi32>
        %bitcast3A_991 = vector.bitcast %and3A_990 : vector<16xi32> to vector<16xf32>
        %add3A_992 = arith.constant 7 : i32
        %add3A_993 = arith.addi %mul3A_190, %add3A_992 : i32
        %get3A_994 = arith.index_cast %rem3A_159 : i32 to index
        %get3A_995 = arith.index_cast %add3A_993 : i32 to index
        %get3A_996 = arith.constant 96 : index
        %get3A_997 = tpu.vector_load %arg6[%get3A_994, %get3A_995, %get3A_996] {strides = array<i32>} : memref<2x64x128xi32, #tpu.memory_space<vmem>>, vector<16xi32>,
        %shift_left3A_998 = arith.constant 16 : i32
        %shift_left3A_999 = vector.broadcast %shift_left3A_998 : i32 to vector<16xi32>
        %shift_left3A_1000 = arith.shli %get3A_997, %shift_left3A_999 : vector<16xi32>
        %bitcast3A_1001 = vector.bitcast %shift_left3A_1000 : vector<16xi32> to vector<16xf32>
        %and3A_1002 = arith.andi %get3A_997, %broadcast_in_dim3A_147 : vector<16xi32>
        %bitcast3A_1003 = vector.bitcast %and3A_1002 : vector<16xi32> to vector<16xf32>
        %add3A_1004 = arith.constant 7 : i32
        %add3A_1005 = arith.addi %mul3A_190, %add3A_1004 : i32
        %get3A_1006 = arith.index_cast %rem3A_159 : i32 to index
        %get3A_1007 = arith.index_cast %add3A_1005 : i32 to index
        %get3A_1008 = arith.constant 112 : index
        %get3A_1009 = tpu.vector_load %arg6[%get3A_1006, %get3A_1007, %get3A_1008] {strides = array<i32>} : memref<2x64x128xi32, #tpu.memory_space<vmem>>, vector<16xi32>,
        %shift_left3A_1010 = arith.constant 16 : i32
        %shift_left3A_1011 = vector.broadcast %shift_left3A_1010 : i32 to vector<16xi32>
        %shift_left3A_1012 = arith.shli %get3A_1009, %shift_left3A_1011 : vector<16xi32>
        %bitcast3A_1013 = vector.bitcast %shift_left3A_1012 : vector<16xi32> to vector<16xf32>
        %and3A_1014 = arith.andi %get3A_1009, %broadcast_in_dim3A_147 : vector<16xi32>
        %bitcast3A_1015 = vector.bitcast %and3A_1014 : vector<16xi32> to vector<16xf32>
        %slice3A_1016 = vector.extract_strided_slice %get3A_192 {offsets = [6], sizes = [1], strides = [1]} : vector<16xi32> to vector<1xi32>
        %squeeze3A_1017 = vector.extract %slice3A_1016[0] : i32 from vector<1xi32>
        %broadcast_in_dim3A_1018 = vector.broadcast %squeeze3A_1017 : i32 to vector<16xi32>
        %sub3A_1019 = vector.broadcast %mul3A_2 : i32 to vector<16xi32>
        %sub3A_1020 = arith.subi %broadcast_in_dim3A_1018, %sub3A_1019 : vector<16xi32>
        %ge3A_1021 = vector.broadcast %mul3A_2 : i32 to vector<16xi32>
        %ge3A_1022 = arith.cmpi sge, %broadcast_in_dim3A_1018, %ge3A_1021 : vector<16xi32>
        %lt3A_1023 = vector.broadcast %add3A_4 : i32 to vector<16xi32>
        %lt3A_1024 = arith.cmpi slt, %broadcast_in_dim3A_1018, %lt3A_1023 : vector<16xi32>
        %and3A_1025 = arith.andi %ge3A_1022, %lt3A_1024 : vector<16xi1>
        tpu.vector_store_idx %arg7[%sub3A_1020, %add3A_76], %bitcast3A_823 masked %and3A_1025 {add = true} : memref<16x256xf32, #tpu.memory_space<vmem>>[vector<16xi32>, vector<16xi32>], vector<16xf32>, vector<16xi1>
        tpu.vector_store_idx %arg7[%sub3A_1020, %add3A_82], %bitcast3A_825 masked %and3A_1025 {add = true} : memref<16x256xf32, #tpu.memory_space<vmem>>[vector<16xi32>, vector<16xi32>], vector<16xf32>, vector<16xi1>
        tpu.vector_store_idx %arg7[%sub3A_1020, %add3A_85], %bitcast3A_835 masked %and3A_1025 {add = true} : memref<16x256xf32, #tpu.memory_space<vmem>>[vector<16xi32>, vector<16xi32>], vector<16xf32>, vector<16xi1>
        tpu.vector_store_idx %arg7[%sub3A_1020, %add3A_91], %bitcast3A_837 masked %and3A_1025 {add = true} : memref<16x256xf32, #tpu.memory_space<vmem>>[vector<16xi32>, vector<16xi32>], vector<16xf32>, vector<16xi1>
        tpu.vector_store_idx %arg7[%sub3A_1020, %add3A_94], %bitcast3A_847 masked %and3A_1025 {add = true} : memref<16x256xf32, #tpu.memory_space<vmem>>[vector<16xi32>, vector<16xi32>], vector<16xf32>, vector<16xi1>
        tpu.vector_store_idx %arg7[%sub3A_1020, %add3A_100], %bitcast3A_849 masked %and3A_1025 {add = true} : memref<16x256xf32, #tpu.memory_space<vmem>>[vector<16xi32>, vector<16xi32>], vector<16xf32>, vector<16xi1>
        tpu.vector_store_idx %arg7[%sub3A_1020, %add3A_103], %bitcast3A_859 masked %and3A_1025 {add = true} : memref<16x256xf32, #tpu.memory_space<vmem>>[vector<16xi32>, vector<16xi32>], vector<16xf32>, vector<16xi1>
        tpu.vector_store_idx %arg7[%sub3A_1020, %add3A_109], %bitcast3A_861 masked %and3A_1025 {add = true} : memref<16x256xf32, #tpu.memory_space<vmem>>[vector<16xi32>, vector<16xi32>], vector<16xf32>, vector<16xi1>
        tpu.vector_store_idx %arg7[%sub3A_1020, %add3A_112], %bitcast3A_871 masked %and3A_1025 {add = true} : memref<16x256xf32, #tpu.memory_space<vmem>>[vector<16xi32>, vector<16xi32>], vector<16xf32>, vector<16xi1>
        tpu.vector_store_idx %arg7[%sub3A_1020, %add3A_118], %bitcast3A_873 masked %and3A_1025 {add = true} : memref<16x256xf32, #tpu.memory_space<vmem>>[vector<16xi32>, vector<16xi32>], vector<16xf32>, vector<16xi1>
        tpu.vector_store_idx %arg7[%sub3A_1020, %add3A_121], %bitcast3A_883 masked %and3A_1025 {add = true} : memref<16x256xf32, #tpu.memory_space<vmem>>[vector<16xi32>, vector<16xi32>], vector<16xf32>, vector<16xi1>
        tpu.vector_store_idx %arg7[%sub3A_1020, %add3A_127], %bitcast3A_885 masked %and3A_1025 {add = true} : memref<16x256xf32, #tpu.memory_space<vmem>>[vector<16xi32>, vector<16xi32>], vector<16xf32>, vector<16xi1>
        tpu.vector_store_idx %arg7[%sub3A_1020, %add3A_130], %bitcast3A_895 masked %and3A_1025 {add = true} : memref<16x256xf32, #tpu.memory_space<vmem>>[vector<16xi32>, vector<16xi32>], vector<16xf32>, vector<16xi1>
        tpu.vector_store_idx %arg7[%sub3A_1020, %add3A_136], %bitcast3A_897 masked %and3A_1025 {add = true} : memref<16x256xf32, #tpu.memory_space<vmem>>[vector<16xi32>, vector<16xi32>], vector<16xf32>, vector<16xi1>
        tpu.vector_store_idx %arg7[%sub3A_1020, %add3A_139], %bitcast3A_907 masked %and3A_1025 {add = true} : memref<16x256xf32, #tpu.memory_space<vmem>>[vector<16xi32>, vector<16xi32>], vector<16xf32>, vector<16xi1>
        tpu.vector_store_idx %arg7[%sub3A_1020, %add3A_145], %bitcast3A_909 masked %and3A_1025 {add = true} : memref<16x256xf32, #tpu.memory_space<vmem>>[vector<16xi32>, vector<16xi32>], vector<16xf32>, vector<16xi1>
        %add3A_1026 = arith.constant 8 : i32
        %add3A_1027 = arith.addi %mul3A_190, %add3A_1026 : i32
        %get3A_1028 = arith.index_cast %rem3A_159 : i32 to index
        %get3A_1029 = arith.index_cast %add3A_1027 : i32 to index
        %get3A_1030 = arith.constant 0 : index
        %get3A_1031 = tpu.vector_load %arg6[%get3A_1028, %get3A_1029, %get3A_1030] {strides = array<i32>} : memref<2x64x128xi32, #tpu.memory_space<vmem>>, vector<16xi32>,
        %shift_left3A_1032 = arith.constant 16 : i32
        %shift_left3A_1033 = vector.broadcast %shift_left3A_1032 : i32 to vector<16xi32>
        %shift_left3A_1034 = arith.shli %get3A_1031, %shift_left3A_1033 : vector<16xi32>
        %bitcast3A_1035 = vector.bitcast %shift_left3A_1034 : vector<16xi32> to vector<16xf32>
        %and3A_1036 = arith.andi %get3A_1031, %broadcast_in_dim3A_147 : vector<16xi32>
        %bitcast3A_1037 = vector.bitcast %and3A_1036 : vector<16xi32> to vector<16xf32>
        %add3A_1038 = arith.constant 8 : i32
        %add3A_1039 = arith.addi %mul3A_190, %add3A_1038 : i32
        %get3A_1040 = arith.index_cast %rem3A_159 : i32 to index
        %get3A_1041 = arith.index_cast %add3A_1039 : i32 to index
        %get3A_1042 = arith.constant 16 : index
        %get3A_1043 = tpu.vector_load %arg6[%get3A_1040, %get3A_1041, %get3A_1042] {strides = array<i32>} : memref<2x64x128xi32, #tpu.memory_space<vmem>>, vector<16xi32>,
        %shift_left3A_1044 = arith.constant 16 : i32
        %shift_left3A_1045 = vector.broadcast %shift_left3A_1044 : i32 to vector<16xi32>
        %shift_left3A_1046 = arith.shli %get3A_1043, %shift_left3A_1045 : vector<16xi32>
        %bitcast3A_1047 = vector.bitcast %shift_left3A_1046 : vector<16xi32> to vector<16xf32>
        %and3A_1048 = arith.andi %get3A_1043, %broadcast_in_dim3A_147 : vector<16xi32>
        %bitcast3A_1049 = vector.bitcast %and3A_1048 : vector<16xi32> to vector<16xf32>
        %add3A_1050 = arith.constant 8 : i32
        %add3A_1051 = arith.addi %mul3A_190, %add3A_1050 : i32
        %get3A_1052 = arith.index_cast %rem3A_159 : i32 to index
        %get3A_1053 = arith.index_cast %add3A_1051 : i32 to index
        %get3A_1054 = arith.constant 32 : index
        %get3A_1055 = tpu.vector_load %arg6[%get3A_1052, %get3A_1053, %get3A_1054] {strides = array<i32>} : memref<2x64x128xi32, #tpu.memory_space<vmem>>, vector<16xi32>,
        %shift_left3A_1056 = arith.constant 16 : i32
        %shift_left3A_1057 = vector.broadcast %shift_left3A_1056 : i32 to vector<16xi32>
        %shift_left3A_1058 = arith.shli %get3A_1055, %shift_left3A_1057 : vector<16xi32>
        %bitcast3A_1059 = vector.bitcast %shift_left3A_1058 : vector<16xi32> to vector<16xf32>
        %and3A_1060 = arith.andi %get3A_1055, %broadcast_in_dim3A_147 : vector<16xi32>
        %bitcast3A_1061 = vector.bitcast %and3A_1060 : vector<16xi32> to vector<16xf32>
        %add3A_1062 = arith.constant 8 : i32
        %add3A_1063 = arith.addi %mul3A_190, %add3A_1062 : i32
        %get3A_1064 = arith.index_cast %rem3A_159 : i32 to index
        %get3A_1065 = arith.index_cast %add3A_1063 : i32 to index
        %get3A_1066 = arith.constant 48 : index
        %get3A_1067 = tpu.vector_load %arg6[%get3A_1064, %get3A_1065, %get3A_1066] {strides = array<i32>} : memref<2x64x128xi32, #tpu.memory_space<vmem>>, vector<16xi32>,
        %shift_left3A_1068 = arith.constant 16 : i32
        %shift_left3A_1069 = vector.broadcast %shift_left3A_1068 : i32 to vector<16xi32>
        %shift_left3A_1070 = arith.shli %get3A_1067, %shift_left3A_1069 : vector<16xi32>
        %bitcast3A_1071 = vector.bitcast %shift_left3A_1070 : vector<16xi32> to vector<16xf32>
        %and3A_1072 = arith.andi %get3A_1067, %broadcast_in_dim3A_147 : vector<16xi32>
        %bitcast3A_1073 = vector.bitcast %and3A_1072 : vector<16xi32> to vector<16xf32>
        %add3A_1074 = arith.constant 8 : i32
        %add3A_1075 = arith.addi %mul3A_190, %add3A_1074 : i32
        %get3A_1076 = arith.index_cast %rem3A_159 : i32 to index
        %get3A_1077 = arith.index_cast %add3A_1075 : i32 to index
        %get3A_1078 = arith.constant 64 : index
        %get3A_1079 = tpu.vector_load %arg6[%get3A_1076, %get3A_1077, %get3A_1078] {strides = array<i32>} : memref<2x64x128xi32, #tpu.memory_space<vmem>>, vector<16xi32>,
        %shift_left3A_1080 = arith.constant 16 : i32
        %shift_left3A_1081 = vector.broadcast %shift_left3A_1080 : i32 to vector<16xi32>
        %shift_left3A_1082 = arith.shli %get3A_1079, %shift_left3A_1081 : vector<16xi32>
        %bitcast3A_1083 = vector.bitcast %shift_left3A_1082 : vector<16xi32> to vector<16xf32>
        %and3A_1084 = arith.andi %get3A_1079, %broadcast_in_dim3A_147 : vector<16xi32>
        %bitcast3A_1085 = vector.bitcast %and3A_1084 : vector<16xi32> to vector<16xf32>
        %add3A_1086 = arith.constant 8 : i32
        %add3A_1087 = arith.addi %mul3A_190, %add3A_1086 : i32
        %get3A_1088 = arith.index_cast %rem3A_159 : i32 to index
        %get3A_1089 = arith.index_cast %add3A_1087 : i32 to index
        %get3A_1090 = arith.constant 80 : index
        %get3A_1091 = tpu.vector_load %arg6[%get3A_1088, %get3A_1089, %get3A_1090] {strides = array<i32>} : memref<2x64x128xi32, #tpu.memory_space<vmem>>, vector<16xi32>,
        %shift_left3A_1092 = arith.constant 16 : i32
        %shift_left3A_1093 = vector.broadcast %shift_left3A_1092 : i32 to vector<16xi32>
        %shift_left3A_1094 = arith.shli %get3A_1091, %shift_left3A_1093 : vector<16xi32>
        %bitcast3A_1095 = vector.bitcast %shift_left3A_1094 : vector<16xi32> to vector<16xf32>
        %and3A_1096 = arith.andi %get3A_1091, %broadcast_in_dim3A_147 : vector<16xi32>
        %bitcast3A_1097 = vector.bitcast %and3A_1096 : vector<16xi32> to vector<16xf32>
        %add3A_1098 = arith.constant 8 : i32
        %add3A_1099 = arith.addi %mul3A_190, %add3A_1098 : i32
        %get3A_1100 = arith.index_cast %rem3A_159 : i32 to index
        %get3A_1101 = arith.index_cast %add3A_1099 : i32 to index
        %get3A_1102 = arith.constant 96 : index
        %get3A_1103 = tpu.vector_load %arg6[%get3A_1100, %get3A_1101, %get3A_1102] {strides = array<i32>} : memref<2x64x128xi32, #tpu.memory_space<vmem>>, vector<16xi32>,
        %shift_left3A_1104 = arith.constant 16 : i32
        %shift_left3A_1105 = vector.broadcast %shift_left3A_1104 : i32 to vector<16xi32>
        %shift_left3A_1106 = arith.shli %get3A_1103, %shift_left3A_1105 : vector<16xi32>
        %bitcast3A_1107 = vector.bitcast %shift_left3A_1106 : vector<16xi32> to vector<16xf32>
        %and3A_1108 = arith.andi %get3A_1103, %broadcast_in_dim3A_147 : vector<16xi32>
        %bitcast3A_1109 = vector.bitcast %and3A_1108 : vector<16xi32> to vector<16xf32>
        %add3A_1110 = arith.constant 8 : i32
        %add3A_1111 = arith.addi %mul3A_190, %add3A_1110 : i32
        %get3A_1112 = arith.index_cast %rem3A_159 : i32 to index
        %get3A_1113 = arith.index_cast %add3A_1111 : i32 to index
        %get3A_1114 = arith.constant 112 : index
        %get3A_1115 = tpu.vector_load %arg6[%get3A_1112, %get3A_1113, %get3A_1114] {strides = array<i32>} : memref<2x64x128xi32, #tpu.memory_space<vmem>>, vector<16xi32>,
        %shift_left3A_1116 = arith.constant 16 : i32
        %shift_left3A_1117 = vector.broadcast %shift_left3A_1116 : i32 to vector<16xi32>
        %shift_left3A_1118 = arith.shli %get3A_1115, %shift_left3A_1117 : vector<16xi32>
        %bitcast3A_1119 = vector.bitcast %shift_left3A_1118 : vector<16xi32> to vector<16xf32>
        %and3A_1120 = arith.andi %get3A_1115, %broadcast_in_dim3A_147 : vector<16xi32>
        %bitcast3A_1121 = vector.bitcast %and3A_1120 : vector<16xi32> to vector<16xf32>
        %slice3A_1122 = vector.extract_strided_slice %get3A_192 {offsets = [7], sizes = [1], strides = [1]} : vector<16xi32> to vector<1xi32>
        %squeeze3A_1123 = vector.extract %slice3A_1122[0] : i32 from vector<1xi32>
        %broadcast_in_dim3A_1124 = vector.broadcast %squeeze3A_1123 : i32 to vector<16xi32>
        %sub3A_1125 = vector.broadcast %mul3A_2 : i32 to vector<16xi32>
        %sub3A_1126 = arith.subi %broadcast_in_dim3A_1124, %sub3A_1125 : vector<16xi32>
        %ge3A_1127 = vector.broadcast %mul3A_2 : i32 to vector<16xi32>
        %ge3A_1128 = arith.cmpi sge, %broadcast_in_dim3A_1124, %ge3A_1127 : vector<16xi32>
        %lt3A_1129 = vector.broadcast %add3A_4 : i32 to vector<16xi32>
        %lt3A_1130 = arith.cmpi slt, %broadcast_in_dim3A_1124, %lt3A_1129 : vector<16xi32>
        %and3A_1131 = arith.andi %ge3A_1128, %lt3A_1130 : vector<16xi1>
        tpu.vector_store_idx %arg7[%sub3A_1126, %add3A_76], %bitcast3A_929 masked %and3A_1131 {add = true} : memref<16x256xf32, #tpu.memory_space<vmem>>[vector<16xi32>, vector<16xi32>], vector<16xf32>, vector<16xi1>
        tpu.vector_store_idx %arg7[%sub3A_1126, %add3A_82], %bitcast3A_931 masked %and3A_1131 {add = true} : memref<16x256xf32, #tpu.memory_space<vmem>>[vector<16xi32>, vector<16xi32>], vector<16xf32>, vector<16xi1>
        tpu.vector_store_idx %arg7[%sub3A_1126, %add3A_85], %bitcast3A_941 masked %and3A_1131 {add = true} : memref<16x256xf32, #tpu.memory_space<vmem>>[vector<16xi32>, vector<16xi32>], vector<16xf32>, vector<16xi1>
        tpu.vector_store_idx %arg7[%sub3A_1126, %add3A_91], %bitcast3A_943 masked %and3A_1131 {add = true} : memref<16x256xf32, #tpu.memory_space<vmem>>[vector<16xi32>, vector<16xi32>], vector<16xf32>, vector<16xi1>
        tpu.vector_store_idx %arg7[%sub3A_1126, %add3A_94], %bitcast3A_953 masked %and3A_1131 {add = true} : memref<16x256xf32, #tpu.memory_space<vmem>>[vector<16xi32>, vector<16xi32>], vector<16xf32>, vector<16xi1>
        tpu.vector_store_idx %arg7[%sub3A_1126, %add3A_100], %bitcast3A_955 masked %and3A_1131 {add = true} : memref<16x256xf32, #tpu.memory_space<vmem>>[vector<16xi32>, vector<16xi32>], vector<16xf32>, vector<16xi1>
        tpu.vector_store_idx %arg7[%sub3A_1126, %add3A_103], %bitcast3A_965 masked %and3A_1131 {add = true} : memref<16x256xf32, #tpu.memory_space<vmem>>[vector<16xi32>, vector<16xi32>], vector<16xf32>, vector<16xi1>
        tpu.vector_store_idx %arg7[%sub3A_1126, %add3A_109], %bitcast3A_967 masked %and3A_1131 {add = true} : memref<16x256xf32, #tpu.memory_space<vmem>>[vector<16xi32>, vector<16xi32>], vector<16xf32>, vector<16xi1>
        tpu.vector_store_idx %arg7[%sub3A_1126, %add3A_112], %bitcast3A_977 masked %and3A_1131 {add = true} : memref<16x256xf32, #tpu.memory_space<vmem>>[vector<16xi32>, vector<16xi32>], vector<16xf32>, vector<16xi1>
        tpu.vector_store_idx %arg7[%sub3A_1126, %add3A_118], %bitcast3A_979 masked %and3A_1131 {add = true} : memref<16x256xf32, #tpu.memory_space<vmem>>[vector<16xi32>, vector<16xi32>], vector<16xf32>, vector<16xi1>
        tpu.vector_store_idx %arg7[%sub3A_1126, %add3A_121], %bitcast3A_989 masked %and3A_1131 {add = true} : memref<16x256xf32, #tpu.memory_space<vmem>>[vector<16xi32>, vector<16xi32>], vector<16xf32>, vector<16xi1>
        tpu.vector_store_idx %arg7[%sub3A_1126, %add3A_127], %bitcast3A_991 masked %and3A_1131 {add = true} : memref<16x256xf32, #tpu.memory_space<vmem>>[vector<16xi32>, vector<16xi32>], vector<16xf32>, vector<16xi1>
        tpu.vector_store_idx %arg7[%sub3A_1126, %add3A_130], %bitcast3A_1001 masked %and3A_1131 {add = true} : memref<16x256xf32, #tpu.memory_space<vmem>>[vector<16xi32>, vector<16xi32>], vector<16xf32>, vector<16xi1>
        tpu.vector_store_idx %arg7[%sub3A_1126, %add3A_136], %bitcast3A_1003 masked %and3A_1131 {add = true} : memref<16x256xf32, #tpu.memory_space<vmem>>[vector<16xi32>, vector<16xi32>], vector<16xf32>, vector<16xi1>
        tpu.vector_store_idx %arg7[%sub3A_1126, %add3A_139], %bitcast3A_1013 masked %and3A_1131 {add = true} : memref<16x256xf32, #tpu.memory_space<vmem>>[vector<16xi32>, vector<16xi32>], vector<16xf32>, vector<16xi1>
        tpu.vector_store_idx %arg7[%sub3A_1126, %add3A_145], %bitcast3A_1015 masked %and3A_1131 {add = true} : memref<16x256xf32, #tpu.memory_space<vmem>>[vector<16xi32>, vector<16xi32>], vector<16xf32>, vector<16xi1>
        %add3A_1132 = arith.constant 9 : i32
        %add3A_1133 = arith.addi %mul3A_190, %add3A_1132 : i32
        %get3A_1134 = arith.index_cast %rem3A_159 : i32 to index
        %get3A_1135 = arith.index_cast %add3A_1133 : i32 to index
        %get3A_1136 = arith.constant 0 : index
        %get3A_1137 = tpu.vector_load %arg6[%get3A_1134, %get3A_1135, %get3A_1136] {strides = array<i32>} : memref<2x64x128xi32, #tpu.memory_space<vmem>>, vector<16xi32>,
        %shift_left3A_1138 = arith.constant 16 : i32
        %shift_left3A_1139 = vector.broadcast %shift_left3A_1138 : i32 to vector<16xi32>
        %shift_left3A_1140 = arith.shli %get3A_1137, %shift_left3A_1139 : vector<16xi32>
        %bitcast3A_1141 = vector.bitcast %shift_left3A_1140 : vector<16xi32> to vector<16xf32>
        %and3A_1142 = arith.andi %get3A_1137, %broadcast_in_dim3A_147 : vector<16xi32>
        %bitcast3A_1143 = vector.bitcast %and3A_1142 : vector<16xi32> to vector<16xf32>
        %add3A_1144 = arith.constant 9 : i32
        %add3A_1145 = arith.addi %mul3A_190, %add3A_1144 : i32
        %get3A_1146 = arith.index_cast %rem3A_159 : i32 to index
        %get3A_1147 = arith.index_cast %add3A_1145 : i32 to index
        %get3A_1148 = arith.constant 16 : index
        %get3A_1149 = tpu.vector_load %arg6[%get3A_1146, %get3A_1147, %get3A_1148] {strides = array<i32>} : memref<2x64x128xi32, #tpu.memory_space<vmem>>, vector<16xi32>,
        %shift_left3A_1150 = arith.constant 16 : i32
        %shift_left3A_1151 = vector.broadcast %shift_left3A_1150 : i32 to vector<16xi32>
        %shift_left3A_1152 = arith.shli %get3A_1149, %shift_left3A_1151 : vector<16xi32>
        %bitcast3A_1153 = vector.bitcast %shift_left3A_1152 : vector<16xi32> to vector<16xf32>
        %and3A_1154 = arith.andi %get3A_1149, %broadcast_in_dim3A_147 : vector<16xi32>
        %bitcast3A_1155 = vector.bitcast %and3A_1154 : vector<16xi32> to vector<16xf32>
        %add3A_1156 = arith.constant 9 : i32
        %add3A_1157 = arith.addi %mul3A_190, %add3A_1156 : i32
        %get3A_1158 = arith.index_cast %rem3A_159 : i32 to index
        %get3A_1159 = arith.index_cast %add3A_1157 : i32 to index
        %get3A_1160 = arith.constant 32 : index
        %get3A_1161 = tpu.vector_load %arg6[%get3A_1158, %get3A_1159, %get3A_1160] {strides = array<i32>} : memref<2x64x128xi32, #tpu.memory_space<vmem>>, vector<16xi32>,
        %shift_left3A_1162 = arith.constant 16 : i32
        %shift_left3A_1163 = vector.broadcast %shift_left3A_1162 : i32 to vector<16xi32>
        %shift_left3A_1164 = arith.shli %get3A_1161, %shift_left3A_1163 : vector<16xi32>
        %bitcast3A_1165 = vector.bitcast %shift_left3A_1164 : vector<16xi32> to vector<16xf32>
        %and3A_1166 = arith.andi %get3A_1161, %broadcast_in_dim3A_147 : vector<16xi32>
        %bitcast3A_1167 = vector.bitcast %and3A_1166 : vector<16xi32> to vector<16xf32>
        %add3A_1168 = arith.constant 9 : i32
        %add3A_1169 = arith.addi %mul3A_190, %add3A_1168 : i32
        %get3A_1170 = arith.index_cast %rem3A_159 : i32 to index
        %get3A_1171 = arith.index_cast %add3A_1169 : i32 to index
        %get3A_1172 = arith.constant 48 : index
        %get3A_1173 = tpu.vector_load %arg6[%get3A_1170, %get3A_1171, %get3A_1172] {strides = array<i32>} : memref<2x64x128xi32, #tpu.memory_space<vmem>>, vector<16xi32>,
        %shift_left3A_1174 = arith.constant 16 : i32
        %shift_left3A_1175 = vector.broadcast %shift_left3A_1174 : i32 to vector<16xi32>
        %shift_left3A_1176 = arith.shli %get3A_1173, %shift_left3A_1175 : vector<16xi32>
        %bitcast3A_1177 = vector.bitcast %shift_left3A_1176 : vector<16xi32> to vector<16xf32>
        %and3A_1178 = arith.andi %get3A_1173, %broadcast_in_dim3A_147 : vector<16xi32>
        %bitcast3A_1179 = vector.bitcast %and3A_1178 : vector<16xi32> to vector<16xf32>
        %add3A_1180 = arith.constant 9 : i32
        %add3A_1181 = arith.addi %mul3A_190, %add3A_1180 : i32
        %get3A_1182 = arith.index_cast %rem3A_159 : i32 to index
        %get3A_1183 = arith.index_cast %add3A_1181 : i32 to index
        %get3A_1184 = arith.constant 64 : index
        %get3A_1185 = tpu.vector_load %arg6[%get3A_1182, %get3A_1183, %get3A_1184] {strides = array<i32>} : memref<2x64x128xi32, #tpu.memory_space<vmem>>, vector<16xi32>,
        %shift_left3A_1186 = arith.constant 16 : i32
        %shift_left3A_1187 = vector.broadcast %shift_left3A_1186 : i32 to vector<16xi32>
        %shift_left3A_1188 = arith.shli %get3A_1185, %shift_left3A_1187 : vector<16xi32>
        %bitcast3A_1189 = vector.bitcast %shift_left3A_1188 : vector<16xi32> to vector<16xf32>
        %and3A_1190 = arith.andi %get3A_1185, %broadcast_in_dim3A_147 : vector<16xi32>
        %bitcast3A_1191 = vector.bitcast %and3A_1190 : vector<16xi32> to vector<16xf32>
        %add3A_1192 = arith.constant 9 : i32
        %add3A_1193 = arith.addi %mul3A_190, %add3A_1192 : i32
        %get3A_1194 = arith.index_cast %rem3A_159 : i32 to index
        %get3A_1195 = arith.index_cast %add3A_1193 : i32 to index
        %get3A_1196 = arith.constant 80 : index
        %get3A_1197 = tpu.vector_load %arg6[%get3A_1194, %get3A_1195, %get3A_1196] {strides = array<i32>} : memref<2x64x128xi32, #tpu.memory_space<vmem>>, vector<16xi32>,
        %shift_left3A_1198 = arith.constant 16 : i32
        %shift_left3A_1199 = vector.broadcast %shift_left3A_1198 : i32 to vector<16xi32>
        %shift_left3A_1200 = arith.shli %get3A_1197, %shift_left3A_1199 : vector<16xi32>
        %bitcast3A_1201 = vector.bitcast %shift_left3A_1200 : vector<16xi32> to vector<16xf32>
        %and3A_1202 = arith.andi %get3A_1197, %broadcast_in_dim3A_147 : vector<16xi32>
        %bitcast3A_1203 = vector.bitcast %and3A_1202 : vector<16xi32> to vector<16xf32>
        %add3A_1204 = arith.constant 9 : i32
        %add3A_1205 = arith.addi %mul3A_190, %add3A_1204 : i32
        %get3A_1206 = arith.index_cast %rem3A_159 : i32 to index
        %get3A_1207 = arith.index_cast %add3A_1205 : i32 to index
        %get3A_1208 = arith.constant 96 : index
        %get3A_1209 = tpu.vector_load %arg6[%get3A_1206, %get3A_1207, %get3A_1208] {strides = array<i32>} : memref<2x64x128xi32, #tpu.memory_space<vmem>>, vector<16xi32>,
        %shift_left3A_1210 = arith.constant 16 : i32
        %shift_left3A_1211 = vector.broadcast %shift_left3A_1210 : i32 to vector<16xi32>
        %shift_left3A_1212 = arith.shli %get3A_1209, %shift_left3A_1211 : vector<16xi32>
        %bitcast3A_1213 = vector.bitcast %shift_left3A_1212 : vector<16xi32> to vector<16xf32>
        %and3A_1214 = arith.andi %get3A_1209, %broadcast_in_dim3A_147 : vector<16xi32>
        %bitcast3A_1215 = vector.bitcast %and3A_1214 : vector<16xi32> to vector<16xf32>
        %add3A_1216 = arith.constant 9 : i32
        %add3A_1217 = arith.addi %mul3A_190, %add3A_1216 : i32
        %get3A_1218 = arith.index_cast %rem3A_159 : i32 to index
        %get3A_1219 = arith.index_cast %add3A_1217 : i32 to index
        %get3A_1220 = arith.constant 112 : index
        %get3A_1221 = tpu.vector_load %arg6[%get3A_1218, %get3A_1219, %get3A_1220] {strides = array<i32>} : memref<2x64x128xi32, #tpu.memory_space<vmem>>, vector<16xi32>,
        %shift_left3A_1222 = arith.constant 16 : i32
        %shift_left3A_1223 = vector.broadcast %shift_left3A_1222 : i32 to vector<16xi32>
        %shift_left3A_1224 = arith.shli %get3A_1221, %shift_left3A_1223 : vector<16xi32>
        %bitcast3A_1225 = vector.bitcast %shift_left3A_1224 : vector<16xi32> to vector<16xf32>
        %and3A_1226 = arith.andi %get3A_1221, %broadcast_in_dim3A_147 : vector<16xi32>
        %bitcast3A_1227 = vector.bitcast %and3A_1226 : vector<16xi32> to vector<16xf32>
        %slice3A_1228 = vector.extract_strided_slice %get3A_192 {offsets = [8], sizes = [1], strides = [1]} : vector<16xi32> to vector<1xi32>
        %squeeze3A_1229 = vector.extract %slice3A_1228[0] : i32 from vector<1xi32>
        %broadcast_in_dim3A_1230 = vector.broadcast %squeeze3A_1229 : i32 to vector<16xi32>
        %sub3A_1231 = vector.broadcast %mul3A_2 : i32 to vector<16xi32>
        %sub3A_1232 = arith.subi %broadcast_in_dim3A_1230, %sub3A_1231 : vector<16xi32>
        %ge3A_1233 = vector.broadcast %mul3A_2 : i32 to vector<16xi32>
        %ge3A_1234 = arith.cmpi sge, %broadcast_in_dim3A_1230, %ge3A_1233 : vector<16xi32>
        %lt3A_1235 = vector.broadcast %add3A_4 : i32 to vector<16xi32>
        %lt3A_1236 = arith.cmpi slt, %broadcast_in_dim3A_1230, %lt3A_1235 : vector<16xi32>
        %and3A_1237 = arith.andi %ge3A_1234, %lt3A_1236 : vector<16xi1>
        tpu.vector_store_idx %arg7[%sub3A_1232, %add3A_76], %bitcast3A_1035 masked %and3A_1237 {add = true} : memref<16x256xf32, #tpu.memory_space<vmem>>[vector<16xi32>, vector<16xi32>], vector<16xf32>, vector<16xi1>
        tpu.vector_store_idx %arg7[%sub3A_1232, %add3A_82], %bitcast3A_1037 masked %and3A_1237 {add = true} : memref<16x256xf32, #tpu.memory_space<vmem>>[vector<16xi32>, vector<16xi32>], vector<16xf32>, vector<16xi1>
        tpu.vector_store_idx %arg7[%sub3A_1232, %add3A_85], %bitcast3A_1047 masked %and3A_1237 {add = true} : memref<16x256xf32, #tpu.memory_space<vmem>>[vector<16xi32>, vector<16xi32>], vector<16xf32>, vector<16xi1>
        tpu.vector_store_idx %arg7[%sub3A_1232, %add3A_91], %bitcast3A_1049 masked %and3A_1237 {add = true} : memref<16x256xf32, #tpu.memory_space<vmem>>[vector<16xi32>, vector<16xi32>], vector<16xf32>, vector<16xi1>
        tpu.vector_store_idx %arg7[%sub3A_1232, %add3A_94], %bitcast3A_1059 masked %and3A_1237 {add = true} : memref<16x256xf32, #tpu.memory_space<vmem>>[vector<16xi32>, vector<16xi32>], vector<16xf32>, vector<16xi1>
        tpu.vector_store_idx %arg7[%sub3A_1232, %add3A_100], %bitcast3A_1061 masked %and3A_1237 {add = true} : memref<16x256xf32, #tpu.memory_space<vmem>>[vector<16xi32>, vector<16xi32>], vector<16xf32>, vector<16xi1>
        tpu.vector_store_idx %arg7[%sub3A_1232, %add3A_103], %bitcast3A_1071 masked %and3A_1237 {add = true} : memref<16x256xf32, #tpu.memory_space<vmem>>[vector<16xi32>, vector<16xi32>], vector<16xf32>, vector<16xi1>
        tpu.vector_store_idx %arg7[%sub3A_1232, %add3A_109], %bitcast3A_1073 masked %and3A_1237 {add = true} : memref<16x256xf32, #tpu.memory_space<vmem>>[vector<16xi32>, vector<16xi32>], vector<16xf32>, vector<16xi1>
        tpu.vector_store_idx %arg7[%sub3A_1232, %add3A_112], %bitcast3A_1083 masked %and3A_1237 {add = true} : memref<16x256xf32, #tpu.memory_space<vmem>>[vector<16xi32>, vector<16xi32>], vector<16xf32>, vector<16xi1>
        tpu.vector_store_idx %arg7[%sub3A_1232, %add3A_118], %bitcast3A_1085 masked %and3A_1237 {add = true} : memref<16x256xf32, #tpu.memory_space<vmem>>[vector<16xi32>, vector<16xi32>], vector<16xf32>, vector<16xi1>
        tpu.vector_store_idx %arg7[%sub3A_1232, %add3A_121], %bitcast3A_1095 masked %and3A_1237 {add = true} : memref<16x256xf32, #tpu.memory_space<vmem>>[vector<16xi32>, vector<16xi32>], vector<16xf32>, vector<16xi1>
        tpu.vector_store_idx %arg7[%sub3A_1232, %add3A_127], %bitcast3A_1097 masked %and3A_1237 {add = true} : memref<16x256xf32, #tpu.memory_space<vmem>>[vector<16xi32>, vector<16xi32>], vector<16xf32>, vector<16xi1>
        tpu.vector_store_idx %arg7[%sub3A_1232, %add3A_130], %bitcast3A_1107 masked %and3A_1237 {add = true} : memref<16x256xf32, #tpu.memory_space<vmem>>[vector<16xi32>, vector<16xi32>], vector<16xf32>, vector<16xi1>
        tpu.vector_store_idx %arg7[%sub3A_1232, %add3A_136], %bitcast3A_1109 masked %and3A_1237 {add = true} : memref<16x256xf32, #tpu.memory_space<vmem>>[vector<16xi32>, vector<16xi32>], vector<16xf32>, vector<16xi1>
        tpu.vector_store_idx %arg7[%sub3A_1232, %add3A_139], %bitcast3A_1119 masked %and3A_1237 {add = true} : memref<16x256xf32, #tpu.memory_space<vmem>>[vector<16xi32>, vector<16xi32>], vector<16xf32>, vector<16xi1>
        tpu.vector_store_idx %arg7[%sub3A_1232, %add3A_145], %bitcast3A_1121 masked %and3A_1237 {add = true} : memref<16x256xf32, #tpu.memory_space<vmem>>[vector<16xi32>, vector<16xi32>], vector<16xf32>, vector<16xi1>
        %add3A_1238 = arith.constant 10 : i32
        %add3A_1239 = arith.addi %mul3A_190, %add3A_1238 : i32
        %get3A_1240 = arith.index_cast %rem3A_159 : i32 to index
        %get3A_1241 = arith.index_cast %add3A_1239 : i32 to index
        %get3A_1242 = arith.constant 0 : index
        %get3A_1243 = tpu.vector_load %arg6[%get3A_1240, %get3A_1241, %get3A_1242] {strides = array<i32>} : memref<2x64x128xi32, #tpu.memory_space<vmem>>, vector<16xi32>,
        %shift_left3A_1244 = arith.constant 16 : i32
        %shift_left3A_1245 = vector.broadcast %shift_left3A_1244 : i32 to vector<16xi32>
        %shift_left3A_1246 = arith.shli %get3A_1243, %shift_left3A_1245 : vector<16xi32>
        %bitcast3A_1247 = vector.bitcast %shift_left3A_1246 : vector<16xi32> to vector<16xf32>
        %and3A_1248 = arith.andi %get3A_1243, %broadcast_in_dim3A_147 : vector<16xi32>
        %bitcast3A_1249 = vector.bitcast %and3A_1248 : vector<16xi32> to vector<16xf32>
        %add3A_1250 = arith.constant 10 : i32
        %add3A_1251 = arith.addi %mul3A_190, %add3A_1250 : i32
        %get3A_1252 = arith.index_cast %rem3A_159 : i32 to index
        %get3A_1253 = arith.index_cast %add3A_1251 : i32 to index
        %get3A_1254 = arith.constant 16 : index
        %get3A_1255 = tpu.vector_load %arg6[%get3A_1252, %get3A_1253, %get3A_1254] {strides = array<i32>} : memref<2x64x128xi32, #tpu.memory_space<vmem>>, vector<16xi32>,
        %shift_left3A_1256 = arith.constant 16 : i32
        %shift_left3A_1257 = vector.broadcast %shift_left3A_1256 : i32 to vector<16xi32>
        %shift_left3A_1258 = arith.shli %get3A_1255, %shift_left3A_1257 : vector<16xi32>
        %bitcast3A_1259 = vector.bitcast %shift_left3A_1258 : vector<16xi32> to vector<16xf32>
        %and3A_1260 = arith.andi %get3A_1255, %broadcast_in_dim3A_147 : vector<16xi32>
        %bitcast3A_1261 = vector.bitcast %and3A_1260 : vector<16xi32> to vector<16xf32>
        %add3A_1262 = arith.constant 10 : i32
        %add3A_1263 = arith.addi %mul3A_190, %add3A_1262 : i32
        %get3A_1264 = arith.index_cast %rem3A_159 : i32 to index
        %get3A_1265 = arith.index_cast %add3A_1263 : i32 to index
        %get3A_1266 = arith.constant 32 : index
        %get3A_1267 = tpu.vector_load %arg6[%get3A_1264, %get3A_1265, %get3A_1266] {strides = array<i32>} : memref<2x64x128xi32, #tpu.memory_space<vmem>>, vector<16xi32>,
        %shift_left3A_1268 = arith.constant 16 : i32
        %shift_left3A_1269 = vector.broadcast %shift_left3A_1268 : i32 to vector<16xi32>
        %shift_left3A_1270 = arith.shli %get3A_1267, %shift_left3A_1269 : vector<16xi32>
        %bitcast3A_1271 = vector.bitcast %shift_left3A_1270 : vector<16xi32> to vector<16xf32>
        %and3A_1272 = arith.andi %get3A_1267, %broadcast_in_dim3A_147 : vector<16xi32>
        %bitcast3A_1273 = vector.bitcast %and3A_1272 : vector<16xi32> to vector<16xf32>
        %add3A_1274 = arith.constant 10 : i32
        %add3A_1275 = arith.addi %mul3A_190, %add3A_1274 : i32
        %get3A_1276 = arith.index_cast %rem3A_159 : i32 to index
        %get3A_1277 = arith.index_cast %add3A_1275 : i32 to index
        %get3A_1278 = arith.constant 48 : index
        %get3A_1279 = tpu.vector_load %arg6[%get3A_1276, %get3A_1277, %get3A_1278] {strides = array<i32>} : memref<2x64x128xi32, #tpu.memory_space<vmem>>, vector<16xi32>,
        %shift_left3A_1280 = arith.constant 16 : i32
        %shift_left3A_1281 = vector.broadcast %shift_left3A_1280 : i32 to vector<16xi32>
        %shift_left3A_1282 = arith.shli %get3A_1279, %shift_left3A_1281 : vector<16xi32>
        %bitcast3A_1283 = vector.bitcast %shift_left3A_1282 : vector<16xi32> to vector<16xf32>
        %and3A_1284 = arith.andi %get3A_1279, %broadcast_in_dim3A_147 : vector<16xi32>
        %bitcast3A_1285 = vector.bitcast %and3A_1284 : vector<16xi32> to vector<16xf32>
        %add3A_1286 = arith.constant 10 : i32
        %add3A_1287 = arith.addi %mul3A_190, %add3A_1286 : i32
        %get3A_1288 = arith.index_cast %rem3A_159 : i32 to index
        %get3A_1289 = arith.index_cast %add3A_1287 : i32 to index
        %get3A_1290 = arith.constant 64 : index
        %get3A_1291 = tpu.vector_load %arg6[%get3A_1288, %get3A_1289, %get3A_1290] {strides = array<i32>} : memref<2x64x128xi32, #tpu.memory_space<vmem>>, vector<16xi32>,
        %shift_left3A_1292 = arith.constant 16 : i32
        %shift_left3A_1293 = vector.broadcast %shift_left3A_1292 : i32 to vector<16xi32>
        %shift_left3A_1294 = arith.shli %get3A_1291, %shift_left3A_1293 : vector<16xi32>
        %bitcast3A_1295 = vector.bitcast %shift_left3A_1294 : vector<16xi32> to vector<16xf32>
        %and3A_1296 = arith.andi %get3A_1291, %broadcast_in_dim3A_147 : vector<16xi32>
        %bitcast3A_1297 = vector.bitcast %and3A_1296 : vector<16xi32> to vector<16xf32>
        %add3A_1298 = arith.constant 10 : i32
        %add3A_1299 = arith.addi %mul3A_190, %add3A_1298 : i32
        %get3A_1300 = arith.index_cast %rem3A_159 : i32 to index
        %get3A_1301 = arith.index_cast %add3A_1299 : i32 to index
        %get3A_1302 = arith.constant 80 : index
        %get3A_1303 = tpu.vector_load %arg6[%get3A_1300, %get3A_1301, %get3A_1302] {strides = array<i32>} : memref<2x64x128xi32, #tpu.memory_space<vmem>>, vector<16xi32>,
        %shift_left3A_1304 = arith.constant 16 : i32
        %shift_left3A_1305 = vector.broadcast %shift_left3A_1304 : i32 to vector<16xi32>
        %shift_left3A_1306 = arith.shli %get3A_1303, %shift_left3A_1305 : vector<16xi32>
        %bitcast3A_1307 = vector.bitcast %shift_left3A_1306 : vector<16xi32> to vector<16xf32>
        %and3A_1308 = arith.andi %get3A_1303, %broadcast_in_dim3A_147 : vector<16xi32>
        %bitcast3A_1309 = vector.bitcast %and3A_1308 : vector<16xi32> to vector<16xf32>
        %add3A_1310 = arith.constant 10 : i32
        %add3A_1311 = arith.addi %mul3A_190, %add3A_1310 : i32
        %get3A_1312 = arith.index_cast %rem3A_159 : i32 to index
        %get3A_1313 = arith.index_cast %add3A_1311 : i32 to index
        %get3A_1314 = arith.constant 96 : index
        %get3A_1315 = tpu.vector_load %arg6[%get3A_1312, %get3A_1313, %get3A_1314] {strides = array<i32>} : memref<2x64x128xi32, #tpu.memory_space<vmem>>, vector<16xi32>,
        %shift_left3A_1316 = arith.constant 16 : i32
        %shift_left3A_1317 = vector.broadcast %shift_left3A_1316 : i32 to vector<16xi32>
        %shift_left3A_1318 = arith.shli %get3A_1315, %shift_left3A_1317 : vector<16xi32>
        %bitcast3A_1319 = vector.bitcast %shift_left3A_1318 : vector<16xi32> to vector<16xf32>
        %and3A_1320 = arith.andi %get3A_1315, %broadcast_in_dim3A_147 : vector<16xi32>
        %bitcast3A_1321 = vector.bitcast %and3A_1320 : vector<16xi32> to vector<16xf32>
        %add3A_1322 = arith.constant 10 : i32
        %add3A_1323 = arith.addi %mul3A_190, %add3A_1322 : i32
        %get3A_1324 = arith.index_cast %rem3A_159 : i32 to index
        %get3A_1325 = arith.index_cast %add3A_1323 : i32 to index
        %get3A_1326 = arith.constant 112 : index
        %get3A_1327 = tpu.vector_load %arg6[%get3A_1324, %get3A_1325, %get3A_1326] {strides = array<i32>} : memref<2x64x128xi32, #tpu.memory_space<vmem>>, vector<16xi32>,
        %shift_left3A_1328 = arith.constant 16 : i32
        %shift_left3A_1329 = vector.broadcast %shift_left3A_1328 : i32 to vector<16xi32>
        %shift_left3A_1330 = arith.shli %get3A_1327, %shift_left3A_1329 : vector<16xi32>
        %bitcast3A_1331 = vector.bitcast %shift_left3A_1330 : vector<16xi32> to vector<16xf32>
        %and3A_1332 = arith.andi %get3A_1327, %broadcast_in_dim3A_147 : vector<16xi32>
        %bitcast3A_1333 = vector.bitcast %and3A_1332 : vector<16xi32> to vector<16xf32>
        %slice3A_1334 = vector.extract_strided_slice %get3A_192 {offsets = [9], sizes = [1], strides = [1]} : vector<16xi32> to vector<1xi32>
        %squeeze3A_1335 = vector.extract %slice3A_1334[0] : i32 from vector<1xi32>
        %broadcast_in_dim3A_1336 = vector.broadcast %squeeze3A_1335 : i32 to vector<16xi32>
        %sub3A_1337 = vector.broadcast %mul3A_2 : i32 to vector<16xi32>
        %sub3A_1338 = arith.subi %broadcast_in_dim3A_1336, %sub3A_1337 : vector<16xi32>
        %ge3A_1339 = vector.broadcast %mul3A_2 : i32 to vector<16xi32>
        %ge3A_1340 = arith.cmpi sge, %broadcast_in_dim3A_1336, %ge3A_1339 : vector<16xi32>
        %lt3A_1341 = vector.broadcast %add3A_4 : i32 to vector<16xi32>
        %lt3A_1342 = arith.cmpi slt, %broadcast_in_dim3A_1336, %lt3A_1341 : vector<16xi32>
        %and3A_1343 = arith.andi %ge3A_1340, %lt3A_1342 : vector<16xi1>
        tpu.vector_store_idx %arg7[%sub3A_1338, %add3A_76], %bitcast3A_1141 masked %and3A_1343 {add = true} : memref<16x256xf32, #tpu.memory_space<vmem>>[vector<16xi32>, vector<16xi32>], vector<16xf32>, vector<16xi1>
        tpu.vector_store_idx %arg7[%sub3A_1338, %add3A_82], %bitcast3A_1143 masked %and3A_1343 {add = true} : memref<16x256xf32, #tpu.memory_space<vmem>>[vector<16xi32>, vector<16xi32>], vector<16xf32>, vector<16xi1>
        tpu.vector_store_idx %arg7[%sub3A_1338, %add3A_85], %bitcast3A_1153 masked %and3A_1343 {add = true} : memref<16x256xf32, #tpu.memory_space<vmem>>[vector<16xi32>, vector<16xi32>], vector<16xf32>, vector<16xi1>
        tpu.vector_store_idx %arg7[%sub3A_1338, %add3A_91], %bitcast3A_1155 masked %and3A_1343 {add = true} : memref<16x256xf32, #tpu.memory_space<vmem>>[vector<16xi32>, vector<16xi32>], vector<16xf32>, vector<16xi1>
        tpu.vector_store_idx %arg7[%sub3A_1338, %add3A_94], %bitcast3A_1165 masked %and3A_1343 {add = true} : memref<16x256xf32, #tpu.memory_space<vmem>>[vector<16xi32>, vector<16xi32>], vector<16xf32>, vector<16xi1>
        tpu.vector_store_idx %arg7[%sub3A_1338, %add3A_100], %bitcast3A_1167 masked %and3A_1343 {add = true} : memref<16x256xf32, #tpu.memory_space<vmem>>[vector<16xi32>, vector<16xi32>], vector<16xf32>, vector<16xi1>
        tpu.vector_store_idx %arg7[%sub3A_1338, %add3A_103], %bitcast3A_1177 masked %and3A_1343 {add = true} : memref<16x256xf32, #tpu.memory_space<vmem>>[vector<16xi32>, vector<16xi32>], vector<16xf32>, vector<16xi1>
        tpu.vector_store_idx %arg7[%sub3A_1338, %add3A_109], %bitcast3A_1179 masked %and3A_1343 {add = true} : memref<16x256xf32, #tpu.memory_space<vmem>>[vector<16xi32>, vector<16xi32>], vector<16xf32>, vector<16xi1>
        tpu.vector_store_idx %arg7[%sub3A_1338, %add3A_112], %bitcast3A_1189 masked %and3A_1343 {add = true} : memref<16x256xf32, #tpu.memory_space<vmem>>[vector<16xi32>, vector<16xi32>], vector<16xf32>, vector<16xi1>
        tpu.vector_store_idx %arg7[%sub3A_1338, %add3A_118], %bitcast3A_1191 masked %and3A_1343 {add = true} : memref<16x256xf32, #tpu.memory_space<vmem>>[vector<16xi32>, vector<16xi32>], vector<16xf32>, vector<16xi1>
        tpu.vector_store_idx %arg7[%sub3A_1338, %add3A_121], %bitcast3A_1201 masked %and3A_1343 {add = true} : memref<16x256xf32, #tpu.memory_space<vmem>>[vector<16xi32>, vector<16xi32>], vector<16xf32>, vector<16xi1>
        tpu.vector_store_idx %arg7[%sub3A_1338, %add3A_127], %bitcast3A_1203 masked %and3A_1343 {add = true} : memref<16x256xf32, #tpu.memory_space<vmem>>[vector<16xi32>, vector<16xi32>], vector<16xf32>, vector<16xi1>
        tpu.vector_store_idx %arg7[%sub3A_1338, %add3A_130], %bitcast3A_1213 masked %and3A_1343 {add = true} : memref<16x256xf32, #tpu.memory_space<vmem>>[vector<16xi32>, vector<16xi32>], vector<16xf32>, vector<16xi1>
        tpu.vector_store_idx %arg7[%sub3A_1338, %add3A_136], %bitcast3A_1215 masked %and3A_1343 {add = true} : memref<16x256xf32, #tpu.memory_space<vmem>>[vector<16xi32>, vector<16xi32>], vector<16xf32>, vector<16xi1>
        tpu.vector_store_idx %arg7[%sub3A_1338, %add3A_139], %bitcast3A_1225 masked %and3A_1343 {add = true} : memref<16x256xf32, #tpu.memory_space<vmem>>[vector<16xi32>, vector<16xi32>], vector<16xf32>, vector<16xi1>
        tpu.vector_store_idx %arg7[%sub3A_1338, %add3A_145], %bitcast3A_1227 masked %and3A_1343 {add = true} : memref<16x256xf32, #tpu.memory_space<vmem>>[vector<16xi32>, vector<16xi32>], vector<16xf32>, vector<16xi1>
        %add3A_1344 = arith.constant 11 : i32
        %add3A_1345 = arith.addi %mul3A_190, %add3A_1344 : i32
        %get3A_1346 = arith.index_cast %rem3A_159 : i32 to index
        %get3A_1347 = arith.index_cast %add3A_1345 : i32 to index
        %get3A_1348 = arith.constant 0 : index
        %get3A_1349 = tpu.vector_load %arg6[%get3A_1346, %get3A_1347, %get3A_1348] {strides = array<i32>} : memref<2x64x128xi32, #tpu.memory_space<vmem>>, vector<16xi32>,
        %shift_left3A_1350 = arith.constant 16 : i32
        %shift_left3A_1351 = vector.broadcast %shift_left3A_1350 : i32 to vector<16xi32>
        %shift_left3A_1352 = arith.shli %get3A_1349, %shift_left3A_1351 : vector<16xi32>
        %bitcast3A_1353 = vector.bitcast %shift_left3A_1352 : vector<16xi32> to vector<16xf32>
        %and3A_1354 = arith.andi %get3A_1349, %broadcast_in_dim3A_147 : vector<16xi32>
        %bitcast3A_1355 = vector.bitcast %and3A_1354 : vector<16xi32> to vector<16xf32>
        %add3A_1356 = arith.constant 11 : i32
        %add3A_1357 = arith.addi %mul3A_190, %add3A_1356 : i32
        %get3A_1358 = arith.index_cast %rem3A_159 : i32 to index
        %get3A_1359 = arith.index_cast %add3A_1357 : i32 to index
        %get3A_1360 = arith.constant 16 : index
        %get3A_1361 = tpu.vector_load %arg6[%get3A_1358, %get3A_1359, %get3A_1360] {strides = array<i32>} : memref<2x64x128xi32, #tpu.memory_space<vmem>>, vector<16xi32>,
        %shift_left3A_1362 = arith.constant 16 : i32
        %shift_left3A_1363 = vector.broadcast %shift_left3A_1362 : i32 to vector<16xi32>
        %shift_left3A_1364 = arith.shli %get3A_1361, %shift_left3A_1363 : vector<16xi32>
        %bitcast3A_1365 = vector.bitcast %shift_left3A_1364 : vector<16xi32> to vector<16xf32>
        %and3A_1366 = arith.andi %get3A_1361, %broadcast_in_dim3A_147 : vector<16xi32>
        %bitcast3A_1367 = vector.bitcast %and3A_1366 : vector<16xi32> to vector<16xf32>
        %add3A_1368 = arith.constant 11 : i32
        %add3A_1369 = arith.addi %mul3A_190, %add3A_1368 : i32
        %get3A_1370 = arith.index_cast %rem3A_159 : i32 to index
        %get3A_1371 = arith.index_cast %add3A_1369 : i32 to index
        %get3A_1372 = arith.constant 32 : index
        %get3A_1373 = tpu.vector_load %arg6[%get3A_1370, %get3A_1371, %get3A_1372] {strides = array<i32>} : memref<2x64x128xi32, #tpu.memory_space<vmem>>, vector<16xi32>,
        %shift_left3A_1374 = arith.constant 16 : i32
        %shift_left3A_1375 = vector.broadcast %shift_left3A_1374 : i32 to vector<16xi32>
        %shift_left3A_1376 = arith.shli %get3A_1373, %shift_left3A_1375 : vector<16xi32>
        %bitcast3A_1377 = vector.bitcast %shift_left3A_1376 : vector<16xi32> to vector<16xf32>
        %and3A_1378 = arith.andi %get3A_1373, %broadcast_in_dim3A_147 : vector<16xi32>
        %bitcast3A_1379 = vector.bitcast %and3A_1378 : vector<16xi32> to vector<16xf32>
        %add3A_1380 = arith.constant 11 : i32
        %add3A_1381 = arith.addi %mul3A_190, %add3A_1380 : i32
        %get3A_1382 = arith.index_cast %rem3A_159 : i32 to index
        %get3A_1383 = arith.index_cast %add3A_1381 : i32 to index
        %get3A_1384 = arith.constant 48 : index
        %get3A_1385 = tpu.vector_load %arg6[%get3A_1382, %get3A_1383, %get3A_1384] {strides = array<i32>} : memref<2x64x128xi32, #tpu.memory_space<vmem>>, vector<16xi32>,
        %shift_left3A_1386 = arith.constant 16 : i32
        %shift_left3A_1387 = vector.broadcast %shift_left3A_1386 : i32 to vector<16xi32>
        %shift_left3A_1388 = arith.shli %get3A_1385, %shift_left3A_1387 : vector<16xi32>
        %bitcast3A_1389 = vector.bitcast %shift_left3A_1388 : vector<16xi32> to vector<16xf32>
        %and3A_1390 = arith.andi %get3A_1385, %broadcast_in_dim3A_147 : vector<16xi32>
        %bitcast3A_1391 = vector.bitcast %and3A_1390 : vector<16xi32> to vector<16xf32>
        %add3A_1392 = arith.constant 11 : i32
        %add3A_1393 = arith.addi %mul3A_190, %add3A_1392 : i32
        %get3A_1394 = arith.index_cast %rem3A_159 : i32 to index
        %get3A_1395 = arith.index_cast %add3A_1393 : i32 to index
        %get3A_1396 = arith.constant 64 : index
        %get3A_1397 = tpu.vector_load %arg6[%get3A_1394, %get3A_1395, %get3A_1396] {strides = array<i32>} : memref<2x64x128xi32, #tpu.memory_space<vmem>>, vector<16xi32>,
        %shift_left3A_1398 = arith.constant 16 : i32
        %shift_left3A_1399 = vector.broadcast %shift_left3A_1398 : i32 to vector<16xi32>
        %shift_left3A_1400 = arith.shli %get3A_1397, %shift_left3A_1399 : vector<16xi32>
        %bitcast3A_1401 = vector.bitcast %shift_left3A_1400 : vector<16xi32> to vector<16xf32>
        %and3A_1402 = arith.andi %get3A_1397, %broadcast_in_dim3A_147 : vector<16xi32>
        %bitcast3A_1403 = vector.bitcast %and3A_1402 : vector<16xi32> to vector<16xf32>
        %add3A_1404 = arith.constant 11 : i32
        %add3A_1405 = arith.addi %mul3A_190, %add3A_1404 : i32
        %get3A_1406 = arith.index_cast %rem3A_159 : i32 to index
        %get3A_1407 = arith.index_cast %add3A_1405 : i32 to index
        %get3A_1408 = arith.constant 80 : index
        %get3A_1409 = tpu.vector_load %arg6[%get3A_1406, %get3A_1407, %get3A_1408] {strides = array<i32>} : memref<2x64x128xi32, #tpu.memory_space<vmem>>, vector<16xi32>,
        %shift_left3A_1410 = arith.constant 16 : i32
        %shift_left3A_1411 = vector.broadcast %shift_left3A_1410 : i32 to vector<16xi32>
        %shift_left3A_1412 = arith.shli %get3A_1409, %shift_left3A_1411 : vector<16xi32>
        %bitcast3A_1413 = vector.bitcast %shift_left3A_1412 : vector<16xi32> to vector<16xf32>
        %and3A_1414 = arith.andi %get3A_1409, %broadcast_in_dim3A_147 : vector<16xi32>
        %bitcast3A_1415 = vector.bitcast %and3A_1414 : vector<16xi32> to vector<16xf32>
        %add3A_1416 = arith.constant 11 : i32
        %add3A_1417 = arith.addi %mul3A_190, %add3A_1416 : i32
        %get3A_1418 = arith.index_cast %rem3A_159 : i32 to index
        %get3A_1419 = arith.index_cast %add3A_1417 : i32 to index
        %get3A_1420 = arith.constant 96 : index
        %get3A_1421 = tpu.vector_load %arg6[%get3A_1418, %get3A_1419, %get3A_1420] {strides = array<i32>} : memref<2x64x128xi32, #tpu.memory_space<vmem>>, vector<16xi32>,
        %shift_left3A_1422 = arith.constant 16 : i32
        %shift_left3A_1423 = vector.broadcast %shift_left3A_1422 : i32 to vector<16xi32>
        %shift_left3A_1424 = arith.shli %get3A_1421, %shift_left3A_1423 : vector<16xi32>
        %bitcast3A_1425 = vector.bitcast %shift_left3A_1424 : vector<16xi32> to vector<16xf32>
        %and3A_1426 = arith.andi %get3A_1421, %broadcast_in_dim3A_147 : vector<16xi32>
        %bitcast3A_1427 = vector.bitcast %and3A_1426 : vector<16xi32> to vector<16xf32>
        %add3A_1428 = arith.constant 11 : i32
        %add3A_1429 = arith.addi %mul3A_190, %add3A_1428 : i32
        %get3A_1430 = arith.index_cast %rem3A_159 : i32 to index
        %get3A_1431 = arith.index_cast %add3A_1429 : i32 to index
        %get3A_1432 = arith.constant 112 : index
        %get3A_1433 = tpu.vector_load %arg6[%get3A_1430, %get3A_1431, %get3A_1432] {strides = array<i32>} : memref<2x64x128xi32, #tpu.memory_space<vmem>>, vector<16xi32>,
        %shift_left3A_1434 = arith.constant 16 : i32
        %shift_left3A_1435 = vector.broadcast %shift_left3A_1434 : i32 to vector<16xi32>
        %shift_left3A_1436 = arith.shli %get3A_1433, %shift_left3A_1435 : vector<16xi32>
        %bitcast3A_1437 = vector.bitcast %shift_left3A_1436 : vector<16xi32> to vector<16xf32>
        %and3A_1438 = arith.andi %get3A_1433, %broadcast_in_dim3A_147 : vector<16xi32>
        %bitcast3A_1439 = vector.bitcast %and3A_1438 : vector<16xi32> to vector<16xf32>
        %slice3A_1440 = vector.extract_strided_slice %get3A_192 {offsets = [10], sizes = [1], strides = [1]} : vector<16xi32> to vector<1xi32>
        %squeeze3A_1441 = vector.extract %slice3A_1440[0] : i32 from vector<1xi32>
        %broadcast_in_dim3A_1442 = vector.broadcast %squeeze3A_1441 : i32 to vector<16xi32>
        %sub3A_1443 = vector.broadcast %mul3A_2 : i32 to vector<16xi32>
        %sub3A_1444 = arith.subi %broadcast_in_dim3A_1442, %sub3A_1443 : vector<16xi32>
        %ge3A_1445 = vector.broadcast %mul3A_2 : i32 to vector<16xi32>
        %ge3A_1446 = arith.cmpi sge, %broadcast_in_dim3A_1442, %ge3A_1445 : vector<16xi32>
        %lt3A_1447 = vector.broadcast %add3A_4 : i32 to vector<16xi32>
        %lt3A_1448 = arith.cmpi slt, %broadcast_in_dim3A_1442, %lt3A_1447 : vector<16xi32>
        %and3A_1449 = arith.andi %ge3A_1446, %lt3A_1448 : vector<16xi1>
        tpu.vector_store_idx %arg7[%sub3A_1444, %add3A_76], %bitcast3A_1247 masked %and3A_1449 {add = true} : memref<16x256xf32, #tpu.memory_space<vmem>>[vector<16xi32>, vector<16xi32>], vector<16xf32>, vector<16xi1>
        tpu.vector_store_idx %arg7[%sub3A_1444, %add3A_82], %bitcast3A_1249 masked %and3A_1449 {add = true} : memref<16x256xf32, #tpu.memory_space<vmem>>[vector<16xi32>, vector<16xi32>], vector<16xf32>, vector<16xi1>
        tpu.vector_store_idx %arg7[%sub3A_1444, %add3A_85], %bitcast3A_1259 masked %and3A_1449 {add = true} : memref<16x256xf32, #tpu.memory_space<vmem>>[vector<16xi32>, vector<16xi32>], vector<16xf32>, vector<16xi1>
        tpu.vector_store_idx %arg7[%sub3A_1444, %add3A_91], %bitcast3A_1261 masked %and3A_1449 {add = true} : memref<16x256xf32, #tpu.memory_space<vmem>>[vector<16xi32>, vector<16xi32>], vector<16xf32>, vector<16xi1>
        tpu.vector_store_idx %arg7[%sub3A_1444, %add3A_94], %bitcast3A_1271 masked %and3A_1449 {add = true} : memref<16x256xf32, #tpu.memory_space<vmem>>[vector<16xi32>, vector<16xi32>], vector<16xf32>, vector<16xi1>
        tpu.vector_store_idx %arg7[%sub3A_1444, %add3A_100], %bitcast3A_1273 masked %and3A_1449 {add = true} : memref<16x256xf32, #tpu.memory_space<vmem>>[vector<16xi32>, vector<16xi32>], vector<16xf32>, vector<16xi1>
        tpu.vector_store_idx %arg7[%sub3A_1444, %add3A_103], %bitcast3A_1283 masked %and3A_1449 {add = true} : memref<16x256xf32, #tpu.memory_space<vmem>>[vector<16xi32>, vector<16xi32>], vector<16xf32>, vector<16xi1>
        tpu.vector_store_idx %arg7[%sub3A_1444, %add3A_109], %bitcast3A_1285 masked %and3A_1449 {add = true} : memref<16x256xf32, #tpu.memory_space<vmem>>[vector<16xi32>, vector<16xi32>], vector<16xf32>, vector<16xi1>
        tpu.vector_store_idx %arg7[%sub3A_1444, %add3A_112], %bitcast3A_1295 masked %and3A_1449 {add = true} : memref<16x256xf32, #tpu.memory_space<vmem>>[vector<16xi32>, vector<16xi32>], vector<16xf32>, vector<16xi1>
        tpu.vector_store_idx %arg7[%sub3A_1444, %add3A_118], %bitcast3A_1297 masked %and3A_1449 {add = true} : memref<16x256xf32, #tpu.memory_space<vmem>>[vector<16xi32>, vector<16xi32>], vector<16xf32>, vector<16xi1>
        tpu.vector_store_idx %arg7[%sub3A_1444, %add3A_121], %bitcast3A_1307 masked %and3A_1449 {add = true} : memref<16x256xf32, #tpu.memory_space<vmem>>[vector<16xi32>, vector<16xi32>], vector<16xf32>, vector<16xi1>
        tpu.vector_store_idx %arg7[%sub3A_1444, %add3A_127], %bitcast3A_1309 masked %and3A_1449 {add = true} : memref<16x256xf32, #tpu.memory_space<vmem>>[vector<16xi32>, vector<16xi32>], vector<16xf32>, vector<16xi1>
        tpu.vector_store_idx %arg7[%sub3A_1444, %add3A_130], %bitcast3A_1319 masked %and3A_1449 {add = true} : memref<16x256xf32, #tpu.memory_space<vmem>>[vector<16xi32>, vector<16xi32>], vector<16xf32>, vector<16xi1>
        tpu.vector_store_idx %arg7[%sub3A_1444, %add3A_136], %bitcast3A_1321 masked %and3A_1449 {add = true} : memref<16x256xf32, #tpu.memory_space<vmem>>[vector<16xi32>, vector<16xi32>], vector<16xf32>, vector<16xi1>
        tpu.vector_store_idx %arg7[%sub3A_1444, %add3A_139], %bitcast3A_1331 masked %and3A_1449 {add = true} : memref<16x256xf32, #tpu.memory_space<vmem>>[vector<16xi32>, vector<16xi32>], vector<16xf32>, vector<16xi1>
        tpu.vector_store_idx %arg7[%sub3A_1444, %add3A_145], %bitcast3A_1333 masked %and3A_1449 {add = true} : memref<16x256xf32, #tpu.memory_space<vmem>>[vector<16xi32>, vector<16xi32>], vector<16xf32>, vector<16xi1>
        %add3A_1450 = arith.constant 12 : i32
        %add3A_1451 = arith.addi %mul3A_190, %add3A_1450 : i32
        %get3A_1452 = arith.index_cast %rem3A_159 : i32 to index
        %get3A_1453 = arith.index_cast %add3A_1451 : i32 to index
        %get3A_1454 = arith.constant 0 : index
        %get3A_1455 = tpu.vector_load %arg6[%get3A_1452, %get3A_1453, %get3A_1454] {strides = array<i32>} : memref<2x64x128xi32, #tpu.memory_space<vmem>>, vector<16xi32>,
        %shift_left3A_1456 = arith.constant 16 : i32
        %shift_left3A_1457 = vector.broadcast %shift_left3A_1456 : i32 to vector<16xi32>
        %shift_left3A_1458 = arith.shli %get3A_1455, %shift_left3A_1457 : vector<16xi32>
        %bitcast3A_1459 = vector.bitcast %shift_left3A_1458 : vector<16xi32> to vector<16xf32>
        %and3A_1460 = arith.andi %get3A_1455, %broadcast_in_dim3A_147 : vector<16xi32>
        %bitcast3A_1461 = vector.bitcast %and3A_1460 : vector<16xi32> to vector<16xf32>
        %add3A_1462 = arith.constant 12 : i32
        %add3A_1463 = arith.addi %mul3A_190, %add3A_1462 : i32
        %get3A_1464 = arith.index_cast %rem3A_159 : i32 to index
        %get3A_1465 = arith.index_cast %add3A_1463 : i32 to index
        %get3A_1466 = arith.constant 16 : index
        %get3A_1467 = tpu.vector_load %arg6[%get3A_1464, %get3A_1465, %get3A_1466] {strides = array<i32>} : memref<2x64x128xi32, #tpu.memory_space<vmem>>, vector<16xi32>,
        %shift_left3A_1468 = arith.constant 16 : i32
        %shift_left3A_1469 = vector.broadcast %shift_left3A_1468 : i32 to vector<16xi32>
        %shift_left3A_1470 = arith.shli %get3A_1467, %shift_left3A_1469 : vector<16xi32>
        %bitcast3A_1471 = vector.bitcast %shift_left3A_1470 : vector<16xi32> to vector<16xf32>
        %and3A_1472 = arith.andi %get3A_1467, %broadcast_in_dim3A_147 : vector<16xi32>
        %bitcast3A_1473 = vector.bitcast %and3A_1472 : vector<16xi32> to vector<16xf32>
        %add3A_1474 = arith.constant 12 : i32
        %add3A_1475 = arith.addi %mul3A_190, %add3A_1474 : i32
        %get3A_1476 = arith.index_cast %rem3A_159 : i32 to index
        %get3A_1477 = arith.index_cast %add3A_1475 : i32 to index
        %get3A_1478 = arith.constant 32 : index
        %get3A_1479 = tpu.vector_load %arg6[%get3A_1476, %get3A_1477, %get3A_1478] {strides = array<i32>} : memref<2x64x128xi32, #tpu.memory_space<vmem>>, vector<16xi32>,
        %shift_left3A_1480 = arith.constant 16 : i32
        %shift_left3A_1481 = vector.broadcast %shift_left3A_1480 : i32 to vector<16xi32>
        %shift_left3A_1482 = arith.shli %get3A_1479, %shift_left3A_1481 : vector<16xi32>
        %bitcast3A_1483 = vector.bitcast %shift_left3A_1482 : vector<16xi32> to vector<16xf32>
        %and3A_1484 = arith.andi %get3A_1479, %broadcast_in_dim3A_147 : vector<16xi32>
        %bitcast3A_1485 = vector.bitcast %and3A_1484 : vector<16xi32> to vector<16xf32>
        %add3A_1486 = arith.constant 12 : i32
        %add3A_1487 = arith.addi %mul3A_190, %add3A_1486 : i32
        %get3A_1488 = arith.index_cast %rem3A_159 : i32 to index
        %get3A_1489 = arith.index_cast %add3A_1487 : i32 to index
        %get3A_1490 = arith.constant 48 : index
        %get3A_1491 = tpu.vector_load %arg6[%get3A_1488, %get3A_1489, %get3A_1490] {strides = array<i32>} : memref<2x64x128xi32, #tpu.memory_space<vmem>>, vector<16xi32>,
        %shift_left3A_1492 = arith.constant 16 : i32
        %shift_left3A_1493 = vector.broadcast %shift_left3A_1492 : i32 to vector<16xi32>
        %shift_left3A_1494 = arith.shli %get3A_1491, %shift_left3A_1493 : vector<16xi32>
        %bitcast3A_1495 = vector.bitcast %shift_left3A_1494 : vector<16xi32> to vector<16xf32>
        %and3A_1496 = arith.andi %get3A_1491, %broadcast_in_dim3A_147 : vector<16xi32>
        %bitcast3A_1497 = vector.bitcast %and3A_1496 : vector<16xi32> to vector<16xf32>
        %add3A_1498 = arith.constant 12 : i32
        %add3A_1499 = arith.addi %mul3A_190, %add3A_1498 : i32
        %get3A_1500 = arith.index_cast %rem3A_159 : i32 to index
        %get3A_1501 = arith.index_cast %add3A_1499 : i32 to index
        %get3A_1502 = arith.constant 64 : index
        %get3A_1503 = tpu.vector_load %arg6[%get3A_1500, %get3A_1501, %get3A_1502] {strides = array<i32>} : memref<2x64x128xi32, #tpu.memory_space<vmem>>, vector<16xi32>,
        %shift_left3A_1504 = arith.constant 16 : i32
        %shift_left3A_1505 = vector.broadcast %shift_left3A_1504 : i32 to vector<16xi32>
        %shift_left3A_1506 = arith.shli %get3A_1503, %shift_left3A_1505 : vector<16xi32>
        %bitcast3A_1507 = vector.bitcast %shift_left3A_1506 : vector<16xi32> to vector<16xf32>
        %and3A_1508 = arith.andi %get3A_1503, %broadcast_in_dim3A_147 : vector<16xi32>
        %bitcast3A_1509 = vector.bitcast %and3A_1508 : vector<16xi32> to vector<16xf32>
        %add3A_1510 = arith.constant 12 : i32
        %add3A_1511 = arith.addi %mul3A_190, %add3A_1510 : i32
        %get3A_1512 = arith.index_cast %rem3A_159 : i32 to index
        %get3A_1513 = arith.index_cast %add3A_1511 : i32 to index
        %get3A_1514 = arith.constant 80 : index
        %get3A_1515 = tpu.vector_load %arg6[%get3A_1512, %get3A_1513, %get3A_1514] {strides = array<i32>} : memref<2x64x128xi32, #tpu.memory_space<vmem>>, vector<16xi32>,
        %shift_left3A_1516 = arith.constant 16 : i32
        %shift_left3A_1517 = vector.broadcast %shift_left3A_1516 : i32 to vector<16xi32>
        %shift_left3A_1518 = arith.shli %get3A_1515, %shift_left3A_1517 : vector<16xi32>
        %bitcast3A_1519 = vector.bitcast %shift_left3A_1518 : vector<16xi32> to vector<16xf32>
        %and3A_1520 = arith.andi %get3A_1515, %broadcast_in_dim3A_147 : vector<16xi32>
        %bitcast3A_1521 = vector.bitcast %and3A_1520 : vector<16xi32> to vector<16xf32>
        %add3A_1522 = arith.constant 12 : i32
        %add3A_1523 = arith.addi %mul3A_190, %add3A_1522 : i32
        %get3A_1524 = arith.index_cast %rem3A_159 : i32 to index
        %get3A_1525 = arith.index_cast %add3A_1523 : i32 to index
        %get3A_1526 = arith.constant 96 : index
        %get3A_1527 = tpu.vector_load %arg6[%get3A_1524, %get3A_1525, %get3A_1526] {strides = array<i32>} : memref<2x64x128xi32, #tpu.memory_space<vmem>>, vector<16xi32>,
        %shift_left3A_1528 = arith.constant 16 : i32
        %shift_left3A_1529 = vector.broadcast %shift_left3A_1528 : i32 to vector<16xi32>
        %shift_left3A_1530 = arith.shli %get3A_1527, %shift_left3A_1529 : vector<16xi32>
        %bitcast3A_1531 = vector.bitcast %shift_left3A_1530 : vector<16xi32> to vector<16xf32>
        %and3A_1532 = arith.andi %get3A_1527, %broadcast_in_dim3A_147 : vector<16xi32>
        %bitcast3A_1533 = vector.bitcast %and3A_1532 : vector<16xi32> to vector<16xf32>
        %add3A_1534 = arith.constant 12 : i32
        %add3A_1535 = arith.addi %mul3A_190, %add3A_1534 : i32
        %get3A_1536 = arith.index_cast %rem3A_159 : i32 to index
        %get3A_1537 = arith.index_cast %add3A_1535 : i32 to index
        %get3A_1538 = arith.constant 112 : index
        %get3A_1539 = tpu.vector_load %arg6[%get3A_1536, %get3A_1537, %get3A_1538] {strides = array<i32>} : memref<2x64x128xi32, #tpu.memory_space<vmem>>, vector<16xi32>,
        %shift_left3A_1540 = arith.constant 16 : i32
        %shift_left3A_1541 = vector.broadcast %shift_left3A_1540 : i32 to vector<16xi32>
        %shift_left3A_1542 = arith.shli %get3A_1539, %shift_left3A_1541 : vector<16xi32>
        %bitcast3A_1543 = vector.bitcast %shift_left3A_1542 : vector<16xi32> to vector<16xf32>
        %and3A_1544 = arith.andi %get3A_1539, %broadcast_in_dim3A_147 : vector<16xi32>
        %bitcast3A_1545 = vector.bitcast %and3A_1544 : vector<16xi32> to vector<16xf32>
        %slice3A_1546 = vector.extract_strided_slice %get3A_192 {offsets = [11], sizes = [1], strides = [1]} : vector<16xi32> to vector<1xi32>
        %squeeze3A_1547 = vector.extract %slice3A_1546[0] : i32 from vector<1xi32>
        %broadcast_in_dim3A_1548 = vector.broadcast %squeeze3A_1547 : i32 to vector<16xi32>
        %sub3A_1549 = vector.broadcast %mul3A_2 : i32 to vector<16xi32>
        %sub3A_1550 = arith.subi %broadcast_in_dim3A_1548, %sub3A_1549 : vector<16xi32>
        %ge3A_1551 = vector.broadcast %mul3A_2 : i32 to vector<16xi32>
        %ge3A_1552 = arith.cmpi sge, %broadcast_in_dim3A_1548, %ge3A_1551 : vector<16xi32>
        %lt3A_1553 = vector.broadcast %add3A_4 : i32 to vector<16xi32>
        %lt3A_1554 = arith.cmpi slt, %broadcast_in_dim3A_1548, %lt3A_1553 : vector<16xi32>
        %and3A_1555 = arith.andi %ge3A_1552, %lt3A_1554 : vector<16xi1>
        tpu.vector_store_idx %arg7[%sub3A_1550, %add3A_76], %bitcast3A_1353 masked %and3A_1555 {add = true} : memref<16x256xf32, #tpu.memory_space<vmem>>[vector<16xi32>, vector<16xi32>], vector<16xf32>, vector<16xi1>
        tpu.vector_store_idx %arg7[%sub3A_1550, %add3A_82], %bitcast3A_1355 masked %and3A_1555 {add = true} : memref<16x256xf32, #tpu.memory_space<vmem>>[vector<16xi32>, vector<16xi32>], vector<16xf32>, vector<16xi1>
        tpu.vector_store_idx %arg7[%sub3A_1550, %add3A_85], %bitcast3A_1365 masked %and3A_1555 {add = true} : memref<16x256xf32, #tpu.memory_space<vmem>>[vector<16xi32>, vector<16xi32>], vector<16xf32>, vector<16xi1>
        tpu.vector_store_idx %arg7[%sub3A_1550, %add3A_91], %bitcast3A_1367 masked %and3A_1555 {add = true} : memref<16x256xf32, #tpu.memory_space<vmem>>[vector<16xi32>, vector<16xi32>], vector<16xf32>, vector<16xi1>
        tpu.vector_store_idx %arg7[%sub3A_1550, %add3A_94], %bitcast3A_1377 masked %and3A_1555 {add = true} : memref<16x256xf32, #tpu.memory_space<vmem>>[vector<16xi32>, vector<16xi32>], vector<16xf32>, vector<16xi1>
        tpu.vector_store_idx %arg7[%sub3A_1550, %add3A_100], %bitcast3A_1379 masked %and3A_1555 {add = true} : memref<16x256xf32, #tpu.memory_space<vmem>>[vector<16xi32>, vector<16xi32>], vector<16xf32>, vector<16xi1>
        tpu.vector_store_idx %arg7[%sub3A_1550, %add3A_103], %bitcast3A_1389 masked %and3A_1555 {add = true} : memref<16x256xf32, #tpu.memory_space<vmem>>[vector<16xi32>, vector<16xi32>], vector<16xf32>, vector<16xi1>
        tpu.vector_store_idx %arg7[%sub3A_1550, %add3A_109], %bitcast3A_1391 masked %and3A_1555 {add = true} : memref<16x256xf32, #tpu.memory_space<vmem>>[vector<16xi32>, vector<16xi32>], vector<16xf32>, vector<16xi1>
        tpu.vector_store_idx %arg7[%sub3A_1550, %add3A_112], %bitcast3A_1401 masked %and3A_1555 {add = true} : memref<16x256xf32, #tpu.memory_space<vmem>>[vector<16xi32>, vector<16xi32>], vector<16xf32>, vector<16xi1>
        tpu.vector_store_idx %arg7[%sub3A_1550, %add3A_118], %bitcast3A_1403 masked %and3A_1555 {add = true} : memref<16x256xf32, #tpu.memory_space<vmem>>[vector<16xi32>, vector<16xi32>], vector<16xf32>, vector<16xi1>
        tpu.vector_store_idx %arg7[%sub3A_1550, %add3A_121], %bitcast3A_1413 masked %and3A_1555 {add = true} : memref<16x256xf32, #tpu.memory_space<vmem>>[vector<16xi32>, vector<16xi32>], vector<16xf32>, vector<16xi1>
        tpu.vector_store_idx %arg7[%sub3A_1550, %add3A_127], %bitcast3A_1415 masked %and3A_1555 {add = true} : memref<16x256xf32, #tpu.memory_space<vmem>>[vector<16xi32>, vector<16xi32>], vector<16xf32>, vector<16xi1>
        tpu.vector_store_idx %arg7[%sub3A_1550, %add3A_130], %bitcast3A_1425 masked %and3A_1555 {add = true} : memref<16x256xf32, #tpu.memory_space<vmem>>[vector<16xi32>, vector<16xi32>], vector<16xf32>, vector<16xi1>
        tpu.vector_store_idx %arg7[%sub3A_1550, %add3A_136], %bitcast3A_1427 masked %and3A_1555 {add = true} : memref<16x256xf32, #tpu.memory_space<vmem>>[vector<16xi32>, vector<16xi32>], vector<16xf32>, vector<16xi1>
        tpu.vector_store_idx %arg7[%sub3A_1550, %add3A_139], %bitcast3A_1437 masked %and3A_1555 {add = true} : memref<16x256xf32, #tpu.memory_space<vmem>>[vector<16xi32>, vector<16xi32>], vector<16xf32>, vector<16xi1>
        tpu.vector_store_idx %arg7[%sub3A_1550, %add3A_145], %bitcast3A_1439 masked %and3A_1555 {add = true} : memref<16x256xf32, #tpu.memory_space<vmem>>[vector<16xi32>, vector<16xi32>], vector<16xf32>, vector<16xi1>
        %add3A_1556 = arith.constant 13 : i32
        %add3A_1557 = arith.addi %mul3A_190, %add3A_1556 : i32
        %get3A_1558 = arith.index_cast %rem3A_159 : i32 to index
        %get3A_1559 = arith.index_cast %add3A_1557 : i32 to index
        %get3A_1560 = arith.constant 0 : index
        %get3A_1561 = tpu.vector_load %arg6[%get3A_1558, %get3A_1559, %get3A_1560] {strides = array<i32>} : memref<2x64x128xi32, #tpu.memory_space<vmem>>, vector<16xi32>,
        %shift_left3A_1562 = arith.constant 16 : i32
        %shift_left3A_1563 = vector.broadcast %shift_left3A_1562 : i32 to vector<16xi32>
        %shift_left3A_1564 = arith.shli %get3A_1561, %shift_left3A_1563 : vector<16xi32>
        %bitcast3A_1565 = vector.bitcast %shift_left3A_1564 : vector<16xi32> to vector<16xf32>
        %and3A_1566 = arith.andi %get3A_1561, %broadcast_in_dim3A_147 : vector<16xi32>
        %bitcast3A_1567 = vector.bitcast %and3A_1566 : vector<16xi32> to vector<16xf32>
        %add3A_1568 = arith.constant 13 : i32
        %add3A_1569 = arith.addi %mul3A_190, %add3A_1568 : i32
        %get3A_1570 = arith.index_cast %rem3A_159 : i32 to index
        %get3A_1571 = arith.index_cast %add3A_1569 : i32 to index
        %get3A_1572 = arith.constant 16 : index
        %get3A_1573 = tpu.vector_load %arg6[%get3A_1570, %get3A_1571, %get3A_1572] {strides = array<i32>} : memref<2x64x128xi32, #tpu.memory_space<vmem>>, vector<16xi32>,
        %shift_left3A_1574 = arith.constant 16 : i32
        %shift_left3A_1575 = vector.broadcast %shift_left3A_1574 : i32 to vector<16xi32>
        %shift_left3A_1576 = arith.shli %get3A_1573, %shift_left3A_1575 : vector<16xi32>
        %bitcast3A_1577 = vector.bitcast %shift_left3A_1576 : vector<16xi32> to vector<16xf32>
        %and3A_1578 = arith.andi %get3A_1573, %broadcast_in_dim3A_147 : vector<16xi32>
        %bitcast3A_1579 = vector.bitcast %and3A_1578 : vector<16xi32> to vector<16xf32>
        %add3A_1580 = arith.constant 13 : i32
        %add3A_1581 = arith.addi %mul3A_190, %add3A_1580 : i32
        %get3A_1582 = arith.index_cast %rem3A_159 : i32 to index
        %get3A_1583 = arith.index_cast %add3A_1581 : i32 to index
        %get3A_1584 = arith.constant 32 : index
        %get3A_1585 = tpu.vector_load %arg6[%get3A_1582, %get3A_1583, %get3A_1584] {strides = array<i32>} : memref<2x64x128xi32, #tpu.memory_space<vmem>>, vector<16xi32>,
        %shift_left3A_1586 = arith.constant 16 : i32
        %shift_left3A_1587 = vector.broadcast %shift_left3A_1586 : i32 to vector<16xi32>
        %shift_left3A_1588 = arith.shli %get3A_1585, %shift_left3A_1587 : vector<16xi32>
        %bitcast3A_1589 = vector.bitcast %shift_left3A_1588 : vector<16xi32> to vector<16xf32>
        %and3A_1590 = arith.andi %get3A_1585, %broadcast_in_dim3A_147 : vector<16xi32>
        %bitcast3A_1591 = vector.bitcast %and3A_1590 : vector<16xi32> to vector<16xf32>
        %add3A_1592 = arith.constant 13 : i32
        %add3A_1593 = arith.addi %mul3A_190, %add3A_1592 : i32
        %get3A_1594 = arith.index_cast %rem3A_159 : i32 to index
        %get3A_1595 = arith.index_cast %add3A_1593 : i32 to index
        %get3A_1596 = arith.constant 48 : index
        %get3A_1597 = tpu.vector_load %arg6[%get3A_1594, %get3A_1595, %get3A_1596] {strides = array<i32>} : memref<2x64x128xi32, #tpu.memory_space<vmem>>, vector<16xi32>,
        %shift_left3A_1598 = arith.constant 16 : i32
        %shift_left3A_1599 = vector.broadcast %shift_left3A_1598 : i32 to vector<16xi32>
        %shift_left3A_1600 = arith.shli %get3A_1597, %shift_left3A_1599 : vector<16xi32>
        %bitcast3A_1601 = vector.bitcast %shift_left3A_1600 : vector<16xi32> to vector<16xf32>
        %and3A_1602 = arith.andi %get3A_1597, %broadcast_in_dim3A_147 : vector<16xi32>
        %bitcast3A_1603 = vector.bitcast %and3A_1602 : vector<16xi32> to vector<16xf32>
        %add3A_1604 = arith.constant 13 : i32
        %add3A_1605 = arith.addi %mul3A_190, %add3A_1604 : i32
        %get3A_1606 = arith.index_cast %rem3A_159 : i32 to index
        %get3A_1607 = arith.index_cast %add3A_1605 : i32 to index
        %get3A_1608 = arith.constant 64 : index
        %get3A_1609 = tpu.vector_load %arg6[%get3A_1606, %get3A_1607, %get3A_1608] {strides = array<i32>} : memref<2x64x128xi32, #tpu.memory_space<vmem>>, vector<16xi32>,
        %shift_left3A_1610 = arith.constant 16 : i32
        %shift_left3A_1611 = vector.broadcast %shift_left3A_1610 : i32 to vector<16xi32>
        %shift_left3A_1612 = arith.shli %get3A_1609, %shift_left3A_1611 : vector<16xi32>
        %bitcast3A_1613 = vector.bitcast %shift_left3A_1612 : vector<16xi32> to vector<16xf32>
        %and3A_1614 = arith.andi %get3A_1609, %broadcast_in_dim3A_147 : vector<16xi32>
        %bitcast3A_1615 = vector.bitcast %and3A_1614 : vector<16xi32> to vector<16xf32>
        %add3A_1616 = arith.constant 13 : i32
        %add3A_1617 = arith.addi %mul3A_190, %add3A_1616 : i32
        %get3A_1618 = arith.index_cast %rem3A_159 : i32 to index
        %get3A_1619 = arith.index_cast %add3A_1617 : i32 to index
        %get3A_1620 = arith.constant 80 : index
        %get3A_1621 = tpu.vector_load %arg6[%get3A_1618, %get3A_1619, %get3A_1620] {strides = array<i32>} : memref<2x64x128xi32, #tpu.memory_space<vmem>>, vector<16xi32>,
        %shift_left3A_1622 = arith.constant 16 : i32
        %shift_left3A_1623 = vector.broadcast %shift_left3A_1622 : i32 to vector<16xi32>
        %shift_left3A_1624 = arith.shli %get3A_1621, %shift_left3A_1623 : vector<16xi32>
        %bitcast3A_1625 = vector.bitcast %shift_left3A_1624 : vector<16xi32> to vector<16xf32>
        %and3A_1626 = arith.andi %get3A_1621, %broadcast_in_dim3A_147 : vector<16xi32>
        %bitcast3A_1627 = vector.bitcast %and3A_1626 : vector<16xi32> to vector<16xf32>
        %add3A_1628 = arith.constant 13 : i32
        %add3A_1629 = arith.addi %mul3A_190, %add3A_1628 : i32
        %get3A_1630 = arith.index_cast %rem3A_159 : i32 to index
        %get3A_1631 = arith.index_cast %add3A_1629 : i32 to index
        %get3A_1632 = arith.constant 96 : index
        %get3A_1633 = tpu.vector_load %arg6[%get3A_1630, %get3A_1631, %get3A_1632] {strides = array<i32>} : memref<2x64x128xi32, #tpu.memory_space<vmem>>, vector<16xi32>,
        %shift_left3A_1634 = arith.constant 16 : i32
        %shift_left3A_1635 = vector.broadcast %shift_left3A_1634 : i32 to vector<16xi32>
        %shift_left3A_1636 = arith.shli %get3A_1633, %shift_left3A_1635 : vector<16xi32>
        %bitcast3A_1637 = vector.bitcast %shift_left3A_1636 : vector<16xi32> to vector<16xf32>
        %and3A_1638 = arith.andi %get3A_1633, %broadcast_in_dim3A_147 : vector<16xi32>
        %bitcast3A_1639 = vector.bitcast %and3A_1638 : vector<16xi32> to vector<16xf32>
        %add3A_1640 = arith.constant 13 : i32
        %add3A_1641 = arith.addi %mul3A_190, %add3A_1640 : i32
        %get3A_1642 = arith.index_cast %rem3A_159 : i32 to index
        %get3A_1643 = arith.index_cast %add3A_1641 : i32 to index
        %get3A_1644 = arith.constant 112 : index
        %get3A_1645 = tpu.vector_load %arg6[%get3A_1642, %get3A_1643, %get3A_1644] {strides = array<i32>} : memref<2x64x128xi32, #tpu.memory_space<vmem>>, vector<16xi32>,
        %shift_left3A_1646 = arith.constant 16 : i32
        %shift_left3A_1647 = vector.broadcast %shift_left3A_1646 : i32 to vector<16xi32>
        %shift_left3A_1648 = arith.shli %get3A_1645, %shift_left3A_1647 : vector<16xi32>
        %bitcast3A_1649 = vector.bitcast %shift_left3A_1648 : vector<16xi32> to vector<16xf32>
        %and3A_1650 = arith.andi %get3A_1645, %broadcast_in_dim3A_147 : vector<16xi32>
        %bitcast3A_1651 = vector.bitcast %and3A_1650 : vector<16xi32> to vector<16xf32>
        %slice3A_1652 = vector.extract_strided_slice %get3A_192 {offsets = [12], sizes = [1], strides = [1]} : vector<16xi32> to vector<1xi32>
        %squeeze3A_1653 = vector.extract %slice3A_1652[0] : i32 from vector<1xi32>
        %broadcast_in_dim3A_1654 = vector.broadcast %squeeze3A_1653 : i32 to vector<16xi32>
        %sub3A_1655 = vector.broadcast %mul3A_2 : i32 to vector<16xi32>
        %sub3A_1656 = arith.subi %broadcast_in_dim3A_1654, %sub3A_1655 : vector<16xi32>
        %ge3A_1657 = vector.broadcast %mul3A_2 : i32 to vector<16xi32>
        %ge3A_1658 = arith.cmpi sge, %broadcast_in_dim3A_1654, %ge3A_1657 : vector<16xi32>
        %lt3A_1659 = vector.broadcast %add3A_4 : i32 to vector<16xi32>
        %lt3A_1660 = arith.cmpi slt, %broadcast_in_dim3A_1654, %lt3A_1659 : vector<16xi32>
        %and3A_1661 = arith.andi %ge3A_1658, %lt3A_1660 : vector<16xi1>
        tpu.vector_store_idx %arg7[%sub3A_1656, %add3A_76], %bitcast3A_1459 masked %and3A_1661 {add = true} : memref<16x256xf32, #tpu.memory_space<vmem>>[vector<16xi32>, vector<16xi32>], vector<16xf32>, vector<16xi1>
        tpu.vector_store_idx %arg7[%sub3A_1656, %add3A_82], %bitcast3A_1461 masked %and3A_1661 {add = true} : memref<16x256xf32, #tpu.memory_space<vmem>>[vector<16xi32>, vector<16xi32>], vector<16xf32>, vector<16xi1>
        tpu.vector_store_idx %arg7[%sub3A_1656, %add3A_85], %bitcast3A_1471 masked %and3A_1661 {add = true} : memref<16x256xf32, #tpu.memory_space<vmem>>[vector<16xi32>, vector<16xi32>], vector<16xf32>, vector<16xi1>
        tpu.vector_store_idx %arg7[%sub3A_1656, %add3A_91], %bitcast3A_1473 masked %and3A_1661 {add = true} : memref<16x256xf32, #tpu.memory_space<vmem>>[vector<16xi32>, vector<16xi32>], vector<16xf32>, vector<16xi1>
        tpu.vector_store_idx %arg7[%sub3A_1656, %add3A_94], %bitcast3A_1483 masked %and3A_1661 {add = true} : memref<16x256xf32, #tpu.memory_space<vmem>>[vector<16xi32>, vector<16xi32>], vector<16xf32>, vector<16xi1>
        tpu.vector_store_idx %arg7[%sub3A_1656, %add3A_100], %bitcast3A_1485 masked %and3A_1661 {add = true} : memref<16x256xf32, #tpu.memory_space<vmem>>[vector<16xi32>, vector<16xi32>], vector<16xf32>, vector<16xi1>
        tpu.vector_store_idx %arg7[%sub3A_1656, %add3A_103], %bitcast3A_1495 masked %and3A_1661 {add = true} : memref<16x256xf32, #tpu.memory_space<vmem>>[vector<16xi32>, vector<16xi32>], vector<16xf32>, vector<16xi1>
        tpu.vector_store_idx %arg7[%sub3A_1656, %add3A_109], %bitcast3A_1497 masked %and3A_1661 {add = true} : memref<16x256xf32, #tpu.memory_space<vmem>>[vector<16xi32>, vector<16xi32>], vector<16xf32>, vector<16xi1>
        tpu.vector_store_idx %arg7[%sub3A_1656, %add3A_112], %bitcast3A_1507 masked %and3A_1661 {add = true} : memref<16x256xf32, #tpu.memory_space<vmem>>[vector<16xi32>, vector<16xi32>], vector<16xf32>, vector<16xi1>
        tpu.vector_store_idx %arg7[%sub3A_1656, %add3A_118], %bitcast3A_1509 masked %and3A_1661 {add = true} : memref<16x256xf32, #tpu.memory_space<vmem>>[vector<16xi32>, vector<16xi32>], vector<16xf32>, vector<16xi1>
        tpu.vector_store_idx %arg7[%sub3A_1656, %add3A_121], %bitcast3A_1519 masked %and3A_1661 {add = true} : memref<16x256xf32, #tpu.memory_space<vmem>>[vector<16xi32>, vector<16xi32>], vector<16xf32>, vector<16xi1>
        tpu.vector_store_idx %arg7[%sub3A_1656, %add3A_127], %bitcast3A_1521 masked %and3A_1661 {add = true} : memref<16x256xf32, #tpu.memory_space<vmem>>[vector<16xi32>, vector<16xi32>], vector<16xf32>, vector<16xi1>
        tpu.vector_store_idx %arg7[%sub3A_1656, %add3A_130], %bitcast3A_1531 masked %and3A_1661 {add = true} : memref<16x256xf32, #tpu.memory_space<vmem>>[vector<16xi32>, vector<16xi32>], vector<16xf32>, vector<16xi1>
        tpu.vector_store_idx %arg7[%sub3A_1656, %add3A_136], %bitcast3A_1533 masked %and3A_1661 {add = true} : memref<16x256xf32, #tpu.memory_space<vmem>>[vector<16xi32>, vector<16xi32>], vector<16xf32>, vector<16xi1>
        tpu.vector_store_idx %arg7[%sub3A_1656, %add3A_139], %bitcast3A_1543 masked %and3A_1661 {add = true} : memref<16x256xf32, #tpu.memory_space<vmem>>[vector<16xi32>, vector<16xi32>], vector<16xf32>, vector<16xi1>
        tpu.vector_store_idx %arg7[%sub3A_1656, %add3A_145], %bitcast3A_1545 masked %and3A_1661 {add = true} : memref<16x256xf32, #tpu.memory_space<vmem>>[vector<16xi32>, vector<16xi32>], vector<16xf32>, vector<16xi1>
        %add3A_1662 = arith.constant 14 : i32
        %add3A_1663 = arith.addi %mul3A_190, %add3A_1662 : i32
        %get3A_1664 = arith.index_cast %rem3A_159 : i32 to index
        %get3A_1665 = arith.index_cast %add3A_1663 : i32 to index
        %get3A_1666 = arith.constant 0 : index
        %get3A_1667 = tpu.vector_load %arg6[%get3A_1664, %get3A_1665, %get3A_1666] {strides = array<i32>} : memref<2x64x128xi32, #tpu.memory_space<vmem>>, vector<16xi32>,
        %shift_left3A_1668 = arith.constant 16 : i32
        %shift_left3A_1669 = vector.broadcast %shift_left3A_1668 : i32 to vector<16xi32>
        %shift_left3A_1670 = arith.shli %get3A_1667, %shift_left3A_1669 : vector<16xi32>
        %bitcast3A_1671 = vector.bitcast %shift_left3A_1670 : vector<16xi32> to vector<16xf32>
        %and3A_1672 = arith.andi %get3A_1667, %broadcast_in_dim3A_147 : vector<16xi32>
        %bitcast3A_1673 = vector.bitcast %and3A_1672 : vector<16xi32> to vector<16xf32>
        %add3A_1674 = arith.constant 14 : i32
        %add3A_1675 = arith.addi %mul3A_190, %add3A_1674 : i32
        %get3A_1676 = arith.index_cast %rem3A_159 : i32 to index
        %get3A_1677 = arith.index_cast %add3A_1675 : i32 to index
        %get3A_1678 = arith.constant 16 : index
        %get3A_1679 = tpu.vector_load %arg6[%get3A_1676, %get3A_1677, %get3A_1678] {strides = array<i32>} : memref<2x64x128xi32, #tpu.memory_space<vmem>>, vector<16xi32>,
        %shift_left3A_1680 = arith.constant 16 : i32
        %shift_left3A_1681 = vector.broadcast %shift_left3A_1680 : i32 to vector<16xi32>
        %shift_left3A_1682 = arith.shli %get3A_1679, %shift_left3A_1681 : vector<16xi32>
        %bitcast3A_1683 = vector.bitcast %shift_left3A_1682 : vector<16xi32> to vector<16xf32>
        %and3A_1684 = arith.andi %get3A_1679, %broadcast_in_dim3A_147 : vector<16xi32>
        %bitcast3A_1685 = vector.bitcast %and3A_1684 : vector<16xi32> to vector<16xf32>
        %add3A_1686 = arith.constant 14 : i32
        %add3A_1687 = arith.addi %mul3A_190, %add3A_1686 : i32
        %get3A_1688 = arith.index_cast %rem3A_159 : i32 to index
        %get3A_1689 = arith.index_cast %add3A_1687 : i32 to index
        %get3A_1690 = arith.constant 32 : index
        %get3A_1691 = tpu.vector_load %arg6[%get3A_1688, %get3A_1689, %get3A_1690] {strides = array<i32>} : memref<2x64x128xi32, #tpu.memory_space<vmem>>, vector<16xi32>,
        %shift_left3A_1692 = arith.constant 16 : i32
        %shift_left3A_1693 = vector.broadcast %shift_left3A_1692 : i32 to vector<16xi32>
        %shift_left3A_1694 = arith.shli %get3A_1691, %shift_left3A_1693 : vector<16xi32>
        %bitcast3A_1695 = vector.bitcast %shift_left3A_1694 : vector<16xi32> to vector<16xf32>
        %and3A_1696 = arith.andi %get3A_1691, %broadcast_in_dim3A_147 : vector<16xi32>
        %bitcast3A_1697 = vector.bitcast %and3A_1696 : vector<16xi32> to vector<16xf32>
        %add3A_1698 = arith.constant 14 : i32
        %add3A_1699 = arith.addi %mul3A_190, %add3A_1698 : i32
        %get3A_1700 = arith.index_cast %rem3A_159 : i32 to index
        %get3A_1701 = arith.index_cast %add3A_1699 : i32 to index
        %get3A_1702 = arith.constant 48 : index
        %get3A_1703 = tpu.vector_load %arg6[%get3A_1700, %get3A_1701, %get3A_1702] {strides = array<i32>} : memref<2x64x128xi32, #tpu.memory_space<vmem>>, vector<16xi32>,
        %shift_left3A_1704 = arith.constant 16 : i32
        %shift_left3A_1705 = vector.broadcast %shift_left3A_1704 : i32 to vector<16xi32>
        %shift_left3A_1706 = arith.shli %get3A_1703, %shift_left3A_1705 : vector<16xi32>
        %bitcast3A_1707 = vector.bitcast %shift_left3A_1706 : vector<16xi32> to vector<16xf32>
        %and3A_1708 = arith.andi %get3A_1703, %broadcast_in_dim3A_147 : vector<16xi32>
        %bitcast3A_1709 = vector.bitcast %and3A_1708 : vector<16xi32> to vector<16xf32>
        %add3A_1710 = arith.constant 14 : i32
        %add3A_1711 = arith.addi %mul3A_190, %add3A_1710 : i32
        %get3A_1712 = arith.index_cast %rem3A_159 : i32 to index
        %get3A_1713 = arith.index_cast %add3A_1711 : i32 to index
        %get3A_1714 = arith.constant 64 : index
        %get3A_1715 = tpu.vector_load %arg6[%get3A_1712, %get3A_1713, %get3A_1714] {strides = array<i32>} : memref<2x64x128xi32, #tpu.memory_space<vmem>>, vector<16xi32>,
        %shift_left3A_1716 = arith.constant 16 : i32
        %shift_left3A_1717 = vector.broadcast %shift_left3A_1716 : i32 to vector<16xi32>
        %shift_left3A_1718 = arith.shli %get3A_1715, %shift_left3A_1717 : vector<16xi32>
        %bitcast3A_1719 = vector.bitcast %shift_left3A_1718 : vector<16xi32> to vector<16xf32>
        %and3A_1720 = arith.andi %get3A_1715, %broadcast_in_dim3A_147 : vector<16xi32>
        %bitcast3A_1721 = vector.bitcast %and3A_1720 : vector<16xi32> to vector<16xf32>
        %add3A_1722 = arith.constant 14 : i32
        %add3A_1723 = arith.addi %mul3A_190, %add3A_1722 : i32
        %get3A_1724 = arith.index_cast %rem3A_159 : i32 to index
        %get3A_1725 = arith.index_cast %add3A_1723 : i32 to index
        %get3A_1726 = arith.constant 80 : index
        %get3A_1727 = tpu.vector_load %arg6[%get3A_1724, %get3A_1725, %get3A_1726] {strides = array<i32>} : memref<2x64x128xi32, #tpu.memory_space<vmem>>, vector<16xi32>,
        %shift_left3A_1728 = arith.constant 16 : i32
        %shift_left3A_1729 = vector.broadcast %shift_left3A_1728 : i32 to vector<16xi32>
        %shift_left3A_1730 = arith.shli %get3A_1727, %shift_left3A_1729 : vector<16xi32>
        %bitcast3A_1731 = vector.bitcast %shift_left3A_1730 : vector<16xi32> to vector<16xf32>
        %and3A_1732 = arith.andi %get3A_1727, %broadcast_in_dim3A_147 : vector<16xi32>
        %bitcast3A_1733 = vector.bitcast %and3A_1732 : vector<16xi32> to vector<16xf32>
        %add3A_1734 = arith.constant 14 : i32
        %add3A_1735 = arith.addi %mul3A_190, %add3A_1734 : i32
        %get3A_1736 = arith.index_cast %rem3A_159 : i32 to index
        %get3A_1737 = arith.index_cast %add3A_1735 : i32 to index
        %get3A_1738 = arith.constant 96 : index
        %get3A_1739 = tpu.vector_load %arg6[%get3A_1736, %get3A_1737, %get3A_1738] {strides = array<i32>} : memref<2x64x128xi32, #tpu.memory_space<vmem>>, vector<16xi32>,
        %shift_left3A_1740 = arith.constant 16 : i32
        %shift_left3A_1741 = vector.broadcast %shift_left3A_1740 : i32 to vector<16xi32>
        %shift_left3A_1742 = arith.shli %get3A_1739, %shift_left3A_1741 : vector<16xi32>
        %bitcast3A_1743 = vector.bitcast %shift_left3A_1742 : vector<16xi32> to vector<16xf32>
        %and3A_1744 = arith.andi %get3A_1739, %broadcast_in_dim3A_147 : vector<16xi32>
        %bitcast3A_1745 = vector.bitcast %and3A_1744 : vector<16xi32> to vector<16xf32>
        %add3A_1746 = arith.constant 14 : i32
        %add3A_1747 = arith.addi %mul3A_190, %add3A_1746 : i32
        %get3A_1748 = arith.index_cast %rem3A_159 : i32 to index
        %get3A_1749 = arith.index_cast %add3A_1747 : i32 to index
        %get3A_1750 = arith.constant 112 : index
        %get3A_1751 = tpu.vector_load %arg6[%get3A_1748, %get3A_1749, %get3A_1750] {strides = array<i32>} : memref<2x64x128xi32, #tpu.memory_space<vmem>>, vector<16xi32>,
        %shift_left3A_1752 = arith.constant 16 : i32
        %shift_left3A_1753 = vector.broadcast %shift_left3A_1752 : i32 to vector<16xi32>
        %shift_left3A_1754 = arith.shli %get3A_1751, %shift_left3A_1753 : vector<16xi32>
        %bitcast3A_1755 = vector.bitcast %shift_left3A_1754 : vector<16xi32> to vector<16xf32>
        %and3A_1756 = arith.andi %get3A_1751, %broadcast_in_dim3A_147 : vector<16xi32>
        %bitcast3A_1757 = vector.bitcast %and3A_1756 : vector<16xi32> to vector<16xf32>
        %slice3A_1758 = vector.extract_strided_slice %get3A_192 {offsets = [13], sizes = [1], strides = [1]} : vector<16xi32> to vector<1xi32>
        %squeeze3A_1759 = vector.extract %slice3A_1758[0] : i32 from vector<1xi32>
        %broadcast_in_dim3A_1760 = vector.broadcast %squeeze3A_1759 : i32 to vector<16xi32>
        %sub3A_1761 = vector.broadcast %mul3A_2 : i32 to vector<16xi32>
        %sub3A_1762 = arith.subi %broadcast_in_dim3A_1760, %sub3A_1761 : vector<16xi32>
        %ge3A_1763 = vector.broadcast %mul3A_2 : i32 to vector<16xi32>
        %ge3A_1764 = arith.cmpi sge, %broadcast_in_dim3A_1760, %ge3A_1763 : vector<16xi32>
        %lt3A_1765 = vector.broadcast %add3A_4 : i32 to vector<16xi32>
        %lt3A_1766 = arith.cmpi slt, %broadcast_in_dim3A_1760, %lt3A_1765 : vector<16xi32>
        %and3A_1767 = arith.andi %ge3A_1764, %lt3A_1766 : vector<16xi1>
        tpu.vector_store_idx %arg7[%sub3A_1762, %add3A_76], %bitcast3A_1565 masked %and3A_1767 {add = true} : memref<16x256xf32, #tpu.memory_space<vmem>>[vector<16xi32>, vector<16xi32>], vector<16xf32>, vector<16xi1>
        tpu.vector_store_idx %arg7[%sub3A_1762, %add3A_82], %bitcast3A_1567 masked %and3A_1767 {add = true} : memref<16x256xf32, #tpu.memory_space<vmem>>[vector<16xi32>, vector<16xi32>], vector<16xf32>, vector<16xi1>
        tpu.vector_store_idx %arg7[%sub3A_1762, %add3A_85], %bitcast3A_1577 masked %and3A_1767 {add = true} : memref<16x256xf32, #tpu.memory_space<vmem>>[vector<16xi32>, vector<16xi32>], vector<16xf32>, vector<16xi1>
        tpu.vector_store_idx %arg7[%sub3A_1762, %add3A_91], %bitcast3A_1579 masked %and3A_1767 {add = true} : memref<16x256xf32, #tpu.memory_space<vmem>>[vector<16xi32>, vector<16xi32>], vector<16xf32>, vector<16xi1>
        tpu.vector_store_idx %arg7[%sub3A_1762, %add3A_94], %bitcast3A_1589 masked %and3A_1767 {add = true} : memref<16x256xf32, #tpu.memory_space<vmem>>[vector<16xi32>, vector<16xi32>], vector<16xf32>, vector<16xi1>
        tpu.vector_store_idx %arg7[%sub3A_1762, %add3A_100], %bitcast3A_1591 masked %and3A_1767 {add = true} : memref<16x256xf32, #tpu.memory_space<vmem>>[vector<16xi32>, vector<16xi32>], vector<16xf32>, vector<16xi1>
        tpu.vector_store_idx %arg7[%sub3A_1762, %add3A_103], %bitcast3A_1601 masked %and3A_1767 {add = true} : memref<16x256xf32, #tpu.memory_space<vmem>>[vector<16xi32>, vector<16xi32>], vector<16xf32>, vector<16xi1>
        tpu.vector_store_idx %arg7[%sub3A_1762, %add3A_109], %bitcast3A_1603 masked %and3A_1767 {add = true} : memref<16x256xf32, #tpu.memory_space<vmem>>[vector<16xi32>, vector<16xi32>], vector<16xf32>, vector<16xi1>
        tpu.vector_store_idx %arg7[%sub3A_1762, %add3A_112], %bitcast3A_1613 masked %and3A_1767 {add = true} : memref<16x256xf32, #tpu.memory_space<vmem>>[vector<16xi32>, vector<16xi32>], vector<16xf32>, vector<16xi1>
        tpu.vector_store_idx %arg7[%sub3A_1762, %add3A_118], %bitcast3A_1615 masked %and3A_1767 {add = true} : memref<16x256xf32, #tpu.memory_space<vmem>>[vector<16xi32>, vector<16xi32>], vector<16xf32>, vector<16xi1>
        tpu.vector_store_idx %arg7[%sub3A_1762, %add3A_121], %bitcast3A_1625 masked %and3A_1767 {add = true} : memref<16x256xf32, #tpu.memory_space<vmem>>[vector<16xi32>, vector<16xi32>], vector<16xf32>, vector<16xi1>
        tpu.vector_store_idx %arg7[%sub3A_1762, %add3A_127], %bitcast3A_1627 masked %and3A_1767 {add = true} : memref<16x256xf32, #tpu.memory_space<vmem>>[vector<16xi32>, vector<16xi32>], vector<16xf32>, vector<16xi1>
        tpu.vector_store_idx %arg7[%sub3A_1762, %add3A_130], %bitcast3A_1637 masked %and3A_1767 {add = true} : memref<16x256xf32, #tpu.memory_space<vmem>>[vector<16xi32>, vector<16xi32>], vector<16xf32>, vector<16xi1>
        tpu.vector_store_idx %arg7[%sub3A_1762, %add3A_136], %bitcast3A_1639 masked %and3A_1767 {add = true} : memref<16x256xf32, #tpu.memory_space<vmem>>[vector<16xi32>, vector<16xi32>], vector<16xf32>, vector<16xi1>
        tpu.vector_store_idx %arg7[%sub3A_1762, %add3A_139], %bitcast3A_1649 masked %and3A_1767 {add = true} : memref<16x256xf32, #tpu.memory_space<vmem>>[vector<16xi32>, vector<16xi32>], vector<16xf32>, vector<16xi1>
        tpu.vector_store_idx %arg7[%sub3A_1762, %add3A_145], %bitcast3A_1651 masked %and3A_1767 {add = true} : memref<16x256xf32, #tpu.memory_space<vmem>>[vector<16xi32>, vector<16xi32>], vector<16xf32>, vector<16xi1>
        %add3A_1768 = arith.constant 15 : i32
        %add3A_1769 = arith.addi %mul3A_190, %add3A_1768 : i32
        %get3A_1770 = arith.index_cast %rem3A_159 : i32 to index
        %get3A_1771 = arith.index_cast %add3A_1769 : i32 to index
        %get3A_1772 = arith.constant 0 : index
        %get3A_1773 = tpu.vector_load %arg6[%get3A_1770, %get3A_1771, %get3A_1772] {strides = array<i32>} : memref<2x64x128xi32, #tpu.memory_space<vmem>>, vector<16xi32>,
        %shift_left3A_1774 = arith.constant 16 : i32
        %shift_left3A_1775 = vector.broadcast %shift_left3A_1774 : i32 to vector<16xi32>
        %shift_left3A_1776 = arith.shli %get3A_1773, %shift_left3A_1775 : vector<16xi32>
        %bitcast3A_1777 = vector.bitcast %shift_left3A_1776 : vector<16xi32> to vector<16xf32>
        %and3A_1778 = arith.andi %get3A_1773, %broadcast_in_dim3A_147 : vector<16xi32>
        %bitcast3A_1779 = vector.bitcast %and3A_1778 : vector<16xi32> to vector<16xf32>
        %add3A_1780 = arith.constant 15 : i32
        %add3A_1781 = arith.addi %mul3A_190, %add3A_1780 : i32
        %get3A_1782 = arith.index_cast %rem3A_159 : i32 to index
        %get3A_1783 = arith.index_cast %add3A_1781 : i32 to index
        %get3A_1784 = arith.constant 16 : index
        %get3A_1785 = tpu.vector_load %arg6[%get3A_1782, %get3A_1783, %get3A_1784] {strides = array<i32>} : memref<2x64x128xi32, #tpu.memory_space<vmem>>, vector<16xi32>,
        %shift_left3A_1786 = arith.constant 16 : i32
        %shift_left3A_1787 = vector.broadcast %shift_left3A_1786 : i32 to vector<16xi32>
        %shift_left3A_1788 = arith.shli %get3A_1785, %shift_left3A_1787 : vector<16xi32>
        %bitcast3A_1789 = vector.bitcast %shift_left3A_1788 : vector<16xi32> to vector<16xf32>
        %and3A_1790 = arith.andi %get3A_1785, %broadcast_in_dim3A_147 : vector<16xi32>
        %bitcast3A_1791 = vector.bitcast %and3A_1790 : vector<16xi32> to vector<16xf32>
        %add3A_1792 = arith.constant 15 : i32
        %add3A_1793 = arith.addi %mul3A_190, %add3A_1792 : i32
        %get3A_1794 = arith.index_cast %rem3A_159 : i32 to index
        %get3A_1795 = arith.index_cast %add3A_1793 : i32 to index
        %get3A_1796 = arith.constant 32 : index
        %get3A_1797 = tpu.vector_load %arg6[%get3A_1794, %get3A_1795, %get3A_1796] {strides = array<i32>} : memref<2x64x128xi32, #tpu.memory_space<vmem>>, vector<16xi32>,
        %shift_left3A_1798 = arith.constant 16 : i32
        %shift_left3A_1799 = vector.broadcast %shift_left3A_1798 : i32 to vector<16xi32>
        %shift_left3A_1800 = arith.shli %get3A_1797, %shift_left3A_1799 : vector<16xi32>
        %bitcast3A_1801 = vector.bitcast %shift_left3A_1800 : vector<16xi32> to vector<16xf32>
        %and3A_1802 = arith.andi %get3A_1797, %broadcast_in_dim3A_147 : vector<16xi32>
        %bitcast3A_1803 = vector.bitcast %and3A_1802 : vector<16xi32> to vector<16xf32>
        %add3A_1804 = arith.constant 15 : i32
        %add3A_1805 = arith.addi %mul3A_190, %add3A_1804 : i32
        %get3A_1806 = arith.index_cast %rem3A_159 : i32 to index
        %get3A_1807 = arith.index_cast %add3A_1805 : i32 to index
        %get3A_1808 = arith.constant 48 : index
        %get3A_1809 = tpu.vector_load %arg6[%get3A_1806, %get3A_1807, %get3A_1808] {strides = array<i32>} : memref<2x64x128xi32, #tpu.memory_space<vmem>>, vector<16xi32>,
        %shift_left3A_1810 = arith.constant 16 : i32
        %shift_left3A_1811 = vector.broadcast %shift_left3A_1810 : i32 to vector<16xi32>
        %shift_left3A_1812 = arith.shli %get3A_1809, %shift_left3A_1811 : vector<16xi32>
        %bitcast3A_1813 = vector.bitcast %shift_left3A_1812 : vector<16xi32> to vector<16xf32>
        %and3A_1814 = arith.andi %get3A_1809, %broadcast_in_dim3A_147 : vector<16xi32>
        %bitcast3A_1815 = vector.bitcast %and3A_1814 : vector<16xi32> to vector<16xf32>
        %add3A_1816 = arith.constant 15 : i32
        %add3A_1817 = arith.addi %mul3A_190, %add3A_1816 : i32
        %get3A_1818 = arith.index_cast %rem3A_159 : i32 to index
        %get3A_1819 = arith.index_cast %add3A_1817 : i32 to index
        %get3A_1820 = arith.constant 64 : index
        %get3A_1821 = tpu.vector_load %arg6[%get3A_1818, %get3A_1819, %get3A_1820] {strides = array<i32>} : memref<2x64x128xi32, #tpu.memory_space<vmem>>, vector<16xi32>,
        %shift_left3A_1822 = arith.constant 16 : i32
        %shift_left3A_1823 = vector.broadcast %shift_left3A_1822 : i32 to vector<16xi32>
        %shift_left3A_1824 = arith.shli %get3A_1821, %shift_left3A_1823 : vector<16xi32>
        %bitcast3A_1825 = vector.bitcast %shift_left3A_1824 : vector<16xi32> to vector<16xf32>
        %and3A_1826 = arith.andi %get3A_1821, %broadcast_in_dim3A_147 : vector<16xi32>
        %bitcast3A_1827 = vector.bitcast %and3A_1826 : vector<16xi32> to vector<16xf32>
        %add3A_1828 = arith.constant 15 : i32
        %add3A_1829 = arith.addi %mul3A_190, %add3A_1828 : i32
        %get3A_1830 = arith.index_cast %rem3A_159 : i32 to index
        %get3A_1831 = arith.index_cast %add3A_1829 : i32 to index
        %get3A_1832 = arith.constant 80 : index
        %get3A_1833 = tpu.vector_load %arg6[%get3A_1830, %get3A_1831, %get3A_1832] {strides = array<i32>} : memref<2x64x128xi32, #tpu.memory_space<vmem>>, vector<16xi32>,
        %shift_left3A_1834 = arith.constant 16 : i32
        %shift_left3A_1835 = vector.broadcast %shift_left3A_1834 : i32 to vector<16xi32>
        %shift_left3A_1836 = arith.shli %get3A_1833, %shift_left3A_1835 : vector<16xi32>
        %bitcast3A_1837 = vector.bitcast %shift_left3A_1836 : vector<16xi32> to vector<16xf32>
        %and3A_1838 = arith.andi %get3A_1833, %broadcast_in_dim3A_147 : vector<16xi32>
        %bitcast3A_1839 = vector.bitcast %and3A_1838 : vector<16xi32> to vector<16xf32>
        %add3A_1840 = arith.constant 15 : i32
        %add3A_1841 = arith.addi %mul3A_190, %add3A_1840 : i32
        %get3A_1842 = arith.index_cast %rem3A_159 : i32 to index
        %get3A_1843 = arith.index_cast %add3A_1841 : i32 to index
        %get3A_1844 = arith.constant 96 : index
        %get3A_1845 = tpu.vector_load %arg6[%get3A_1842, %get3A_1843, %get3A_1844] {strides = array<i32>} : memref<2x64x128xi32, #tpu.memory_space<vmem>>, vector<16xi32>,
        %shift_left3A_1846 = arith.constant 16 : i32
        %shift_left3A_1847 = vector.broadcast %shift_left3A_1846 : i32 to vector<16xi32>
        %shift_left3A_1848 = arith.shli %get3A_1845, %shift_left3A_1847 : vector<16xi32>
        %bitcast3A_1849 = vector.bitcast %shift_left3A_1848 : vector<16xi32> to vector<16xf32>
        %and3A_1850 = arith.andi %get3A_1845, %broadcast_in_dim3A_147 : vector<16xi32>
        %bitcast3A_1851 = vector.bitcast %and3A_1850 : vector<16xi32> to vector<16xf32>
        %add3A_1852 = arith.constant 15 : i32
        %add3A_1853 = arith.addi %mul3A_190, %add3A_1852 : i32
        %get3A_1854 = arith.index_cast %rem3A_159 : i32 to index
        %get3A_1855 = arith.index_cast %add3A_1853 : i32 to index
        %get3A_1856 = arith.constant 112 : index
        %get3A_1857 = tpu.vector_load %arg6[%get3A_1854, %get3A_1855, %get3A_1856] {strides = array<i32>} : memref<2x64x128xi32, #tpu.memory_space<vmem>>, vector<16xi32>,
        %shift_left3A_1858 = arith.constant 16 : i32
        %shift_left3A_1859 = vector.broadcast %shift_left3A_1858 : i32 to vector<16xi32>
        %shift_left3A_1860 = arith.shli %get3A_1857, %shift_left3A_1859 : vector<16xi32>
        %bitcast3A_1861 = vector.bitcast %shift_left3A_1860 : vector<16xi32> to vector<16xf32>
        %and3A_1862 = arith.andi %get3A_1857, %broadcast_in_dim3A_147 : vector<16xi32>
        %bitcast3A_1863 = vector.bitcast %and3A_1862 : vector<16xi32> to vector<16xf32>
        %slice3A_1864 = vector.extract_strided_slice %get3A_192 {offsets = [14], sizes = [1], strides = [1]} : vector<16xi32> to vector<1xi32>
        %squeeze3A_1865 = vector.extract %slice3A_1864[0] : i32 from vector<1xi32>
        %broadcast_in_dim3A_1866 = vector.broadcast %squeeze3A_1865 : i32 to vector<16xi32>
        %sub3A_1867 = vector.broadcast %mul3A_2 : i32 to vector<16xi32>
        %sub3A_1868 = arith.subi %broadcast_in_dim3A_1866, %sub3A_1867 : vector<16xi32>
        %ge3A_1869 = vector.broadcast %mul3A_2 : i32 to vector<16xi32>
        %ge3A_1870 = arith.cmpi sge, %broadcast_in_dim3A_1866, %ge3A_1869 : vector<16xi32>
        %lt3A_1871 = vector.broadcast %add3A_4 : i32 to vector<16xi32>
        %lt3A_1872 = arith.cmpi slt, %broadcast_in_dim3A_1866, %lt3A_1871 : vector<16xi32>
        %and3A_1873 = arith.andi %ge3A_1870, %lt3A_1872 : vector<16xi1>
        tpu.vector_store_idx %arg7[%sub3A_1868, %add3A_76], %bitcast3A_1671 masked %and3A_1873 {add = true} : memref<16x256xf32, #tpu.memory_space<vmem>>[vector<16xi32>, vector<16xi32>], vector<16xf32>, vector<16xi1>
        tpu.vector_store_idx %arg7[%sub3A_1868, %add3A_82], %bitcast3A_1673 masked %and3A_1873 {add = true} : memref<16x256xf32, #tpu.memory_space<vmem>>[vector<16xi32>, vector<16xi32>], vector<16xf32>, vector<16xi1>
        tpu.vector_store_idx %arg7[%sub3A_1868, %add3A_85], %bitcast3A_1683 masked %and3A_1873 {add = true} : memref<16x256xf32, #tpu.memory_space<vmem>>[vector<16xi32>, vector<16xi32>], vector<16xf32>, vector<16xi1>
        tpu.vector_store_idx %arg7[%sub3A_1868, %add3A_91], %bitcast3A_1685 masked %and3A_1873 {add = true} : memref<16x256xf32, #tpu.memory_space<vmem>>[vector<16xi32>, vector<16xi32>], vector<16xf32>, vector<16xi1>
        tpu.vector_store_idx %arg7[%sub3A_1868, %add3A_94], %bitcast3A_1695 masked %and3A_1873 {add = true} : memref<16x256xf32, #tpu.memory_space<vmem>>[vector<16xi32>, vector<16xi32>], vector<16xf32>, vector<16xi1>
        tpu.vector_store_idx %arg7[%sub3A_1868, %add3A_100], %bitcast3A_1697 masked %and3A_1873 {add = true} : memref<16x256xf32, #tpu.memory_space<vmem>>[vector<16xi32>, vector<16xi32>], vector<16xf32>, vector<16xi1>
        tpu.vector_store_idx %arg7[%sub3A_1868, %add3A_103], %bitcast3A_1707 masked %and3A_1873 {add = true} : memref<16x256xf32, #tpu.memory_space<vmem>>[vector<16xi32>, vector<16xi32>], vector<16xf32>, vector<16xi1>
        tpu.vector_store_idx %arg7[%sub3A_1868, %add3A_109], %bitcast3A_1709 masked %and3A_1873 {add = true} : memref<16x256xf32, #tpu.memory_space<vmem>>[vector<16xi32>, vector<16xi32>], vector<16xf32>, vector<16xi1>
        tpu.vector_store_idx %arg7[%sub3A_1868, %add3A_112], %bitcast3A_1719 masked %and3A_1873 {add = true} : memref<16x256xf32, #tpu.memory_space<vmem>>[vector<16xi32>, vector<16xi32>], vector<16xf32>, vector<16xi1>
        tpu.vector_store_idx %arg7[%sub3A_1868, %add3A_118], %bitcast3A_1721 masked %and3A_1873 {add = true} : memref<16x256xf32, #tpu.memory_space<vmem>>[vector<16xi32>, vector<16xi32>], vector<16xf32>, vector<16xi1>
        tpu.vector_store_idx %arg7[%sub3A_1868, %add3A_121], %bitcast3A_1731 masked %and3A_1873 {add = true} : memref<16x256xf32, #tpu.memory_space<vmem>>[vector<16xi32>, vector<16xi32>], vector<16xf32>, vector<16xi1>
        tpu.vector_store_idx %arg7[%sub3A_1868, %add3A_127], %bitcast3A_1733 masked %and3A_1873 {add = true} : memref<16x256xf32, #tpu.memory_space<vmem>>[vector<16xi32>, vector<16xi32>], vector<16xf32>, vector<16xi1>
        tpu.vector_store_idx %arg7[%sub3A_1868, %add3A_130], %bitcast3A_1743 masked %and3A_1873 {add = true} : memref<16x256xf32, #tpu.memory_space<vmem>>[vector<16xi32>, vector<16xi32>], vector<16xf32>, vector<16xi1>
        tpu.vector_store_idx %arg7[%sub3A_1868, %add3A_136], %bitcast3A_1745 masked %and3A_1873 {add = true} : memref<16x256xf32, #tpu.memory_space<vmem>>[vector<16xi32>, vector<16xi32>], vector<16xf32>, vector<16xi1>
        tpu.vector_store_idx %arg7[%sub3A_1868, %add3A_139], %bitcast3A_1755 masked %and3A_1873 {add = true} : memref<16x256xf32, #tpu.memory_space<vmem>>[vector<16xi32>, vector<16xi32>], vector<16xf32>, vector<16xi1>
        tpu.vector_store_idx %arg7[%sub3A_1868, %add3A_145], %bitcast3A_1757 masked %and3A_1873 {add = true} : memref<16x256xf32, #tpu.memory_space<vmem>>[vector<16xi32>, vector<16xi32>], vector<16xf32>, vector<16xi1>
        %slice3A_1874 = vector.extract_strided_slice %get3A_192 {offsets = [15], sizes = [1], strides = [1]} : vector<16xi32> to vector<1xi32>
        %squeeze3A_1875 = vector.extract %slice3A_1874[0] : i32 from vector<1xi32>
        %broadcast_in_dim3A_1876 = vector.broadcast %squeeze3A_1875 : i32 to vector<16xi32>
        %sub3A_1877 = vector.broadcast %mul3A_2 : i32 to vector<16xi32>
        %sub3A_1878 = arith.subi %broadcast_in_dim3A_1876, %sub3A_1877 : vector<16xi32>
        %ge3A_1879 = vector.broadcast %mul3A_2 : i32 to vector<16xi32>
        %ge3A_1880 = arith.cmpi sge, %broadcast_in_dim3A_1876, %ge3A_1879 : vector<16xi32>
        %lt3A_1881 = vector.broadcast %add3A_4 : i32 to vector<16xi32>
        %lt3A_1882 = arith.cmpi slt, %broadcast_in_dim3A_1876, %lt3A_1881 : vector<16xi32>
        %and3A_1883 = arith.andi %ge3A_1880, %lt3A_1882 : vector<16xi1>
        tpu.vector_store_idx %arg7[%sub3A_1878, %add3A_76], %bitcast3A_1777 masked %and3A_1883 {add = true} : memref<16x256xf32, #tpu.memory_space<vmem>>[vector<16xi32>, vector<16xi32>], vector<16xf32>, vector<16xi1>
        tpu.vector_store_idx %arg7[%sub3A_1878, %add3A_82], %bitcast3A_1779 masked %and3A_1883 {add = true} : memref<16x256xf32, #tpu.memory_space<vmem>>[vector<16xi32>, vector<16xi32>], vector<16xf32>, vector<16xi1>
        tpu.vector_store_idx %arg7[%sub3A_1878, %add3A_85], %bitcast3A_1789 masked %and3A_1883 {add = true} : memref<16x256xf32, #tpu.memory_space<vmem>>[vector<16xi32>, vector<16xi32>], vector<16xf32>, vector<16xi1>
        tpu.vector_store_idx %arg7[%sub3A_1878, %add3A_91], %bitcast3A_1791 masked %and3A_1883 {add = true} : memref<16x256xf32, #tpu.memory_space<vmem>>[vector<16xi32>, vector<16xi32>], vector<16xf32>, vector<16xi1>
        tpu.vector_store_idx %arg7[%sub3A_1878, %add3A_94], %bitcast3A_1801 masked %and3A_1883 {add = true} : memref<16x256xf32, #tpu.memory_space<vmem>>[vector<16xi32>, vector<16xi32>], vector<16xf32>, vector<16xi1>
        tpu.vector_store_idx %arg7[%sub3A_1878, %add3A_100], %bitcast3A_1803 masked %and3A_1883 {add = true} : memref<16x256xf32, #tpu.memory_space<vmem>>[vector<16xi32>, vector<16xi32>], vector<16xf32>, vector<16xi1>
        tpu.vector_store_idx %arg7[%sub3A_1878, %add3A_103], %bitcast3A_1813 masked %and3A_1883 {add = true} : memref<16x256xf32, #tpu.memory_space<vmem>>[vector<16xi32>, vector<16xi32>], vector<16xf32>, vector<16xi1>
        tpu.vector_store_idx %arg7[%sub3A_1878, %add3A_109], %bitcast3A_1815 masked %and3A_1883 {add = true} : memref<16x256xf32, #tpu.memory_space<vmem>>[vector<16xi32>, vector<16xi32>], vector<16xf32>, vector<16xi1>
        tpu.vector_store_idx %arg7[%sub3A_1878, %add3A_112], %bitcast3A_1825 masked %and3A_1883 {add = true} : memref<16x256xf32, #tpu.memory_space<vmem>>[vector<16xi32>, vector<16xi32>], vector<16xf32>, vector<16xi1>
        tpu.vector_store_idx %arg7[%sub3A_1878, %add3A_118], %bitcast3A_1827 masked %and3A_1883 {add = true} : memref<16x256xf32, #tpu.memory_space<vmem>>[vector<16xi32>, vector<16xi32>], vector<16xf32>, vector<16xi1>
        tpu.vector_store_idx %arg7[%sub3A_1878, %add3A_121], %bitcast3A_1837 masked %and3A_1883 {add = true} : memref<16x256xf32, #tpu.memory_space<vmem>>[vector<16xi32>, vector<16xi32>], vector<16xf32>, vector<16xi1>
        tpu.vector_store_idx %arg7[%sub3A_1878, %add3A_127], %bitcast3A_1839 masked %and3A_1883 {add = true} : memref<16x256xf32, #tpu.memory_space<vmem>>[vector<16xi32>, vector<16xi32>], vector<16xf32>, vector<16xi1>
        tpu.vector_store_idx %arg7[%sub3A_1878, %add3A_130], %bitcast3A_1849 masked %and3A_1883 {add = true} : memref<16x256xf32, #tpu.memory_space<vmem>>[vector<16xi32>, vector<16xi32>], vector<16xf32>, vector<16xi1>
        tpu.vector_store_idx %arg7[%sub3A_1878, %add3A_136], %bitcast3A_1851 masked %and3A_1883 {add = true} : memref<16x256xf32, #tpu.memory_space<vmem>>[vector<16xi32>, vector<16xi32>], vector<16xf32>, vector<16xi1>
        tpu.vector_store_idx %arg7[%sub3A_1878, %add3A_139], %bitcast3A_1861 masked %and3A_1883 {add = true} : memref<16x256xf32, #tpu.memory_space<vmem>>[vector<16xi32>, vector<16xi32>], vector<16xf32>, vector<16xi1>
        tpu.vector_store_idx %arg7[%sub3A_1878, %add3A_145], %bitcast3A_1863 masked %and3A_1883 {add = true} : memref<16x256xf32, #tpu.memory_space<vmem>>[vector<16xi32>, vector<16xi32>], vector<16xf32>, vector<16xi1>
      }
      %scan3A_187 = arith.constant 4 : i32
    }
    "tpu.region"() ({
      %run_scoped3A = tpu.sem_alloc : memref<!tpu.dma_semaphore, #tpu.memory_space<semaphore_mem>>
      %dma_start3A = arith.constant 0 : i32
      %dma_start3A_157 = tpu.memref_slice %arg4[%mul3A_2, %dma_start3A] : memref<512x256xf32, #tpu.memory_space<hbm>> -> memref<16x256xf32, #tpu.memory_space<hbm>>
      %dma_start3A_158 = arith.constant 0 : i32
      %dma_start3A_159 = tpu.memref_slice %arg4[%mul3A_2, %dma_start3A_158] : memref<512x256xf32, #tpu.memory_space<hbm>> -> memref<16x256xf32, #tpu.memory_space<hbm>>
      tpu.enqueue_dma source(%arg7 : memref<16x256xf32, #tpu.memory_space<vmem>>) target(%dma_start3A_159 : memref<16x256xf32, #tpu.memory_space<hbm>>) target_semaphore(%run_scoped3A : memref<!tpu.dma_semaphore, #tpu.memory_space<semaphore_mem>>)
      %dma_wait3A = arith.constant 0 : i32
      %dma_wait3A_160 = tpu.memref_slice %arg4[%mul3A_2, %dma_wait3A] : memref<512x256xf32, #tpu.memory_space<hbm>> -> memref<16x256xf32, #tpu.memory_space<hbm>>
      %dma_wait3A_161 = arith.constant 0 : i32
      %dma_wait3A_162 = tpu.memref_slice %arg4[%mul3A_2, %dma_wait3A_161] : memref<512x256xf32, #tpu.memory_space<hbm>> -> memref<16x256xf32, #tpu.memory_space<hbm>>
      tpu.wait_dma2 semaphore(%run_scoped3A : memref<!tpu.dma_semaphore, #tpu.memory_space<semaphore_mem>>) src(%arg7 : memref<16x256xf32, #tpu.memory_space<vmem>>) dst(%dma_wait3A_162 : memref<16x256xf32, #tpu.memory_space<hbm>>)
      tpu.yield
    }) : () -> ()
    return
  }
}

module attributes {stable_mosaic.version = 14 : i64} {
  func.func @_rho_body(%arg0: memref<512x256xf32, #tpu.memory_space<vmem>>, %arg1: memref<256x256xf32, #tpu.memory_space<vmem>>, %arg2: memref<1x256xf32, #tpu.memory_space<vmem>>, %arg3: memref<1x256xf32, #tpu.memory_space<vmem>>, %arg4: memref<1x1xf32, #tpu.memory_space<vmem>>, %arg5: memref<1x512xf32, #tpu.memory_space<vmem>>) attributes {dimension_semantics = [], scalar_prefetch = 0 : i64, scratch_operands = 0 : i64, tpu.core_type = #tpu.core_type<tc>} {
    %get3A = arith.constant 0 : index
    %get3A_0 = arith.constant 0 : index
    %get3A_1 = vector.load %arg0[%get3A, %get3A_0] : memref<512x256xf32, #tpu.memory_space<vmem>>, vector<512x256xf32>
    %get3A_2 = arith.constant 0 : index
    %get3A_3 = arith.constant 0 : index
    %get3A_4 = vector.load %arg1[%get3A_2, %get3A_3] : memref<256x256xf32, #tpu.memory_space<vmem>>, vector<256x256xf32>
    %dot_general3A = arith.constant dense<0.000000e+00> : vector<512x256xf32>
    %dot_general3A_5 = tpu.matmul %get3A_1, %get3A_4, %dot_general3A {dimension_numbers = #tpu.dot_dimension_numbers<[1], [1], [0], [0], [0, 0, 1, 0], [], []>, transpose_lhs_hint = false} : vector<512x256xf32>, vector<256x256xf32>, vector<512x256xf32> -> vector<512x256xf32>
    %get3A_6 = arith.constant 0 : index
    %get3A_7 = arith.constant 0 : index
    %get3A_8 = vector.load %arg2[%get3A_6, %get3A_7] : memref<1x256xf32, #tpu.memory_space<vmem>>, vector<1x256xf32>
    %add3A = vector.broadcast %get3A_8 : vector<1x256xf32> to vector<512x256xf32>
    %add3A_9 = arith.addf %dot_general3A_5, %add3A : vector<512x256xf32>
    %max3A = arith.constant 0.000000e+00 : f32
    %max3A_10 = vector.broadcast %max3A : f32 to vector<512x256xf32>
    %max3A_11 = arith.maximumf %add3A_9, %max3A_10 : vector<512x256xf32>
    %get3A_12 = arith.constant 0 : index
    %get3A_13 = arith.constant 0 : index
    %get3A_14 = vector.load %arg3[%get3A_12, %get3A_13] : memref<1x256xf32, #tpu.memory_space<vmem>>, vector<1x256xf32>
    %dot_general3A_15 = arith.constant dense<0.000000e+00> : vector<1x512xf32>
    %dot_general3A_16 = tpu.matmul %get3A_14, %max3A_11, %dot_general3A_15 {dimension_numbers = #tpu.dot_dimension_numbers<[1], [1], [0], [0], [0, 0, 1, 0], [], []>, transpose_lhs_hint = false} : vector<1x256xf32>, vector<512x256xf32>, vector<1x512xf32> -> vector<1x512xf32>
    %get3A_17 = arith.constant 0 : index
    %get3A_18 = arith.constant 0 : index
    %get3A_19 = vector.load %arg4[%get3A_17, %get3A_18] : memref<1x1xf32, #tpu.memory_space<vmem>>, vector<1x1xf32>
    %add3A_20 = vector.broadcast %get3A_19 : vector<1x1xf32> to vector<1x512xf32>
    %add3A_21 = arith.addf %dot_general3A_16, %add3A_20 : vector<1x512xf32>
    %logistic3A = arith.negf %add3A_21 : vector<1x512xf32>
    %logistic3A_22 = math.exp %logistic3A : vector<1x512xf32>
    %logistic3A_23 = arith.constant 1.000000e+00 : f32
    %logistic3A_24 = vector.broadcast %logistic3A_23 : f32 to vector<1x512xf32>
    %logistic3A_25 = arith.addf %logistic3A_24, %logistic3A_22 : vector<1x512xf32>
    %logistic3A_26 = arith.divf %logistic3A_24, %logistic3A_25 : vector<1x512xf32>
    %swap3A = arith.constant 0 : index
    %swap3A_27 = arith.constant 0 : index
    %swap3A_28 = vector.load %arg5[%swap3A, %swap3A_27] : memref<1x512xf32, #tpu.memory_space<vmem>>, vector<1x512xf32>
    tpu.vector_store %arg5[%swap3A, %swap3A_27], %logistic3A_26 {strides = array<i32>} : memref<1x512xf32, #tpu.memory_space<vmem>>, vector<1x512xf32>,
    return
  }
}

module attributes {stable_mosaic.version = 14 : i64} {
  func.func @_phi_body(%arg0: i32, %arg1: memref<5200x256xf32, #tpu.memory_space<vmem>>, %arg2: memref<256x256xf32, #tpu.memory_space<vmem>>, %arg3: memref<1x256xf32, #tpu.memory_space<vmem>>, %arg4: memref<5200x128xi32, #tpu.memory_space<vmem>>) attributes {dimension_semantics = [#tpu.dimension_semantics<arbitrary>], iteration_bounds = array<i64: 2>, scalar_prefetch = 0 : i64, scratch_operands = 0 : i64, tpu.core_type = #tpu.core_type<tc>, window_params = [{transform_indices = @transform_0, window_bounds = array<i64: 5200, 256>}, {pipeline_mode = #tpu.pipeline_mode<synchronous>, transform_indices = @transform_1, window_bounds = array<i64: 256, 256>}, {pipeline_mode = #tpu.pipeline_mode<synchronous>, transform_indices = @transform_2, window_bounds = array<i64: 1, 256>}, {transform_indices = @transform_3, window_bounds = array<i64: 5200, 128>}]} {
    %get3A = arith.constant 0 : index
    %get3A_0 = arith.constant 0 : index
    %get3A_1 = vector.load %arg1[%get3A, %get3A_0] : memref<5200x256xf32, #tpu.memory_space<vmem>>, vector<5200x256xf32>
    %get3A_2 = arith.constant 0 : index
    %get3A_3 = arith.constant 0 : index
    %get3A_4 = vector.load %arg2[%get3A_2, %get3A_3] : memref<256x256xf32, #tpu.memory_space<vmem>>, vector<256x256xf32>
    %dot_general3A = arith.constant dense<0.000000e+00> : vector<5200x256xf32>
    %dot_general3A_5 = tpu.matmul %get3A_1, %get3A_4, %dot_general3A {dimension_numbers = #tpu.dot_dimension_numbers<[1], [1], [0], [0], [0, 0, 1, 0], [], []>, transpose_lhs_hint = false} : vector<5200x256xf32>, vector<256x256xf32>, vector<5200x256xf32> -> vector<5200x256xf32>
    %get3A_6 = arith.constant 0 : index
    %get3A_7 = arith.constant 0 : index
    %get3A_8 = vector.load %arg3[%get3A_6, %get3A_7] : memref<1x256xf32, #tpu.memory_space<vmem>>, vector<1x256xf32>
    %add3A = vector.broadcast %get3A_8 : vector<1x256xf32> to vector<5200x256xf32>
    %add3A_9 = arith.addf %dot_general3A_5, %add3A : vector<5200x256xf32>
    %max3A = arith.constant 0.000000e+00 : f32
    %max3A_10 = vector.broadcast %max3A : f32 to vector<5200x256xf32>
    %max3A_11 = arith.maximumf %add3A_9, %max3A_10 : vector<5200x256xf32>
    %bitcast_convert_type3A = tpu.bitcast %max3A_11 : vector<5200x256xf32> -> vector<5200x256xi32>
    %add3A_12 = arith.constant 32768 : i32
    %add3A_13 = vector.broadcast %add3A_12 : i32 to vector<5200x256xi32>
    %add3A_14 = arith.addi %bitcast_convert_type3A, %add3A_13 : vector<5200x256xi32>
    %slice3A = vector.extract_strided_slice %add3A_14 {offsets = [0, 0], sizes = [5200, 128], strides = [1, 1]} : vector<5200x256xi32> to vector<5200x128xi32>
    %shift_right_logical3A = arith.constant 16 : i32
    %shift_right_logical3A_15 = vector.broadcast %shift_right_logical3A : i32 to vector<5200x128xi32>
    %shift_right_logical3A_16 = arith.shrui %slice3A, %shift_right_logical3A_15 : vector<5200x128xi32>
    %slice3A_17 = vector.extract_strided_slice %add3A_14 {offsets = [0, 128], sizes = [5200, 128], strides = [1, 1]} : vector<5200x256xi32> to vector<5200x128xi32>
    %and3A = arith.constant -65536 : i32
    %and3A_18 = vector.broadcast %and3A : i32 to vector<5200x128xi32>
    %and3A_19 = arith.andi %slice3A_17, %and3A_18 : vector<5200x128xi32>
    %or3A = arith.ori %and3A_19, %shift_right_logical3A_16 : vector<5200x128xi32>
    %swap3A = arith.constant 0 : index
    %swap3A_20 = arith.constant 0 : index
    %swap3A_21 = vector.load %arg4[%swap3A, %swap3A_20] : memref<5200x128xi32, #tpu.memory_space<vmem>>, vector<5200x128xi32>
    tpu.vector_store %arg4[%swap3A, %swap3A_20], %or3A {strides = array<i32>} : memref<5200x128xi32, #tpu.memory_space<vmem>>, vector<5200x128xi32>,
    return
  }
  func.func @transform_0(%arg0: i32) -> (i32, i32) {
    %c0_i32 = arith.constant 0 : i32
    %c0_i32_0 = arith.constant 0 : i32
    return %arg0, %c0_i32 : i32, i32
  }
  func.func @transform_1(%arg0: i32) -> (i32, i32) {
    %c0_i32 = arith.constant 0 : i32
    %c0_i32_0 = arith.constant 0 : i32
    %c0_i32_1 = arith.constant 0 : i32
    return %c0_i32, %c0_i32_0 : i32, i32
  }
  func.func @transform_2(%arg0: i32) -> (i32, i32) {
    %c0_i32 = arith.constant 0 : i32
    %c0_i32_0 = arith.constant 0 : i32
    %c0_i32_1 = arith.constant 0 : i32
    return %c0_i32, %c0_i32_0 : i32, i32
  }
  func.func @transform_3(%arg0: i32) -> (i32, i32) {
    %c0_i32 = arith.constant 0 : i32
    %c0_i32_0 = arith.constant 0 : i32
    return %arg0, %c0_i32 : i32, i32
  }
}

</mosaic_0001>

<sc_bundles>
// kernel: kernel.5.cloned.1.call-start
scs
__scs_entry_jumppad:
0x0: {  	(pc) =	sbr.rel $0x88, $3  }
0x1: {  	(tag) =	ssettag $0x0;
	lr =	simm.s32 $0x1  }
0x2: {  	[smem:$0x3F99] =	sst lr;
	_ =	strace $0xD0000000  }
0x3: {  	_ = 	snop  }
0x4: {  	_ = 	snop  }
0x5: {  	_ = 	snop  }
0x6: {  	_ = 	snop  }
0x7: {  	_ = 	snop  }
__scs_overlays_trampoline_lowered:
0x8: {  	[smem:$0x3FA8] =	sst s0  }
0x9: {  	[smem:$0x3FA9] =	sst s1  }
0xa: {  	[smem:$0x3FAA] =	sst s2  }
0xb: {  	[smem:$0x3FAB] =	sst s3  }
0xc: {  	[smem:$0x3FAC] =	sst s4  }
0xd: {  	[smem:$0x3FAD] =	sst s5  }
0xe: {  	[smem:$0x3FAE] =	sst s6  }
0xf: {  	[smem:$0x3FAF] =	sst s7  }
0x10: {  	[smem:$0x3FB0] =	sst s8  }
0x11: {  	[smem:$0x3FB1] =	sst s9;
	s0 =	simm.s32 @!p0 $0x0  }
0x12: {  	s1 =	sld [smem:$0x3F97];
	s0 =	simm.s32 @p0 $0x1  }
0x13: {  	[smem:$0x3FB2] =	sst s0;
	s0 =	simm.s32 @!p1 $0x0  }
0x14: {  	s2 =	sld [smem:$0x3F96];
	s0 =	simm.s32 @p1 $0x1  }
0x15: {  	[smem:$0x3FB3] =	sst s0;
	s0 =	simm.s32 @!p2 $0x0  }
0x16: {  	s3 =	sld [smem:$0x3FDB];
	s0 =	simm.s32 @p2 $0x1  }
0x17: {  	s4 =	simm.s32 $0x1BF5;
	[smem:$0x3FB5] =	sst s0  }
0x18: {  	s0 =	sld [smem:$0x3F98];
	_ =	swait.ge [sflag:s4], $0x0  }
0x19: {  	s7 =	sld [smem:$0x3F99]  }
0x1a: {  	s8 =	sadd.s32 $0xFFFFE003, lr  }
0x1b: {  	s9 =	sadd.s32 $0xFFFFFEF7, lr;
	s5 =	simm.s32 $0xFFFFFFFF;
	p2 =	slt.u32 s8, $0xFFFFF086  }
0x1c: {  	p1 =	slt.u32 s9, $0xF7A;
	s5 =	simm.s32 @!p2 $0x0  }
0x1d: {  	s5 =	simm.s32 @p1 $0x1;
	p0 =	seq.s32 s7, s2  }
0x1e: {  	s7 =	smul.u32 @!p0 $0xF7A, s2;
	p2 =	seq.s32 @!p0 s5, $0x0  }
0x1f: {  	s9 =	smul.u32 $0xF7A, s1;
	s8 =	simm.s32 @!p0 $0x1BF5;
	p2 =	por !p2, p0  }
0x20: {  	[sflag:s8] =	ssyncset.s32 @!p0 $0xFFFFF086;
	s6 =	sadd.s32 @!p0 s3, s7;
	s7 =	simm.s32 @!p0 $0x108  }
0x21: {  	s3 =	sadd.s32 s3, s9;
	s6 =	sadd.s32 @!p0 $0x88, s6;
	s7 =	simm.s32 @p2 $0x1082  }
0x22: {  	[simem:s7], [sflag:s8] =	dma.local @!p0 [hbm:s6], $0xF7A  }
0x23: {  	s9 =	sor.u32 $0xD0000000, s2;
	s6 =	simm.s32 $0x108;
	_ =	swait.ge @!p0 [sflag:s8], $0x0  }
0x24: {  	s3 =	sadd.s32 $0x88, s3;
	s6 =	simm.s32 @!p1 $0x1082;
	[sflag:s4] =	ssyncset.s32 $0xFFFFF086  }
0x25: {  	[simem:s6], [sflag:s4] =	dma.local [hbm:s3], $0xF7A  }
0x26: {  	[smem:$0x3F99] =	sst s1;
	(tag) =	ssettag s2;
	_ =	strace s9  }
0x27: {  	s1 =	sld [smem:$0x3FA9]  }
0x28: {  	s2 =	sld [smem:$0x3FAA]  }
0x29: {  	s4 =	sld [smem:$0x3FAC]  }
0x2a: {  	p0 =	seq.s32 s5, $0x0;
	s5 =	sld [smem:$0x3FAD]  }
0x2b: {  	s6 =	sld [smem:$0x3FAE]  }
0x2c: {  	s7 =	sld [smem:$0x3FAF]  }
0x2d: {  	s3 =	simm.s32 $0x108;
	s8 =	sld [smem:$0x3FB0]  }
0x2e: {  	s3 =	simm.s32 @!p0 $0x1082;
	s9 =	sld [smem:$0x3FB1]  }
0x2f: {  	lr =	sadd.s32 s0, s3;
	s0 =	sld [smem:$0x3FA8]  }
0x30: {  	s3 =	sld [smem:$0x3FAB]  }
0x31: {  	[smem:$0x3FB4] =	sst s10  }
0x32: {  	s10 =	sld [smem:$0x3FB2];
	_ =	sdelay $0x3  }
0x33: {  	p0 =	seq.s32 s10, $0x1;
	s10 =	sld [smem:$0x3FB4];
	_ =	sdelay $0x3  }
0x34: {  	[smem:$0x3FB4] =	sst s10  }
0x35: {  	s10 =	sld [smem:$0x3FB3];
	_ =	sdelay $0x3  }
0x36: {  	p1 =	seq.s32 s10, $0x1;
	s10 =	sld [smem:$0x3FB4];
	_ =	sdelay $0x3  }
0x37: {  	[smem:$0x3FB4] =	sst s10  }
0x38: {  	s10 =	sld [smem:$0x3FB5]  }
0x39: {  	_ = 	snop;
	(pc) =	sbr.ind lr, $3  }
0x3a: {  	_ = 	snop  }
0x3b: {  	_ = 	snop  }
0x3c: {  	p2 =	seq.s32 s10, $0x1;
	s10 =	sld [smem:$0x3FB4]  }
0x3d: {  	_ =	shalt  }
0x3e: {  	_ =	shalt  }
0x3f: {  	_ =	shalt  }
0x40: {  	_ =	shalt  }
0x41: {  	_ =	shalt  }
0x42: {  	_ =	shalt  }
0x43: {  	_ =	shalt  }
0x44: {  	_ =	shalt  }
0x45: {  	_ =	shalt  }
0x46: {  	_ =	shalt  }
0x47: {  	_ =	shalt  }
0x48: {  	_ =	shalt  }
0x49: {  	_ =	shalt  }
0x4a: {  	_ =	shalt  }
0x4b: {  	_ =	shalt  }
0x4c: {  	_ =	shalt  }
0x4d: {  	_ =	shalt  }
0x4e: {  	_ =	shalt  }
0x4f: {  	_ =	shalt  }
0x50: {  	_ =	shalt  }
0x51: {  	_ =	shalt  }
0x52: {  	_ =	shalt  }
0x53: {  	_ =	shalt  }
0x54: {  	_ =	shalt  }
0x55: {  	_ =	shalt  }
0x56: {  	_ =	shalt  }
0x57: {  	_ =	shalt  }
0x58: {  	_ =	shalt  }
0x59: {  	_ =	shalt  }
0x5a: {  	_ =	shalt  }
0x5b: {  	_ =	shalt  }
0x5c: {  	_ =	shalt  }
0x5d: {  	_ =	shalt  }
0x5e: {  	_ =	shalt  }
0x5f: {  	_ =	shalt  }
0x60: {  	_ =	shalt  }
0x61: {  	_ =	shalt  }
0x62: {  	_ =	shalt  }
0x63: {  	_ =	shalt  }
0x64: {  	_ =	shalt  }
0x65: {  	_ =	shalt  }
0x66: {  	_ =	shalt  }
0x67: {  	_ =	shalt  }
0x68: {  	_ =	shalt  }
0x69: {  	_ =	shalt  }
0x6a: {  	_ =	shalt  }
0x6b: {  	_ =	shalt  }
0x6c: {  	_ =	shalt  }
0x6d: {  	_ =	shalt  }
0x6e: {  	_ =	shalt  }
0x6f: {  	_ =	shalt  }
0x70: {  	_ =	shalt  }
0x71: {  	_ =	shalt  }
0x72: {  	_ =	shalt  }
0x73: {  	_ =	shalt  }
0x74: {  	_ =	shalt  }
0x75: {  	_ =	shalt  }
0x76: {  	_ =	shalt  }
0x77: {  	_ =	shalt  }
0x78: {  	_ =	shalt  }
0x79: {  	_ =	shalt  }
0x7a: {  	_ =	shalt  }
0x7b: {  	_ =	shalt  }
0x7c: {  	_ =	shalt  }
0x7d: {  	_ =	shalt  }
0x7e: {  	_ =	shalt  }
0x7f: {  	_ =	shalt  }
0x80: {  	_ =	shalt  }
0x81: {  	_ =	shalt  }
0x82: {  	_ =	shalt  }
0x83: {  	_ =	shalt  }
0x84: {  	_ =	shalt  }
0x85: {  	_ =	shalt  }
0x86: {  	_ =	shalt  }
0x87: {  	_ =	shalt  }
.Lfunc_end0:
.L_simem_size_0:
called_computation_lowered:
.L_overlay_start_0:
0x88: {  	s2 =	sld [smem:$0x3FD9]  }
0x89: {  	s3 =	sld [smem:$0x3FFE];
	_ =	sdelay $0x1  }
0x8a: {  	s1 =	srdreg.scid  }
0x8b: {  	s0 =	sand.u32 $0x1, s1  }
0x8c: {  	s16 =	sshll.u32 s0, $0xA;
	s2 =	sadd.s32 s3, s2  }
0x8d: {  	s2 =	sadd.s32 s2, s16  }
0x8e: {  	[smem:$0x3FC0] =	sst s2  }
0x8f: {  	_ = 	snop  }
0x90: {  	(tm) =	ssettm $0x1  }
0x91: {  	s17 =	sld [smem:$0x3FFB];
	_ =	sdelay $0x3  }
0x92: {  	_ =	strace s17  }
0x93: {  	s2 =	sld [smem:$0x3FFC];
	_ =	sdelay $0x3  }
0x94: {  	_ =	strace s2  }
0x95: {  	s2 =	sld [smem:$0x3FFD];
	_ =	sdelay $0x3  }
0x96: {  	_ =	strace s2  }
0x97: {  	_ =	strace $0x8FFFFFFF  }
0x98: {  	s18 =	sld [smem:$0x3FDB];
	_ =	sdelay $0x1  }
0x99: {  	s19 =	simm.s32 $_scs_section_size  }
0x9a: {  	s4 =	simm.s32 $_size__tile_overlayer_lowered;
	s5 =	simm.s32 $_tile_overlayer_lowered  }
0x9b: {  	s22 =	simm.s32 $0x1BFF;
	s21 =	sshll.u32 s5, $0x1;
	s2 =	sadd.s32 s19, s18  }
0x9c: {  	s6 =	simm.s32 $0x0;
	s20 =	sshll.u32 s4, $0x1;
	s4 =	sadd.s32 s21, s2  }
0x9d: {  	[timem:s6], [sflag:s22] =	dma.local [hbm:s4], s20  }
0x9e: {  	_ =	swait.ge [sflag:s22], s20  }
0x9f: {  	s3 =	ssub.s32 $0x0, s20;
	[sflag:s22] =	ssyncset.done $0x0  }
0xa0: {  	[sflag:s22] =	ssyncadd.s32 s3;
	_ =	sdelay $0x1  }
0xa1: {  	s23 =	simm.s32 $0x1B8B  }
0xa2: {  	_ =	swait.ge [sflag:s23], $0x1  }
0xa3: {  	[sflag:s23] =	ssyncset.done $0x0  }
0xa4: {  	s25 =	simm.s32 $0x1B8E;
	s24 =	sld [smem:$0x3FFE];
	[sflag:s23] =	ssyncadd.s32 $0xFFFFFFFF  }
0xa5: {  	s26 =	simm.s32 $execute0_lowered;
	[smem:$0x3FD2] =	sst s25  }
0xa6: {  	s4 =	sshll.u32 s26, $0x1;
	_ =	strace $0x80000046;
	[dreg:$0x1] =	wrdreg $0xFFFFFFFF  }
0xa7: {  	s28 =	simm.s32 $_size_execute0_lowered;
	s2 =	sadd.s32 s2, s4;
	[dreg:$0x0] =	wrdreg $0x0  }
0xa8: {  	s4 =	sshll.u32 s28, $0x1;
	[dreg:$0x2] =	wrdreg s2  }
0xa9: {  	[dreg:$0x3] =	wrdreg s4  }
0xaa: {  	[dreg:$0x4] =	wrdreg $0xC0  }
0xab: {  	_ =	task [dreg:s6], $0x5FFFF  }
0xac: {  	[dreg:$0x1] =	wrdreg $0xFFFFFFFF  }
0xad: {  	[dreg:$0x0] =	wrdreg $0x60  }
0xae: {  	[dreg:$0x2] =	wrdreg s24  }
0xaf: {  	[dreg:$0x3] =	wrdreg $0x9  }
0xb0: {  	_ =	task.clear_ibuf [dreg:s6], $0x4FFFF;
	_ =	strace $0x90000046  }
0xb1: {  	s29 =	simm.s32 $0x9;
	_ =	strace $0x80000048  }
0xb2: {  	_ =	swait.ge [sflag:s29], $0x1  }
0xb3: {  	[sflag:s29] =	ssyncadd.s32 $0xFFFFFFFF  }
0xb4: {  	_ =	strace $0x90000048  }
0xb5: {  	_ =	sfence  }
0xb6: {  	s30 =	sld [smem:$0x0];
	_ =	sdelay $0x2  }
0xb7: {  	s31 =	sshll.u32 s1, $0xD;
	s1 =	sshrl.u32 s1, $0x2  }
0xb8: {  	s3 =	sand.u32 $0x4000, s31;
	s1 =	sadd.s32 s1, s30  }
0xb9: {  	s0 =	sor.u32 s3, s0;
	s1 =	sshll.u32 s1, $0x11  }
0xba: {  	s0 =	sor.u32 s1, s0  }
0xbb: {  	s0 =	sadd.s32 $0x8F2B, s0  }
0xbc: {  	[sflag:s0] =	ssyncadd.remote.s32 $0x1  }
0xbd: {  	_ =	sfence.sel $0xFFFF  }
0xbe: {  	[dreg:$0x0] =	wrdreg $0xFFFFFFFF;
	(pc) =	sbr.abs _section_cstart, $3  }
0xbf: {  	[dreg:$0x1] =	wrdreg $0xFFFFFFFF  }
0xc0: {  	_ =	task.clear_ibuf [dreg:s6], $0x2FFFF;
	_ =	strace $0x9FFFFFFF  }
0xc1: {  	(tm) =	ssettm $0x7FFFFFFF  }
tec
execute0_lowered:
.L_overlay_start_1:
0x0: {  	(tag) =	ssettag $0x1  }
0x1: {  	s1 =	srdreg.scid  }
0x2: {  	s0 =	stileid.u32;
	s6 =	rddreg [dreg:$0x0];
	s3 =	simm.s32 $0x0  }
0x3: {  	s10 =	simm.s32 $0x2900;
	s11 =	simm.s32 $0x2;
	s12 =	simm.s32 $0x6900  }
0x4: {  	v3 =	vlaneseq.u32;
	s13 =	simm.s32 $0x3;
	s5 =	sand.u32 $0x1, s1;
	s1 =	rddreg [dreg:$0x1]  }
0x5: {  	v2 =	vimm.f32 $0.0e+00;
	s14 =	simm.s32 $0x0;
	s31 =	sshll.u32 s0, $0x5;
	[smem:$0x7FF] =	sst s3;
	v4 =	vor.u32 $0x400, v3;
	v5 =	vor.u32 $0x10, v3  }
.Ltmp0:
0x6: {  	v6 =	vor.u32 $0x410, v3;
	v7 =	vor.u32 $0x20, v3;
	v8 =	vor.u32 $0x420, v3;
	s2 =	sshll.u32 s5, $0x4;
	s7 =	ssub.s32 $0x2, s5;
	(pc) =	sbr.rel .LBB2_1-.Ltmp0, $4  }
0x7: {  	v9 =	vor.u32 $0x30, v3;
	v10 =	vor.u32 $0x430, v3;
	v11 =	vor.u32 $0x40, v3;
	_ =	strace $0x80000047;
	s5 =	sadd.s32 $0x1A00, s6;
	s2 =	sor.u32 s2, s31  }
0x8: {  	v12 =	vor.u32 $0x440, v3;
	v13 =	vor.u32 $0x50, v3;
	v14 =	vor.u32 $0x450, v3;
	s9 =	sshrl.u32 s7, $0x1;
	s4 =	sadd.s32 $0x10, s2;
	s8 =	sshll.u32 s2, $0x5  }
0x9: {  	v15 =	vor.u32 $0x60, v3;
	v16 =	vor.u32 $0x460, v3;
	v17 =	vor.u32 $0x70, v3;
	s9 =	ssub.s32 s7, s9;
	s8 =	sadd.s32 s8, s6;
	s6 =	sadd.s32 $0x1400, s6  }
0xa: {  	v18 =	vor.u32 $0x470, v3;
	v0 =	vmov s2;
	v1 =	vmov s4;
	s7 =	sadd.s32 $0x2A400, s8;
	s8 =	smax.u32 s9, $0x1;
	s9 =	simm.s32 $0x1  }
.LBB2_12:
0xb: {  	s14 =	sadd.s32 $0x1, s14  }
0xc: {  	p0 =	sne.s32 s14, s8  }
.Ltmp1:
0xd: {  	_ = 	snop;
	(pc) =	sbr.rel @!p0 .LBB2_13-.Ltmp1, $4  }
0xe: {  	[hbm4b:s7+s3] =	stream.linear.scatter [tilespmem:s12], [sflag:$0x3], $0x1000, $0x38;
	[tilespmem:$0x7900] =	vst v63  }
0xf: {  	_ =	swait.ge [sflag:s13], $0x1000  }
0x10: {  	[sflag:s13] =	ssyncset.done $0x0  }
0x11: {  	[sflag:s13] =	ssyncadd.s32 $0xFFFFF000  }
.LBB2_1:
0x12: {  	[tilespmem:s3], [sflag:$0x1] =	stream.linear.gather [hbm4b:s6+s3], $0x2900, $0x38;
	[tilespmem:$0x7900] =	vst v63  }
0x13: {  	s15 =	sand.u32 $0x800, s3;
	s16 =	sand.u32 $0x380, s3  }
0x14: {  	s15 =	sor.u32 s16, s15  }
0x15: {  	[tilespmem:s15+$0x6D70] =	vst v2  }
0x16: {  	[tilespmem:s15+$0x6900] =	vst v2  }
0x17: {  	[tilespmem:s15+$0x6910] =	vst v2  }
0x18: {  	[tilespmem:s15+$0x6920] =	vst v2  }
0x19: {  	[tilespmem:s15+$0x6930] =	vst v2  }
0x1a: {  	[tilespmem:s15+$0x6940] =	vst v2  }
0x1b: {  	[tilespmem:s15+$0x6950] =	vst v2  }
0x1c: {  	[tilespmem:s15+$0x6960] =	vst v2  }
0x1d: {  	[tilespmem:s15+$0x6970] =	vst v2  }
0x1e: {  	[tilespmem:s15+$0x6D00] =	vst v2  }
0x1f: {  	[tilespmem:s15+$0x6D10] =	vst v2  }
0x20: {  	[tilespmem:s15+$0x6D20] =	vst v2  }
0x21: {  	[tilespmem:s15+$0x6D30] =	vst v2  }
0x22: {  	s17 =	simm.s32 $0x100;
	s16 =	simm.s32 $0x80;
	[tilespmem:s15+$0x6D40] =	vst v2  }
0x23: {  	s18 =	sand.u32 $0x800, s17;
	s17 =	simm.s32 $0x200;
	s19 =	sand.u32 $0x380, s16;
	[tilespmem:s15+$0x6D50] =	vst v2  }
.LBB2_2:
0x24: {  	p0 =	sne.s32 s17, $0xF00;
	[tilespmem:s15+$0x6D60] =	vst v2;
	s15 =	sor.u32 s19, s18  }
0x25: {  	[tilespmem:s15+$0x6D70] =	vst v2  }
0x26: {  	[tilespmem:s15+$0x6900] =	vst v2  }
0x27: {  	[tilespmem:s15+$0x6910] =	vst v2  }
0x28: {  	[tilespmem:s15+$0x6920] =	vst v2  }
0x29: {  	[tilespmem:s15+$0x6930] =	vst v2  }
0x2a: {  	[tilespmem:s15+$0x6940] =	vst v2  }
0x2b: {  	[tilespmem:s15+$0x6950] =	vst v2  }
0x2c: {  	[tilespmem:s15+$0x6960] =	vst v2  }
0x2d: {  	[tilespmem:s15+$0x6970] =	vst v2  }
0x2e: {  	[tilespmem:s15+$0x6D00] =	vst v2  }
.Ltmp2:
0x2f: {  	[tilespmem:s15+$0x6D10] =	vst v2;
	(pc) =	sbr.rel @p0 .LBB2_2-.Ltmp2, $4  }
0x30: {  	[tilespmem:s15+$0x6D20] =	vst v2  }
0x31: {  	[tilespmem:s15+$0x6D30] =	vst v2  }
0x32: {  	s16 =	sadd.s32 $0x80, s16;
	[tilespmem:s15+$0x6D40] =	vst v2  }
0x33: {  	s18 =	sand.u32 $0x800, s17;
	s17 =	sadd.s32 $0x100, s17;
	s19 =	sand.u32 $0x380, s16;
	[tilespmem:s15+$0x6D50] =	vst v2  }
0x34: {  	s16 =	sor.u32 s19, s18;
	[tilespmem:s15+$0x6D60] =	vst v2  }
0x35: {  	[tilespmem:s16+$0x6D70] =	vst v2  }
0x36: {  	[tilespmem:s16+$0x6900] =	vst v2  }
0x37: {  	[tilespmem:s16+$0x6910] =	vst v2  }
0x38: {  	[tilespmem:s16+$0x6920] =	vst v2  }
0x39: {  	[tilespmem:s16+$0x6930] =	vst v2  }
0x3a: {  	[tilespmem:s16+$0x6940] =	vst v2  }
0x3b: {  	[tilespmem:s16+$0x6950] =	vst v2  }
0x3c: {  	[tilespmem:s16+$0x6960] =	vst v2  }
0x3d: {  	[tilespmem:s16+$0x6970] =	vst v2  }
0x3e: {  	[tilespmem:s16+$0x6D00] =	vst v2  }
0x3f: {  	[tilespmem:s16+$0x6D10] =	vst v2  }
0x40: {  	[tilespmem:s16+$0x6D20] =	vst v2  }
0x41: {  	[tilespmem:s16+$0x6D30] =	vst v2  }
0x42: {  	[tilespmem:s16+$0x6D40] =	vst v2  }
0x43: {  	[tilespmem:s16+$0x6D50] =	vst v2  }
0x44: {  	[tilespmem:s16+$0x6D60] =	vst v2  }
0x45: {  	s15 =	simm.s32 $0x0;
	s17 =	simm.s32 $0x28A0;
	_ =	swait.ge [sflag:s9], $0x2900  }
0x46: {  	s20 =	simm.s32 $0x28A0;
	s18 =	simm.s32 $0xD;
	[sflag:s9] =	ssyncset.done $0x0  }
0x47: {  	s19 =	simm.s32 $0x28A0;
	s16 =	simm.s32 $0x0;
	[sflag:s9] =	ssyncadd.s32 $0xFFFFD700  }
.LBB2_4:
0x48: {  	s21 =	smov.u32 s19  }
0x49: {  	p0 =	sne.s32 s18, $0x1;
	s19 =	sand.u32 $0x1, s20  }
0x4a: {  	p1 =	slt.s32 s20, $0x1;
	p2 =	seq.s32 s19, $0x1  }
0x4b: {  	s19 =	sshrl.u32 s20, $0x1F;
	p1 =	por !p1, !p2  }
0x4c: {  	s19 =	sadd.s32 s19, s20;
	s20 =	simm.s32 $0x1;
	p1 =	por !p1, !p1  }
0x4d: {  	s19 =	sshra.s32 s19, $0x1;
	s20 =	simm.s32 @!p1 $0x0  }
0x4e: {  	s19 =	ssub.s32 s19, s20  }
0x4f: {  	v19 =	vld [tilespmem:s19+$0x0];
	_ =	sdelay $0x4  }
0x50: {  	(v2sf) =	vpush v19, $0x0;
	_ =	sdelay $0xd  }
.Ltmp3:
0x51: {  	(pc) =	sbr.rel @p0 .LBB2_4-.Ltmp3, $4  }
0x52: {  	s20 =	spop (v2sf)  }
0x53: {  	p1 =	slt.s32 s20, s2;
	s20 =	sadd.s32 $0x1, s19  }
0x54: {  	s16 =	smov.u32 @p1 s20;
	s19 =	smov.u32 @p1 s21  }
0x55: {  	s18 =	sadd.s32 $0xFFFFFFFF, s18;
	s20 =	sadd.s32 s16, s19  }
0x56: {  	s18 =	sand.u32 $0x1, s20  }
0x57: {  	p0 =	slt.s32 s20, $0x1;
	p1 =	seq.s32 s18, $0x1  }
0x58: {  	s30 =	sshrl.u32 s20, $0x1F;
	p0 =	por !p0, !p1  }
0x59: {  	s19 =	simm.s32 $0x1;
	s18 =	sadd.s32 s30, s20;
	p0 =	por !p0, !p0  }
0x5a: {  	s18 =	sshra.s32 s18, $0x1;
	s19 =	simm.s32 @!p0 $0x0  }
0x5b: {  	s18 =	ssub.s32 s18, s19  }
0x5c: {  	v19 =	vld [tilespmem:s18+$0x0];
	_ =	sdelay $0x4  }
0x5d: {  	(v2sf) =	vpush v19, $0x0;
	_ =	sdelay $0xe  }
0x5e: {  	s31 =	spop (v2sf)  }
0x5f: {  	s18 =	sadd.s32 $0x1, s18;
	p0 =	slt.s32 s31, s2  }
0x60: {  	s19 =	simm.s32 $0x28A0;
	s16 =	smov.u32 @p0 s18;
	s18 =	simm.s32 $0xD  }
.LBB2_6:
0x61: {  	s20 =	smov.u32 s17  }
0x62: {  	p0 =	sne.s32 s18, $0x1;
	s17 =	sand.u32 $0x1, s19  }
0x63: {  	p1 =	slt.s32 s19, $0x1;
	p2 =	seq.s32 s17, $0x1  }
0x64: {  	s17 =	sshrl.u32 s19, $0x1F;
	p1 =	por !p1, !p2  }
0x65: {  	s17 =	sadd.s32 s17, s19;
	s19 =	simm.s32 $0x1;
	p1 =	por !p1, !p1  }
0x66: {  	s17 =	sshra.s32 s17, $0x1;
	s19 =	simm.s32 @!p1 $0x0  }
0x67: {  	s17 =	ssub.s32 s17, s19  }
0x68: {  	v19 =	vld [tilespmem:s17+$0x0];
	_ =	sdelay $0x4  }
0x69: {  	(v2sf) =	vpush v19, $0x0;
	_ =	sdelay $0xd  }
.Ltmp4:
0x6a: {  	(pc) =	sbr.rel @p0 .LBB2_6-.Ltmp4, $4  }
0x6b: {  	s19 =	spop (v2sf)  }
0x6c: {  	p1 =	slt.s32 s19, s4;
	s19 =	sadd.s32 $0x1, s17  }
0x6d: {  	s15 =	smov.u32 @p1 s19;
	s17 =	smov.u32 @p1 s20  }
0x6e: {  	s18 =	sadd.s32 $0xFFFFFFFF, s18;
	s19 =	sadd.s32 s15, s17  }
0x6f: {  	s17 =	sand.u32 $0x1, s19  }
0x70: {  	p0 =	slt.s32 s19, $0x1;
	p1 =	seq.s32 s17, $0x1  }
0x71: {  	s23 =	sshrl.u32 s19, $0x1F;
	p0 =	por !p0, !p1  }
0x72: {  	s18 =	simm.s32 $0x1;
	s17 =	sadd.s32 s23, s19;
	p0 =	por !p0, !p0  }
0x73: {  	s17 =	sshra.s32 s17, $0x1;
	s18 =	simm.s32 @!p0 $0x0  }
0x74: {  	s18 =	ssub.s32 s17, s18  }
0x75: {  	v19 =	vld [tilespmem:s18+$0x0];
	_ =	sdelay $0x4  }
0x76: {  	(v2sf) =	vpush v19, $0x0;
	_ =	sdelay $0xa  }
0x77: {  	s24 =	sand.u32 $0x7, s16  }
0x78: {  	s25 =	sshra.s32 s16, $0x1F;
	p4 =	slt.s32 s16, $0x1;
	p5 =	sne.s32 s24, $0x0  }
0x79: {  	s26 =	sshrl.u32 s25, $0x1D;
	p0 =	por !p4, !p5  }
0x7a: {  	s19 =	simm.s32 $0x1;
	s28 =	sadd.s32 s26, s16;
	p0 =	por !p0, !p0  }
0x7b: {  	s17 =	sshra.s32 s28, $0x3;
	s19 =	simm.s32 @!p0 $0x0;
	s20 =	spop (v2sf)  }
0x7c: {  	s16 =	sadd.s32 $0x1, s18;
	s18 =	ssub.s32 s17, s19;
	p1 =	slt.s32 s20, s4  }
0x7d: {  	s29 =	sshll.u32 s18, $0x3;
	s15 =	smov.u32 @p1 s16  }
0x7e: {  	s15 =	ssub.s32 s15, s29  }
0x7f: {  	s15 =	sadd.s32 $0x3F, s15  }
0x80: {  	s30 =	sand.u32 $0x3F, s15  }
0x81: {  	s31 =	sshra.s32 s15, $0x1F;
	p2 =	slt.s32 s15, $0x1;
	p6 =	sne.s32 s30, $0x0  }
0x82: {  	s16 =	sshrl.u32 s31, $0x1A;
	p1 =	por !p2, !p6  }
0x83: {  	s15 =	sadd.s32 s16, s15;
	s16 =	simm.s32 $0x1;
	p1 =	por !p1, !p1  }
0x84: {  	s15 =	sshra.s32 s15, $0x6;
	s16 =	simm.s32 @!p1 $0x0  }
0x85: {  	s15 =	ssub.s32 s15, s16  }
0x86: {  	p1 =	slt.s32 s15, $0x1  }
.Ltmp5:
0x87: {  	_ = 	snop;
	(pc) =	sbr.rel @p1 .LBB2_12-.Ltmp5, $1  }
0x88: {  	_ =	sdelay $0x3  }
0x89: {  	s16 =	sshll.u32 s18, $0x7;
	s19 =	simm.s32 $0xFFFFFFFF  }
0x8a: {  	s17 =	sshll.u32 s17, $0x5;
	s16 =	sand.u32 $0x1FFFFF80, s16;
	s19 =	simm.s32 @!p0 $0x0  }
0x8b: {  	s20 =	sadd.s32 s5, s16;
	s16 =	simm.s32 $0x0;
	s19 =	sshll.u32 s19, $0x5  }
0x8c: {  	[tilespmem:s10], [sflag:$0x2] =	stream.linear.gather [hbm4b:s20+s16], $0x2000, $0x38;
	[tilespmem:$0x7900] =	vst v63  }
0x8d: {  	s19 =	sadd.s32 s19, s17  }
0x8e: {  	s17 =	sshll.u32 s18, $0xA;
	s18 =	sshra.s32 s19, $0x2;
	s19 =	simm.s32 $0x0  }
.LBB2_10:
0x8f: {  	s19 =	sadd.s32 $0x1, s19  }
0x90: {  	p0 =	sge.s32 s19, s15  }
0x91: {  	s20 =	sshll.u32 @!p0 s19, $0xD  }
0x92: {  	s21 =	sadd.s32 @!p0 s17, s20  }
0x93: {  	s20 =	sand.u32 @!p0 $0x2000, s20;
	s21 =	sshrl.u32 @!p0 s21, $0x3  }
0x94: {  	s22 =	simm.s32 @!p0 $0x0;
	s20 =	sadd.s32 @!p0 $0x2900, s20;
	s21 =	sadd.s32 @!p0 s5, s21  }
0x95: {  	v19 =	vmov s18;
	[tilespmem:s20], [sflag:$0x2] =	stream.linear.gather @!p0 [hbm4b:s21+s22], $0x2000, $0x38;
	[tilespmem:$0x7900] =	vst v63  }
0x96: {  	_ =	swait.ge [sflag:s11], $0x2000  }
0x97: {  	s31 =	sand.u32 $0x2000, s16;
	[sflag:s11] =	ssyncset.done $0x0  }
0x98: {  	s20 =	sadd.s32 $0x2D00, s31;
	s21 =	simm.s32 $0x0;
	[sflag:s11] =	ssyncadd.s32 $0xFFFFE000  }
.LBB2_11:
0x99: {  	s22 =	sshra.s32 s21, $0x2;
	v21 =	vld [tilespmem:s20+$0xFFFFFC00]  }
0x9a: {  	v20 =	vld.idx.msk [tilespmem:v19+s22+$0x0 ss:$0x1], $0xffff  }
0x9b: {  	v22 =	vld [tilespmem:s20+$0xFFFFFC10]  }
0x9c: {  	v23 =	vld [tilespmem:s20+$0xFFFFFC20]  }
0x9d: {  	v24 =	vld [tilespmem:s20+$0xFFFFFC30]  }
0x9e: {  	v25 =	vld [tilespmem:s20+$0xFFFFFC40]  }
0x9f: {  	v26 =	vld [tilespmem:s20+$0xFFFFFC50];
	v27 =	vbroadcast v20, $0x0  }
0xa0: {  	v28 =	vld [tilespmem:s20+$0xFFFFFC60]  }
0xa1: {  	v29 =	vld [tilespmem:s20+$0xFFFFFC70];
	v30 =	vsub.s32 v27, v0  }
0xa2: {  	v31 =	vld [tilespmem:s20+$0xFFFFFC80];
	vm0 =	vge.s32 v27, v0;
	v32 =	vshll.u32 v27, $0x7;
	v30 =	vshll.u32 v30, $0x8  }
0xa3: {  	v33 =	vld [tilespmem:s20+$0xFFFFFC90];
	vm1 =	vlt.s32 v27, v1;
	v56 =	vand.u32 $0x380, v32;
	v55 =	vand.u32 $0xFFFFF800, v30  }
0xa4: {  	v35 =	vld [tilespmem:s20+$0xFFFFFCC0];
	vm0 =	vmand vm0, vm1;
	v27 =	vor.u32 v56, v55  }
0xa5: {  	v37 =	vld [tilespmem:s20+$0xFFFFFCD0];
	v34 =	vor.u32 v3, v27  }
0xa6: {  	v39 =	vld [tilespmem:s20+$0xFFFFFCE0];
	v36 =	vor.u32 v4, v27  }
0xa7: {  	v42 =	vld [tilespmem:s20+$0xFFFFFCF0];
	v38 =	vor.u32 v5, v27  }
0xa8: {  	v32 =	vld [tilespmem:s20+$0xFFFFFCA0];
	v40 =	vor.u32 v6, v27  }
0xa9: {  	v41 =	vshll.u32 v21, $0x10;
	v30 =	vld [tilespmem:s20+$0xFFFFFCB0];
	v43 =	vor.u32 v7, v27  }
0xaa: {  	v21 =	vand.u32 $0xFFFF0000, v21;
	v57 =	vor.u32 v8, v27;
	[tilespmem:v34+s12+$0x0] =	vst.idx.add.f32.msk vm0, v41  }
0xab: {  	v58 =	vshll.u32 v22, $0x10;
	v59 =	vor.u32 v9, v27;
	[tilespmem:v36+s12+$0x0] =	vst.idx.add.f32.msk vm0, v21  }
0xac: {  	v22 =	vand.u32 $0xFFFF0000, v22;
	v60 =	vor.u32 v10, v27;
	[tilespmem:v38+s12+$0x0] =	vst.idx.add.f32.msk vm0, v58  }
0xad: {  	v61 =	vshll.u32 v23, $0x10;
	v62 =	vor.u32 v11, v27;
	[tilespmem:v40+s12+$0x0] =	vst.idx.add.f32.msk vm0, v22  }
0xae: {  	v23 =	vand.u32 $0xFFFF0000, v23;
	v63 =	vor.u32 v12, v27;
	[tilespmem:v43+s12+$0x0] =	vst.idx.add.f32.msk vm0, v61  }
0xaf: {  	v44 =	vshll.u32 v24, $0x10;
	v45 =	vor.u32 v13, v27;
	[tilespmem:v57+s12+$0x0] =	vst.idx.add.f32.msk vm0, v23  }
0xb0: {  	v24 =	vand.u32 $0xFFFF0000, v24;
	v46 =	vor.u32 v14, v27;
	[tilespmem:v59+s12+$0x0] =	vst.idx.add.f32.msk vm0, v44  }
0xb1: {  	v47 =	vshll.u32 v25, $0x10;
	v48 =	vor.u32 v15, v27;
	[tilespmem:v60+s12+$0x0] =	vst.idx.add.f32.msk vm0, v24  }
0xb2: {  	v25 =	vand.u32 $0xFFFF0000, v25;
	v49 =	vor.u32 v16, v27;
	[tilespmem:v62+s12+$0x0] =	vst.idx.add.f32.msk vm0, v47  }
0xb3: {  	v50 =	vshll.u32 v26, $0x10;
	v51 =	vor.u32 v17, v27;
	[tilespmem:v63+s12+$0x0] =	vst.idx.add.f32.msk vm0, v25  }
0xb4: {  	v26 =	vand.u32 $0xFFFF0000, v26;
	v52 =	vor.u32 v18, v27;
	[tilespmem:v45+s12+$0x0] =	vst.idx.add.f32.msk vm0, v50  }
0xb5: {  	v53 =	vshll.u32 v28, $0x10;
	[tilespmem:v46+s12+$0x0] =	vst.idx.add.f32.msk vm0, v26  }
0xb6: {  	v54 =	vand.u32 $0xFFFF0000, v28;
	[tilespmem:v48+s12+$0x0] =	vst.idx.add.f32.msk vm0, v53  }
0xb7: {  	v55 =	vshll.u32 v29, $0x10;
	v56 =	vbroadcast v20, $0x1;
	[tilespmem:v49+s12+$0x0] =	vst.idx.add.f32.msk vm0, v54  }
0xb8: {  	v57 =	vand.u32 $0xFFFF0000, v29;
	[tilespmem:v51+s12+$0x0] =	vst.idx.add.f32.msk vm0, v55  }
0xb9: {  	v58 =	vsub.s32 v56, v0;
	[tilespmem:v52+s12+$0x0] =	vst.idx.add.f32.msk vm0, v57  }
0xba: {  	vm11 =	vge.s32 v56, v0;
	v22 =	vshll.u32 v58, $0x8;
	v59 =	vshll.u32 v56, $0x7;
	v23 =	vld [tilespmem:s20+$0xFFFFFD00]  }
0xbb: {  	vm12 =	vlt.s32 v56, v1;
	v60 =	vand.u32 $0xFFFFF800, v22;
	v61 =	vand.u32 $0x380, v59;
	v25 =	vld [tilespmem:s20+$0xFFFFFD10]  }
0xbc: {  	v21 =	vor.u32 v61, v60;
	vm0 =	vmand vm11, vm12;
	v24 =	vld [tilespmem:s20+$0xFFFFFD20]  }
0xbd: {  	v62 =	vor.u32 v3, v21;
	v22 =	vld [tilespmem:s20+$0xFFFFFD30]  }
0xbe: {  	v63 =	vor.u32 v4, v21;
	v27 =	vld [tilespmem:s20+$0xFFFFFD40]  }
0xbf: {  	v45 =	vor.u32 v5, v21;
	v29 =	vld [tilespmem:s20+$0xFFFFFD50]  }
0xc0: {  	v46 =	vor.u32 v6, v21;
	v36 =	vld [tilespmem:s20+$0xFFFFFD60]  }
0xc1: {  	v47 =	vshll.u32 v31, $0x10;
	v48 =	vor.u32 v7, v21;
	v41 =	vld [tilespmem:s20+$0xFFFFFD70]  }
0xc2: {  	v31 =	vand.u32 $0xFFFF0000, v31;
	v49 =	vor.u32 v8, v21;
	[tilespmem:v62+s12+$0x0] =	vst.idx.add.f32.msk vm0, v47  }
0xc3: {  	v50 =	vshll.u32 v33, $0x10;
	v51 =	vor.u32 v9, v21;
	[tilespmem:v63+s12+$0x0] =	vst.idx.add.f32.msk vm0, v31  }
0xc4: {  	v53 =	vor.u32 v10, v21;
	v52 =	vand.u32 $0xFFFF0000, v33;
	[tilespmem:v45+s12+$0x0] =	vst.idx.add.f32.msk vm0, v50  }
0xc5: {  	v54 =	vshll.u32 v32, $0x10;
	v55 =	vor.u32 v11, v21;
	[tilespmem:v46+s12+$0x0] =	vst.idx.add.f32.msk vm0, v52  }
0xc6: {  	v56 =	vor.u32 v12, v21;
	v32 =	vand.u32 $0xFFFF0000, v32;
	[tilespmem:v48+s12+$0x0] =	vst.idx.add.f32.msk vm0, v54  }
0xc7: {  	v58 =	vor.u32 v13, v21;
	v57 =	vshll.u32 v30, $0x10;
	[tilespmem:v49+s12+$0x0] =	vst.idx.add.f32.msk vm0, v32  }
0xc8: {  	v59 =	vor.u32 v14, v21;
	v30 =	vand.u32 $0xFFFF0000, v30;
	[tilespmem:v51+s12+$0x0] =	vst.idx.add.f32.msk vm0, v57  }
0xc9: {  	v60 =	vshll.u32 v35, $0x10;
	v61 =	vor.u32 v15, v21;
	[tilespmem:v53+s12+$0x0] =	vst.idx.add.f32.msk vm0, v30  }
0xca: {  	v62 =	vand.u32 $0xFFFF0000, v35;
	v63 =	vor.u32 v16, v21;
	[tilespmem:v55+s12+$0x0] =	vst.idx.add.f32.msk vm0, v60  }
0xcb: {  	v38 =	vshll.u32 v37, $0x10;
	v40 =	vor.u32 v17, v21;
	[tilespmem:v56+s12+$0x0] =	vst.idx.add.f32.msk vm0, v62  }
0xcc: {  	v43 =	vand.u32 $0xFFFF0000, v37;
	v21 =	vor.u32 v18, v21;
	[tilespmem:v58+s12+$0x0] =	vst.idx.add.f32.msk vm0, v38  }
0xcd: {  	v44 =	vshll.u32 v39, $0x10;
	[tilespmem:v59+s12+$0x0] =	vst.idx.add.f32.msk vm0, v43  }
0xce: {  	v45 =	vand.u32 $0xFFFF0000, v39;
	[tilespmem:v61+s12+$0x0] =	vst.idx.add.f32.msk vm0, v44  }
0xcf: {  	v47 =	vbroadcast v20, $0x2;
	v46 =	vshll.u32 v42, $0x10;
	[tilespmem:v63+s12+$0x0] =	vst.idx.add.f32.msk vm0, v45  }
0xd0: {  	v48 =	vand.u32 $0xFFFF0000, v42;
	[tilespmem:v40+s12+$0x0] =	vst.idx.add.f32.msk vm0, v46  }
0xd1: {  	v49 =	vsub.s32 v47, v0;
	[tilespmem:v21+s12+$0x0] =	vst.idx.add.f32.msk vm0, v48  }
0xd2: {  	vm13 =	vge.s32 v47, v0;
	v50 =	vshll.u32 v47, $0x7;
	v21 =	vshll.u32 v49, $0x8;
	v26 =	vld [tilespmem:s20+$0xFFFFFD80]  }
0xd3: {  	vm14 =	vlt.s32 v47, v1;
	v51 =	vand.u32 $0x380, v50;
	v31 =	vld [tilespmem:s20+$0xFFFFFD90];
	v21 =	vand.u32 $0xFFFFF800, v21  }
0xd4: {  	vm0 =	vmand vm13, vm14;
	v30 =	vld [tilespmem:s20+$0xFFFFFDA0];
	v21 =	vor.u32 v51, v21  }
0xd5: {  	v28 =	vld [tilespmem:s20+$0xFFFFFDB0];
	v52 =	vor.u32 v3, v21  }
0xd6: {  	v33 =	vld [tilespmem:s20+$0xFFFFFDC0];
	v53 =	vor.u32 v4, v21  }
0xd7: {  	v35 =	vld [tilespmem:s20+$0xFFFFFDD0];
	v54 =	vor.u32 v5, v21  }
0xd8: {  	v38 =	vld [tilespmem:s20+$0xFFFFFDE0];
	v55 =	vor.u32 v6, v21  }
0xd9: {  	v56 =	vshll.u32 v23, $0x10;
	v42 =	vld [tilespmem:s20+$0xFFFFFDF0];
	v57 =	vor.u32 v7, v21  }
0xda: {  	v23 =	vand.u32 $0xFFFF0000, v23;
	v58 =	vor.u32 v8, v21;
	[tilespmem:v52+s12+$0x0] =	vst.idx.add.f32.msk vm0, v56  }
0xdb: {  	v59 =	vshll.u32 v25, $0x10;
	v60 =	vor.u32 v9, v21;
	[tilespmem:v53+s12+$0x0] =	vst.idx.add.f32.msk vm0, v23  }
0xdc: {  	v25 =	vand.u32 $0xFFFF0000, v25;
	v61 =	vor.u32 v10, v21;
	[tilespmem:v54+s12+$0x0] =	vst.idx.add.f32.msk vm0, v59  }
0xdd: {  	v62 =	vshll.u32 v24, $0x10;
	v63 =	vor.u32 v11, v21;
	[tilespmem:v55+s12+$0x0] =	vst.idx.add.f32.msk vm0, v25  }
0xde: {  	v24 =	vand.u32 $0xFFFF0000, v24;
	v43 =	vor.u32 v12, v21;
	[tilespmem:v57+s12+$0x0] =	vst.idx.add.f32.msk vm0, v62  }
0xdf: {  	v44 =	vshll.u32 v22, $0x10;
	v45 =	vor.u32 v13, v21;
	[tilespmem:v58+s12+$0x0] =	vst.idx.add.f32.msk vm0, v24  }
0xe0: {  	v22 =	vand.u32 $0xFFFF0000, v22;
	v46 =	vor.u32 v14, v21;
	[tilespmem:v60+s12+$0x0] =	vst.idx.add.f32.msk vm0, v44  }
0xe1: {  	v47 =	vshll.u32 v27, $0x10;
	v48 =	vor.u32 v15, v21;
	[tilespmem:v61+s12+$0x0] =	vst.idx.add.f32.msk vm0, v22  }
0xe2: {  	v27 =	vand.u32 $0xFFFF0000, v27;
	v49 =	vor.u32 v16, v21;
	[tilespmem:v63+s12+$0x0] =	vst.idx.add.f32.msk vm0, v47  }
0xe3: {  	v50 =	vshll.u32 v29, $0x10;
	v51 =	vor.u32 v17, v21;
	[tilespmem:v43+s12+$0x0] =	vst.idx.add.f32.msk vm0, v27  }
0xe4: {  	v29 =	vand.u32 $0xFFFF0000, v29;
	v21 =	vor.u32 v18, v21;
	[tilespmem:v45+s12+$0x0] =	vst.idx.add.f32.msk vm0, v50  }
0xe5: {  	v52 =	vshll.u32 v36, $0x10;
	[tilespmem:v46+s12+$0x0] =	vst.idx.add.f32.msk vm0, v29  }
0xe6: {  	v53 =	vand.u32 $0xFFFF0000, v36;
	[tilespmem:v48+s12+$0x0] =	vst.idx.add.f32.msk vm0, v52  }
0xe7: {  	v54 =	vshll.u32 v41, $0x10;
	v55 =	vbroadcast v20, $0x3;
	[tilespmem:v49+s12+$0x0] =	vst.idx.add.f32.msk vm0, v53  }
0xe8: {  	v56 =	vand.u32 $0xFFFF0000, v41;
	[tilespmem:v51+s12+$0x0] =	vst.idx.add.f32.msk vm0, v54  }
0xe9: {  	v57 =	vsub.s32 v55, v0;
	[tilespmem:v21+s12+$0x0] =	vst.idx.add.f32.msk vm0, v56  }
0xea: {  	vm15 =	vge.s32 v55, v0;
	v58 =	vshll.u32 v55, $0x7;
	v21 =	vshll.u32 v57, $0x8;
	v22 =	vld [tilespmem:s20+$0xFFFFFE00]  }
0xeb: {  	vm4 =	vlt.s32 v55, v1;
	v59 =	vand.u32 $0x380, v58;
	v25 =	vld [tilespmem:s20+$0xFFFFFE10];
	v21 =	vand.u32 $0xFFFFF800, v21  }
0xec: {  	vm0 =	vmand vm15, vm4;
	v24 =	vld [tilespmem:s20+$0xFFFFFE20];
	v21 =	vor.u32 v59, v21  }
0xed: {  	v23 =	vld [tilespmem:s20+$0xFFFFFE30];
	v60 =	vor.u32 v3, v21  }
0xee: {  	v29 =	vld [tilespmem:s20+$0xFFFFFE40];
	v61 =	vor.u32 v4, v21  }
0xef: {  	v34 =	vld [tilespmem:s20+$0xFFFFFE50];
	v62 =	vor.u32 v5, v21  }
0xf0: {  	v37 =	vld [tilespmem:s20+$0xFFFFFE60];
	v63 =	vor.u32 v6, v21  }
0xf1: {  	v45 =	vshll.u32 v26, $0x10;
	v41 =	vld [tilespmem:s20+$0xFFFFFE70];
	v46 =	vor.u32 v7, v21  }
0xf2: {  	v26 =	vand.u32 $0xFFFF0000, v26;
	v47 =	vor.u32 v8, v21;
	[tilespmem:v60+s12+$0x0] =	vst.idx.add.f32.msk vm0, v45  }
0xf3: {  	v48 =	vshll.u32 v31, $0x10;
	v49 =	vor.u32 v9, v21;
	[tilespmem:v61+s12+$0x0] =	vst.idx.add.f32.msk vm0, v26  }
0xf4: {  	v31 =	vand.u32 $0xFFFF0000, v31;
	v50 =	vor.u32 v10, v21;
	[tilespmem:v62+s12+$0x0] =	vst.idx.add.f32.msk vm0, v48  }
0xf5: {  	v51 =	vshll.u32 v30, $0x10;
	v52 =	vor.u32 v11, v21;
	[tilespmem:v63+s12+$0x0] =	vst.idx.add.f32.msk vm0, v31  }
0xf6: {  	v30 =	vand.u32 $0xFFFF0000, v30;
	v53 =	vor.u32 v12, v21;
	[tilespmem:v46+s12+$0x0] =	vst.idx.add.f32.msk vm0, v51  }
0xf7: {  	v54 =	vshll.u32 v28, $0x10;
	v55 =	vor.u32 v13, v21;
	[tilespmem:v47+s12+$0x0] =	vst.idx.add.f32.msk vm0, v30  }
0xf8: {  	v28 =	vand.u32 $0xFFFF0000, v28;
	v56 =	vor.u32 v14, v21;
	[tilespmem:v49+s12+$0x0] =	vst.idx.add.f32.msk vm0, v54  }
0xf9: {  	v57 =	vshll.u32 v33, $0x10;
	v58 =	vor.u32 v15, v21;
	[tilespmem:v50+s12+$0x0] =	vst.idx.add.f32.msk vm0, v28  }
0xfa: {  	v59 =	vand.u32 $0xFFFF0000, v33;
	v60 =	vor.u32 v16, v21;
	[tilespmem:v52+s12+$0x0] =	vst.idx.add.f32.msk vm0, v57  }
0xfb: {  	v61 =	vshll.u32 v35, $0x10;
	v62 =	vor.u32 v17, v21;
	[tilespmem:v53+s12+$0x0] =	vst.idx.add.f32.msk vm0, v59  }
0xfc: {  	v21 =	vor.u32 v18, v21;
	v63 =	vand.u32 $0xFFFF0000, v35;
	[tilespmem:v55+s12+$0x0] =	vst.idx.add.f32.msk vm0, v61  }
0xfd: {  	v35 =	vshll.u32 v38, $0x10;
	[tilespmem:v56+s12+$0x0] =	vst.idx.add.f32.msk vm0, v63  }
0xfe: {  	v36 =	vand.u32 $0xFFFF0000, v38;
	[tilespmem:v58+s12+$0x0] =	vst.idx.add.f32.msk vm0, v35  }
0xff: {  	v39 =	vbroadcast v20, $0x4;
	v38 =	vshll.u32 v42, $0x10;
	[tilespmem:v60+s12+$0x0] =	vst.idx.add.f32.msk vm0, v36  }
0x100: {  	v40 =	vand.u32 $0xFFFF0000, v42;
	[tilespmem:v62+s12+$0x0] =	vst.idx.add.f32.msk vm0, v38  }
0x101: {  	v42 =	vsub.s32 v39, v0;
	[tilespmem:v21+s12+$0x0] =	vst.idx.add.f32.msk vm0, v40  }
0x102: {  	vm5 =	vge.s32 v39, v0;
	v43 =	vshll.u32 v39, $0x7;
	v21 =	vshll.u32 v42, $0x8;
	v27 =	vld [tilespmem:s20+$0xFFFFFE80]  }
0x103: {  	vm6 =	vlt.s32 v39, v1;
	v44 =	vand.u32 $0x380, v43;
	v30 =	vld [tilespmem:s20+$0xFFFFFE90];
	v21 =	vand.u32 $0xFFFFF800, v21  }
0x104: {  	vm0 =	vmand vm5, vm6;
	v28 =	vld [tilespmem:s20+$0xFFFFFEA0];
	v21 =	vor.u32 v44, v21  }
0x105: {  	v26 =	vld [tilespmem:s20+$0xFFFFFEB0];
	v45 =	vor.u32 v3, v21  }
0x106: {  	v32 =	vld [tilespmem:s20+$0xFFFFFEC0];
	v46 =	vor.u32 v4, v21  }
0x107: {  	v35 =	vld [tilespmem:s20+$0xFFFFFED0];
	v47 =	vor.u32 v5, v21  }
0x108: {  	v38 =	vld [tilespmem:s20+$0xFFFFFEE0];
	v48 =	vor.u32 v6, v21  }
0x109: {  	v49 =	vshll.u32 v22, $0x10;
	v42 =	vld [tilespmem:s20+$0xFFFFFEF0];
	v50 =	vor.u32 v7, v21  }
0x10a: {  	v22 =	vand.u32 $0xFFFF0000, v22;
	v51 =	vor.u32 v8, v21;
	[tilespmem:v45+s12+$0x0] =	vst.idx.add.f32.msk vm0, v49  }
0x10b: {  	v52 =	vshll.u32 v25, $0x10;
	v53 =	vor.u32 v9, v21;
	[tilespmem:v46+s12+$0x0] =	vst.idx.add.f32.msk vm0, v22  }
0x10c: {  	v25 =	vand.u32 $0xFFFF0000, v25;
	v54 =	vor.u32 v10, v21;
	[tilespmem:v47+s12+$0x0] =	vst.idx.add.f32.msk vm0, v52  }
0x10d: {  	v55 =	vshll.u32 v24, $0x10;
	v56 =	vor.u32 v11, v21;
	[tilespmem:v48+s12+$0x0] =	vst.idx.add.f32.msk vm0, v25  }
0x10e: {  	v24 =	vand.u32 $0xFFFF0000, v24;
	v57 =	vor.u32 v12, v21;
	[tilespmem:v50+s12+$0x0] =	vst.idx.add.f32.msk vm0, v55  }
0x10f: {  	v58 =	vshll.u32 v23, $0x10;
	v59 =	vor.u32 v13, v21;
	[tilespmem:v51+s12+$0x0] =	vst.idx.add.f32.msk vm0, v24  }
0x110: {  	v23 =	vand.u32 $0xFFFF0000, v23;
	v60 =	vor.u32 v14, v21;
	[tilespmem:v53+s12+$0x0] =	vst.idx.add.f32.msk vm0, v58  }
0x111: {  	v61 =	vshll.u32 v29, $0x10;
	v62 =	vor.u32 v15, v21;
	[tilespmem:v54+s12+$0x0] =	vst.idx.add.f32.msk vm0, v23  }
0x112: {  	v29 =	vand.u32 $0xFFFF0000, v29;
	v63 =	vor.u32 v16, v21;
	[tilespmem:v56+s12+$0x0] =	vst.idx.add.f32.msk vm0, v61  }
0x113: {  	v39 =	vshll.u32 v34, $0x10;
	v40 =	vor.u32 v17, v21;
	[tilespmem:v57+s12+$0x0] =	vst.idx.add.f32.msk vm0, v29  }
0x114: {  	v43 =	vand.u32 $0xFFFF0000, v34;
	v21 =	vor.u32 v18, v21;
	[tilespmem:v59+s12+$0x0] =	vst.idx.add.f32.msk vm0, v39  }
0x115: {  	v44 =	vshll.u32 v37, $0x10;
	[tilespmem:v60+s12+$0x0] =	vst.idx.add.f32.msk vm0, v43  }
0x116: {  	v45 =	vand.u32 $0xFFFF0000, v37;
	[tilespmem:v62+s12+$0x0] =	vst.idx.add.f32.msk vm0, v44  }
0x117: {  	v46 =	vshll.u32 v41, $0x10;
	v47 =	vbroadcast v20, $0x5;
	[tilespmem:v63+s12+$0x0] =	vst.idx.add.f32.msk vm0, v45  }
0x118: {  	v48 =	vand.u32 $0xFFFF0000, v41;
	[tilespmem:v40+s12+$0x0] =	vst.idx.add.f32.msk vm0, v46  }
0x119: {  	v49 =	vsub.s32 v47, v0;
	[tilespmem:v21+s12+$0x0] =	vst.idx.add.f32.msk vm0, v48  }
0x11a: {  	vm7 =	vge.s32 v47, v0;
	v50 =	vshll.u32 v47, $0x7;
	v21 =	vshll.u32 v49, $0x8;
	v23 =	vld [tilespmem:s20+$0xFFFFFF00]  }
0x11b: {  	vm8 =	vlt.s32 v47, v1;
	v51 =	vand.u32 $0x380, v50;
	v25 =	vld [tilespmem:s20+$0xFFFFFF10];
	v21 =	vand.u32 $0xFFFFF800, v21  }
0x11c: {  	vm0 =	vmand vm7, vm8;
	v24 =	vld [tilespmem:s20+$0xFFFFFF20];
	v21 =	vor.u32 v51, v21  }
0x11d: {  	v22 =	vld [tilespmem:s20+$0xFFFFFF30];
	v52 =	vor.u32 v3, v21  }
0x11e: {  	v31 =	vld [tilespmem:s20+$0xFFFFFF40];
	v53 =	vor.u32 v4, v21  }
0x11f: {  	v34 =	vld [tilespmem:s20+$0xFFFFFF50];
	v54 =	vor.u32 v5, v21  }
0x120: {  	v37 =	vld [tilespmem:s20+$0xFFFFFF60];
	v55 =	vor.u32 v6, v21  }
0x121: {  	v56 =	vshll.u32 v27, $0x10;
	v41 =	vld [tilespmem:s20+$0xFFFFFF70];
	v57 =	vor.u32 v7, v21  }
0x122: {  	v27 =	vand.u32 $0xFFFF0000, v27;
	v58 =	vor.u32 v8, v21;
	[tilespmem:v52+s12+$0x0] =	vst.idx.add.f32.msk vm0, v56  }
0x123: {  	v59 =	vshll.u32 v30, $0x10;
	v60 =	vor.u32 v9, v21;
	[tilespmem:v53+s12+$0x0] =	vst.idx.add.f32.msk vm0, v27  }
0x124: {  	v30 =	vand.u32 $0xFFFF0000, v30;
	v61 =	vor.u32 v10, v21;
	[tilespmem:v54+s12+$0x0] =	vst.idx.add.f32.msk vm0, v59  }
0x125: {  	v62 =	vshll.u32 v28, $0x10;
	v63 =	vor.u32 v11, v21;
	[tilespmem:v55+s12+$0x0] =	vst.idx.add.f32.msk vm0, v30  }
0x126: {  	v28 =	vand.u32 $0xFFFF0000, v28;
	v43 =	vor.u32 v12, v21;
	[tilespmem:v57+s12+$0x0] =	vst.idx.add.f32.msk vm0, v62  }
0x127: {  	v44 =	vshll.u32 v26, $0x10;
	v45 =	vor.u32 v13, v21;
	[tilespmem:v58+s12+$0x0] =	vst.idx.add.f32.msk vm0, v28  }
0x128: {  	v26 =	vand.u32 $0xFFFF0000, v26;
	v46 =	vor.u32 v14, v21;
	[tilespmem:v60+s12+$0x0] =	vst.idx.add.f32.msk vm0, v44  }
0x129: {  	v47 =	vshll.u32 v32, $0x10;
	v48 =	vor.u32 v15, v21;
	[tilespmem:v61+s12+$0x0] =	vst.idx.add.f32.msk vm0, v26  }
0x12a: {  	v32 =	vand.u32 $0xFFFF0000, v32;
	v49 =	vor.u32 v16, v21;
	[tilespmem:v63+s12+$0x0] =	vst.idx.add.f32.msk vm0, v47  }
0x12b: {  	v50 =	vshll.u32 v35, $0x10;
	v51 =	vor.u32 v17, v21;
	[tilespmem:v43+s12+$0x0] =	vst.idx.add.f32.msk vm0, v32  }
0x12c: {  	v21 =	vor.u32 v18, v21;
	v52 =	vand.u32 $0xFFFF0000, v35;
	[tilespmem:v45+s12+$0x0] =	vst.idx.add.f32.msk vm0, v50  }
0x12d: {  	v53 =	vshll.u32 v38, $0x10;
	[tilespmem:v46+s12+$0x0] =	vst.idx.add.f32.msk vm0, v52  }
0x12e: {  	v54 =	vand.u32 $0xFFFF0000, v38;
	[tilespmem:v48+s12+$0x0] =	vst.idx.add.f32.msk vm0, v53  }
0x12f: {  	v56 =	vbroadcast v20, $0x6;
	v55 =	vshll.u32 v42, $0x10;
	[tilespmem:v49+s12+$0x0] =	vst.idx.add.f32.msk vm0, v54  }
0x130: {  	v57 =	vand.u32 $0xFFFF0000, v42;
	[tilespmem:v51+s12+$0x0] =	vst.idx.add.f32.msk vm0, v55  }
0x131: {  	v58 =	vsub.s32 v56, v0;
	[tilespmem:v21+s12+$0x0] =	vst.idx.add.f32.msk vm0, v57  }
0x132: {  	vm9 =	vge.s32 v56, v0;
	v59 =	vshll.u32 v56, $0x7;
	v21 =	vshll.u32 v58, $0x8;
	v26 =	vld [tilespmem:s20+$0xFFFFFF80]  }
0x133: {  	vm10 =	vlt.s32 v56, v1;
	v60 =	vand.u32 $0x380, v59;
	v29 =	vld [tilespmem:s20+$0xFFFFFF90];
	v21 =	vand.u32 $0xFFFFF800, v21  }
0x134: {  	vm0 =	vmand vm9, vm10;
	v28 =	vld [tilespmem:s20+$0xFFFFFFA0];
	v21 =	vor.u32 v60, v21  }
0x135: {  	v27 =	vld [tilespmem:s20+$0xFFFFFFB0];
	v61 =	vor.u32 v3, v21  }
0x136: {  	v32 =	vld [tilespmem:s20+$0xFFFFFFC0];
	v62 =	vor.u32 v4, v21  }
0x137: {  	v35 =	vld [tilespmem:s20+$0xFFFFFFD0];
	v63 =	vor.u32 v5, v21  }
0x138: {  	v38 =	vld [tilespmem:s20+$0xFFFFFFE0];
	v45 =	vor.u32 v6, v21  }
0x139: {  	v46 =	vshll.u32 v23, $0x10;
	v42 =	vld [tilespmem:s20+$0xFFFFFFF0];
	v47 =	vor.u32 v7, v21  }
0x13a: {  	v23 =	vand.u32 $0xFFFF0000, v23;
	v48 =	vor.u32 v8, v21;
	[tilespmem:v61+s12+$0x0] =	vst.idx.add.f32.msk vm0, v46  }
0x13b: {  	v49 =	vshll.u32 v25, $0x10;
	v50 =	vor.u32 v9, v21;
	[tilespmem:v62+s12+$0x0] =	vst.idx.add.f32.msk vm0, v23  }
0x13c: {  	v25 =	vand.u32 $0xFFFF0000, v25;
	v51 =	vor.u32 v10, v21;
	[tilespmem:v63+s12+$0x0] =	vst.idx.add.f32.msk vm0, v49  }
0x13d: {  	v52 =	vshll.u32 v24, $0x10;
	v53 =	vor.u32 v11, v21;
	[tilespmem:v45+s12+$0x0] =	vst.idx.add.f32.msk vm0, v25  }
0x13e: {  	v24 =	vand.u32 $0xFFFF0000, v24;
	v54 =	vor.u32 v12, v21;
	[tilespmem:v47+s12+$0x0] =	vst.idx.add.f32.msk vm0, v52  }
0x13f: {  	v55 =	vshll.u32 v22, $0x10;
	v56 =	vor.u32 v13, v21;
	[tilespmem:v48+s12+$0x0] =	vst.idx.add.f32.msk vm0, v24  }
0x140: {  	v22 =	vand.u32 $0xFFFF0000, v22;
	v57 =	vor.u32 v14, v21;
	[tilespmem:v50+s12+$0x0] =	vst.idx.add.f32.msk vm0, v55  }
0x141: {  	v58 =	vshll.u32 v31, $0x10;
	v59 =	vor.u32 v15, v21;
	[tilespmem:v51+s12+$0x0] =	vst.idx.add.f32.msk vm0, v22  }
0x142: {  	v31 =	vand.u32 $0xFFFF0000, v31;
	v60 =	vor.u32 v16, v21;
	[tilespmem:v53+s12+$0x0] =	vst.idx.add.f32.msk vm0, v58  }
0x143: {  	v61 =	vshll.u32 v34, $0x10;
	v62 =	vor.u32 v17, v21;
	[tilespmem:v54+s12+$0x0] =	vst.idx.add.f32.msk vm0, v31  }
0x144: {  	v21 =	vor.u32 v18, v21;
	v63 =	vand.u32 $0xFFFF0000, v34;
	[tilespmem:v56+s12+$0x0] =	vst.idx.add.f32.msk vm0, v61  }
0x145: {  	v34 =	vshll.u32 v37, $0x10;
	[tilespmem:v57+s12+$0x0] =	vst.idx.add.f32.msk vm0, v63  }
0x146: {  	v36 =	vand.u32 $0xFFFF0000, v37;
	[tilespmem:v59+s12+$0x0] =	vst.idx.add.f32.msk vm0, v34  }
0x147: {  	v39 =	vbroadcast v20, $0x7;
	v37 =	vshll.u32 v41, $0x10;
	[tilespmem:v60+s12+$0x0] =	vst.idx.add.f32.msk vm0, v36  }
0x148: {  	v40 =	vand.u32 $0xFFFF0000, v41;
	[tilespmem:v62+s12+$0x0] =	vst.idx.add.f32.msk vm0, v37  }
0x149: {  	v41 =	vsub.s32 v39, v0;
	[tilespmem:v21+s12+$0x0] =	vst.idx.add.f32.msk vm0, v40  }
0x14a: {  	vm11 =	vge.s32 v39, v0;
	v43 =	vshll.u32 v39, $0x7;
	v21 =	vshll.u32 v41, $0x8;
	v22 =	vld [tilespmem:s20+$0x0]  }
0x14b: {  	vm12 =	vlt.s32 v39, v1;
	v44 =	vand.u32 $0x380, v43;
	v25 =	vld [tilespmem:s20+$0x10];
	v21 =	vand.u32 $0xFFFFF800, v21  }
0x14c: {  	vm0 =	vmand vm11, vm12;
	v24 =	vld [tilespmem:s20+$0x20];
	v21 =	vor.u32 v44, v21  }
0x14d: {  	v23 =	vld [tilespmem:s20+$0x30];
	v45 =	vor.u32 v3, v21  }
0x14e: {  	v31 =	vld [tilespmem:s20+$0x40];
	v46 =	vor.u32 v4, v21  }
0x14f: {  	v34 =	vld [tilespmem:s20+$0x50];
	v47 =	vor.u32 v5, v21  }
0x150: {  	v37 =	vld [tilespmem:s20+$0x60];
	v48 =	vor.u32 v6, v21  }
0x151: {  	v49 =	vshll.u32 v26, $0x10;
	v41 =	vld [tilespmem:s20+$0x70];
	v50 =	vor.u32 v7, v21  }
0x152: {  	v26 =	vand.u32 $0xFFFF0000, v26;
	v51 =	vor.u32 v8, v21;
	[tilespmem:v45+s12+$0x0] =	vst.idx.add.f32.msk vm0, v49  }
0x153: {  	v52 =	vshll.u32 v29, $0x10;
	v53 =	vor.u32 v9, v21;
	[tilespmem:v46+s12+$0x0] =	vst.idx.add.f32.msk vm0, v26  }
0x154: {  	v29 =	vand.u32 $0xFFFF0000, v29;
	v54 =	vor.u32 v10, v21;
	[tilespmem:v47+s12+$0x0] =	vst.idx.add.f32.msk vm0, v52  }
0x155: {  	v55 =	vshll.u32 v28, $0x10;
	v56 =	vor.u32 v11, v21;
	[tilespmem:v48+s12+$0x0] =	vst.idx.add.f32.msk vm0, v29  }
0x156: {  	v28 =	vand.u32 $0xFFFF0000, v28;
	v57 =	vor.u32 v12, v21;
	[tilespmem:v50+s12+$0x0] =	vst.idx.add.f32.msk vm0, v55  }
0x157: {  	v58 =	vshll.u32 v27, $0x10;
	v59 =	vor.u32 v13, v21;
	[tilespmem:v51+s12+$0x0] =	vst.idx.add.f32.msk vm0, v28  }
0x158: {  	v27 =	vand.u32 $0xFFFF0000, v27;
	v60 =	vor.u32 v14, v21;
	[tilespmem:v53+s12+$0x0] =	vst.idx.add.f32.msk vm0, v58  }
0x159: {  	v61 =	vshll.u32 v32, $0x10;
	v62 =	vor.u32 v15, v21;
	[tilespmem:v54+s12+$0x0] =	vst.idx.add.f32.msk vm0, v27  }
0x15a: {  	v32 =	vand.u32 $0xFFFF0000, v32;
	v63 =	vor.u32 v16, v21;
	[tilespmem:v56+s12+$0x0] =	vst.idx.add.f32.msk vm0, v61  }
0x15b: {  	v39 =	vshll.u32 v35, $0x10;
	v40 =	vor.u32 v17, v21;
	[tilespmem:v57+s12+$0x0] =	vst.idx.add.f32.msk vm0, v32  }
0x15c: {  	v43 =	vand.u32 $0xFFFF0000, v35;
	v21 =	vor.u32 v18, v21;
	[tilespmem:v59+s12+$0x0] =	vst.idx.add.f32.msk vm0, v39  }
0x15d: {  	v44 =	vshll.u32 v38, $0x10;
	[tilespmem:v60+s12+$0x0] =	vst.idx.add.f32.msk vm0, v43  }
0x15e: {  	v45 =	vand.u32 $0xFFFF0000, v38;
	[tilespmem:v62+s12+$0x0] =	vst.idx.add.f32.msk vm0, v44  }
0x15f: {  	v46 =	vshll.u32 v42, $0x10;
	v47 =	vbroadcast v20, $0x8;
	[tilespmem:v63+s12+$0x0] =	vst.idx.add.f32.msk vm0, v45  }
0x160: {  	v48 =	vand.u32 $0xFFFF0000, v42;
	[tilespmem:v40+s12+$0x0] =	vst.idx.add.f32.msk vm0, v46  }
0x161: {  	v49 =	vsub.s32 v47, v0;
	[tilespmem:v21+s12+$0x0] =	vst.idx.add.f32.msk vm0, v48  }
0x162: {  	vm13 =	vge.s32 v47, v0;
	v50 =	vshll.u32 v47, $0x7;
	v21 =	vshll.u32 v49, $0x8;
	v27 =	vld [tilespmem:s20+$0x80]  }
0x163: {  	vm14 =	vlt.s32 v47, v1;
	v51 =	vand.u32 $0x380, v50;
	v29 =	vld [tilespmem:s20+$0x90];
	v21 =	vand.u32 $0xFFFFF800, v21  }
0x164: {  	vm0 =	vmand vm13, vm14;
	v28 =	vld [tilespmem:s20+$0xA0];
	v21 =	vor.u32 v51, v21  }
0x165: {  	v26 =	vld [tilespmem:s20+$0xB0];
	v52 =	vor.u32 v3, v21  }
0x166: {  	v32 =	vld [tilespmem:s20+$0xC0];
	v53 =	vor.u32 v4, v21  }
0x167: {  	v35 =	vld [tilespmem:s20+$0xD0];
	v54 =	vor.u32 v5, v21  }
0x168: {  	v38 =	vld [tilespmem:s20+$0xE0];
	v55 =	vor.u32 v6, v21  }
0x169: {  	v56 =	vshll.u32 v22, $0x10;
	v42 =	vld [tilespmem:s20+$0xF0];
	v57 =	vor.u32 v7, v21  }
0x16a: {  	v22 =	vand.u32 $0xFFFF0000, v22;
	v58 =	vor.u32 v8, v21;
	[tilespmem:v52+s12+$0x0] =	vst.idx.add.f32.msk vm0, v56  }
0x16b: {  	v59 =	vshll.u32 v25, $0x10;
	v60 =	vor.u32 v9, v21;
	[tilespmem:v53+s12+$0x0] =	vst.idx.add.f32.msk vm0, v22  }
0x16c: {  	v25 =	vand.u32 $0xFFFF0000, v25;
	v61 =	vor.u32 v10, v21;
	[tilespmem:v54+s12+$0x0] =	vst.idx.add.f32.msk vm0, v59  }
0x16d: {  	v62 =	vshll.u32 v24, $0x10;
	v63 =	vor.u32 v11, v21;
	[tilespmem:v55+s12+$0x0] =	vst.idx.add.f32.msk vm0, v25  }
0x16e: {  	v24 =	vand.u32 $0xFFFF0000, v24;
	v43 =	vor.u32 v12, v21;
	[tilespmem:v57+s12+$0x0] =	vst.idx.add.f32.msk vm0, v62  }
0x16f: {  	v44 =	vshll.u32 v23, $0x10;
	v45 =	vor.u32 v13, v21;
	[tilespmem:v58+s12+$0x0] =	vst.idx.add.f32.msk vm0, v24  }
0x170: {  	v23 =	vand.u32 $0xFFFF0000, v23;
	v46 =	vor.u32 v14, v21;
	[tilespmem:v60+s12+$0x0] =	vst.idx.add.f32.msk vm0, v44  }
0x171: {  	v47 =	vshll.u32 v31, $0x10;
	v48 =	vor.u32 v15, v21;
	[tilespmem:v61+s12+$0x0] =	vst.idx.add.f32.msk vm0, v23  }
0x172: {  	v31 =	vand.u32 $0xFFFF0000, v31;
	v49 =	vor.u32 v16, v21;
	[tilespmem:v63+s12+$0x0] =	vst.idx.add.f32.msk vm0, v47  }
0x173: {  	v50 =	vshll.u32 v34, $0x10;
	v51 =	vor.u32 v17, v21;
	[tilespmem:v43+s12+$0x0] =	vst.idx.add.f32.msk vm0, v31  }
0x174: {  	v21 =	vor.u32 v18, v21;
	v52 =	vand.u32 $0xFFFF0000, v34;
	[tilespmem:v45+s12+$0x0] =	vst.idx.add.f32.msk vm0, v50  }
0x175: {  	v53 =	vshll.u32 v37, $0x10;
	[tilespmem:v46+s12+$0x0] =	vst.idx.add.f32.msk vm0, v52  }
0x176: {  	v54 =	vand.u32 $0xFFFF0000, v37;
	[tilespmem:v48+s12+$0x0] =	vst.idx.add.f32.msk vm0, v53  }
0x177: {  	v56 =	vbroadcast v20, $0x9;
	v55 =	vshll.u32 v41, $0x10;
	[tilespmem:v49+s12+$0x0] =	vst.idx.add.f32.msk vm0, v54  }
0x178: {  	v57 =	vand.u32 $0xFFFF0000, v41;
	[tilespmem:v51+s12+$0x0] =	vst.idx.add.f32.msk vm0, v55  }
0x179: {  	v58 =	vsub.s32 v56, v0;
	[tilespmem:v21+s12+$0x0] =	vst.idx.add.f32.msk vm0, v57  }
0x17a: {  	vm15 =	vge.s32 v56, v0;
	v59 =	vshll.u32 v56, $0x7;
	v21 =	vshll.u32 v58, $0x8;
	v23 =	vld [tilespmem:s20+$0x100]  }
0x17b: {  	vm4 =	vlt.s32 v56, v1;
	v60 =	vand.u32 $0x380, v59;
	v25 =	vld [tilespmem:s20+$0x110];
	v21 =	vand.u32 $0xFFFFF800, v21  }
0x17c: {  	vm0 =	vmand vm15, vm4;
	v24 =	vld [tilespmem:s20+$0x120];
	v21 =	vor.u32 v60, v21  }
0x17d: {  	v22 =	vld [tilespmem:s20+$0x130];
	v61 =	vor.u32 v3, v21  }
0x17e: {  	v31 =	vld [tilespmem:s20+$0x140];
	v62 =	vor.u32 v4, v21  }
0x17f: {  	v34 =	vld [tilespmem:s20+$0x150];
	v63 =	vor.u32 v5, v21  }
0x180: {  	v37 =	vld [tilespmem:s20+$0x160];
	v45 =	vor.u32 v6, v21  }
0x181: {  	v46 =	vshll.u32 v27, $0x10;
	v41 =	vld [tilespmem:s20+$0x170];
	v47 =	vor.u32 v7, v21  }
0x182: {  	v27 =	vand.u32 $0xFFFF0000, v27;
	v48 =	vor.u32 v8, v21;
	[tilespmem:v61+s12+$0x0] =	vst.idx.add.f32.msk vm0, v46  }
0x183: {  	v49 =	vshll.u32 v29, $0x10;
	v50 =	vor.u32 v9, v21;
	[tilespmem:v62+s12+$0x0] =	vst.idx.add.f32.msk vm0, v27  }
0x184: {  	v29 =	vand.u32 $0xFFFF0000, v29;
	v51 =	vor.u32 v10, v21;
	[tilespmem:v63+s12+$0x0] =	vst.idx.add.f32.msk vm0, v49  }
0x185: {  	v52 =	vshll.u32 v28, $0x10;
	v53 =	vor.u32 v11, v21;
	[tilespmem:v45+s12+$0x0] =	vst.idx.add.f32.msk vm0, v29  }
0x186: {  	v28 =	vand.u32 $0xFFFF0000, v28;
	v54 =	vor.u32 v12, v21;
	[tilespmem:v47+s12+$0x0] =	vst.idx.add.f32.msk vm0, v52  }
0x187: {  	v55 =	vshll.u32 v26, $0x10;
	v56 =	vor.u32 v13, v21;
	[tilespmem:v48+s12+$0x0] =	vst.idx.add.f32.msk vm0, v28  }
0x188: {  	v26 =	vand.u32 $0xFFFF0000, v26;
	v57 =	vor.u32 v14, v21;
	[tilespmem:v50+s12+$0x0] =	vst.idx.add.f32.msk vm0, v55  }
0x189: {  	v58 =	vshll.u32 v32, $0x10;
	v59 =	vor.u32 v15, v21;
	[tilespmem:v51+s12+$0x0] =	vst.idx.add.f32.msk vm0, v26  }
0x18a: {  	v32 =	vand.u32 $0xFFFF0000, v32;
	v60 =	vor.u32 v16, v21;
	[tilespmem:v53+s12+$0x0] =	vst.idx.add.f32.msk vm0, v58  }
0x18b: {  	v61 =	vshll.u32 v35, $0x10;
	v62 =	vor.u32 v17, v21;
	[tilespmem:v54+s12+$0x0] =	vst.idx.add.f32.msk vm0, v32  }
0x18c: {  	v21 =	vor.u32 v18, v21;
	v63 =	vand.u32 $0xFFFF0000, v35;
	[tilespmem:v56+s12+$0x0] =	vst.idx.add.f32.msk vm0, v61  }
0x18d: {  	v35 =	vshll.u32 v38, $0x10;
	[tilespmem:v57+s12+$0x0] =	vst.idx.add.f32.msk vm0, v63  }
0x18e: {  	v36 =	vand.u32 $0xFFFF0000, v38;
	[tilespmem:v59+s12+$0x0] =	vst.idx.add.f32.msk vm0, v35  }
0x18f: {  	v39 =	vbroadcast v20, $0xA;
	v38 =	vshll.u32 v42, $0x10;
	[tilespmem:v60+s12+$0x0] =	vst.idx.add.f32.msk vm0, v36  }
0x190: {  	v40 =	vand.u32 $0xFFFF0000, v42;
	[tilespmem:v62+s12+$0x0] =	vst.idx.add.f32.msk vm0, v38  }
0x191: {  	v42 =	vsub.s32 v39, v0;
	[tilespmem:v21+s12+$0x0] =	vst.idx.add.f32.msk vm0, v40  }
0x192: {  	vm5 =	vge.s32 v39, v0;
	v43 =	vshll.u32 v39, $0x7;
	v21 =	vshll.u32 v42, $0x8;
	v26 =	vld [tilespmem:s20+$0x180]  }
0x193: {  	vm6 =	vlt.s32 v39, v1;
	v44 =	vand.u32 $0x380, v43;
	v29 =	vld [tilespmem:s20+$0x190];
	v21 =	vand.u32 $0xFFFFF800, v21  }
0x194: {  	vm0 =	vmand vm5, vm6;
	v28 =	vld [tilespmem:s20+$0x1A0];
	v21 =	vor.u32 v44, v21  }
0x195: {  	v27 =	vld [tilespmem:s20+$0x1B0];
	v45 =	vor.u32 v3, v21  }
0x196: {  	v32 =	vld [tilespmem:s20+$0x1C0];
	v46 =	vor.u32 v4, v21  }
0x197: {  	v35 =	vld [tilespmem:s20+$0x1D0];
	v47 =	vor.u32 v5, v21  }
0x198: {  	v38 =	vld [tilespmem:s20+$0x1E0];
	v48 =	vor.u32 v6, v21  }
0x199: {  	v49 =	vshll.u32 v23, $0x10;
	v42 =	vld [tilespmem:s20+$0x1F0];
	v50 =	vor.u32 v7, v21  }
0x19a: {  	v23 =	vand.u32 $0xFFFF0000, v23;
	v51 =	vor.u32 v8, v21;
	[tilespmem:v45+s12+$0x0] =	vst.idx.add.f32.msk vm0, v49  }
0x19b: {  	v52 =	vshll.u32 v25, $0x10;
	v53 =	vor.u32 v9, v21;
	[tilespmem:v46+s12+$0x0] =	vst.idx.add.f32.msk vm0, v23  }
0x19c: {  	v25 =	vand.u32 $0xFFFF0000, v25;
	v54 =	vor.u32 v10, v21;
	[tilespmem:v47+s12+$0x0] =	vst.idx.add.f32.msk vm0, v52  }
0x19d: {  	v55 =	vshll.u32 v24, $0x10;
	v56 =	vor.u32 v11, v21;
	[tilespmem:v48+s12+$0x0] =	vst.idx.add.f32.msk vm0, v25  }
0x19e: {  	v24 =	vand.u32 $0xFFFF0000, v24;
	v57 =	vor.u32 v12, v21;
	[tilespmem:v50+s12+$0x0] =	vst.idx.add.f32.msk vm0, v55  }
0x19f: {  	v58 =	vshll.u32 v22, $0x10;
	v59 =	vor.u32 v13, v21;
	[tilespmem:v51+s12+$0x0] =	vst.idx.add.f32.msk vm0, v24  }
0x1a0: {  	v22 =	vand.u32 $0xFFFF0000, v22;
	v60 =	vor.u32 v14, v21;
	[tilespmem:v53+s12+$0x0] =	vst.idx.add.f32.msk vm0, v58  }
0x1a1: {  	v61 =	vshll.u32 v31, $0x10;
	v62 =	vor.u32 v15, v21;
	[tilespmem:v54+s12+$0x0] =	vst.idx.add.f32.msk vm0, v22  }
0x1a2: {  	v31 =	vand.u32 $0xFFFF0000, v31;
	v63 =	vor.u32 v16, v21;
	[tilespmem:v56+s12+$0x0] =	vst.idx.add.f32.msk vm0, v61  }
0x1a3: {  	v39 =	vshll.u32 v34, $0x10;
	v40 =	vor.u32 v17, v21;
	[tilespmem:v57+s12+$0x0] =	vst.idx.add.f32.msk vm0, v31  }
0x1a4: {  	v43 =	vand.u32 $0xFFFF0000, v34;
	v21 =	vor.u32 v18, v21;
	[tilespmem:v59+s12+$0x0] =	vst.idx.add.f32.msk vm0, v39  }
0x1a5: {  	v44 =	vshll.u32 v37, $0x10;
	[tilespmem:v60+s12+$0x0] =	vst.idx.add.f32.msk vm0, v43  }
0x1a6: {  	v45 =	vand.u32 $0xFFFF0000, v37;
	[tilespmem:v62+s12+$0x0] =	vst.idx.add.f32.msk vm0, v44  }
0x1a7: {  	v46 =	vshll.u32 v41, $0x10;
	v47 =	vbroadcast v20, $0xB;
	[tilespmem:v63+s12+$0x0] =	vst.idx.add.f32.msk vm0, v45  }
0x1a8: {  	v48 =	vand.u32 $0xFFFF0000, v41;
	[tilespmem:v40+s12+$0x0] =	vst.idx.add.f32.msk vm0, v46  }
0x1a9: {  	v49 =	vsub.s32 v47, v0;
	[tilespmem:v21+s12+$0x0] =	vst.idx.add.f32.msk vm0, v48  }
0x1aa: {  	vm7 =	vge.s32 v47, v0;
	v50 =	vshll.u32 v47, $0x7;
	v21 =	vshll.u32 v49, $0x8;
	v22 =	vld [tilespmem:s20+$0x200]  }
0x1ab: {  	vm8 =	vlt.s32 v47, v1;
	v51 =	vand.u32 $0x380, v50;
	v25 =	vld [tilespmem:s20+$0x210];
	v21 =	vand.u32 $0xFFFFF800, v21  }
0x1ac: {  	vm0 =	vmand vm7, vm8;
	v24 =	vld [tilespmem:s20+$0x220];
	v21 =	vor.u32 v51, v21  }
0x1ad: {  	v23 =	vld [tilespmem:s20+$0x230];
	v52 =	vor.u32 v3, v21  }
0x1ae: {  	v31 =	vld [tilespmem:s20+$0x240];
	v53 =	vor.u32 v4, v21  }
0x1af: {  	v34 =	vld [tilespmem:s20+$0x250];
	v54 =	vor.u32 v5, v21  }
0x1b0: {  	v37 =	vld [tilespmem:s20+$0x260];
	v55 =	vor.u32 v6, v21  }
0x1b1: {  	v56 =	vshll.u32 v26, $0x10;
	v41 =	vld [tilespmem:s20+$0x270];
	v57 =	vor.u32 v7, v21  }
0x1b2: {  	v26 =	vand.u32 $0xFFFF0000, v26;
	v58 =	vor.u32 v8, v21;
	[tilespmem:v52+s12+$0x0] =	vst.idx.add.f32.msk vm0, v56  }
0x1b3: {  	v59 =	vshll.u32 v29, $0x10;
	v60 =	vor.u32 v9, v21;
	[tilespmem:v53+s12+$0x0] =	vst.idx.add.f32.msk vm0, v26  }
0x1b4: {  	v29 =	vand.u32 $0xFFFF0000, v29;
	v61 =	vor.u32 v10, v21;
	[tilespmem:v54+s12+$0x0] =	vst.idx.add.f32.msk vm0, v59  }
0x1b5: {  	v62 =	vshll.u32 v28, $0x10;
	v63 =	vor.u32 v11, v21;
	[tilespmem:v55+s12+$0x0] =	vst.idx.add.f32.msk vm0, v29  }
0x1b6: {  	v28 =	vand.u32 $0xFFFF0000, v28;
	v44 =	vor.u32 v12, v21;
	[tilespmem:v57+s12+$0x0] =	vst.idx.add.f32.msk vm0, v62  }
0x1b7: {  	v45 =	vshll.u32 v27, $0x10;
	v46 =	vor.u32 v13, v21;
	[tilespmem:v58+s12+$0x0] =	vst.idx.add.f32.msk vm0, v28  }
0x1b8: {  	v27 =	vand.u32 $0xFFFF0000, v27;
	v47 =	vor.u32 v14, v21;
	[tilespmem:v60+s12+$0x0] =	vst.idx.add.f32.msk vm0, v45  }
0x1b9: {  	v48 =	vshll.u32 v32, $0x10;
	v49 =	vor.u32 v15, v21;
	[tilespmem:v61+s12+$0x0] =	vst.idx.add.f32.msk vm0, v27  }
0x1ba: {  	v32 =	vand.u32 $0xFFFF0000, v32;
	v50 =	vor.u32 v16, v21;
	[tilespmem:v63+s12+$0x0] =	vst.idx.add.f32.msk vm0, v48  }
0x1bb: {  	v51 =	vshll.u32 v35, $0x10;
	v52 =	vor.u32 v17, v21;
	[tilespmem:v44+s12+$0x0] =	vst.idx.add.f32.msk vm0, v32  }
0x1bc: {  	v21 =	vor.u32 v18, v21;
	v53 =	vand.u32 $0xFFFF0000, v35;
	[tilespmem:v46+s12+$0x0] =	vst.idx.add.f32.msk vm0, v51  }
0x1bd: {  	v54 =	vshll.u32 v38, $0x10;
	[tilespmem:v47+s12+$0x0] =	vst.idx.add.f32.msk vm0, v53  }
0x1be: {  	v55 =	vand.u32 $0xFFFF0000, v38;
	[tilespmem:v49+s12+$0x0] =	vst.idx.add.f32.msk vm0, v54  }
0x1bf: {  	v56 =	vshll.u32 v42, $0x10;
	v57 =	vbroadcast v20, $0xC;
	[tilespmem:v50+s12+$0x0] =	vst.idx.add.f32.msk vm0, v55  }
0x1c0: {  	v58 =	vand.u32 $0xFFFF0000, v42;
	[tilespmem:v52+s12+$0x0] =	vst.idx.add.f32.msk vm0, v56  }
0x1c1: {  	v59 =	vsub.s32 v57, v0;
	[tilespmem:v21+s12+$0x0] =	vst.idx.add.f32.msk vm0, v58  }
0x1c2: {  	vm9 =	vge.s32 v57, v0;
	v60 =	vshll.u32 v57, $0x7;
	v21 =	vshll.u32 v59, $0x8;
	v27 =	vld [tilespmem:s20+$0x280]  }
0x1c3: {  	vm10 =	vlt.s32 v57, v1;
	v61 =	vand.u32 $0x380, v60;
	v29 =	vld [tilespmem:s20+$0x290];
	v21 =	vand.u32 $0xFFFFF800, v21  }
0x1c4: {  	vm0 =	vmand vm9, vm10;
	v28 =	vld [tilespmem:s20+$0x2A0];
	v21 =	vor.u32 v61, v21  }
0x1c5: {  	v26 =	vld [tilespmem:s20+$0x2B0];
	v62 =	vor.u32 v3, v21  }
0x1c6: {  	v32 =	vld [tilespmem:s20+$0x2C0];
	v63 =	vor.u32 v4, v21  }
0x1c7: {  	v35 =	vld [tilespmem:s20+$0x2D0];
	v45 =	vor.u32 v5, v21  }
0x1c8: {  	v38 =	vld [tilespmem:s20+$0x2E0];
	v46 =	vor.u32 v6, v21  }
0x1c9: {  	v47 =	vshll.u32 v22, $0x10;
	v42 =	vld [tilespmem:s20+$0x2F0];
	v48 =	vor.u32 v7, v21  }
0x1ca: {  	v22 =	vand.u32 $0xFFFF0000, v22;
	v49 =	vor.u32 v8, v21;
	[tilespmem:v62+s12+$0x0] =	vst.idx.add.f32.msk vm0, v47  }
0x1cb: {  	v50 =	vshll.u32 v25, $0x10;
	v51 =	vor.u32 v9, v21;
	[tilespmem:v63+s12+$0x0] =	vst.idx.add.f32.msk vm0, v22  }
0x1cc: {  	v25 =	vand.u32 $0xFFFF0000, v25;
	v52 =	vor.u32 v10, v21;
	[tilespmem:v45+s12+$0x0] =	vst.idx.add.f32.msk vm0, v50  }
0x1cd: {  	v53 =	vshll.u32 v24, $0x10;
	v54 =	vor.u32 v11, v21;
	[tilespmem:v46+s12+$0x0] =	vst.idx.add.f32.msk vm0, v25  }
0x1ce: {  	v24 =	vand.u32 $0xFFFF0000, v24;
	v55 =	vor.u32 v12, v21;
	[tilespmem:v48+s12+$0x0] =	vst.idx.add.f32.msk vm0, v53  }
0x1cf: {  	v56 =	vshll.u32 v23, $0x10;
	v57 =	vor.u32 v13, v21;
	[tilespmem:v49+s12+$0x0] =	vst.idx.add.f32.msk vm0, v24  }
0x1d0: {  	v23 =	vand.u32 $0xFFFF0000, v23;
	v58 =	vor.u32 v14, v21;
	[tilespmem:v51+s12+$0x0] =	vst.idx.add.f32.msk vm0, v56  }
0x1d1: {  	v59 =	vshll.u32 v31, $0x10;
	v60 =	vor.u32 v15, v21;
	[tilespmem:v52+s12+$0x0] =	vst.idx.add.f32.msk vm0, v23  }
0x1d2: {  	v31 =	vand.u32 $0xFFFF0000, v31;
	v61 =	vor.u32 v16, v21;
	[tilespmem:v54+s12+$0x0] =	vst.idx.add.f32.msk vm0, v59  }
0x1d3: {  	v62 =	vshll.u32 v34, $0x10;
	v63 =	vor.u32 v17, v21;
	[tilespmem:v55+s12+$0x0] =	vst.idx.add.f32.msk vm0, v31  }
0x1d4: {  	v36 =	vand.u32 $0xFFFF0000, v34;
	v21 =	vor.u32 v18, v21;
	[tilespmem:v57+s12+$0x0] =	vst.idx.add.f32.msk vm0, v62  }
0x1d5: {  	v39 =	vshll.u32 v37, $0x10;
	[tilespmem:v58+s12+$0x0] =	vst.idx.add.f32.msk vm0, v36  }
0x1d6: {  	v40 =	vand.u32 $0xFFFF0000, v37;
	[tilespmem:v60+s12+$0x0] =	vst.idx.add.f32.msk vm0, v39  }
0x1d7: {  	v43 =	vshll.u32 v41, $0x10;
	v44 =	vbroadcast v20, $0xD;
	[tilespmem:v61+s12+$0x0] =	vst.idx.add.f32.msk vm0, v40  }
0x1d8: {  	v45 =	vand.u32 $0xFFFF0000, v41;
	[tilespmem:v63+s12+$0x0] =	vst.idx.add.f32.msk vm0, v43  }
0x1d9: {  	v46 =	vsub.s32 v44, v0;
	[tilespmem:v21+s12+$0x0] =	vst.idx.add.f32.msk vm0, v45  }
0x1da: {  	vm11 =	vge.s32 v44, v0;
	v47 =	vshll.u32 v44, $0x7;
	v21 =	vshll.u32 v46, $0x8;
	v23 =	vld [tilespmem:s20+$0x300]  }
0x1db: {  	vm12 =	vlt.s32 v44, v1;
	v48 =	vand.u32 $0x380, v47;
	v25 =	vld [tilespmem:s20+$0x310];
	v21 =	vand.u32 $0xFFFFF800, v21  }
0x1dc: {  	vm0 =	vmand vm11, vm12;
	v24 =	vld [tilespmem:s20+$0x320];
	v21 =	vor.u32 v48, v21  }
0x1dd: {  	v22 =	vld [tilespmem:s20+$0x330];
	v49 =	vor.u32 v3, v21  }
0x1de: {  	v31 =	vld [tilespmem:s20+$0x340];
	v50 =	vor.u32 v4, v21  }
0x1df: {  	v34 =	vld [tilespmem:s20+$0x350];
	v51 =	vor.u32 v5, v21  }
0x1e0: {  	v37 =	vld [tilespmem:s20+$0x360];
	v52 =	vor.u32 v6, v21  }
0x1e1: {  	v53 =	vshll.u32 v27, $0x10;
	v41 =	vld [tilespmem:s20+$0x370];
	v54 =	vor.u32 v7, v21  }
0x1e2: {  	v27 =	vand.u32 $0xFFFF0000, v27;
	v55 =	vor.u32 v8, v21;
	[tilespmem:v49+s12+$0x0] =	vst.idx.add.f32.msk vm0, v53  }
0x1e3: {  	v56 =	vshll.u32 v29, $0x10;
	v57 =	vor.u32 v9, v21;
	[tilespmem:v50+s12+$0x0] =	vst.idx.add.f32.msk vm0, v27  }
0x1e4: {  	v29 =	vand.u32 $0xFFFF0000, v29;
	v58 =	vor.u32 v10, v21;
	[tilespmem:v51+s12+$0x0] =	vst.idx.add.f32.msk vm0, v56  }
0x1e5: {  	v59 =	vshll.u32 v28, $0x10;
	v60 =	vor.u32 v11, v21;
	[tilespmem:v52+s12+$0x0] =	vst.idx.add.f32.msk vm0, v29  }
0x1e6: {  	v28 =	vand.u32 $0xFFFF0000, v28;
	v61 =	vor.u32 v12, v21;
	[tilespmem:v54+s12+$0x0] =	vst.idx.add.f32.msk vm0, v59  }
0x1e7: {  	v62 =	vshll.u32 v26, $0x10;
	v63 =	vor.u32 v13, v21;
	[tilespmem:v55+s12+$0x0] =	vst.idx.add.f32.msk vm0, v28  }
0x1e8: {  	v26 =	vand.u32 $0xFFFF0000, v26;
	v40 =	vor.u32 v14, v21;
	[tilespmem:v57+s12+$0x0] =	vst.idx.add.f32.msk vm0, v62  }
0x1e9: {  	v43 =	vshll.u32 v32, $0x10;
	v44 =	vor.u32 v15, v21;
	[tilespmem:v58+s12+$0x0] =	vst.idx.add.f32.msk vm0, v26  }
0x1ea: {  	v32 =	vand.u32 $0xFFFF0000, v32;
	v45 =	vor.u32 v16, v21;
	[tilespmem:v60+s12+$0x0] =	vst.idx.add.f32.msk vm0, v43  }
0x1eb: {  	v46 =	vshll.u32 v35, $0x10;
	v47 =	vor.u32 v17, v21;
	[tilespmem:v61+s12+$0x0] =	vst.idx.add.f32.msk vm0, v32  }
0x1ec: {  	v48 =	vand.u32 $0xFFFF0000, v35;
	v21 =	vor.u32 v18, v21;
	[tilespmem:v63+s12+$0x0] =	vst.idx.add.f32.msk vm0, v46  }
0x1ed: {  	v49 =	vshll.u32 v38, $0x10;
	[tilespmem:v40+s12+$0x0] =	vst.idx.add.f32.msk vm0, v48  }
0x1ee: {  	v50 =	vand.u32 $0xFFFF0000, v38;
	[tilespmem:v44+s12+$0x0] =	vst.idx.add.f32.msk vm0, v49  }
0x1ef: {  	v51 =	vshll.u32 v42, $0x10;
	v52 =	vbroadcast v20, $0xE;
	[tilespmem:v45+s12+$0x0] =	vst.idx.add.f32.msk vm0, v50  }
0x1f0: {  	v53 =	vand.u32 $0xFFFF0000, v42;
	[tilespmem:v47+s12+$0x0] =	vst.idx.add.f32.msk vm0, v51  }
0x1f1: {  	v54 =	vsub.s32 v52, v0;
	[tilespmem:v21+s12+$0x0] =	vst.idx.add.f32.msk vm0, v53  }
0x1f2: {  	vm13 =	vge.s32 v52, v0;
	v55 =	vshll.u32 v52, $0x7;
	v21 =	vshll.u32 v54, $0x8;
	v26 =	vld [tilespmem:s20+$0x380]  }
0x1f3: {  	vm14 =	vlt.s32 v52, v1;
	v56 =	vand.u32 $0x380, v55;
	v29 =	vld [tilespmem:s20+$0x390];
	v21 =	vand.u32 $0xFFFFF800, v21  }
0x1f4: {  	vm1 =	vmand vm13, vm14;
	v28 =	vld [tilespmem:s20+$0x3A0];
	v21 =	vor.u32 v56, v21  }
0x1f5: {  	v27 =	vld [tilespmem:s20+$0x3B0];
	v57 =	vor.u32 v3, v21  }
0x1f6: {  	v32 =	vld [tilespmem:s20+$0x3C0];
	v58 =	vor.u32 v4, v21  }
0x1f7: {  	v35 =	vld [tilespmem:s20+$0x3D0];
	v59 =	vor.u32 v5, v21  }
0x1f8: {  	v38 =	vld [tilespmem:s20+$0x3E0];
	v60 =	vor.u32 v6, v21  }
0x1f9: {  	v61 =	vshll.u32 v23, $0x10;
	v42 =	vld [tilespmem:s20+$0x3F0];
	v62 =	vor.u32 v7, v21  }
0x1fa: {  	v20 =	vbroadcast v20, $0xF;
	v23 =	vand.u32 $0xFFFF0000, v23;
	v43 =	vor.u32 v8, v21;
	[tilespmem:v57+s12+$0x0] =	vst.idx.add.f32.msk vm1, v61  }
0x1fb: {  	v63 =	vshll.u32 v25, $0x10;
	v44 =	vor.u32 v9, v21;
	[tilespmem:v58+s12+$0x0] =	vst.idx.add.f32.msk vm1, v23  }
0x1fc: {  	vm15 =	vge.s32 v20, v0;
	v25 =	vand.u32 $0xFFFF0000, v25;
	v46 =	vor.u32 v10, v21;
	[tilespmem:v59+s12+$0x0] =	vst.idx.add.f32.msk vm1, v63  }
0x1fd: {  	vm2 =	vlt.s32 v20, v1;
	v45 =	vshll.u32 v24, $0x10;
	v47 =	vor.u32 v11, v21;
	[tilespmem:v60+s12+$0x0] =	vst.idx.add.f32.msk vm1, v25  }
0x1fe: {  	v55 =	vsub.s32 v20, v0;
	v24 =	vand.u32 $0xFFFF0000, v24;
	v48 =	vor.u32 v12, v21;
	[tilespmem:v62+s12+$0x0] =	vst.idx.add.f32.msk vm1, v45  }
0x1ff: {  	v20 =	vshll.u32 v20, $0x7;
	v49 =	vshll.u32 v22, $0x10;
	v50 =	vor.u32 v13, v21;
	[tilespmem:v43+s12+$0x0] =	vst.idx.add.f32.msk vm1, v24  }
0x200: {  	v20 =	vand.u32 $0x380, v20;
	v22 =	vand.u32 $0xFFFF0000, v22;
	v52 =	vor.u32 v14, v21;
	[tilespmem:v44+s12+$0x0] =	vst.idx.add.f32.msk vm1, v49  }
0x201: {  	v51 =	vshll.u32 v31, $0x10;
	v31 =	vand.u32 $0xFFFF0000, v31;
	v54 =	vor.u32 v15, v21;
	[tilespmem:v46+s12+$0x0] =	vst.idx.add.f32.msk vm1, v22  }
0x202: {  	vm0 =	vmand vm15, vm2;
	v56 =	vor.u32 v16, v21;
	v25 =	vshll.u32 v55, $0x8;
	[tilespmem:v47+s12+$0x0] =	vst.idx.add.f32.msk vm1, v51  }
0x203: {  	v53 =	vshll.u32 v34, $0x10;
	v57 =	vor.u32 v17, v21;
	v25 =	vand.u32 $0xFFFFF800, v25;
	[tilespmem:v48+s12+$0x0] =	vst.idx.add.f32.msk vm1, v31  }
0x204: {  	v21 =	vor.u32 v18, v21;
	v58 =	vand.u32 $0xFFFF0000, v34;
	v20 =	vor.u32 v20, v25;
	[tilespmem:v50+s12+$0x0] =	vst.idx.add.f32.msk vm1, v53  }
0x205: {  	v59 =	vshll.u32 v37, $0x10;
	v25 =	vor.u32 v3, v20;
	[tilespmem:v52+s12+$0x0] =	vst.idx.add.f32.msk vm1, v58  }
0x206: {  	v60 =	vand.u32 $0xFFFF0000, v37;
	v61 =	vor.u32 v4, v20;
	[tilespmem:v54+s12+$0x0] =	vst.idx.add.f32.msk vm1, v59  }
0x207: {  	v62 =	vshll.u32 v41, $0x10;
	v63 =	vor.u32 v5, v20;
	[tilespmem:v56+s12+$0x0] =	vst.idx.add.f32.msk vm1, v60  }
0x208: {  	v33 =	vand.u32 $0xFFFF0000, v41;
	v34 =	vor.u32 v6, v20;
	[tilespmem:v57+s12+$0x0] =	vst.idx.add.f32.msk vm1, v62  }
0x209: {  	v36 =	vshll.u32 v26, $0x10;
	v37 =	vor.u32 v7, v20;
	[tilespmem:v21+s12+$0x0] =	vst.idx.add.f32.msk vm1, v33  }
0x20a: {  	v26 =	vand.u32 $0xFFFF0000, v26;
	v39 =	vor.u32 v8, v20;
	[tilespmem:v25+s12+$0x0] =	vst.idx.add.f32.msk vm0, v36  }
0x20b: {  	v40 =	vshll.u32 v29, $0x10;
	v41 =	vor.u32 v9, v20;
	[tilespmem:v61+s12+$0x0] =	vst.idx.add.f32.msk vm0, v26  }
0x20c: {  	v43 =	vand.u32 $0xFFFF0000, v29;
	v44 =	vor.u32 v10, v20;
	[tilespmem:v63+s12+$0x0] =	vst.idx.add.f32.msk vm0, v40  }
0x20d: {  	v45 =	vshll.u32 v28, $0x10;
	v46 =	vor.u32 v11, v20;
	[tilespmem:v34+s12+$0x0] =	vst.idx.add.f32.msk vm0, v43  }
0x20e: {  	v47 =	vand.u32 $0xFFFF0000, v28;
	v48 =	vor.u32 v12, v20;
	[tilespmem:v37+s12+$0x0] =	vst.idx.add.f32.msk vm0, v45  }
0x20f: {  	v49 =	vshll.u32 v27, $0x10;
	v50 =	vor.u32 v13, v20;
	[tilespmem:v39+s12+$0x0] =	vst.idx.add.f32.msk vm0, v47  }
0x210: {  	v51 =	vand.u32 $0xFFFF0000, v27;
	v52 =	vor.u32 v14, v20;
	[tilespmem:v41+s12+$0x0] =	vst.idx.add.f32.msk vm0, v49  }
0x211: {  	v53 =	vshll.u32 v32, $0x10;
	v54 =	vor.u32 v15, v20;
	[tilespmem:v44+s12+$0x0] =	vst.idx.add.f32.msk vm0, v51  }
0x212: {  	v55 =	vand.u32 $0xFFFF0000, v32;
	v56 =	vor.u32 v16, v20;
	[tilespmem:v46+s12+$0x0] =	vst.idx.add.f32.msk vm0, v53  }
0x213: {  	v58 =	vor.u32 v17, v20;
	v57 =	vshll.u32 v35, $0x10;
	[tilespmem:v48+s12+$0x0] =	vst.idx.add.f32.msk vm0, v55  }
0x214: {  	p0 =	seq.s32 s21, $0xC0;
	v59 =	vand.u32 $0xFFFF0000, v35;
	v20 =	vor.u32 v18, v20;
	[tilespmem:v50+s12+$0x0] =	vst.idx.add.f32.msk vm0, v57  }
.Ltmp6:
0x215: {  	v60 =	vshll.u32 v38, $0x10;
	[tilespmem:v52+s12+$0x0] =	vst.idx.add.f32.msk vm0, v59;
	(pc) =	sbr.rel @!p0 .LBB2_11-.Ltmp6, $4  }
0x216: {  	v61 =	vand.u32 $0xFFFF0000, v38;
	[tilespmem:v54+s12+$0x0] =	vst.idx.add.f32.msk vm0, v60  }
0x217: {  	v62 =	vshll.u32 v42, $0x10;
	[tilespmem:v56+s12+$0x0] =	vst.idx.add.f32.msk vm0, v61  }
0x218: {  	v63 =	vand.u32 $0xFFFF0000, v42;
	[tilespmem:v58+s12+$0x0] =	vst.idx.add.f32.msk vm0, v62  }
0x219: {  	s21 =	sadd.s32 $0x40, s21;
	s20 =	sadd.s32 $0x800, s20;
	[tilespmem:v20+s12+$0x0] =	vst.idx.add.f32.msk vm0, v63  }
0x21a: {  	p0 =	seq.s32 s19, s15  }
.Ltmp7:
0x21b: {  	_ = 	snop;
	(pc) =	sbr.rel @!p0 .LBB2_10-.Ltmp7, $4  }
.Ltmp8:
0x21c: {  	_ = 	snop;
	(pc) =	sbr.rel @p0 .LBB2_12-.Ltmp8, $4  }
0x21d: {  	_ = 	snop  }
0x21e: {  	_ = 	snop  }
0x21f: {  	s18 =	sadd.s32 $0x40, s18;
	s16 =	sadd.s32 $0x2000, s16  }
0x220: {  	_ = 	snop  }
.LBB2_13:
0x221: {  	_ =	sfence.sel $0x180000  }
0x222: {  	[bflag:$0x0] =	sbarrier.arrive $0xFFFF  }
0x223: {  	p0 =	sne.s32 s0, $0x0;
	_ =	strace $0x90000047  }
0x224: {  	s0 =	sadd.s32 @!p0 $0x100000, s1;
	[bflag:$0x2] =	sbarrier.arrive $0xFFFF  }
0x225: {  	[sflag:s0] =	ssyncadd.tile.s32 @!p0 $0x1;
	_ =	shalt  }
.Lfunc_end2:
_tile_overlayer_lowered:
.L_overlay_start_2:
0x226: {  	(tag) =	ssettag $0x2  }
0x227: {  	s0 =	rddreg [dreg:$0x0];
	s2 =	stileid.u32  }
0x228: {  	s1 =	rddreg [dreg:$0x1];
	p0 =	sne.s32 s2, $0x0  }
0x229: {  	s3 =	rddreg [dreg:$0x2];
	[bflag:$0x3] =	sbarrier.arrive $0xFFFF;
	s2 =	simm.s32 @!p0 $0x1C03  }
0x22a: {  	[timem:s3], [sflag:s2] =	dma.local @!p0 [hbm:s0], s1  }
0x22b: {  	s0 =	simm.s32 @!p0 $0x3  }
0x22c: {  	_ =	swait.ge @!p0 [sflag:s0], s1  }
0x22d: {  	s1 =	ssub.s32 @!p0 $0x0, s1;
	[sflag:s0] =	ssyncset.done @!p0 $0x0  }
0x22e: {  	[sflag:s0] =	ssyncadd.s32 @!p0 s1  }
0x22f: {  	[bflag:$0x3] =	sbarrier.arrive $0xFFFF  }
0x230: {  	_ =	shalt  }

</sc_bundles>
